<compile_context>
chip_gen: v7x
topology: tpu7x:2x2x1
jax: 0.10.2.dev20260603
libtpu: 0.0.44.dev20260713+nightly
codegen_flags: <defaults>
</compile_context>

<pallas_src>
import jax
import jax.numpy as jnp
from jax import lax
from jax.experimental import pallas as pl
from jax.experimental.pallas import tpu as pltpu
from jax.experimental.pallas import tpu_sc as plsc

_NUM_TILES = 32
_SUB = 64
_NSUB = 8
_FEAT = 128

def _subchunk(xb, cb, total):
    @plsc.parallel_loop(0, _SUB, 2, unroll=2, carry=total)
    def rloop(i, tot):
        for rr in range(2):
            r = i + rr
            p = None
            for j in range(_FEAT // 16):
                xv = xb[r, pl.ds(j * 16, 16)]
                cv = cb[r, pl.ds(j * 16, 16)]
                d = xv - cv
                dd = d * d
                p = dd if p is None else p + dd
            cs = jnp.cumsum(p)
            tot = tot + jnp.clip(cs, 1e-12, 1e12)
        return tot

    return rloop


def _body(x_hbm, labels_hbm, centers_hbm, out_hbm,
          lbl_v, x0, x1, c0, c1, res_v, semx, semc):
    wid = lax.axis_index("s") * 2 + lax.axis_index("c")
    base = wid * (_NSUB * _SUB)
    lanes = lax.iota(jnp.int32, 16)

    pltpu.sync_copy(labels_hbm.at[pl.ds(base, _NSUB * _SUB)], lbl_v)

    xbufs = (x0, x1)
    cbufs = (c0, c1)
    sxs = (semx.at[0], semx.at[1])
    scs = (semc.at[0], semc.at[1])

    def start(s):
        b = s % 2
        hc = pltpu.async_copy(
            centers_hbm.at[lbl_v.at[pl.ds(s * _SUB, _SUB)]], cbufs[b], scs[b])
        hx = pltpu.async_copy(
            x_hbm.at[pl.ds(base + s * _SUB, _SUB)], xbufs[b], sxs[b])
        return hc, hx

    pend = start(0)
    total = jnp.zeros((16,), jnp.float32)
    for s in range(_NSUB):
        hc, hx = pend
        if s + 1 < _NSUB:
            nxt = start(s + 1)
        hc.wait()
        hx.wait()
        b = s % 2
        total = _subchunk(xbufs[b], cbufs[b], total)
        if s + 1 < _NSUB:
            pend = nxt

    res_v[...] = jnp.where(lanes == 15, total, 0.0)
    pltpu.sync_copy(res_v, out_hbm.at[wid])


@jax.jit
def kernel(x, labels, centers):
    batch = x.shape[0]
    labels = labels.astype(jnp.int32)

    k = pl.kernel(
        _body,
        out_type=jax.ShapeDtypeStruct((_NUM_TILES, 16), jnp.float32),
        mesh=plsc.VectorSubcoreMesh(core_axis_name="c", subcore_axis_name="s"),
        compiler_params=pltpu.CompilerParams(needs_layout_passes=False),
        scratch_types=[
            pltpu.VMEM((_NSUB * _SUB,), jnp.int32),
            pltpu.VMEM((_SUB, _FEAT), jnp.float32),
            pltpu.VMEM((_SUB, _FEAT), jnp.float32),
            pltpu.VMEM((_SUB, _FEAT), jnp.float32),
            pltpu.VMEM((_SUB, _FEAT), jnp.float32),
            pltpu.VMEM((16,), jnp.float32),
            pltpu.SemaphoreType.DMA((2,)),
            pltpu.SemaphoreType.DMA((2,)),
        ],
    )
    partials = k(x, labels, centers)
    return jnp.sum(partials) / batch

# --- scband reference (transcript-rebuilt; emitter-appended) ---
"""Pipeline reference for scband-center-loss-61289183314139 (READ-ONLY COPY).

The authoritative reference and input builder live on the scoring server;
editing this copy changes nothing except your own understanding.
"""

import jax, jax.numpy as jnp
import numpy as np

NUM_CLASSES = 1000000
FEAT_DIM = 128
BATCH = 16384
SCALE = 1.0

def setup_inputs(seed: int = 0) -> dict:
    key = jax.random.key(seed)
    k1, k2, k3 = jax.random.split(key, 3)
    x = jax.random.normal(k1, (BATCH, FEAT_DIM), dtype=jnp.float32)
    labels = jax.random.randint(k2, (BATCH,), 0, NUM_CLASSES, dtype=jnp.int64)
    centers = jax.random.normal(k3, (NUM_CLASSES, FEAT_DIM), dtype=jnp.float32)
    return {"x": x, "labels": labels, "centers": centers}

def reference(x, labels, centers):
    batch_size = x.shape[0]
    c = jnp.take(centers, labels, axis=0)
    dist = jnp.sum(x ** 2, axis=1) + jnp.sum(c ** 2, axis=1) - 2.0 * jnp.sum(x * c, axis=1)
    dist = jnp.clip(dist, 1e-12, 1e12)
    loss = jnp.sum(dist) / batch_size
    return loss * SCALE

if __name__ == "__main__":
    import jax
    _d = setup_inputs()
    print(jax.jit(kernel)(*tuple(_d.values())))

</pallas_src>

<mosaic_0001>
#map = affine_map<(d0, d1) -> (0, 0)>
#map1 = affine_map<(d0, d1) -> (0)>
module attributes {stable_mosaic.version = 14 : i64} {
  func.func @_body(%arg0: i32, %arg1: i32, %arg2: memref<16384x128xf32, #tpu.memory_space<hbm>>, %arg3: memref<16384xi32, #tpu.memory_space<hbm>>, %arg4: memref<1000000x128xf32, #tpu.memory_space<hbm>>, %arg5: memref<32x16xf32, #tpu.memory_space<hbm>>, %arg6: memref<512xi32, #tpu.memory_space<vmem>>, %arg7: memref<64x128xf32, #tpu.memory_space<vmem>>, %arg8: memref<64x128xf32, #tpu.memory_space<vmem>>, %arg9: memref<64x128xf32, #tpu.memory_space<vmem>>, %arg10: memref<64x128xf32, #tpu.memory_space<vmem>>, %arg11: memref<16xf32, #tpu.memory_space<vmem>>, %arg12: memref<2x!tpu.dma_semaphore, #tpu.memory_space<semaphore_mem>>, %arg13: memref<2x!tpu.dma_semaphore, #tpu.memory_space<semaphore_mem>>) attributes {dimension_semantics = [#tpu.dimension_semantics<core_parallel>, #tpu.dimension_semantics<subcore_parallel>], iteration_bounds = array<i64: 2, 16>, scalar_prefetch = 0 : i64, scratch_operands = 8 : i64, tpu.core_type = #tpu.core_type<sc_vector_subcore>, window_params = [{transform_indices = #map}, {transform_indices = #map1}, {transform_indices = #map}, {transform_indices = #map}]} {
    %mul3A = arith.constant 2 : i32
    %mul3A_0 = arith.muli %arg1, %mul3A : i32
    %add3A = arith.addi %mul3A_0, %arg0 : i32
    %mul3A_1 = arith.constant 512 : i32
    %mul3A_2 = arith.muli %add3A, %mul3A_1 : i32
    %iota3A = tpu.iota {dimensions = array<i32: 0>} : vector<16xi32>
    "tpu.region"() ({
      %run_scoped3A = tpu.sem_alloc : memref<!tpu.dma_semaphore, #tpu.memory_space<semaphore_mem>>
      %dma_start3A_293 = tpu.memref_slice %arg3[%mul3A_2] : memref<16384xi32, #tpu.memory_space<hbm>> -> memref<512xi32, #tpu.memory_space<hbm>>
      %dma_start3A_294 = tpu.memref_slice %arg3[%mul3A_2] : memref<16384xi32, #tpu.memory_space<hbm>> -> memref<512xi32, #tpu.memory_space<hbm>>
      tpu.enqueue_dma source(%dma_start3A_294 : memref<512xi32, #tpu.memory_space<hbm>>) target(%arg6 : memref<512xi32, #tpu.memory_space<vmem>>) target_semaphore(%run_scoped3A : memref<!tpu.dma_semaphore, #tpu.memory_space<semaphore_mem>>)
      %dma_wait3A_295 = tpu.memref_slice %arg3[%mul3A_2] : memref<16384xi32, #tpu.memory_space<hbm>> -> memref<512xi32, #tpu.memory_space<hbm>>
      %dma_wait3A_296 = tpu.memref_slice %arg3[%mul3A_2] : memref<16384xi32, #tpu.memory_space<hbm>> -> memref<512xi32, #tpu.memory_space<hbm>>
      tpu.wait_dma2 semaphore(%run_scoped3A : memref<!tpu.dma_semaphore, #tpu.memory_space<semaphore_mem>>) src(%dma_wait3A_296 : memref<512xi32, #tpu.memory_space<hbm>>) dst(%arg6 : memref<512xi32, #tpu.memory_space<vmem>>)
      tpu.yield
    }) : () -> ()
    %dma_start3A = arith.constant 0 : i32
    %dma_start3A_3 = arith.constant 0 : i32
    %dma_start3A_4 = tpu.memref_slice %arg6[%dma_start3A_3] : memref<512xi32, #tpu.memory_space<vmem>> -> memref<64xi32, #tpu.memory_space<vmem>>
    %dma_start3A_5 = arith.constant 0 : i32
    %dma_start3A_6 = arith.constant 0 : i32
    %dma_start3A_7 = tpu.memref_slice %arg4[%dma_start3A_5, %dma_start3A_6] : memref<1000000x128xf32, #tpu.memory_space<hbm>> -> memref<1000000x128xf32, #tpu.memory_space<hbm>>
    %dma_start3A_8 = tpu.memref_slice %arg13[%dma_start3A] : memref<2x!tpu.dma_semaphore, #tpu.memory_space<semaphore_mem>> -> memref<1x!tpu.dma_semaphore, #tpu.memory_space<semaphore_mem>>
    %dma_start3A_9 = tpu.memref_squeeze %dma_start3A_8 : memref<1x!tpu.dma_semaphore, #tpu.memory_space<semaphore_mem>> -> memref<!tpu.dma_semaphore, #tpu.memory_space<semaphore_mem>>
    tpu.enqueue_indirect_dma source(%dma_start3A_7 : memref<1000000x128xf32, #tpu.memory_space<hbm>>) target(%arg9 : memref<64x128xf32, #tpu.memory_space<vmem>>) offsets(%dma_start3A_4 : memref<64xi32, #tpu.memory_space<vmem>>) semaphore(%dma_start3A_9 : memref<!tpu.dma_semaphore, #tpu.memory_space<semaphore_mem>>)
    %add3A_10 = arith.constant 0 : i32
    %add3A_11 = arith.addi %mul3A_2, %add3A_10 : i32
    %dma_start3A_12 = arith.constant 0 : i32
    %dma_start3A_13 = arith.constant 0 : i32
    %dma_start3A_14 = tpu.memref_slice %arg2[%add3A_11, %dma_start3A_13] : memref<16384x128xf32, #tpu.memory_space<hbm>> -> memref<64x128xf32, #tpu.memory_space<hbm>>
    %dma_start3A_15 = tpu.memref_slice %arg12[%dma_start3A_12] : memref<2x!tpu.dma_semaphore, #tpu.memory_space<semaphore_mem>> -> memref<1x!tpu.dma_semaphore, #tpu.memory_space<semaphore_mem>>
    %dma_start3A_16 = tpu.memref_squeeze %dma_start3A_15 : memref<1x!tpu.dma_semaphore, #tpu.memory_space<semaphore_mem>> -> memref<!tpu.dma_semaphore, #tpu.memory_space<semaphore_mem>>
    %dma_start3A_17 = arith.constant 0 : i32
    %dma_start3A_18 = tpu.memref_slice %arg2[%add3A_11, %dma_start3A_17] : memref<16384x128xf32, #tpu.memory_space<hbm>> -> memref<64x128xf32, #tpu.memory_space<hbm>>
    tpu.enqueue_dma source(%dma_start3A_18 : memref<64x128xf32, #tpu.memory_space<hbm>>) target(%arg7 : memref<64x128xf32, #tpu.memory_space<vmem>>) target_semaphore(%dma_start3A_16 : memref<!tpu.dma_semaphore, #tpu.memory_space<semaphore_mem>>)
    %broadcast_in_dim3A = arith.constant 0.000000e+00 : f32
    %broadcast_in_dim3A_19 = vector.broadcast %broadcast_in_dim3A : f32 to vector<16xf32>
    %dma_start3A_20 = arith.constant 1 : i32
    %dma_start3A_21 = arith.constant 64 : i32
    %dma_start3A_22 = tpu.memref_slice %arg6[%dma_start3A_21] : memref<512xi32, #tpu.memory_space<vmem>> -> memref<64xi32, #tpu.memory_space<vmem>>
    %dma_start3A_23 = arith.constant 0 : i32
    %dma_start3A_24 = arith.constant 0 : i32
    %dma_start3A_25 = tpu.memref_slice %arg4[%dma_start3A_23, %dma_start3A_24] : memref<1000000x128xf32, #tpu.memory_space<hbm>> -> memref<1000000x128xf32, #tpu.memory_space<hbm>>
    %dma_start3A_26 = tpu.memref_slice %arg13[%dma_start3A_20] : memref<2x!tpu.dma_semaphore, #tpu.memory_space<semaphore_mem>> -> memref<1x!tpu.dma_semaphore, #tpu.memory_space<semaphore_mem>>
    %dma_start3A_27 = tpu.memref_squeeze %dma_start3A_26 : memref<1x!tpu.dma_semaphore, #tpu.memory_space<semaphore_mem>> -> memref<!tpu.dma_semaphore, #tpu.memory_space<semaphore_mem>>
    tpu.enqueue_indirect_dma source(%dma_start3A_25 : memref<1000000x128xf32, #tpu.memory_space<hbm>>) target(%arg10 : memref<64x128xf32, #tpu.memory_space<vmem>>) offsets(%dma_start3A_22 : memref<64xi32, #tpu.memory_space<vmem>>) semaphore(%dma_start3A_27 : memref<!tpu.dma_semaphore, #tpu.memory_space<semaphore_mem>>)
    %add3A_28 = arith.constant 64 : i32
    %add3A_29 = arith.addi %mul3A_2, %add3A_28 : i32
    %dma_start3A_30 = arith.constant 1 : i32
    %dma_start3A_31 = arith.constant 0 : i32
    %dma_start3A_32 = tpu.memref_slice %arg2[%add3A_29, %dma_start3A_31] : memref<16384x128xf32, #tpu.memory_space<hbm>> -> memref<64x128xf32, #tpu.memory_space<hbm>>
    %dma_start3A_33 = tpu.memref_slice %arg12[%dma_start3A_30] : memref<2x!tpu.dma_semaphore, #tpu.memory_space<semaphore_mem>> -> memref<1x!tpu.dma_semaphore, #tpu.memory_space<semaphore_mem>>
    %dma_start3A_34 = tpu.memref_squeeze %dma_start3A_33 : memref<1x!tpu.dma_semaphore, #tpu.memory_space<semaphore_mem>> -> memref<!tpu.dma_semaphore, #tpu.memory_space<semaphore_mem>>
    %dma_start3A_35 = arith.constant 0 : i32
    %dma_start3A_36 = tpu.memref_slice %arg2[%add3A_29, %dma_start3A_35] : memref<16384x128xf32, #tpu.memory_space<hbm>> -> memref<64x128xf32, #tpu.memory_space<hbm>>
    tpu.enqueue_dma source(%dma_start3A_36 : memref<64x128xf32, #tpu.memory_space<hbm>>) target(%arg8 : memref<64x128xf32, #tpu.memory_space<vmem>>) target_semaphore(%dma_start3A_34 : memref<!tpu.dma_semaphore, #tpu.memory_space<semaphore_mem>>)
    %dma_wait3A = arith.constant 0 : i32
    %dma_wait3A_37 = arith.constant 0 : i32
    %dma_wait3A_38 = tpu.memref_slice %arg6[%dma_wait3A_37] : memref<512xi32, #tpu.memory_space<vmem>> -> memref<64xi32, #tpu.memory_space<vmem>>
    %dma_wait3A_39 = arith.constant 0 : i32
    %dma_wait3A_40 = arith.constant 0 : i32
    %dma_wait3A_41 = tpu.memref_slice %arg4[%dma_wait3A_39, %dma_wait3A_40] : memref<1000000x128xf32, #tpu.memory_space<hbm>> -> memref<1000000x128xf32, #tpu.memory_space<hbm>>
    %dma_wait3A_42 = tpu.memref_slice %arg13[%dma_wait3A] : memref<2x!tpu.dma_semaphore, #tpu.memory_space<semaphore_mem>> -> memref<1x!tpu.dma_semaphore, #tpu.memory_space<semaphore_mem>>
    %dma_wait3A_43 = tpu.memref_squeeze %dma_wait3A_42 : memref<1x!tpu.dma_semaphore, #tpu.memory_space<semaphore_mem>> -> memref<!tpu.dma_semaphore, #tpu.memory_space<semaphore_mem>>
    tpu.wait_indirect_dma semaphore(%dma_wait3A_43 : memref<!tpu.dma_semaphore, #tpu.memory_space<semaphore_mem>>) src(%dma_wait3A_41 : memref<1000000x128xf32, #tpu.memory_space<hbm>>) dst(%arg9 : memref<64x128xf32, #tpu.memory_space<vmem>>)
    %dma_wait3A_44 = arith.constant 0 : i32
    %dma_wait3A_45 = arith.constant 0 : i32
    %dma_wait3A_46 = tpu.memref_slice %arg2[%add3A_11, %dma_wait3A_45] : memref<16384x128xf32, #tpu.memory_space<hbm>> -> memref<64x128xf32, #tpu.memory_space<hbm>>
    %dma_wait3A_47 = tpu.memref_slice %arg12[%dma_wait3A_44] : memref<2x!tpu.dma_semaphore, #tpu.memory_space<semaphore_mem>> -> memref<1x!tpu.dma_semaphore, #tpu.memory_space<semaphore_mem>>
    %dma_wait3A_48 = tpu.memref_squeeze %dma_wait3A_47 : memref<1x!tpu.dma_semaphore, #tpu.memory_space<semaphore_mem>> -> memref<!tpu.dma_semaphore, #tpu.memory_space<semaphore_mem>>
    %dma_wait3A_49 = arith.constant 0 : i32
    %dma_wait3A_50 = tpu.memref_slice %arg2[%add3A_11, %dma_wait3A_49] : memref<16384x128xf32, #tpu.memory_space<hbm>> -> memref<64x128xf32, #tpu.memory_space<hbm>>
    tpu.wait_dma2 semaphore(%dma_wait3A_48 : memref<!tpu.dma_semaphore, #tpu.memory_space<semaphore_mem>>) src(%dma_wait3A_50 : memref<64x128xf32, #tpu.memory_space<hbm>>) dst(%arg7 : memref<64x128xf32, #tpu.memory_space<vmem>>)
    %parallel_loop3A = arith.constant 0 : i32
    %parallel_loop3A_51 = arith.constant 64 : i32
    %parallel_loop3A_52 = arith.constant 2 : i32
    %parallel_loop3A_53 = scf.for %parallel_loop3A_293 = %parallel_loop3A to %parallel_loop3A_51 step %parallel_loop3A_52 iter_args(%parallel_loop3A_294 = %broadcast_in_dim3A_19) -> (vector<16xf32>)  : i32 {
      %parallel_loop3A_295 = arith.constant 0 : i32
      %parallel_loop3A_296 = arith.addi %parallel_loop3A_293, %parallel_loop3A_295 : i32
      %parallel_loop3A_297 = arith.index_cast %parallel_loop3A_296 : i32 to index
      %parallel_loop3A_298 = arith.constant 0 : index
      %parallel_loop3A_299 = tpu.vector_load %arg7[%parallel_loop3A_297, %parallel_loop3A_298] {strides = array<i32>} : memref<64x128xf32, #tpu.memory_space<vmem>>, vector<16xf32>,
      %parallel_loop3A_300 = arith.index_cast %parallel_loop3A_296 : i32 to index
      %parallel_loop3A_301 = arith.constant 0 : index
      %parallel_loop3A_302 = tpu.vector_load %arg9[%parallel_loop3A_300, %parallel_loop3A_301] {strides = array<i32>} : memref<64x128xf32, #tpu.memory_space<vmem>>, vector<16xf32>,
      %parallel_loop3A_303 = arith.subf %parallel_loop3A_299, %parallel_loop3A_302 : vector<16xf32>
      %parallel_loop3A_304 = arith.mulf %parallel_loop3A_303, %parallel_loop3A_303 : vector<16xf32>
      %parallel_loop3A_305 = arith.index_cast %parallel_loop3A_296 : i32 to index
      %parallel_loop3A_306 = arith.constant 16 : index
      %parallel_loop3A_307 = tpu.vector_load %arg7[%parallel_loop3A_305, %parallel_loop3A_306] {strides = array<i32>} : memref<64x128xf32, #tpu.memory_space<vmem>>, vector<16xf32>,
      %parallel_loop3A_308 = arith.index_cast %parallel_loop3A_296 : i32 to index
      %parallel_loop3A_309 = arith.constant 16 : index
      %parallel_loop3A_310 = tpu.vector_load %arg9[%parallel_loop3A_308, %parallel_loop3A_309] {strides = array<i32>} : memref<64x128xf32, #tpu.memory_space<vmem>>, vector<16xf32>,
      %parallel_loop3A_311 = arith.subf %parallel_loop3A_307, %parallel_loop3A_310 : vector<16xf32>
      %parallel_loop3A_312 = arith.mulf %parallel_loop3A_311, %parallel_loop3A_311 : vector<16xf32>
      %parallel_loop3A_313 = arith.addf %parallel_loop3A_304, %parallel_loop3A_312 : vector<16xf32>
      %parallel_loop3A_314 = arith.index_cast %parallel_loop3A_296 : i32 to index
      %parallel_loop3A_315 = arith.constant 32 : index
      %parallel_loop3A_316 = tpu.vector_load %arg7[%parallel_loop3A_314, %parallel_loop3A_315] {strides = array<i32>} : memref<64x128xf32, #tpu.memory_space<vmem>>, vector<16xf32>,
      %parallel_loop3A_317 = arith.index_cast %parallel_loop3A_296 : i32 to index
      %parallel_loop3A_318 = arith.constant 32 : index
      %parallel_loop3A_319 = tpu.vector_load %arg9[%parallel_loop3A_317, %parallel_loop3A_318] {strides = array<i32>} : memref<64x128xf32, #tpu.memory_space<vmem>>, vector<16xf32>,
      %parallel_loop3A_320 = arith.subf %parallel_loop3A_316, %parallel_loop3A_319 : vector<16xf32>
      %parallel_loop3A_321 = arith.mulf %parallel_loop3A_320, %parallel_loop3A_320 : vector<16xf32>
      %parallel_loop3A_322 = arith.addf %parallel_loop3A_313, %parallel_loop3A_321 : vector<16xf32>
      %parallel_loop3A_323 = arith.index_cast %parallel_loop3A_296 : i32 to index
      %parallel_loop3A_324 = arith.constant 48 : index
      %parallel_loop3A_325 = tpu.vector_load %arg7[%parallel_loop3A_323, %parallel_loop3A_324] {strides = array<i32>} : memref<64x128xf32, #tpu.memory_space<vmem>>, vector<16xf32>,
      %parallel_loop3A_326 = arith.index_cast %parallel_loop3A_296 : i32 to index
      %parallel_loop3A_327 = arith.constant 48 : index
      %parallel_loop3A_328 = tpu.vector_load %arg9[%parallel_loop3A_326, %parallel_loop3A_327] {strides = array<i32>} : memref<64x128xf32, #tpu.memory_space<vmem>>, vector<16xf32>,
      %parallel_loop3A_329 = arith.subf %parallel_loop3A_325, %parallel_loop3A_328 : vector<16xf32>
      %parallel_loop3A_330 = arith.mulf %parallel_loop3A_329, %parallel_loop3A_329 : vector<16xf32>
      %parallel_loop3A_331 = arith.addf %parallel_loop3A_322, %parallel_loop3A_330 : vector<16xf32>
      %parallel_loop3A_332 = arith.index_cast %parallel_loop3A_296 : i32 to index
      %parallel_loop3A_333 = arith.constant 64 : index
      %parallel_loop3A_334 = tpu.vector_load %arg7[%parallel_loop3A_332, %parallel_loop3A_333] {strides = array<i32>} : memref<64x128xf32, #tpu.memory_space<vmem>>, vector<16xf32>,
      %parallel_loop3A_335 = arith.index_cast %parallel_loop3A_296 : i32 to index
      %parallel_loop3A_336 = arith.constant 64 : index
      %parallel_loop3A_337 = tpu.vector_load %arg9[%parallel_loop3A_335, %parallel_loop3A_336] {strides = array<i32>} : memref<64x128xf32, #tpu.memory_space<vmem>>, vector<16xf32>,
      %parallel_loop3A_338 = arith.subf %parallel_loop3A_334, %parallel_loop3A_337 : vector<16xf32>
      %parallel_loop3A_339 = arith.mulf %parallel_loop3A_338, %parallel_loop3A_338 : vector<16xf32>
      %parallel_loop3A_340 = arith.addf %parallel_loop3A_331, %parallel_loop3A_339 : vector<16xf32>
      %parallel_loop3A_341 = arith.index_cast %parallel_loop3A_296 : i32 to index
      %parallel_loop3A_342 = arith.constant 80 : index
      %parallel_loop3A_343 = tpu.vector_load %arg7[%parallel_loop3A_341, %parallel_loop3A_342] {strides = array<i32>} : memref<64x128xf32, #tpu.memory_space<vmem>>, vector<16xf32>,
      %parallel_loop3A_344 = arith.index_cast %parallel_loop3A_296 : i32 to index
      %parallel_loop3A_345 = arith.constant 80 : index
      %parallel_loop3A_346 = tpu.vector_load %arg9[%parallel_loop3A_344, %parallel_loop3A_345] {strides = array<i32>} : memref<64x128xf32, #tpu.memory_space<vmem>>, vector<16xf32>,
      %parallel_loop3A_347 = arith.subf %parallel_loop3A_343, %parallel_loop3A_346 : vector<16xf32>
      %parallel_loop3A_348 = arith.mulf %parallel_loop3A_347, %parallel_loop3A_347 : vector<16xf32>
      %parallel_loop3A_349 = arith.addf %parallel_loop3A_340, %parallel_loop3A_348 : vector<16xf32>
      %parallel_loop3A_350 = arith.index_cast %parallel_loop3A_296 : i32 to index
      %parallel_loop3A_351 = arith.constant 96 : index
      %parallel_loop3A_352 = tpu.vector_load %arg7[%parallel_loop3A_350, %parallel_loop3A_351] {strides = array<i32>} : memref<64x128xf32, #tpu.memory_space<vmem>>, vector<16xf32>,
      %parallel_loop3A_353 = arith.index_cast %parallel_loop3A_296 : i32 to index
      %parallel_loop3A_354 = arith.constant 96 : index
      %parallel_loop3A_355 = tpu.vector_load %arg9[%parallel_loop3A_353, %parallel_loop3A_354] {strides = array<i32>} : memref<64x128xf32, #tpu.memory_space<vmem>>, vector<16xf32>,
      %parallel_loop3A_356 = arith.subf %parallel_loop3A_352, %parallel_loop3A_355 : vector<16xf32>
      %parallel_loop3A_357 = arith.mulf %parallel_loop3A_356, %parallel_loop3A_356 : vector<16xf32>
      %parallel_loop3A_358 = arith.addf %parallel_loop3A_349, %parallel_loop3A_357 : vector<16xf32>
      %parallel_loop3A_359 = arith.index_cast %parallel_loop3A_296 : i32 to index
      %parallel_loop3A_360 = arith.constant 112 : index
      %parallel_loop3A_361 = tpu.vector_load %arg7[%parallel_loop3A_359, %parallel_loop3A_360] {strides = array<i32>} : memref<64x128xf32, #tpu.memory_space<vmem>>, vector<16xf32>,
      %parallel_loop3A_362 = arith.index_cast %parallel_loop3A_296 : i32 to index
      %parallel_loop3A_363 = arith.constant 112 : index
      %parallel_loop3A_364 = tpu.vector_load %arg9[%parallel_loop3A_362, %parallel_loop3A_363] {strides = array<i32>} : memref<64x128xf32, #tpu.memory_space<vmem>>, vector<16xf32>,
      %parallel_loop3A_365 = arith.subf %parallel_loop3A_361, %parallel_loop3A_364 : vector<16xf32>
      %parallel_loop3A_366 = arith.mulf %parallel_loop3A_365, %parallel_loop3A_365 : vector<16xf32>
      %parallel_loop3A_367 = arith.addf %parallel_loop3A_358, %parallel_loop3A_366 : vector<16xf32>
      %parallel_loop3A_368 = arith.constant true
      %parallel_loop3A_369 = vector.broadcast %parallel_loop3A_368 : i1 to vector<16xi1>
      %parallel_loop3A_370 = tpu.scan <sum>, %parallel_loop3A_367 masked %parallel_loop3A_369 : vector<16xf32>, vector<16xi1> -> vector<16xf32>
      %parallel_loop3A_371 = arith.constant 9.99999996E-13 : f32
      %parallel_loop3A_372 = arith.constant 9.99999995E+11 : f32
      %parallel_loop3A_373 = vector.broadcast %parallel_loop3A_371 : f32 to vector<16xf32>
      %parallel_loop3A_374 = arith.maximumf %parallel_loop3A_373, %parallel_loop3A_370 : vector<16xf32>
      %parallel_loop3A_375 = vector.broadcast %parallel_loop3A_372 : f32 to vector<16xf32>
      %parallel_loop3A_376 = arith.minimumf %parallel_loop3A_375, %parallel_loop3A_374 : vector<16xf32>
      %parallel_loop3A_377 = arith.addf %parallel_loop3A_294, %parallel_loop3A_376 : vector<16xf32>
      %parallel_loop3A_378 = arith.constant 1 : i32
      %parallel_loop3A_379 = arith.addi %parallel_loop3A_293, %parallel_loop3A_378 : i32
      %parallel_loop3A_380 = arith.index_cast %parallel_loop3A_379 : i32 to index
      %parallel_loop3A_381 = arith.constant 0 : index
      %parallel_loop3A_382 = tpu.vector_load %arg7[%parallel_loop3A_380, %parallel_loop3A_381] {strides = array<i32>} : memref<64x128xf32, #tpu.memory_space<vmem>>, vector<16xf32>,
      %parallel_loop3A_383 = arith.index_cast %parallel_loop3A_379 : i32 to index
      %parallel_loop3A_384 = arith.constant 0 : index
      %parallel_loop3A_385 = tpu.vector_load %arg9[%parallel_loop3A_383, %parallel_loop3A_384] {strides = array<i32>} : memref<64x128xf32, #tpu.memory_space<vmem>>, vector<16xf32>,
      %parallel_loop3A_386 = arith.subf %parallel_loop3A_382, %parallel_loop3A_385 : vector<16xf32>
      %parallel_loop3A_387 = arith.mulf %parallel_loop3A_386, %parallel_loop3A_386 : vector<16xf32>
      %parallel_loop3A_388 = arith.index_cast %parallel_loop3A_379 : i32 to index
      %parallel_loop3A_389 = arith.constant 16 : index
      %parallel_loop3A_390 = tpu.vector_load %arg7[%parallel_loop3A_388, %parallel_loop3A_389] {strides = array<i32>} : memref<64x128xf32, #tpu.memory_space<vmem>>, vector<16xf32>,
      %parallel_loop3A_391 = arith.index_cast %parallel_loop3A_379 : i32 to index
      %parallel_loop3A_392 = arith.constant 16 : index
      %parallel_loop3A_393 = tpu.vector_load %arg9[%parallel_loop3A_391, %parallel_loop3A_392] {strides = array<i32>} : memref<64x128xf32, #tpu.memory_space<vmem>>, vector<16xf32>,
      %parallel_loop3A_394 = arith.subf %parallel_loop3A_390, %parallel_loop3A_393 : vector<16xf32>
      %parallel_loop3A_395 = arith.mulf %parallel_loop3A_394, %parallel_loop3A_394 : vector<16xf32>
      %parallel_loop3A_396 = arith.addf %parallel_loop3A_387, %parallel_loop3A_395 : vector<16xf32>
      %parallel_loop3A_397 = arith.index_cast %parallel_loop3A_379 : i32 to index
      %parallel_loop3A_398 = arith.constant 32 : index
      %parallel_loop3A_399 = tpu.vector_load %arg7[%parallel_loop3A_397, %parallel_loop3A_398] {strides = array<i32>} : memref<64x128xf32, #tpu.memory_space<vmem>>, vector<16xf32>,
      %parallel_loop3A_400 = arith.index_cast %parallel_loop3A_379 : i32 to index
      %parallel_loop3A_401 = arith.constant 32 : index
      %parallel_loop3A_402 = tpu.vector_load %arg9[%parallel_loop3A_400, %parallel_loop3A_401] {strides = array<i32>} : memref<64x128xf32, #tpu.memory_space<vmem>>, vector<16xf32>,
      %parallel_loop3A_403 = arith.subf %parallel_loop3A_399, %parallel_loop3A_402 : vector<16xf32>
      %parallel_loop3A_404 = arith.mulf %parallel_loop3A_403, %parallel_loop3A_403 : vector<16xf32>
      %parallel_loop3A_405 = arith.addf %parallel_loop3A_396, %parallel_loop3A_404 : vector<16xf32>
      %parallel_loop3A_406 = arith.index_cast %parallel_loop3A_379 : i32 to index
      %parallel_loop3A_407 = arith.constant 48 : index
      %parallel_loop3A_408 = tpu.vector_load %arg7[%parallel_loop3A_406, %parallel_loop3A_407] {strides = array<i32>} : memref<64x128xf32, #tpu.memory_space<vmem>>, vector<16xf32>,
      %parallel_loop3A_409 = arith.index_cast %parallel_loop3A_379 : i32 to index
      %parallel_loop3A_410 = arith.constant 48 : index
      %parallel_loop3A_411 = tpu.vector_load %arg9[%parallel_loop3A_409, %parallel_loop3A_410] {strides = array<i32>} : memref<64x128xf32, #tpu.memory_space<vmem>>, vector<16xf32>,
      %parallel_loop3A_412 = arith.subf %parallel_loop3A_408, %parallel_loop3A_411 : vector<16xf32>
      %parallel_loop3A_413 = arith.mulf %parallel_loop3A_412, %parallel_loop3A_412 : vector<16xf32>
      %parallel_loop3A_414 = arith.addf %parallel_loop3A_405, %parallel_loop3A_413 : vector<16xf32>
      %parallel_loop3A_415 = arith.index_cast %parallel_loop3A_379 : i32 to index
      %parallel_loop3A_416 = arith.constant 64 : index
      %parallel_loop3A_417 = tpu.vector_load %arg7[%parallel_loop3A_415, %parallel_loop3A_416] {strides = array<i32>} : memref<64x128xf32, #tpu.memory_space<vmem>>, vector<16xf32>,
      %parallel_loop3A_418 = arith.index_cast %parallel_loop3A_379 : i32 to index
      %parallel_loop3A_419 = arith.constant 64 : index
      %parallel_loop3A_420 = tpu.vector_load %arg9[%parallel_loop3A_418, %parallel_loop3A_419] {strides = array<i32>} : memref<64x128xf32, #tpu.memory_space<vmem>>, vector<16xf32>,
      %parallel_loop3A_421 = arith.subf %parallel_loop3A_417, %parallel_loop3A_420 : vector<16xf32>
      %parallel_loop3A_422 = arith.mulf %parallel_loop3A_421, %parallel_loop3A_421 : vector<16xf32>
      %parallel_loop3A_423 = arith.addf %parallel_loop3A_414, %parallel_loop3A_422 : vector<16xf32>
      %parallel_loop3A_424 = arith.index_cast %parallel_loop3A_379 : i32 to index
      %parallel_loop3A_425 = arith.constant 80 : index
      %parallel_loop3A_426 = tpu.vector_load %arg7[%parallel_loop3A_424, %parallel_loop3A_425] {strides = array<i32>} : memref<64x128xf32, #tpu.memory_space<vmem>>, vector<16xf32>,
      %parallel_loop3A_427 = arith.index_cast %parallel_loop3A_379 : i32 to index
      %parallel_loop3A_428 = arith.constant 80 : index
      %parallel_loop3A_429 = tpu.vector_load %arg9[%parallel_loop3A_427, %parallel_loop3A_428] {strides = array<i32>} : memref<64x128xf32, #tpu.memory_space<vmem>>, vector<16xf32>,
      %parallel_loop3A_430 = arith.subf %parallel_loop3A_426, %parallel_loop3A_429 : vector<16xf32>
      %parallel_loop3A_431 = arith.mulf %parallel_loop3A_430, %parallel_loop3A_430 : vector<16xf32>
      %parallel_loop3A_432 = arith.addf %parallel_loop3A_423, %parallel_loop3A_431 : vector<16xf32>
      %parallel_loop3A_433 = arith.index_cast %parallel_loop3A_379 : i32 to index
      %parallel_loop3A_434 = arith.constant 96 : index
      %parallel_loop3A_435 = tpu.vector_load %arg7[%parallel_loop3A_433, %parallel_loop3A_434] {strides = array<i32>} : memref<64x128xf32, #tpu.memory_space<vmem>>, vector<16xf32>,
      %parallel_loop3A_436 = arith.index_cast %parallel_loop3A_379 : i32 to index
      %parallel_loop3A_437 = arith.constant 96 : index
      %parallel_loop3A_438 = tpu.vector_load %arg9[%parallel_loop3A_436, %parallel_loop3A_437] {strides = array<i32>} : memref<64x128xf32, #tpu.memory_space<vmem>>, vector<16xf32>,
      %parallel_loop3A_439 = arith.subf %parallel_loop3A_435, %parallel_loop3A_438 : vector<16xf32>
      %parallel_loop3A_440 = arith.mulf %parallel_loop3A_439, %parallel_loop3A_439 : vector<16xf32>
      %parallel_loop3A_441 = arith.addf %parallel_loop3A_432, %parallel_loop3A_440 : vector<16xf32>
      %parallel_loop3A_442 = arith.index_cast %parallel_loop3A_379 : i32 to index
      %parallel_loop3A_443 = arith.constant 112 : index
      %parallel_loop3A_444 = tpu.vector_load %arg7[%parallel_loop3A_442, %parallel_loop3A_443] {strides = array<i32>} : memref<64x128xf32, #tpu.memory_space<vmem>>, vector<16xf32>,
      %parallel_loop3A_445 = arith.index_cast %parallel_loop3A_379 : i32 to index
      %parallel_loop3A_446 = arith.constant 112 : index
      %parallel_loop3A_447 = tpu.vector_load %arg9[%parallel_loop3A_445, %parallel_loop3A_446] {strides = array<i32>} : memref<64x128xf32, #tpu.memory_space<vmem>>, vector<16xf32>,
      %parallel_loop3A_448 = arith.subf %parallel_loop3A_444, %parallel_loop3A_447 : vector<16xf32>
      %parallel_loop3A_449 = arith.mulf %parallel_loop3A_448, %parallel_loop3A_448 : vector<16xf32>
      %parallel_loop3A_450 = arith.addf %parallel_loop3A_441, %parallel_loop3A_449 : vector<16xf32>
      %parallel_loop3A_451 = arith.constant true
      %parallel_loop3A_452 = vector.broadcast %parallel_loop3A_451 : i1 to vector<16xi1>
      %parallel_loop3A_453 = tpu.scan <sum>, %parallel_loop3A_450 masked %parallel_loop3A_452 : vector<16xf32>, vector<16xi1> -> vector<16xf32>
      %parallel_loop3A_454 = arith.constant 9.99999996E-13 : f32
      %parallel_loop3A_455 = arith.constant 9.99999995E+11 : f32
      %parallel_loop3A_456 = vector.broadcast %parallel_loop3A_454 : f32 to vector<16xf32>
      %parallel_loop3A_457 = arith.maximumf %parallel_loop3A_456, %parallel_loop3A_453 : vector<16xf32>
      %parallel_loop3A_458 = vector.broadcast %parallel_loop3A_455 : f32 to vector<16xf32>
      %parallel_loop3A_459 = arith.minimumf %parallel_loop3A_458, %parallel_loop3A_457 : vector<16xf32>
      %parallel_loop3A_460 = arith.addf %parallel_loop3A_377, %parallel_loop3A_459 : vector<16xf32>
      scf.yield %parallel_loop3A_460 : vector<16xf32>
    } {sc.loop_unroll_factor = 2 : i64, sc.parallel_access}
    %dma_start3A_54 = arith.constant 0 : i32
    %dma_start3A_55 = arith.constant 128 : i32
    %dma_start3A_56 = tpu.memref_slice %arg6[%dma_start3A_55] : memref<512xi32, #tpu.memory_space<vmem>> -> memref<64xi32, #tpu.memory_space<vmem>>
    %dma_start3A_57 = arith.constant 0 : i32
    %dma_start3A_58 = arith.constant 0 : i32
    %dma_start3A_59 = tpu.memref_slice %arg4[%dma_start3A_57, %dma_start3A_58] : memref<1000000x128xf32, #tpu.memory_space<hbm>> -> memref<1000000x128xf32, #tpu.memory_space<hbm>>
    %dma_start3A_60 = tpu.memref_slice %arg13[%dma_start3A_54] : memref<2x!tpu.dma_semaphore, #tpu.memory_space<semaphore_mem>> -> memref<1x!tpu.dma_semaphore, #tpu.memory_space<semaphore_mem>>
    %dma_start3A_61 = tpu.memref_squeeze %dma_start3A_60 : memref<1x!tpu.dma_semaphore, #tpu.memory_space<semaphore_mem>> -> memref<!tpu.dma_semaphore, #tpu.memory_space<semaphore_mem>>
    tpu.enqueue_indirect_dma source(%dma_start3A_59 : memref<1000000x128xf32, #tpu.memory_space<hbm>>) target(%arg9 : memref<64x128xf32, #tpu.memory_space<vmem>>) offsets(%dma_start3A_56 : memref<64xi32, #tpu.memory_space<vmem>>) semaphore(%dma_start3A_61 : memref<!tpu.dma_semaphore, #tpu.memory_space<semaphore_mem>>)
    %add3A_62 = arith.constant 128 : i32
    %add3A_63 = arith.addi %mul3A_2, %add3A_62 : i32
    %dma_start3A_64 = arith.constant 0 : i32
    %dma_start3A_65 = arith.constant 0 : i32
    %dma_start3A_66 = tpu.memref_slice %arg2[%add3A_63, %dma_start3A_65] : memref<16384x128xf32, #tpu.memory_space<hbm>> -> memref<64x128xf32, #tpu.memory_space<hbm>>
    %dma_start3A_67 = tpu.memref_slice %arg12[%dma_start3A_64] : memref<2x!tpu.dma_semaphore, #tpu.memory_space<semaphore_mem>> -> memref<1x!tpu.dma_semaphore, #tpu.memory_space<semaphore_mem>>
    %dma_start3A_68 = tpu.memref_squeeze %dma_start3A_67 : memref<1x!tpu.dma_semaphore, #tpu.memory_space<semaphore_mem>> -> memref<!tpu.dma_semaphore, #tpu.memory_space<semaphore_mem>>
    %dma_start3A_69 = arith.constant 0 : i32
    %dma_start3A_70 = tpu.memref_slice %arg2[%add3A_63, %dma_start3A_69] : memref<16384x128xf32, #tpu.memory_space<hbm>> -> memref<64x128xf32, #tpu.memory_space<hbm>>
    tpu.enqueue_dma source(%dma_start3A_70 : memref<64x128xf32, #tpu.memory_space<hbm>>) target(%arg7 : memref<64x128xf32, #tpu.memory_space<vmem>>) target_semaphore(%dma_start3A_68 : memref<!tpu.dma_semaphore, #tpu.memory_space<semaphore_mem>>)
    %dma_wait3A_71 = arith.constant 1 : i32
    %dma_wait3A_72 = arith.constant 64 : i32
    %dma_wait3A_73 = tpu.memref_slice %arg6[%dma_wait3A_72] : memref<512xi32, #tpu.memory_space<vmem>> -> memref<64xi32, #tpu.memory_space<vmem>>
    %dma_wait3A_74 = arith.constant 0 : i32
    %dma_wait3A_75 = arith.constant 0 : i32
    %dma_wait3A_76 = tpu.memref_slice %arg4[%dma_wait3A_74, %dma_wait3A_75] : memref<1000000x128xf32, #tpu.memory_space<hbm>> -> memref<1000000x128xf32, #tpu.memory_space<hbm>>
    %dma_wait3A_77 = tpu.memref_slice %arg13[%dma_wait3A_71] : memref<2x!tpu.dma_semaphore, #tpu.memory_space<semaphore_mem>> -> memref<1x!tpu.dma_semaphore, #tpu.memory_space<semaphore_mem>>
    %dma_wait3A_78 = tpu.memref_squeeze %dma_wait3A_77 : memref<1x!tpu.dma_semaphore, #tpu.memory_space<semaphore_mem>> -> memref<!tpu.dma_semaphore, #tpu.memory_space<semaphore_mem>>
    tpu.wait_indirect_dma semaphore(%dma_wait3A_78 : memref<!tpu.dma_semaphore, #tpu.memory_space<semaphore_mem>>) src(%dma_wait3A_76 : memref<1000000x128xf32, #tpu.memory_space<hbm>>) dst(%arg10 : memref<64x128xf32, #tpu.memory_space<vmem>>)
    %dma_wait3A_79 = arith.constant 1 : i32
    %dma_wait3A_80 = arith.constant 0 : i32
    %dma_wait3A_81 = tpu.memref_slice %arg2[%add3A_29, %dma_wait3A_80] : memref<16384x128xf32, #tpu.memory_space<hbm>> -> memref<64x128xf32, #tpu.memory_space<hbm>>
    %dma_wait3A_82 = tpu.memref_slice %arg12[%dma_wait3A_79] : memref<2x!tpu.dma_semaphore, #tpu.memory_space<semaphore_mem>> -> memref<1x!tpu.dma_semaphore, #tpu.memory_space<semaphore_mem>>
    %dma_wait3A_83 = tpu.memref_squeeze %dma_wait3A_82 : memref<1x!tpu.dma_semaphore, #tpu.memory_space<semaphore_mem>> -> memref<!tpu.dma_semaphore, #tpu.memory_space<semaphore_mem>>
    %dma_wait3A_84 = arith.constant 0 : i32
    %dma_wait3A_85 = tpu.memref_slice %arg2[%add3A_29, %dma_wait3A_84] : memref<16384x128xf32, #tpu.memory_space<hbm>> -> memref<64x128xf32, #tpu.memory_space<hbm>>
    tpu.wait_dma2 semaphore(%dma_wait3A_83 : memref<!tpu.dma_semaphore, #tpu.memory_space<semaphore_mem>>) src(%dma_wait3A_85 : memref<64x128xf32, #tpu.memory_space<hbm>>) dst(%arg8 : memref<64x128xf32, #tpu.memory_space<vmem>>)
    %parallel_loop3A_86 = arith.constant 0 : i32
    %parallel_loop3A_87 = arith.constant 64 : i32
    %parallel_loop3A_88 = arith.constant 2 : i32
    %parallel_loop3A_89 = scf.for %parallel_loop3A_293 = %parallel_loop3A_86 to %parallel_loop3A_87 step %parallel_loop3A_88 iter_args(%parallel_loop3A_294 = %parallel_loop3A_53) -> (vector<16xf32>)  : i32 {
      %parallel_loop3A_295 = arith.constant 0 : i32
      %parallel_loop3A_296 = arith.addi %parallel_loop3A_293, %parallel_loop3A_295 : i32
      %parallel_loop3A_297 = arith.index_cast %parallel_loop3A_296 : i32 to index
      %parallel_loop3A_298 = arith.constant 0 : index
      %parallel_loop3A_299 = tpu.vector_load %arg8[%parallel_loop3A_297, %parallel_loop3A_298] {strides = array<i32>} : memref<64x128xf32, #tpu.memory_space<vmem>>, vector<16xf32>,
      %parallel_loop3A_300 = arith.index_cast %parallel_loop3A_296 : i32 to index
      %parallel_loop3A_301 = arith.constant 0 : index
      %parallel_loop3A_302 = tpu.vector_load %arg10[%parallel_loop3A_300, %parallel_loop3A_301] {strides = array<i32>} : memref<64x128xf32, #tpu.memory_space<vmem>>, vector<16xf32>,
      %parallel_loop3A_303 = arith.subf %parallel_loop3A_299, %parallel_loop3A_302 : vector<16xf32>
      %parallel_loop3A_304 = arith.mulf %parallel_loop3A_303, %parallel_loop3A_303 : vector<16xf32>
      %parallel_loop3A_305 = arith.index_cast %parallel_loop3A_296 : i32 to index
      %parallel_loop3A_306 = arith.constant 16 : index
      %parallel_loop3A_307 = tpu.vector_load %arg8[%parallel_loop3A_305, %parallel_loop3A_306] {strides = array<i32>} : memref<64x128xf32, #tpu.memory_space<vmem>>, vector<16xf32>,
      %parallel_loop3A_308 = arith.index_cast %parallel_loop3A_296 : i32 to index
      %parallel_loop3A_309 = arith.constant 16 : index
      %parallel_loop3A_310 = tpu.vector_load %arg10[%parallel_loop3A_308, %parallel_loop3A_309] {strides = array<i32>} : memref<64x128xf32, #tpu.memory_space<vmem>>, vector<16xf32>,
      %parallel_loop3A_311 = arith.subf %parallel_loop3A_307, %parallel_loop3A_310 : vector<16xf32>
      %parallel_loop3A_312 = arith.mulf %parallel_loop3A_311, %parallel_loop3A_311 : vector<16xf32>
      %parallel_loop3A_313 = arith.addf %parallel_loop3A_304, %parallel_loop3A_312 : vector<16xf32>
      %parallel_loop3A_314 = arith.index_cast %parallel_loop3A_296 : i32 to index
      %parallel_loop3A_315 = arith.constant 32 : index
      %parallel_loop3A_316 = tpu.vector_load %arg8[%parallel_loop3A_314, %parallel_loop3A_315] {strides = array<i32>} : memref<64x128xf32, #tpu.memory_space<vmem>>, vector<16xf32>,
      %parallel_loop3A_317 = arith.index_cast %parallel_loop3A_296 : i32 to index
      %parallel_loop3A_318 = arith.constant 32 : index
      %parallel_loop3A_319 = tpu.vector_load %arg10[%parallel_loop3A_317, %parallel_loop3A_318] {strides = array<i32>} : memref<64x128xf32, #tpu.memory_space<vmem>>, vector<16xf32>,
      %parallel_loop3A_320 = arith.subf %parallel_loop3A_316, %parallel_loop3A_319 : vector<16xf32>
      %parallel_loop3A_321 = arith.mulf %parallel_loop3A_320, %parallel_loop3A_320 : vector<16xf32>
      %parallel_loop3A_322 = arith.addf %parallel_loop3A_313, %parallel_loop3A_321 : vector<16xf32>
      %parallel_loop3A_323 = arith.index_cast %parallel_loop3A_296 : i32 to index
      %parallel_loop3A_324 = arith.constant 48 : index
      %parallel_loop3A_325 = tpu.vector_load %arg8[%parallel_loop3A_323, %parallel_loop3A_324] {strides = array<i32>} : memref<64x128xf32, #tpu.memory_space<vmem>>, vector<16xf32>,
      %parallel_loop3A_326 = arith.index_cast %parallel_loop3A_296 : i32 to index
      %parallel_loop3A_327 = arith.constant 48 : index
      %parallel_loop3A_328 = tpu.vector_load %arg10[%parallel_loop3A_326, %parallel_loop3A_327] {strides = array<i32>} : memref<64x128xf32, #tpu.memory_space<vmem>>, vector<16xf32>,
      %parallel_loop3A_329 = arith.subf %parallel_loop3A_325, %parallel_loop3A_328 : vector<16xf32>
      %parallel_loop3A_330 = arith.mulf %parallel_loop3A_329, %parallel_loop3A_329 : vector<16xf32>
      %parallel_loop3A_331 = arith.addf %parallel_loop3A_322, %parallel_loop3A_330 : vector<16xf32>
      %parallel_loop3A_332 = arith.index_cast %parallel_loop3A_296 : i32 to index
      %parallel_loop3A_333 = arith.constant 64 : index
      %parallel_loop3A_334 = tpu.vector_load %arg8[%parallel_loop3A_332, %parallel_loop3A_333] {strides = array<i32>} : memref<64x128xf32, #tpu.memory_space<vmem>>, vector<16xf32>,
      %parallel_loop3A_335 = arith.index_cast %parallel_loop3A_296 : i32 to index
      %parallel_loop3A_336 = arith.constant 64 : index
      %parallel_loop3A_337 = tpu.vector_load %arg10[%parallel_loop3A_335, %parallel_loop3A_336] {strides = array<i32>} : memref<64x128xf32, #tpu.memory_space<vmem>>, vector<16xf32>,
      %parallel_loop3A_338 = arith.subf %parallel_loop3A_334, %parallel_loop3A_337 : vector<16xf32>
      %parallel_loop3A_339 = arith.mulf %parallel_loop3A_338, %parallel_loop3A_338 : vector<16xf32>
      %parallel_loop3A_340 = arith.addf %parallel_loop3A_331, %parallel_loop3A_339 : vector<16xf32>
      %parallel_loop3A_341 = arith.index_cast %parallel_loop3A_296 : i32 to index
      %parallel_loop3A_342 = arith.constant 80 : index
      %parallel_loop3A_343 = tpu.vector_load %arg8[%parallel_loop3A_341, %parallel_loop3A_342] {strides = array<i32>} : memref<64x128xf32, #tpu.memory_space<vmem>>, vector<16xf32>,
      %parallel_loop3A_344 = arith.index_cast %parallel_loop3A_296 : i32 to index
      %parallel_loop3A_345 = arith.constant 80 : index
      %parallel_loop3A_346 = tpu.vector_load %arg10[%parallel_loop3A_344, %parallel_loop3A_345] {strides = array<i32>} : memref<64x128xf32, #tpu.memory_space<vmem>>, vector<16xf32>,
      %parallel_loop3A_347 = arith.subf %parallel_loop3A_343, %parallel_loop3A_346 : vector<16xf32>
      %parallel_loop3A_348 = arith.mulf %parallel_loop3A_347, %parallel_loop3A_347 : vector<16xf32>
      %parallel_loop3A_349 = arith.addf %parallel_loop3A_340, %parallel_loop3A_348 : vector<16xf32>
      %parallel_loop3A_350 = arith.index_cast %parallel_loop3A_296 : i32 to index
      %parallel_loop3A_351 = arith.constant 96 : index
      %parallel_loop3A_352 = tpu.vector_load %arg8[%parallel_loop3A_350, %parallel_loop3A_351] {strides = array<i32>} : memref<64x128xf32, #tpu.memory_space<vmem>>, vector<16xf32>,
      %parallel_loop3A_353 = arith.index_cast %parallel_loop3A_296 : i32 to index
      %parallel_loop3A_354 = arith.constant 96 : index
      %parallel_loop3A_355 = tpu.vector_load %arg10[%parallel_loop3A_353, %parallel_loop3A_354] {strides = array<i32>} : memref<64x128xf32, #tpu.memory_space<vmem>>, vector<16xf32>,
      %parallel_loop3A_356 = arith.subf %parallel_loop3A_352, %parallel_loop3A_355 : vector<16xf32>
      %parallel_loop3A_357 = arith.mulf %parallel_loop3A_356, %parallel_loop3A_356 : vector<16xf32>
      %parallel_loop3A_358 = arith.addf %parallel_loop3A_349, %parallel_loop3A_357 : vector<16xf32>
      %parallel_loop3A_359 = arith.index_cast %parallel_loop3A_296 : i32 to index
      %parallel_loop3A_360 = arith.constant 112 : index
      %parallel_loop3A_361 = tpu.vector_load %arg8[%parallel_loop3A_359, %parallel_loop3A_360] {strides = array<i32>} : memref<64x128xf32, #tpu.memory_space<vmem>>, vector<16xf32>,
      %parallel_loop3A_362 = arith.index_cast %parallel_loop3A_296 : i32 to index
      %parallel_loop3A_363 = arith.constant 112 : index
      %parallel_loop3A_364 = tpu.vector_load %arg10[%parallel_loop3A_362, %parallel_loop3A_363] {strides = array<i32>} : memref<64x128xf32, #tpu.memory_space<vmem>>, vector<16xf32>,
      %parallel_loop3A_365 = arith.subf %parallel_loop3A_361, %parallel_loop3A_364 : vector<16xf32>
      %parallel_loop3A_366 = arith.mulf %parallel_loop3A_365, %parallel_loop3A_365 : vector<16xf32>
      %parallel_loop3A_367 = arith.addf %parallel_loop3A_358, %parallel_loop3A_366 : vector<16xf32>
      %parallel_loop3A_368 = arith.constant true
      %parallel_loop3A_369 = vector.broadcast %parallel_loop3A_368 : i1 to vector<16xi1>
      %parallel_loop3A_370 = tpu.scan <sum>, %parallel_loop3A_367 masked %parallel_loop3A_369 : vector<16xf32>, vector<16xi1> -> vector<16xf32>
      %parallel_loop3A_371 = arith.constant 9.99999996E-13 : f32
      %parallel_loop3A_372 = arith.constant 9.99999995E+11 : f32
      %parallel_loop3A_373 = vector.broadcast %parallel_loop3A_371 : f32 to vector<16xf32>
      %parallel_loop3A_374 = arith.maximumf %parallel_loop3A_373, %parallel_loop3A_370 : vector<16xf32>
      %parallel_loop3A_375 = vector.broadcast %parallel_loop3A_372 : f32 to vector<16xf32>
      %parallel_loop3A_376 = arith.minimumf %parallel_loop3A_375, %parallel_loop3A_374 : vector<16xf32>
      %parallel_loop3A_377 = arith.addf %parallel_loop3A_294, %parallel_loop3A_376 : vector<16xf32>
      %parallel_loop3A_378 = arith.constant 1 : i32
      %parallel_loop3A_379 = arith.addi %parallel_loop3A_293, %parallel_loop3A_378 : i32
      %parallel_loop3A_380 = arith.index_cast %parallel_loop3A_379 : i32 to index
      %parallel_loop3A_381 = arith.constant 0 : index
      %parallel_loop3A_382 = tpu.vector_load %arg8[%parallel_loop3A_380, %parallel_loop3A_381] {strides = array<i32>} : memref<64x128xf32, #tpu.memory_space<vmem>>, vector<16xf32>,
      %parallel_loop3A_383 = arith.index_cast %parallel_loop3A_379 : i32 to index
      %parallel_loop3A_384 = arith.constant 0 : index
      %parallel_loop3A_385 = tpu.vector_load %arg10[%parallel_loop3A_383, %parallel_loop3A_384] {strides = array<i32>} : memref<64x128xf32, #tpu.memory_space<vmem>>, vector<16xf32>,
      %parallel_loop3A_386 = arith.subf %parallel_loop3A_382, %parallel_loop3A_385 : vector<16xf32>
      %parallel_loop3A_387 = arith.mulf %parallel_loop3A_386, %parallel_loop3A_386 : vector<16xf32>
      %parallel_loop3A_388 = arith.index_cast %parallel_loop3A_379 : i32 to index
      %parallel_loop3A_389 = arith.constant 16 : index
      %parallel_loop3A_390 = tpu.vector_load %arg8[%parallel_loop3A_388, %parallel_loop3A_389] {strides = array<i32>} : memref<64x128xf32, #tpu.memory_space<vmem>>, vector<16xf32>,
      %parallel_loop3A_391 = arith.index_cast %parallel_loop3A_379 : i32 to index
      %parallel_loop3A_392 = arith.constant 16 : index
      %parallel_loop3A_393 = tpu.vector_load %arg10[%parallel_loop3A_391, %parallel_loop3A_392] {strides = array<i32>} : memref<64x128xf32, #tpu.memory_space<vmem>>, vector<16xf32>,
      %parallel_loop3A_394 = arith.subf %parallel_loop3A_390, %parallel_loop3A_393 : vector<16xf32>
      %parallel_loop3A_395 = arith.mulf %parallel_loop3A_394, %parallel_loop3A_394 : vector<16xf32>
      %parallel_loop3A_396 = arith.addf %parallel_loop3A_387, %parallel_loop3A_395 : vector<16xf32>
      %parallel_loop3A_397 = arith.index_cast %parallel_loop3A_379 : i32 to index
      %parallel_loop3A_398 = arith.constant 32 : index
      %parallel_loop3A_399 = tpu.vector_load %arg8[%parallel_loop3A_397, %parallel_loop3A_398] {strides = array<i32>} : memref<64x128xf32, #tpu.memory_space<vmem>>, vector<16xf32>,
      %parallel_loop3A_400 = arith.index_cast %parallel_loop3A_379 : i32 to index
      %parallel_loop3A_401 = arith.constant 32 : index
      %parallel_loop3A_402 = tpu.vector_load %arg10[%parallel_loop3A_400, %parallel_loop3A_401] {strides = array<i32>} : memref<64x128xf32, #tpu.memory_space<vmem>>, vector<16xf32>,
      %parallel_loop3A_403 = arith.subf %parallel_loop3A_399, %parallel_loop3A_402 : vector<16xf32>
      %parallel_loop3A_404 = arith.mulf %parallel_loop3A_403, %parallel_loop3A_403 : vector<16xf32>
      %parallel_loop3A_405 = arith.addf %parallel_loop3A_396, %parallel_loop3A_404 : vector<16xf32>
      %parallel_loop3A_406 = arith.index_cast %parallel_loop3A_379 : i32 to index
      %parallel_loop3A_407 = arith.constant 48 : index
      %parallel_loop3A_408 = tpu.vector_load %arg8[%parallel_loop3A_406, %parallel_loop3A_407] {strides = array<i32>} : memref<64x128xf32, #tpu.memory_space<vmem>>, vector<16xf32>,
      %parallel_loop3A_409 = arith.index_cast %parallel_loop3A_379 : i32 to index
      %parallel_loop3A_410 = arith.constant 48 : index
      %parallel_loop3A_411 = tpu.vector_load %arg10[%parallel_loop3A_409, %parallel_loop3A_410] {strides = array<i32>} : memref<64x128xf32, #tpu.memory_space<vmem>>, vector<16xf32>,
      %parallel_loop3A_412 = arith.subf %parallel_loop3A_408, %parallel_loop3A_411 : vector<16xf32>
      %parallel_loop3A_413 = arith.mulf %parallel_loop3A_412, %parallel_loop3A_412 : vector<16xf32>
      %parallel_loop3A_414 = arith.addf %parallel_loop3A_405, %parallel_loop3A_413 : vector<16xf32>
      %parallel_loop3A_415 = arith.index_cast %parallel_loop3A_379 : i32 to index
      %parallel_loop3A_416 = arith.constant 64 : index
      %parallel_loop3A_417 = tpu.vector_load %arg8[%parallel_loop3A_415, %parallel_loop3A_416] {strides = array<i32>} : memref<64x128xf32, #tpu.memory_space<vmem>>, vector<16xf32>,
      %parallel_loop3A_418 = arith.index_cast %parallel_loop3A_379 : i32 to index
      %parallel_loop3A_419 = arith.constant 64 : index
      %parallel_loop3A_420 = tpu.vector_load %arg10[%parallel_loop3A_418, %parallel_loop3A_419] {strides = array<i32>} : memref<64x128xf32, #tpu.memory_space<vmem>>, vector<16xf32>,
      %parallel_loop3A_421 = arith.subf %parallel_loop3A_417, %parallel_loop3A_420 : vector<16xf32>
      %parallel_loop3A_422 = arith.mulf %parallel_loop3A_421, %parallel_loop3A_421 : vector<16xf32>
      %parallel_loop3A_423 = arith.addf %parallel_loop3A_414, %parallel_loop3A_422 : vector<16xf32>
      %parallel_loop3A_424 = arith.index_cast %parallel_loop3A_379 : i32 to index
      %parallel_loop3A_425 = arith.constant 80 : index
      %parallel_loop3A_426 = tpu.vector_load %arg8[%parallel_loop3A_424, %parallel_loop3A_425] {strides = array<i32>} : memref<64x128xf32, #tpu.memory_space<vmem>>, vector<16xf32>,
      %parallel_loop3A_427 = arith.index_cast %parallel_loop3A_379 : i32 to index
      %parallel_loop3A_428 = arith.constant 80 : index
      %parallel_loop3A_429 = tpu.vector_load %arg10[%parallel_loop3A_427, %parallel_loop3A_428] {strides = array<i32>} : memref<64x128xf32, #tpu.memory_space<vmem>>, vector<16xf32>,
      %parallel_loop3A_430 = arith.subf %parallel_loop3A_426, %parallel_loop3A_429 : vector<16xf32>
      %parallel_loop3A_431 = arith.mulf %parallel_loop3A_430, %parallel_loop3A_430 : vector<16xf32>
      %parallel_loop3A_432 = arith.addf %parallel_loop3A_423, %parallel_loop3A_431 : vector<16xf32>
      %parallel_loop3A_433 = arith.index_cast %parallel_loop3A_379 : i32 to index
      %parallel_loop3A_434 = arith.constant 96 : index
      %parallel_loop3A_435 = tpu.vector_load %arg8[%parallel_loop3A_433, %parallel_loop3A_434] {strides = array<i32>} : memref<64x128xf32, #tpu.memory_space<vmem>>, vector<16xf32>,
      %parallel_loop3A_436 = arith.index_cast %parallel_loop3A_379 : i32 to index
      %parallel_loop3A_437 = arith.constant 96 : index
      %parallel_loop3A_438 = tpu.vector_load %arg10[%parallel_loop3A_436, %parallel_loop3A_437] {strides = array<i32>} : memref<64x128xf32, #tpu.memory_space<vmem>>, vector<16xf32>,
      %parallel_loop3A_439 = arith.subf %parallel_loop3A_435, %parallel_loop3A_438 : vector<16xf32>
      %parallel_loop3A_440 = arith.mulf %parallel_loop3A_439, %parallel_loop3A_439 : vector<16xf32>
      %parallel_loop3A_441 = arith.addf %parallel_loop3A_432, %parallel_loop3A_440 : vector<16xf32>
      %parallel_loop3A_442 = arith.index_cast %parallel_loop3A_379 : i32 to index
      %parallel_loop3A_443 = arith.constant 112 : index
      %parallel_loop3A_444 = tpu.vector_load %arg8[%parallel_loop3A_442, %parallel_loop3A_443] {strides = array<i32>} : memref<64x128xf32, #tpu.memory_space<vmem>>, vector<16xf32>,
      %parallel_loop3A_445 = arith.index_cast %parallel_loop3A_379 : i32 to index
      %parallel_loop3A_446 = arith.constant 112 : index
      %parallel_loop3A_447 = tpu.vector_load %arg10[%parallel_loop3A_445, %parallel_loop3A_446] {strides = array<i32>} : memref<64x128xf32, #tpu.memory_space<vmem>>, vector<16xf32>,
      %parallel_loop3A_448 = arith.subf %parallel_loop3A_444, %parallel_loop3A_447 : vector<16xf32>
      %parallel_loop3A_449 = arith.mulf %parallel_loop3A_448, %parallel_loop3A_448 : vector<16xf32>
      %parallel_loop3A_450 = arith.addf %parallel_loop3A_441, %parallel_loop3A_449 : vector<16xf32>
      %parallel_loop3A_451 = arith.constant true
      %parallel_loop3A_452 = vector.broadcast %parallel_loop3A_451 : i1 to vector<16xi1>
      %parallel_loop3A_453 = tpu.scan <sum>, %parallel_loop3A_450 masked %parallel_loop3A_452 : vector<16xf32>, vector<16xi1> -> vector<16xf32>
      %parallel_loop3A_454 = arith.constant 9.99999996E-13 : f32
      %parallel_loop3A_455 = arith.constant 9.99999995E+11 : f32
      %parallel_loop3A_456 = vector.broadcast %parallel_loop3A_454 : f32 to vector<16xf32>
      %parallel_loop3A_457 = arith.maximumf %parallel_loop3A_456, %parallel_loop3A_453 : vector<16xf32>
      %parallel_loop3A_458 = vector.broadcast %parallel_loop3A_455 : f32 to vector<16xf32>
      %parallel_loop3A_459 = arith.minimumf %parallel_loop3A_458, %parallel_loop3A_457 : vector<16xf32>
      %parallel_loop3A_460 = arith.addf %parallel_loop3A_377, %parallel_loop3A_459 : vector<16xf32>
      scf.yield %parallel_loop3A_460 : vector<16xf32>
    } {sc.loop_unroll_factor = 2 : i64, sc.parallel_access}
    %dma_start3A_90 = arith.constant 1 : i32
    %dma_start3A_91 = arith.constant 192 : i32
    %dma_start3A_92 = tpu.memref_slice %arg6[%dma_start3A_91] : memref<512xi32, #tpu.memory_space<vmem>> -> memref<64xi32, #tpu.memory_space<vmem>>
    %dma_start3A_93 = arith.constant 0 : i32
    %dma_start3A_94 = arith.constant 0 : i32
    %dma_start3A_95 = tpu.memref_slice %arg4[%dma_start3A_93, %dma_start3A_94] : memref<1000000x128xf32, #tpu.memory_space<hbm>> -> memref<1000000x128xf32, #tpu.memory_space<hbm>>
    %dma_start3A_96 = tpu.memref_slice %arg13[%dma_start3A_90] : memref<2x!tpu.dma_semaphore, #tpu.memory_space<semaphore_mem>> -> memref<1x!tpu.dma_semaphore, #tpu.memory_space<semaphore_mem>>
    %dma_start3A_97 = tpu.memref_squeeze %dma_start3A_96 : memref<1x!tpu.dma_semaphore, #tpu.memory_space<semaphore_mem>> -> memref<!tpu.dma_semaphore, #tpu.memory_space<semaphore_mem>>
    tpu.enqueue_indirect_dma source(%dma_start3A_95 : memref<1000000x128xf32, #tpu.memory_space<hbm>>) target(%arg10 : memref<64x128xf32, #tpu.memory_space<vmem>>) offsets(%dma_start3A_92 : memref<64xi32, #tpu.memory_space<vmem>>) semaphore(%dma_start3A_97 : memref<!tpu.dma_semaphore, #tpu.memory_space<semaphore_mem>>)
    %add3A_98 = arith.constant 192 : i32
    %add3A_99 = arith.addi %mul3A_2, %add3A_98 : i32
    %dma_start3A_100 = arith.constant 1 : i32
    %dma_start3A_101 = arith.constant 0 : i32
    %dma_start3A_102 = tpu.memref_slice %arg2[%add3A_99, %dma_start3A_101] : memref<16384x128xf32, #tpu.memory_space<hbm>> -> memref<64x128xf32, #tpu.memory_space<hbm>>
    %dma_start3A_103 = tpu.memref_slice %arg12[%dma_start3A_100] : memref<2x!tpu.dma_semaphore, #tpu.memory_space<semaphore_mem>> -> memref<1x!tpu.dma_semaphore, #tpu.memory_space<semaphore_mem>>
    %dma_start3A_104 = tpu.memref_squeeze %dma_start3A_103 : memref<1x!tpu.dma_semaphore, #tpu.memory_space<semaphore_mem>> -> memref<!tpu.dma_semaphore, #tpu.memory_space<semaphore_mem>>
    %dma_start3A_105 = arith.constant 0 : i32
    %dma_start3A_106 = tpu.memref_slice %arg2[%add3A_99, %dma_start3A_105] : memref<16384x128xf32, #tpu.memory_space<hbm>> -> memref<64x128xf32, #tpu.memory_space<hbm>>
    tpu.enqueue_dma source(%dma_start3A_106 : memref<64x128xf32, #tpu.memory_space<hbm>>) target(%arg8 : memref<64x128xf32, #tpu.memory_space<vmem>>) target_semaphore(%dma_start3A_104 : memref<!tpu.dma_semaphore, #tpu.memory_space<semaphore_mem>>)
    %dma_wait3A_107 = arith.constant 0 : i32
    %dma_wait3A_108 = arith.constant 128 : i32
    %dma_wait3A_109 = tpu.memref_slice %arg6[%dma_wait3A_108] : memref<512xi32, #tpu.memory_space<vmem>> -> memref<64xi32, #tpu.memory_space<vmem>>
    %dma_wait3A_110 = arith.constant 0 : i32
    %dma_wait3A_111 = arith.constant 0 : i32
    %dma_wait3A_112 = tpu.memref_slice %arg4[%dma_wait3A_110, %dma_wait3A_111] : memref<1000000x128xf32, #tpu.memory_space<hbm>> -> memref<1000000x128xf32, #tpu.memory_space<hbm>>
    %dma_wait3A_113 = tpu.memref_slice %arg13[%dma_wait3A_107] : memref<2x!tpu.dma_semaphore, #tpu.memory_space<semaphore_mem>> -> memref<1x!tpu.dma_semaphore, #tpu.memory_space<semaphore_mem>>
    %dma_wait3A_114 = tpu.memref_squeeze %dma_wait3A_113 : memref<1x!tpu.dma_semaphore, #tpu.memory_space<semaphore_mem>> -> memref<!tpu.dma_semaphore, #tpu.memory_space<semaphore_mem>>
    tpu.wait_indirect_dma semaphore(%dma_wait3A_114 : memref<!tpu.dma_semaphore, #tpu.memory_space<semaphore_mem>>) src(%dma_wait3A_112 : memref<1000000x128xf32, #tpu.memory_space<hbm>>) dst(%arg9 : memref<64x128xf32, #tpu.memory_space<vmem>>)
    %dma_wait3A_115 = arith.constant 0 : i32
    %dma_wait3A_116 = arith.constant 0 : i32
    %dma_wait3A_117 = tpu.memref_slice %arg2[%add3A_63, %dma_wait3A_116] : memref<16384x128xf32, #tpu.memory_space<hbm>> -> memref<64x128xf32, #tpu.memory_space<hbm>>
    %dma_wait3A_118 = tpu.memref_slice %arg12[%dma_wait3A_115] : memref<2x!tpu.dma_semaphore, #tpu.memory_space<semaphore_mem>> -> memref<1x!tpu.dma_semaphore, #tpu.memory_space<semaphore_mem>>
    %dma_wait3A_119 = tpu.memref_squeeze %dma_wait3A_118 : memref<1x!tpu.dma_semaphore, #tpu.memory_space<semaphore_mem>> -> memref<!tpu.dma_semaphore, #tpu.memory_space<semaphore_mem>>
    %dma_wait3A_120 = arith.constant 0 : i32
    %dma_wait3A_121 = tpu.memref_slice %arg2[%add3A_63, %dma_wait3A_120] : memref<16384x128xf32, #tpu.memory_space<hbm>> -> memref<64x128xf32, #tpu.memory_space<hbm>>
    tpu.wait_dma2 semaphore(%dma_wait3A_119 : memref<!tpu.dma_semaphore, #tpu.memory_space<semaphore_mem>>) src(%dma_wait3A_121 : memref<64x128xf32, #tpu.memory_space<hbm>>) dst(%arg7 : memref<64x128xf32, #tpu.memory_space<vmem>>)
    %parallel_loop3A_122 = arith.constant 0 : i32
    %parallel_loop3A_123 = arith.constant 64 : i32
    %parallel_loop3A_124 = arith.constant 2 : i32
    %parallel_loop3A_125 = scf.for %parallel_loop3A_293 = %parallel_loop3A_122 to %parallel_loop3A_123 step %parallel_loop3A_124 iter_args(%parallel_loop3A_294 = %parallel_loop3A_89) -> (vector<16xf32>)  : i32 {
      %parallel_loop3A_295 = arith.constant 0 : i32
      %parallel_loop3A_296 = arith.addi %parallel_loop3A_293, %parallel_loop3A_295 : i32
      %parallel_loop3A_297 = arith.index_cast %parallel_loop3A_296 : i32 to index
      %parallel_loop3A_298 = arith.constant 0 : index
      %parallel_loop3A_299 = tpu.vector_load %arg7[%parallel_loop3A_297, %parallel_loop3A_298] {strides = array<i32>} : memref<64x128xf32, #tpu.memory_space<vmem>>, vector<16xf32>,
      %parallel_loop3A_300 = arith.index_cast %parallel_loop3A_296 : i32 to index
      %parallel_loop3A_301 = arith.constant 0 : index
      %parallel_loop3A_302 = tpu.vector_load %arg9[%parallel_loop3A_300, %parallel_loop3A_301] {strides = array<i32>} : memref<64x128xf32, #tpu.memory_space<vmem>>, vector<16xf32>,
      %parallel_loop3A_303 = arith.subf %parallel_loop3A_299, %parallel_loop3A_302 : vector<16xf32>
      %parallel_loop3A_304 = arith.mulf %parallel_loop3A_303, %parallel_loop3A_303 : vector<16xf32>
      %parallel_loop3A_305 = arith.index_cast %parallel_loop3A_296 : i32 to index
      %parallel_loop3A_306 = arith.constant 16 : index
      %parallel_loop3A_307 = tpu.vector_load %arg7[%parallel_loop3A_305, %parallel_loop3A_306] {strides = array<i32>} : memref<64x128xf32, #tpu.memory_space<vmem>>, vector<16xf32>,
      %parallel_loop3A_308 = arith.index_cast %parallel_loop3A_296 : i32 to index
      %parallel_loop3A_309 = arith.constant 16 : index
      %parallel_loop3A_310 = tpu.vector_load %arg9[%parallel_loop3A_308, %parallel_loop3A_309] {strides = array<i32>} : memref<64x128xf32, #tpu.memory_space<vmem>>, vector<16xf32>,
      %parallel_loop3A_311 = arith.subf %parallel_loop3A_307, %parallel_loop3A_310 : vector<16xf32>
      %parallel_loop3A_312 = arith.mulf %parallel_loop3A_311, %parallel_loop3A_311 : vector<16xf32>
      %parallel_loop3A_313 = arith.addf %parallel_loop3A_304, %parallel_loop3A_312 : vector<16xf32>
      %parallel_loop3A_314 = arith.index_cast %parallel_loop3A_296 : i32 to index
      %parallel_loop3A_315 = arith.constant 32 : index
      %parallel_loop3A_316 = tpu.vector_load %arg7[%parallel_loop3A_314, %parallel_loop3A_315] {strides = array<i32>} : memref<64x128xf32, #tpu.memory_space<vmem>>, vector<16xf32>,
      %parallel_loop3A_317 = arith.index_cast %parallel_loop3A_296 : i32 to index
      %parallel_loop3A_318 = arith.constant 32 : index
      %parallel_loop3A_319 = tpu.vector_load %arg9[%parallel_loop3A_317, %parallel_loop3A_318] {strides = array<i32>} : memref<64x128xf32, #tpu.memory_space<vmem>>, vector<16xf32>,
      %parallel_loop3A_320 = arith.subf %parallel_loop3A_316, %parallel_loop3A_319 : vector<16xf32>
      %parallel_loop3A_321 = arith.mulf %parallel_loop3A_320, %parallel_loop3A_320 : vector<16xf32>
      %parallel_loop3A_322 = arith.addf %parallel_loop3A_313, %parallel_loop3A_321 : vector<16xf32>
      %parallel_loop3A_323 = arith.index_cast %parallel_loop3A_296 : i32 to index
      %parallel_loop3A_324 = arith.constant 48 : index
      %parallel_loop3A_325 = tpu.vector_load %arg7[%parallel_loop3A_323, %parallel_loop3A_324] {strides = array<i32>} : memref<64x128xf32, #tpu.memory_space<vmem>>, vector<16xf32>,
      %parallel_loop3A_326 = arith.index_cast %parallel_loop3A_296 : i32 to index
      %parallel_loop3A_327 = arith.constant 48 : index
      %parallel_loop3A_328 = tpu.vector_load %arg9[%parallel_loop3A_326, %parallel_loop3A_327] {strides = array<i32>} : memref<64x128xf32, #tpu.memory_space<vmem>>, vector<16xf32>,
      %parallel_loop3A_329 = arith.subf %parallel_loop3A_325, %parallel_loop3A_328 : vector<16xf32>
      %parallel_loop3A_330 = arith.mulf %parallel_loop3A_329, %parallel_loop3A_329 : vector<16xf32>
      %parallel_loop3A_331 = arith.addf %parallel_loop3A_322, %parallel_loop3A_330 : vector<16xf32>
      %parallel_loop3A_332 = arith.index_cast %parallel_loop3A_296 : i32 to index
      %parallel_loop3A_333 = arith.constant 64 : index
      %parallel_loop3A_334 = tpu.vector_load %arg7[%parallel_loop3A_332, %parallel_loop3A_333] {strides = array<i32>} : memref<64x128xf32, #tpu.memory_space<vmem>>, vector<16xf32>,
      %parallel_loop3A_335 = arith.index_cast %parallel_loop3A_296 : i32 to index
      %parallel_loop3A_336 = arith.constant 64 : index
      %parallel_loop3A_337 = tpu.vector_load %arg9[%parallel_loop3A_335, %parallel_loop3A_336] {strides = array<i32>} : memref<64x128xf32, #tpu.memory_space<vmem>>, vector<16xf32>,
      %parallel_loop3A_338 = arith.subf %parallel_loop3A_334, %parallel_loop3A_337 : vector<16xf32>
      %parallel_loop3A_339 = arith.mulf %parallel_loop3A_338, %parallel_loop3A_338 : vector<16xf32>
      %parallel_loop3A_340 = arith.addf %parallel_loop3A_331, %parallel_loop3A_339 : vector<16xf32>
      %parallel_loop3A_341 = arith.index_cast %parallel_loop3A_296 : i32 to index
      %parallel_loop3A_342 = arith.constant 80 : index
      %parallel_loop3A_343 = tpu.vector_load %arg7[%parallel_loop3A_341, %parallel_loop3A_342] {strides = array<i32>} : memref<64x128xf32, #tpu.memory_space<vmem>>, vector<16xf32>,
      %parallel_loop3A_344 = arith.index_cast %parallel_loop3A_296 : i32 to index
      %parallel_loop3A_345 = arith.constant 80 : index
      %parallel_loop3A_346 = tpu.vector_load %arg9[%parallel_loop3A_344, %parallel_loop3A_345] {strides = array<i32>} : memref<64x128xf32, #tpu.memory_space<vmem>>, vector<16xf32>,
      %parallel_loop3A_347 = arith.subf %parallel_loop3A_343, %parallel_loop3A_346 : vector<16xf32>
      %parallel_loop3A_348 = arith.mulf %parallel_loop3A_347, %parallel_loop3A_347 : vector<16xf32>
      %parallel_loop3A_349 = arith.addf %parallel_loop3A_340, %parallel_loop3A_348 : vector<16xf32>
      %parallel_loop3A_350 = arith.index_cast %parallel_loop3A_296 : i32 to index
      %parallel_loop3A_351 = arith.constant 96 : index
      %parallel_loop3A_352 = tpu.vector_load %arg7[%parallel_loop3A_350, %parallel_loop3A_351] {strides = array<i32>} : memref<64x128xf32, #tpu.memory_space<vmem>>, vector<16xf32>,
      %parallel_loop3A_353 = arith.index_cast %parallel_loop3A_296 : i32 to index
      %parallel_loop3A_354 = arith.constant 96 : index
      %parallel_loop3A_355 = tpu.vector_load %arg9[%parallel_loop3A_353, %parallel_loop3A_354] {strides = array<i32>} : memref<64x128xf32, #tpu.memory_space<vmem>>, vector<16xf32>,
      %parallel_loop3A_356 = arith.subf %parallel_loop3A_352, %parallel_loop3A_355 : vector<16xf32>
      %parallel_loop3A_357 = arith.mulf %parallel_loop3A_356, %parallel_loop3A_356 : vector<16xf32>
      %parallel_loop3A_358 = arith.addf %parallel_loop3A_349, %parallel_loop3A_357 : vector<16xf32>
      %parallel_loop3A_359 = arith.index_cast %parallel_loop3A_296 : i32 to index
      %parallel_loop3A_360 = arith.constant 112 : index
      %parallel_loop3A_361 = tpu.vector_load %arg7[%parallel_loop3A_359, %parallel_loop3A_360] {strides = array<i32>} : memref<64x128xf32, #tpu.memory_space<vmem>>, vector<16xf32>,
      %parallel_loop3A_362 = arith.index_cast %parallel_loop3A_296 : i32 to index
      %parallel_loop3A_363 = arith.constant 112 : index
      %parallel_loop3A_364 = tpu.vector_load %arg9[%parallel_loop3A_362, %parallel_loop3A_363] {strides = array<i32>} : memref<64x128xf32, #tpu.memory_space<vmem>>, vector<16xf32>,
      %parallel_loop3A_365 = arith.subf %parallel_loop3A_361, %parallel_loop3A_364 : vector<16xf32>
      %parallel_loop3A_366 = arith.mulf %parallel_loop3A_365, %parallel_loop3A_365 : vector<16xf32>
      %parallel_loop3A_367 = arith.addf %parallel_loop3A_358, %parallel_loop3A_366 : vector<16xf32>
      %parallel_loop3A_368 = arith.constant true
      %parallel_loop3A_369 = vector.broadcast %parallel_loop3A_368 : i1 to vector<16xi1>
      %parallel_loop3A_370 = tpu.scan <sum>, %parallel_loop3A_367 masked %parallel_loop3A_369 : vector<16xf32>, vector<16xi1> -> vector<16xf32>
      %parallel_loop3A_371 = arith.constant 9.99999996E-13 : f32
      %parallel_loop3A_372 = arith.constant 9.99999995E+11 : f32
      %parallel_loop3A_373 = vector.broadcast %parallel_loop3A_371 : f32 to vector<16xf32>
      %parallel_loop3A_374 = arith.maximumf %parallel_loop3A_373, %parallel_loop3A_370 : vector<16xf32>
      %parallel_loop3A_375 = vector.broadcast %parallel_loop3A_372 : f32 to vector<16xf32>
      %parallel_loop3A_376 = arith.minimumf %parallel_loop3A_375, %parallel_loop3A_374 : vector<16xf32>
      %parallel_loop3A_377 = arith.addf %parallel_loop3A_294, %parallel_loop3A_376 : vector<16xf32>
      %parallel_loop3A_378 = arith.constant 1 : i32
      %parallel_loop3A_379 = arith.addi %parallel_loop3A_293, %parallel_loop3A_378 : i32
      %parallel_loop3A_380 = arith.index_cast %parallel_loop3A_379 : i32 to index
      %parallel_loop3A_381 = arith.constant 0 : index
      %parallel_loop3A_382 = tpu.vector_load %arg7[%parallel_loop3A_380, %parallel_loop3A_381] {strides = array<i32>} : memref<64x128xf32, #tpu.memory_space<vmem>>, vector<16xf32>,
      %parallel_loop3A_383 = arith.index_cast %parallel_loop3A_379 : i32 to index
      %parallel_loop3A_384 = arith.constant 0 : index
      %parallel_loop3A_385 = tpu.vector_load %arg9[%parallel_loop3A_383, %parallel_loop3A_384] {strides = array<i32>} : memref<64x128xf32, #tpu.memory_space<vmem>>, vector<16xf32>,
      %parallel_loop3A_386 = arith.subf %parallel_loop3A_382, %parallel_loop3A_385 : vector<16xf32>
      %parallel_loop3A_387 = arith.mulf %parallel_loop3A_386, %parallel_loop3A_386 : vector<16xf32>
      %parallel_loop3A_388 = arith.index_cast %parallel_loop3A_379 : i32 to index
      %parallel_loop3A_389 = arith.constant 16 : index
      %parallel_loop3A_390 = tpu.vector_load %arg7[%parallel_loop3A_388, %parallel_loop3A_389] {strides = array<i32>} : memref<64x128xf32, #tpu.memory_space<vmem>>, vector<16xf32>,
      %parallel_loop3A_391 = arith.index_cast %parallel_loop3A_379 : i32 to index
      %parallel_loop3A_392 = arith.constant 16 : index
      %parallel_loop3A_393 = tpu.vector_load %arg9[%parallel_loop3A_391, %parallel_loop3A_392] {strides = array<i32>} : memref<64x128xf32, #tpu.memory_space<vmem>>, vector<16xf32>,
      %parallel_loop3A_394 = arith.subf %parallel_loop3A_390, %parallel_loop3A_393 : vector<16xf32>
      %parallel_loop3A_395 = arith.mulf %parallel_loop3A_394, %parallel_loop3A_394 : vector<16xf32>
      %parallel_loop3A_396 = arith.addf %parallel_loop3A_387, %parallel_loop3A_395 : vector<16xf32>
      %parallel_loop3A_397 = arith.index_cast %parallel_loop3A_379 : i32 to index
      %parallel_loop3A_398 = arith.constant 32 : index
      %parallel_loop3A_399 = tpu.vector_load %arg7[%parallel_loop3A_397, %parallel_loop3A_398] {strides = array<i32>} : memref<64x128xf32, #tpu.memory_space<vmem>>, vector<16xf32>,
      %parallel_loop3A_400 = arith.index_cast %parallel_loop3A_379 : i32 to index
      %parallel_loop3A_401 = arith.constant 32 : index
      %parallel_loop3A_402 = tpu.vector_load %arg9[%parallel_loop3A_400, %parallel_loop3A_401] {strides = array<i32>} : memref<64x128xf32, #tpu.memory_space<vmem>>, vector<16xf32>,
      %parallel_loop3A_403 = arith.subf %parallel_loop3A_399, %parallel_loop3A_402 : vector<16xf32>
      %parallel_loop3A_404 = arith.mulf %parallel_loop3A_403, %parallel_loop3A_403 : vector<16xf32>
      %parallel_loop3A_405 = arith.addf %parallel_loop3A_396, %parallel_loop3A_404 : vector<16xf32>
      %parallel_loop3A_406 = arith.index_cast %parallel_loop3A_379 : i32 to index
      %parallel_loop3A_407 = arith.constant 48 : index
      %parallel_loop3A_408 = tpu.vector_load %arg7[%parallel_loop3A_406, %parallel_loop3A_407] {strides = array<i32>} : memref<64x128xf32, #tpu.memory_space<vmem>>, vector<16xf32>,
      %parallel_loop3A_409 = arith.index_cast %parallel_loop3A_379 : i32 to index
      %parallel_loop3A_410 = arith.constant 48 : index
      %parallel_loop3A_411 = tpu.vector_load %arg9[%parallel_loop3A_409, %parallel_loop3A_410] {strides = array<i32>} : memref<64x128xf32, #tpu.memory_space<vmem>>, vector<16xf32>,
      %parallel_loop3A_412 = arith.subf %parallel_loop3A_408, %parallel_loop3A_411 : vector<16xf32>
      %parallel_loop3A_413 = arith.mulf %parallel_loop3A_412, %parallel_loop3A_412 : vector<16xf32>
      %parallel_loop3A_414 = arith.addf %parallel_loop3A_405, %parallel_loop3A_413 : vector<16xf32>
      %parallel_loop3A_415 = arith.index_cast %parallel_loop3A_379 : i32 to index
      %parallel_loop3A_416 = arith.constant 64 : index
      %parallel_loop3A_417 = tpu.vector_load %arg7[%parallel_loop3A_415, %parallel_loop3A_416] {strides = array<i32>} : memref<64x128xf32, #tpu.memory_space<vmem>>, vector<16xf32>,
      %parallel_loop3A_418 = arith.index_cast %parallel_loop3A_379 : i32 to index
      %parallel_loop3A_419 = arith.constant 64 : index
      %parallel_loop3A_420 = tpu.vector_load %arg9[%parallel_loop3A_418, %parallel_loop3A_419] {strides = array<i32>} : memref<64x128xf32, #tpu.memory_space<vmem>>, vector<16xf32>,
      %parallel_loop3A_421 = arith.subf %parallel_loop3A_417, %parallel_loop3A_420 : vector<16xf32>
      %parallel_loop3A_422 = arith.mulf %parallel_loop3A_421, %parallel_loop3A_421 : vector<16xf32>
      %parallel_loop3A_423 = arith.addf %parallel_loop3A_414, %parallel_loop3A_422 : vector<16xf32>
      %parallel_loop3A_424 = arith.index_cast %parallel_loop3A_379 : i32 to index
      %parallel_loop3A_425 = arith.constant 80 : index
      %parallel_loop3A_426 = tpu.vector_load %arg7[%parallel_loop3A_424, %parallel_loop3A_425] {strides = array<i32>} : memref<64x128xf32, #tpu.memory_space<vmem>>, vector<16xf32>,
      %parallel_loop3A_427 = arith.index_cast %parallel_loop3A_379 : i32 to index
      %parallel_loop3A_428 = arith.constant 80 : index
      %parallel_loop3A_429 = tpu.vector_load %arg9[%parallel_loop3A_427, %parallel_loop3A_428] {strides = array<i32>} : memref<64x128xf32, #tpu.memory_space<vmem>>, vector<16xf32>,
      %parallel_loop3A_430 = arith.subf %parallel_loop3A_426, %parallel_loop3A_429 : vector<16xf32>
      %parallel_loop3A_431 = arith.mulf %parallel_loop3A_430, %parallel_loop3A_430 : vector<16xf32>
      %parallel_loop3A_432 = arith.addf %parallel_loop3A_423, %parallel_loop3A_431 : vector<16xf32>
      %parallel_loop3A_433 = arith.index_cast %parallel_loop3A_379 : i32 to index
      %parallel_loop3A_434 = arith.constant 96 : index
      %parallel_loop3A_435 = tpu.vector_load %arg7[%parallel_loop3A_433, %parallel_loop3A_434] {strides = array<i32>} : memref<64x128xf32, #tpu.memory_space<vmem>>, vector<16xf32>,
      %parallel_loop3A_436 = arith.index_cast %parallel_loop3A_379 : i32 to index
      %parallel_loop3A_437 = arith.constant 96 : index
      %parallel_loop3A_438 = tpu.vector_load %arg9[%parallel_loop3A_436, %parallel_loop3A_437] {strides = array<i32>} : memref<64x128xf32, #tpu.memory_space<vmem>>, vector<16xf32>,
      %parallel_loop3A_439 = arith.subf %parallel_loop3A_435, %parallel_loop3A_438 : vector<16xf32>
      %parallel_loop3A_440 = arith.mulf %parallel_loop3A_439, %parallel_loop3A_439 : vector<16xf32>
      %parallel_loop3A_441 = arith.addf %parallel_loop3A_432, %parallel_loop3A_440 : vector<16xf32>
      %parallel_loop3A_442 = arith.index_cast %parallel_loop3A_379 : i32 to index
      %parallel_loop3A_443 = arith.constant 112 : index
      %parallel_loop3A_444 = tpu.vector_load %arg7[%parallel_loop3A_442, %parallel_loop3A_443] {strides = array<i32>} : memref<64x128xf32, #tpu.memory_space<vmem>>, vector<16xf32>,
      %parallel_loop3A_445 = arith.index_cast %parallel_loop3A_379 : i32 to index
      %parallel_loop3A_446 = arith.constant 112 : index
      %parallel_loop3A_447 = tpu.vector_load %arg9[%parallel_loop3A_445, %parallel_loop3A_446] {strides = array<i32>} : memref<64x128xf32, #tpu.memory_space<vmem>>, vector<16xf32>,
      %parallel_loop3A_448 = arith.subf %parallel_loop3A_444, %parallel_loop3A_447 : vector<16xf32>
      %parallel_loop3A_449 = arith.mulf %parallel_loop3A_448, %parallel_loop3A_448 : vector<16xf32>
      %parallel_loop3A_450 = arith.addf %parallel_loop3A_441, %parallel_loop3A_449 : vector<16xf32>
      %parallel_loop3A_451 = arith.constant true
      %parallel_loop3A_452 = vector.broadcast %parallel_loop3A_451 : i1 to vector<16xi1>
      %parallel_loop3A_453 = tpu.scan <sum>, %parallel_loop3A_450 masked %parallel_loop3A_452 : vector<16xf32>, vector<16xi1> -> vector<16xf32>
      %parallel_loop3A_454 = arith.constant 9.99999996E-13 : f32
      %parallel_loop3A_455 = arith.constant 9.99999995E+11 : f32
      %parallel_loop3A_456 = vector.broadcast %parallel_loop3A_454 : f32 to vector<16xf32>
      %parallel_loop3A_457 = arith.maximumf %parallel_loop3A_456, %parallel_loop3A_453 : vector<16xf32>
      %parallel_loop3A_458 = vector.broadcast %parallel_loop3A_455 : f32 to vector<16xf32>
      %parallel_loop3A_459 = arith.minimumf %parallel_loop3A_458, %parallel_loop3A_457 : vector<16xf32>
      %parallel_loop3A_460 = arith.addf %parallel_loop3A_377, %parallel_loop3A_459 : vector<16xf32>
      scf.yield %parallel_loop3A_460 : vector<16xf32>
    } {sc.loop_unroll_factor = 2 : i64, sc.parallel_access}
    %dma_start3A_126 = arith.constant 0 : i32
    %dma_start3A_127 = arith.constant 256 : i32
    %dma_start3A_128 = tpu.memref_slice %arg6[%dma_start3A_127] : memref<512xi32, #tpu.memory_space<vmem>> -> memref<64xi32, #tpu.memory_space<vmem>>
    %dma_start3A_129 = arith.constant 0 : i32
    %dma_start3A_130 = arith.constant 0 : i32
    %dma_start3A_131 = tpu.memref_slice %arg4[%dma_start3A_129, %dma_start3A_130] : memref<1000000x128xf32, #tpu.memory_space<hbm>> -> memref<1000000x128xf32, #tpu.memory_space<hbm>>
    %dma_start3A_132 = tpu.memref_slice %arg13[%dma_start3A_126] : memref<2x!tpu.dma_semaphore, #tpu.memory_space<semaphore_mem>> -> memref<1x!tpu.dma_semaphore, #tpu.memory_space<semaphore_mem>>
    %dma_start3A_133 = tpu.memref_squeeze %dma_start3A_132 : memref<1x!tpu.dma_semaphore, #tpu.memory_space<semaphore_mem>> -> memref<!tpu.dma_semaphore, #tpu.memory_space<semaphore_mem>>
    tpu.enqueue_indirect_dma source(%dma_start3A_131 : memref<1000000x128xf32, #tpu.memory_space<hbm>>) target(%arg9 : memref<64x128xf32, #tpu.memory_space<vmem>>) offsets(%dma_start3A_128 : memref<64xi32, #tpu.memory_space<vmem>>) semaphore(%dma_start3A_133 : memref<!tpu.dma_semaphore, #tpu.memory_space<semaphore_mem>>)
    %add3A_134 = arith.constant 256 : i32
    %add3A_135 = arith.addi %mul3A_2, %add3A_134 : i32
    %dma_start3A_136 = arith.constant 0 : i32
    %dma_start3A_137 = arith.constant 0 : i32
    %dma_start3A_138 = tpu.memref_slice %arg2[%add3A_135, %dma_start3A_137] : memref<16384x128xf32, #tpu.memory_space<hbm>> -> memref<64x128xf32, #tpu.memory_space<hbm>>
    %dma_start3A_139 = tpu.memref_slice %arg12[%dma_start3A_136] : memref<2x!tpu.dma_semaphore, #tpu.memory_space<semaphore_mem>> -> memref<1x!tpu.dma_semaphore, #tpu.memory_space<semaphore_mem>>
    %dma_start3A_140 = tpu.memref_squeeze %dma_start3A_139 : memref<1x!tpu.dma_semaphore, #tpu.memory_space<semaphore_mem>> -> memref<!tpu.dma_semaphore, #tpu.memory_space<semaphore_mem>>
    %dma_start3A_141 = arith.constant 0 : i32
    %dma_start3A_142 = tpu.memref_slice %arg2[%add3A_135, %dma_start3A_141] : memref<16384x128xf32, #tpu.memory_space<hbm>> -> memref<64x128xf32, #tpu.memory_space<hbm>>
    tpu.enqueue_dma source(%dma_start3A_142 : memref<64x128xf32, #tpu.memory_space<hbm>>) target(%arg7 : memref<64x128xf32, #tpu.memory_space<vmem>>) target_semaphore(%dma_start3A_140 : memref<!tpu.dma_semaphore, #tpu.memory_space<semaphore_mem>>)
    %dma_wait3A_143 = arith.constant 1 : i32
    %dma_wait3A_144 = arith.constant 192 : i32
    %dma_wait3A_145 = tpu.memref_slice %arg6[%dma_wait3A_144] : memref<512xi32, #tpu.memory_space<vmem>> -> memref<64xi32, #tpu.memory_space<vmem>>
    %dma_wait3A_146 = arith.constant 0 : i32
    %dma_wait3A_147 = arith.constant 0 : i32
    %dma_wait3A_148 = tpu.memref_slice %arg4[%dma_wait3A_146, %dma_wait3A_147] : memref<1000000x128xf32, #tpu.memory_space<hbm>> -> memref<1000000x128xf32, #tpu.memory_space<hbm>>
    %dma_wait3A_149 = tpu.memref_slice %arg13[%dma_wait3A_143] : memref<2x!tpu.dma_semaphore, #tpu.memory_space<semaphore_mem>> -> memref<1x!tpu.dma_semaphore, #tpu.memory_space<semaphore_mem>>
    %dma_wait3A_150 = tpu.memref_squeeze %dma_wait3A_149 : memref<1x!tpu.dma_semaphore, #tpu.memory_space<semaphore_mem>> -> memref<!tpu.dma_semaphore, #tpu.memory_space<semaphore_mem>>
    tpu.wait_indirect_dma semaphore(%dma_wait3A_150 : memref<!tpu.dma_semaphore, #tpu.memory_space<semaphore_mem>>) src(%dma_wait3A_148 : memref<1000000x128xf32, #tpu.memory_space<hbm>>) dst(%arg10 : memref<64x128xf32, #tpu.memory_space<vmem>>)
    %dma_wait3A_151 = arith.constant 1 : i32
    %dma_wait3A_152 = arith.constant 0 : i32
    %dma_wait3A_153 = tpu.memref_slice %arg2[%add3A_99, %dma_wait3A_152] : memref<16384x128xf32, #tpu.memory_space<hbm>> -> memref<64x128xf32, #tpu.memory_space<hbm>>
    %dma_wait3A_154 = tpu.memref_slice %arg12[%dma_wait3A_151] : memref<2x!tpu.dma_semaphore, #tpu.memory_space<semaphore_mem>> -> memref<1x!tpu.dma_semaphore, #tpu.memory_space<semaphore_mem>>
    %dma_wait3A_155 = tpu.memref_squeeze %dma_wait3A_154 : memref<1x!tpu.dma_semaphore, #tpu.memory_space<semaphore_mem>> -> memref<!tpu.dma_semaphore, #tpu.memory_space<semaphore_mem>>
    %dma_wait3A_156 = arith.constant 0 : i32
    %dma_wait3A_157 = tpu.memref_slice %arg2[%add3A_99, %dma_wait3A_156] : memref<16384x128xf32, #tpu.memory_space<hbm>> -> memref<64x128xf32, #tpu.memory_space<hbm>>
    tpu.wait_dma2 semaphore(%dma_wait3A_155 : memref<!tpu.dma_semaphore, #tpu.memory_space<semaphore_mem>>) src(%dma_wait3A_157 : memref<64x128xf32, #tpu.memory_space<hbm>>) dst(%arg8 : memref<64x128xf32, #tpu.memory_space<vmem>>)
    %parallel_loop3A_158 = arith.constant 0 : i32
    %parallel_loop3A_159 = arith.constant 64 : i32
    %parallel_loop3A_160 = arith.constant 2 : i32
    %parallel_loop3A_161 = scf.for %parallel_loop3A_293 = %parallel_loop3A_158 to %parallel_loop3A_159 step %parallel_loop3A_160 iter_args(%parallel_loop3A_294 = %parallel_loop3A_125) -> (vector<16xf32>)  : i32 {
      %parallel_loop3A_295 = arith.constant 0 : i32
      %parallel_loop3A_296 = arith.addi %parallel_loop3A_293, %parallel_loop3A_295 : i32
      %parallel_loop3A_297 = arith.index_cast %parallel_loop3A_296 : i32 to index
      %parallel_loop3A_298 = arith.constant 0 : index
      %parallel_loop3A_299 = tpu.vector_load %arg8[%parallel_loop3A_297, %parallel_loop3A_298] {strides = array<i32>} : memref<64x128xf32, #tpu.memory_space<vmem>>, vector<16xf32>,
      %parallel_loop3A_300 = arith.index_cast %parallel_loop3A_296 : i32 to index
      %parallel_loop3A_301 = arith.constant 0 : index
      %parallel_loop3A_302 = tpu.vector_load %arg10[%parallel_loop3A_300, %parallel_loop3A_301] {strides = array<i32>} : memref<64x128xf32, #tpu.memory_space<vmem>>, vector<16xf32>,
      %parallel_loop3A_303 = arith.subf %parallel_loop3A_299, %parallel_loop3A_302 : vector<16xf32>
      %parallel_loop3A_304 = arith.mulf %parallel_loop3A_303, %parallel_loop3A_303 : vector<16xf32>
      %parallel_loop3A_305 = arith.index_cast %parallel_loop3A_296 : i32 to index
      %parallel_loop3A_306 = arith.constant 16 : index
      %parallel_loop3A_307 = tpu.vector_load %arg8[%parallel_loop3A_305, %parallel_loop3A_306] {strides = array<i32>} : memref<64x128xf32, #tpu.memory_space<vmem>>, vector<16xf32>,
      %parallel_loop3A_308 = arith.index_cast %parallel_loop3A_296 : i32 to index
      %parallel_loop3A_309 = arith.constant 16 : index
      %parallel_loop3A_310 = tpu.vector_load %arg10[%parallel_loop3A_308, %parallel_loop3A_309] {strides = array<i32>} : memref<64x128xf32, #tpu.memory_space<vmem>>, vector<16xf32>,
      %parallel_loop3A_311 = arith.subf %parallel_loop3A_307, %parallel_loop3A_310 : vector<16xf32>
      %parallel_loop3A_312 = arith.mulf %parallel_loop3A_311, %parallel_loop3A_311 : vector<16xf32>
      %parallel_loop3A_313 = arith.addf %parallel_loop3A_304, %parallel_loop3A_312 : vector<16xf32>
      %parallel_loop3A_314 = arith.index_cast %parallel_loop3A_296 : i32 to index
      %parallel_loop3A_315 = arith.constant 32 : index
      %parallel_loop3A_316 = tpu.vector_load %arg8[%parallel_loop3A_314, %parallel_loop3A_315] {strides = array<i32>} : memref<64x128xf32, #tpu.memory_space<vmem>>, vector<16xf32>,
      %parallel_loop3A_317 = arith.index_cast %parallel_loop3A_296 : i32 to index
      %parallel_loop3A_318 = arith.constant 32 : index
      %parallel_loop3A_319 = tpu.vector_load %arg10[%parallel_loop3A_317, %parallel_loop3A_318] {strides = array<i32>} : memref<64x128xf32, #tpu.memory_space<vmem>>, vector<16xf32>,
      %parallel_loop3A_320 = arith.subf %parallel_loop3A_316, %parallel_loop3A_319 : vector<16xf32>
      %parallel_loop3A_321 = arith.mulf %parallel_loop3A_320, %parallel_loop3A_320 : vector<16xf32>
      %parallel_loop3A_322 = arith.addf %parallel_loop3A_313, %parallel_loop3A_321 : vector<16xf32>
      %parallel_loop3A_323 = arith.index_cast %parallel_loop3A_296 : i32 to index
      %parallel_loop3A_324 = arith.constant 48 : index
      %parallel_loop3A_325 = tpu.vector_load %arg8[%parallel_loop3A_323, %parallel_loop3A_324] {strides = array<i32>} : memref<64x128xf32, #tpu.memory_space<vmem>>, vector<16xf32>,
      %parallel_loop3A_326 = arith.index_cast %parallel_loop3A_296 : i32 to index
      %parallel_loop3A_327 = arith.constant 48 : index
      %parallel_loop3A_328 = tpu.vector_load %arg10[%parallel_loop3A_326, %parallel_loop3A_327] {strides = array<i32>} : memref<64x128xf32, #tpu.memory_space<vmem>>, vector<16xf32>,
      %parallel_loop3A_329 = arith.subf %parallel_loop3A_325, %parallel_loop3A_328 : vector<16xf32>
      %parallel_loop3A_330 = arith.mulf %parallel_loop3A_329, %parallel_loop3A_329 : vector<16xf32>
      %parallel_loop3A_331 = arith.addf %parallel_loop3A_322, %parallel_loop3A_330 : vector<16xf32>
      %parallel_loop3A_332 = arith.index_cast %parallel_loop3A_296 : i32 to index
      %parallel_loop3A_333 = arith.constant 64 : index
      %parallel_loop3A_334 = tpu.vector_load %arg8[%parallel_loop3A_332, %parallel_loop3A_333] {strides = array<i32>} : memref<64x128xf32, #tpu.memory_space<vmem>>, vector<16xf32>,
      %parallel_loop3A_335 = arith.index_cast %parallel_loop3A_296 : i32 to index
      %parallel_loop3A_336 = arith.constant 64 : index
      %parallel_loop3A_337 = tpu.vector_load %arg10[%parallel_loop3A_335, %parallel_loop3A_336] {strides = array<i32>} : memref<64x128xf32, #tpu.memory_space<vmem>>, vector<16xf32>,
      %parallel_loop3A_338 = arith.subf %parallel_loop3A_334, %parallel_loop3A_337 : vector<16xf32>
      %parallel_loop3A_339 = arith.mulf %parallel_loop3A_338, %parallel_loop3A_338 : vector<16xf32>
      %parallel_loop3A_340 = arith.addf %parallel_loop3A_331, %parallel_loop3A_339 : vector<16xf32>
      %parallel_loop3A_341 = arith.index_cast %parallel_loop3A_296 : i32 to index
      %parallel_loop3A_342 = arith.constant 80 : index
      %parallel_loop3A_343 = tpu.vector_load %arg8[%parallel_loop3A_341, %parallel_loop3A_342] {strides = array<i32>} : memref<64x128xf32, #tpu.memory_space<vmem>>, vector<16xf32>,
      %parallel_loop3A_344 = arith.index_cast %parallel_loop3A_296 : i32 to index
      %parallel_loop3A_345 = arith.constant 80 : index
      %parallel_loop3A_346 = tpu.vector_load %arg10[%parallel_loop3A_344, %parallel_loop3A_345] {strides = array<i32>} : memref<64x128xf32, #tpu.memory_space<vmem>>, vector<16xf32>,
      %parallel_loop3A_347 = arith.subf %parallel_loop3A_343, %parallel_loop3A_346 : vector<16xf32>
      %parallel_loop3A_348 = arith.mulf %parallel_loop3A_347, %parallel_loop3A_347 : vector<16xf32>
      %parallel_loop3A_349 = arith.addf %parallel_loop3A_340, %parallel_loop3A_348 : vector<16xf32>
      %parallel_loop3A_350 = arith.index_cast %parallel_loop3A_296 : i32 to index
      %parallel_loop3A_351 = arith.constant 96 : index
      %parallel_loop3A_352 = tpu.vector_load %arg8[%parallel_loop3A_350, %parallel_loop3A_351] {strides = array<i32>} : memref<64x128xf32, #tpu.memory_space<vmem>>, vector<16xf32>,
      %parallel_loop3A_353 = arith.index_cast %parallel_loop3A_296 : i32 to index
      %parallel_loop3A_354 = arith.constant 96 : index
      %parallel_loop3A_355 = tpu.vector_load %arg10[%parallel_loop3A_353, %parallel_loop3A_354] {strides = array<i32>} : memref<64x128xf32, #tpu.memory_space<vmem>>, vector<16xf32>,
      %parallel_loop3A_356 = arith.subf %parallel_loop3A_352, %parallel_loop3A_355 : vector<16xf32>
      %parallel_loop3A_357 = arith.mulf %parallel_loop3A_356, %parallel_loop3A_356 : vector<16xf32>
      %parallel_loop3A_358 = arith.addf %parallel_loop3A_349, %parallel_loop3A_357 : vector<16xf32>
      %parallel_loop3A_359 = arith.index_cast %parallel_loop3A_296 : i32 to index
      %parallel_loop3A_360 = arith.constant 112 : index
      %parallel_loop3A_361 = tpu.vector_load %arg8[%parallel_loop3A_359, %parallel_loop3A_360] {strides = array<i32>} : memref<64x128xf32, #tpu.memory_space<vmem>>, vector<16xf32>,
      %parallel_loop3A_362 = arith.index_cast %parallel_loop3A_296 : i32 to index
      %parallel_loop3A_363 = arith.constant 112 : index
      %parallel_loop3A_364 = tpu.vector_load %arg10[%parallel_loop3A_362, %parallel_loop3A_363] {strides = array<i32>} : memref<64x128xf32, #tpu.memory_space<vmem>>, vector<16xf32>,
      %parallel_loop3A_365 = arith.subf %parallel_loop3A_361, %parallel_loop3A_364 : vector<16xf32>
      %parallel_loop3A_366 = arith.mulf %parallel_loop3A_365, %parallel_loop3A_365 : vector<16xf32>
      %parallel_loop3A_367 = arith.addf %parallel_loop3A_358, %parallel_loop3A_366 : vector<16xf32>
      %parallel_loop3A_368 = arith.constant true
      %parallel_loop3A_369 = vector.broadcast %parallel_loop3A_368 : i1 to vector<16xi1>
      %parallel_loop3A_370 = tpu.scan <sum>, %parallel_loop3A_367 masked %parallel_loop3A_369 : vector<16xf32>, vector<16xi1> -> vector<16xf32>
      %parallel_loop3A_371 = arith.constant 9.99999996E-13 : f32
      %parallel_loop3A_372 = arith.constant 9.99999995E+11 : f32
      %parallel_loop3A_373 = vector.broadcast %parallel_loop3A_371 : f32 to vector<16xf32>
      %parallel_loop3A_374 = arith.maximumf %parallel_loop3A_373, %parallel_loop3A_370 : vector<16xf32>
      %parallel_loop3A_375 = vector.broadcast %parallel_loop3A_372 : f32 to vector<16xf32>
      %parallel_loop3A_376 = arith.minimumf %parallel_loop3A_375, %parallel_loop3A_374 : vector<16xf32>
      %parallel_loop3A_377 = arith.addf %parallel_loop3A_294, %parallel_loop3A_376 : vector<16xf32>
      %parallel_loop3A_378 = arith.constant 1 : i32
      %parallel_loop3A_379 = arith.addi %parallel_loop3A_293, %parallel_loop3A_378 : i32
      %parallel_loop3A_380 = arith.index_cast %parallel_loop3A_379 : i32 to index
      %parallel_loop3A_381 = arith.constant 0 : index
      %parallel_loop3A_382 = tpu.vector_load %arg8[%parallel_loop3A_380, %parallel_loop3A_381] {strides = array<i32>} : memref<64x128xf32, #tpu.memory_space<vmem>>, vector<16xf32>,
      %parallel_loop3A_383 = arith.index_cast %parallel_loop3A_379 : i32 to index
      %parallel_loop3A_384 = arith.constant 0 : index
      %parallel_loop3A_385 = tpu.vector_load %arg10[%parallel_loop3A_383, %parallel_loop3A_384] {strides = array<i32>} : memref<64x128xf32, #tpu.memory_space<vmem>>, vector<16xf32>,
      %parallel_loop3A_386 = arith.subf %parallel_loop3A_382, %parallel_loop3A_385 : vector<16xf32>
      %parallel_loop3A_387 = arith.mulf %parallel_loop3A_386, %parallel_loop3A_386 : vector<16xf32>
      %parallel_loop3A_388 = arith.index_cast %parallel_loop3A_379 : i32 to index
      %parallel_loop3A_389 = arith.constant 16 : index
      %parallel_loop3A_390 = tpu.vector_load %arg8[%parallel_loop3A_388, %parallel_loop3A_389] {strides = array<i32>} : memref<64x128xf32, #tpu.memory_space<vmem>>, vector<16xf32>,
      %parallel_loop3A_391 = arith.index_cast %parallel_loop3A_379 : i32 to index
      %parallel_loop3A_392 = arith.constant 16 : index
      %parallel_loop3A_393 = tpu.vector_load %arg10[%parallel_loop3A_391, %parallel_loop3A_392] {strides = array<i32>} : memref<64x128xf32, #tpu.memory_space<vmem>>, vector<16xf32>,
      %parallel_loop3A_394 = arith.subf %parallel_loop3A_390, %parallel_loop3A_393 : vector<16xf32>
      %parallel_loop3A_395 = arith.mulf %parallel_loop3A_394, %parallel_loop3A_394 : vector<16xf32>
      %parallel_loop3A_396 = arith.addf %parallel_loop3A_387, %parallel_loop3A_395 : vector<16xf32>
      %parallel_loop3A_397 = arith.index_cast %parallel_loop3A_379 : i32 to index
      %parallel_loop3A_398 = arith.constant 32 : index
      %parallel_loop3A_399 = tpu.vector_load %arg8[%parallel_loop3A_397, %parallel_loop3A_398] {strides = array<i32>} : memref<64x128xf32, #tpu.memory_space<vmem>>, vector<16xf32>,
      %parallel_loop3A_400 = arith.index_cast %parallel_loop3A_379 : i32 to index
      %parallel_loop3A_401 = arith.constant 32 : index
      %parallel_loop3A_402 = tpu.vector_load %arg10[%parallel_loop3A_400, %parallel_loop3A_401] {strides = array<i32>} : memref<64x128xf32, #tpu.memory_space<vmem>>, vector<16xf32>,
      %parallel_loop3A_403 = arith.subf %parallel_loop3A_399, %parallel_loop3A_402 : vector<16xf32>
      %parallel_loop3A_404 = arith.mulf %parallel_loop3A_403, %parallel_loop3A_403 : vector<16xf32>
      %parallel_loop3A_405 = arith.addf %parallel_loop3A_396, %parallel_loop3A_404 : vector<16xf32>
      %parallel_loop3A_406 = arith.index_cast %parallel_loop3A_379 : i32 to index
      %parallel_loop3A_407 = arith.constant 48 : index
      %parallel_loop3A_408 = tpu.vector_load %arg8[%parallel_loop3A_406, %parallel_loop3A_407] {strides = array<i32>} : memref<64x128xf32, #tpu.memory_space<vmem>>, vector<16xf32>,
      %parallel_loop3A_409 = arith.index_cast %parallel_loop3A_379 : i32 to index
      %parallel_loop3A_410 = arith.constant 48 : index
      %parallel_loop3A_411 = tpu.vector_load %arg10[%parallel_loop3A_409, %parallel_loop3A_410] {strides = array<i32>} : memref<64x128xf32, #tpu.memory_space<vmem>>, vector<16xf32>,
      %parallel_loop3A_412 = arith.subf %parallel_loop3A_408, %parallel_loop3A_411 : vector<16xf32>
      %parallel_loop3A_413 = arith.mulf %parallel_loop3A_412, %parallel_loop3A_412 : vector<16xf32>
      %parallel_loop3A_414 = arith.addf %parallel_loop3A_405, %parallel_loop3A_413 : vector<16xf32>
      %parallel_loop3A_415 = arith.index_cast %parallel_loop3A_379 : i32 to index
      %parallel_loop3A_416 = arith.constant 64 : index
      %parallel_loop3A_417 = tpu.vector_load %arg8[%parallel_loop3A_415, %parallel_loop3A_416] {strides = array<i32>} : memref<64x128xf32, #tpu.memory_space<vmem>>, vector<16xf32>,
      %parallel_loop3A_418 = arith.index_cast %parallel_loop3A_379 : i32 to index
      %parallel_loop3A_419 = arith.constant 64 : index
      %parallel_loop3A_420 = tpu.vector_load %arg10[%parallel_loop3A_418, %parallel_loop3A_419] {strides = array<i32>} : memref<64x128xf32, #tpu.memory_space<vmem>>, vector<16xf32>,
      %parallel_loop3A_421 = arith.subf %parallel_loop3A_417, %parallel_loop3A_420 : vector<16xf32>
      %parallel_loop3A_422 = arith.mulf %parallel_loop3A_421, %parallel_loop3A_421 : vector<16xf32>
      %parallel_loop3A_423 = arith.addf %parallel_loop3A_414, %parallel_loop3A_422 : vector<16xf32>
      %parallel_loop3A_424 = arith.index_cast %parallel_loop3A_379 : i32 to index
      %parallel_loop3A_425 = arith.constant 80 : index
      %parallel_loop3A_426 = tpu.vector_load %arg8[%parallel_loop3A_424, %parallel_loop3A_425] {strides = array<i32>} : memref<64x128xf32, #tpu.memory_space<vmem>>, vector<16xf32>,
      %parallel_loop3A_427 = arith.index_cast %parallel_loop3A_379 : i32 to index
      %parallel_loop3A_428 = arith.constant 80 : index
      %parallel_loop3A_429 = tpu.vector_load %arg10[%parallel_loop3A_427, %parallel_loop3A_428] {strides = array<i32>} : memref<64x128xf32, #tpu.memory_space<vmem>>, vector<16xf32>,
      %parallel_loop3A_430 = arith.subf %parallel_loop3A_426, %parallel_loop3A_429 : vector<16xf32>
      %parallel_loop3A_431 = arith.mulf %parallel_loop3A_430, %parallel_loop3A_430 : vector<16xf32>
      %parallel_loop3A_432 = arith.addf %parallel_loop3A_423, %parallel_loop3A_431 : vector<16xf32>
      %parallel_loop3A_433 = arith.index_cast %parallel_loop3A_379 : i32 to index
      %parallel_loop3A_434 = arith.constant 96 : index
      %parallel_loop3A_435 = tpu.vector_load %arg8[%parallel_loop3A_433, %parallel_loop3A_434] {strides = array<i32>} : memref<64x128xf32, #tpu.memory_space<vmem>>, vector<16xf32>,
      %parallel_loop3A_436 = arith.index_cast %parallel_loop3A_379 : i32 to index
      %parallel_loop3A_437 = arith.constant 96 : index
      %parallel_loop3A_438 = tpu.vector_load %arg10[%parallel_loop3A_436, %parallel_loop3A_437] {strides = array<i32>} : memref<64x128xf32, #tpu.memory_space<vmem>>, vector<16xf32>,
      %parallel_loop3A_439 = arith.subf %parallel_loop3A_435, %parallel_loop3A_438 : vector<16xf32>
      %parallel_loop3A_440 = arith.mulf %parallel_loop3A_439, %parallel_loop3A_439 : vector<16xf32>
      %parallel_loop3A_441 = arith.addf %parallel_loop3A_432, %parallel_loop3A_440 : vector<16xf32>
      %parallel_loop3A_442 = arith.index_cast %parallel_loop3A_379 : i32 to index
      %parallel_loop3A_443 = arith.constant 112 : index
      %parallel_loop3A_444 = tpu.vector_load %arg8[%parallel_loop3A_442, %parallel_loop3A_443] {strides = array<i32>} : memref<64x128xf32, #tpu.memory_space<vmem>>, vector<16xf32>,
      %parallel_loop3A_445 = arith.index_cast %parallel_loop3A_379 : i32 to index
      %parallel_loop3A_446 = arith.constant 112 : index
      %parallel_loop3A_447 = tpu.vector_load %arg10[%parallel_loop3A_445, %parallel_loop3A_446] {strides = array<i32>} : memref<64x128xf32, #tpu.memory_space<vmem>>, vector<16xf32>,
      %parallel_loop3A_448 = arith.subf %parallel_loop3A_444, %parallel_loop3A_447 : vector<16xf32>
      %parallel_loop3A_449 = arith.mulf %parallel_loop3A_448, %parallel_loop3A_448 : vector<16xf32>
      %parallel_loop3A_450 = arith.addf %parallel_loop3A_441, %parallel_loop3A_449 : vector<16xf32>
      %parallel_loop3A_451 = arith.constant true
      %parallel_loop3A_452 = vector.broadcast %parallel_loop3A_451 : i1 to vector<16xi1>
      %parallel_loop3A_453 = tpu.scan <sum>, %parallel_loop3A_450 masked %parallel_loop3A_452 : vector<16xf32>, vector<16xi1> -> vector<16xf32>
      %parallel_loop3A_454 = arith.constant 9.99999996E-13 : f32
      %parallel_loop3A_455 = arith.constant 9.99999995E+11 : f32
      %parallel_loop3A_456 = vector.broadcast %parallel_loop3A_454 : f32 to vector<16xf32>
      %parallel_loop3A_457 = arith.maximumf %parallel_loop3A_456, %parallel_loop3A_453 : vector<16xf32>
      %parallel_loop3A_458 = vector.broadcast %parallel_loop3A_455 : f32 to vector<16xf32>
      %parallel_loop3A_459 = arith.minimumf %parallel_loop3A_458, %parallel_loop3A_457 : vector<16xf32>
      %parallel_loop3A_460 = arith.addf %parallel_loop3A_377, %parallel_loop3A_459 : vector<16xf32>
      scf.yield %parallel_loop3A_460 : vector<16xf32>
    } {sc.loop_unroll_factor = 2 : i64, sc.parallel_access}
    %dma_start3A_162 = arith.constant 1 : i32
    %dma_start3A_163 = arith.constant 320 : i32
    %dma_start3A_164 = tpu.memref_slice %arg6[%dma_start3A_163] : memref<512xi32, #tpu.memory_space<vmem>> -> memref<64xi32, #tpu.memory_space<vmem>>
    %dma_start3A_165 = arith.constant 0 : i32
    %dma_start3A_166 = arith.constant 0 : i32
    %dma_start3A_167 = tpu.memref_slice %arg4[%dma_start3A_165, %dma_start3A_166] : memref<1000000x128xf32, #tpu.memory_space<hbm>> -> memref<1000000x128xf32, #tpu.memory_space<hbm>>
    %dma_start3A_168 = tpu.memref_slice %arg13[%dma_start3A_162] : memref<2x!tpu.dma_semaphore, #tpu.memory_space<semaphore_mem>> -> memref<1x!tpu.dma_semaphore, #tpu.memory_space<semaphore_mem>>
    %dma_start3A_169 = tpu.memref_squeeze %dma_start3A_168 : memref<1x!tpu.dma_semaphore, #tpu.memory_space<semaphore_mem>> -> memref<!tpu.dma_semaphore, #tpu.memory_space<semaphore_mem>>
    tpu.enqueue_indirect_dma source(%dma_start3A_167 : memref<1000000x128xf32, #tpu.memory_space<hbm>>) target(%arg10 : memref<64x128xf32, #tpu.memory_space<vmem>>) offsets(%dma_start3A_164 : memref<64xi32, #tpu.memory_space<vmem>>) semaphore(%dma_start3A_169 : memref<!tpu.dma_semaphore, #tpu.memory_space<semaphore_mem>>)
    %add3A_170 = arith.constant 320 : i32
    %add3A_171 = arith.addi %mul3A_2, %add3A_170 : i32
    %dma_start3A_172 = arith.constant 1 : i32
    %dma_start3A_173 = arith.constant 0 : i32
    %dma_start3A_174 = tpu.memref_slice %arg2[%add3A_171, %dma_start3A_173] : memref<16384x128xf32, #tpu.memory_space<hbm>> -> memref<64x128xf32, #tpu.memory_space<hbm>>
    %dma_start3A_175 = tpu.memref_slice %arg12[%dma_start3A_172] : memref<2x!tpu.dma_semaphore, #tpu.memory_space<semaphore_mem>> -> memref<1x!tpu.dma_semaphore, #tpu.memory_space<semaphore_mem>>
    %dma_start3A_176 = tpu.memref_squeeze %dma_start3A_175 : memref<1x!tpu.dma_semaphore, #tpu.memory_space<semaphore_mem>> -> memref<!tpu.dma_semaphore, #tpu.memory_space<semaphore_mem>>
    %dma_start3A_177 = arith.constant 0 : i32
    %dma_start3A_178 = tpu.memref_slice %arg2[%add3A_171, %dma_start3A_177] : memref<16384x128xf32, #tpu.memory_space<hbm>> -> memref<64x128xf32, #tpu.memory_space<hbm>>
    tpu.enqueue_dma source(%dma_start3A_178 : memref<64x128xf32, #tpu.memory_space<hbm>>) target(%arg8 : memref<64x128xf32, #tpu.memory_space<vmem>>) target_semaphore(%dma_start3A_176 : memref<!tpu.dma_semaphore, #tpu.memory_space<semaphore_mem>>)
    %dma_wait3A_179 = arith.constant 0 : i32
    %dma_wait3A_180 = arith.constant 256 : i32
    %dma_wait3A_181 = tpu.memref_slice %arg6[%dma_wait3A_180] : memref<512xi32, #tpu.memory_space<vmem>> -> memref<64xi32, #tpu.memory_space<vmem>>
    %dma_wait3A_182 = arith.constant 0 : i32
    %dma_wait3A_183 = arith.constant 0 : i32
    %dma_wait3A_184 = tpu.memref_slice %arg4[%dma_wait3A_182, %dma_wait3A_183] : memref<1000000x128xf32, #tpu.memory_space<hbm>> -> memref<1000000x128xf32, #tpu.memory_space<hbm>>
    %dma_wait3A_185 = tpu.memref_slice %arg13[%dma_wait3A_179] : memref<2x!tpu.dma_semaphore, #tpu.memory_space<semaphore_mem>> -> memref<1x!tpu.dma_semaphore, #tpu.memory_space<semaphore_mem>>
    %dma_wait3A_186 = tpu.memref_squeeze %dma_wait3A_185 : memref<1x!tpu.dma_semaphore, #tpu.memory_space<semaphore_mem>> -> memref<!tpu.dma_semaphore, #tpu.memory_space<semaphore_mem>>
    tpu.wait_indirect_dma semaphore(%dma_wait3A_186 : memref<!tpu.dma_semaphore, #tpu.memory_space<semaphore_mem>>) src(%dma_wait3A_184 : memref<1000000x128xf32, #tpu.memory_space<hbm>>) dst(%arg9 : memref<64x128xf32, #tpu.memory_space<vmem>>)
    %dma_wait3A_187 = arith.constant 0 : i32
    %dma_wait3A_188 = arith.constant 0 : i32
    %dma_wait3A_189 = tpu.memref_slice %arg2[%add3A_135, %dma_wait3A_188] : memref<16384x128xf32, #tpu.memory_space<hbm>> -> memref<64x128xf32, #tpu.memory_space<hbm>>
    %dma_wait3A_190 = tpu.memref_slice %arg12[%dma_wait3A_187] : memref<2x!tpu.dma_semaphore, #tpu.memory_space<semaphore_mem>> -> memref<1x!tpu.dma_semaphore, #tpu.memory_space<semaphore_mem>>
    %dma_wait3A_191 = tpu.memref_squeeze %dma_wait3A_190 : memref<1x!tpu.dma_semaphore, #tpu.memory_space<semaphore_mem>> -> memref<!tpu.dma_semaphore, #tpu.memory_space<semaphore_mem>>
    %dma_wait3A_192 = arith.constant 0 : i32
    %dma_wait3A_193 = tpu.memref_slice %arg2[%add3A_135, %dma_wait3A_192] : memref<16384x128xf32, #tpu.memory_space<hbm>> -> memref<64x128xf32, #tpu.memory_space<hbm>>
    tpu.wait_dma2 semaphore(%dma_wait3A_191 : memref<!tpu.dma_semaphore, #tpu.memory_space<semaphore_mem>>) src(%dma_wait3A_193 : memref<64x128xf32, #tpu.memory_space<hbm>>) dst(%arg7 : memref<64x128xf32, #tpu.memory_space<vmem>>)
    %parallel_loop3A_194 = arith.constant 0 : i32
    %parallel_loop3A_195 = arith.constant 64 : i32
    %parallel_loop3A_196 = arith.constant 2 : i32
    %parallel_loop3A_197 = scf.for %parallel_loop3A_293 = %parallel_loop3A_194 to %parallel_loop3A_195 step %parallel_loop3A_196 iter_args(%parallel_loop3A_294 = %parallel_loop3A_161) -> (vector<16xf32>)  : i32 {
      %parallel_loop3A_295 = arith.constant 0 : i32
      %parallel_loop3A_296 = arith.addi %parallel_loop3A_293, %parallel_loop3A_295 : i32
      %parallel_loop3A_297 = arith.index_cast %parallel_loop3A_296 : i32 to index
      %parallel_loop3A_298 = arith.constant 0 : index
      %parallel_loop3A_299 = tpu.vector_load %arg7[%parallel_loop3A_297, %parallel_loop3A_298] {strides = array<i32>} : memref<64x128xf32, #tpu.memory_space<vmem>>, vector<16xf32>,
      %parallel_loop3A_300 = arith.index_cast %parallel_loop3A_296 : i32 to index
      %parallel_loop3A_301 = arith.constant 0 : index
      %parallel_loop3A_302 = tpu.vector_load %arg9[%parallel_loop3A_300, %parallel_loop3A_301] {strides = array<i32>} : memref<64x128xf32, #tpu.memory_space<vmem>>, vector<16xf32>,
      %parallel_loop3A_303 = arith.subf %parallel_loop3A_299, %parallel_loop3A_302 : vector<16xf32>
      %parallel_loop3A_304 = arith.mulf %parallel_loop3A_303, %parallel_loop3A_303 : vector<16xf32>
      %parallel_loop3A_305 = arith.index_cast %parallel_loop3A_296 : i32 to index
      %parallel_loop3A_306 = arith.constant 16 : index
      %parallel_loop3A_307 = tpu.vector_load %arg7[%parallel_loop3A_305, %parallel_loop3A_306] {strides = array<i32>} : memref<64x128xf32, #tpu.memory_space<vmem>>, vector<16xf32>,
      %parallel_loop3A_308 = arith.index_cast %parallel_loop3A_296 : i32 to index
      %parallel_loop3A_309 = arith.constant 16 : index
      %parallel_loop3A_310 = tpu.vector_load %arg9[%parallel_loop3A_308, %parallel_loop3A_309] {strides = array<i32>} : memref<64x128xf32, #tpu.memory_space<vmem>>, vector<16xf32>,
      %parallel_loop3A_311 = arith.subf %parallel_loop3A_307, %parallel_loop3A_310 : vector<16xf32>
      %parallel_loop3A_312 = arith.mulf %parallel_loop3A_311, %parallel_loop3A_311 : vector<16xf32>
      %parallel_loop3A_313 = arith.addf %parallel_loop3A_304, %parallel_loop3A_312 : vector<16xf32>
      %parallel_loop3A_314 = arith.index_cast %parallel_loop3A_296 : i32 to index
      %parallel_loop3A_315 = arith.constant 32 : index
      %parallel_loop3A_316 = tpu.vector_load %arg7[%parallel_loop3A_314, %parallel_loop3A_315] {strides = array<i32>} : memref<64x128xf32, #tpu.memory_space<vmem>>, vector<16xf32>,
      %parallel_loop3A_317 = arith.index_cast %parallel_loop3A_296 : i32 to index
      %parallel_loop3A_318 = arith.constant 32 : index
      %parallel_loop3A_319 = tpu.vector_load %arg9[%parallel_loop3A_317, %parallel_loop3A_318] {strides = array<i32>} : memref<64x128xf32, #tpu.memory_space<vmem>>, vector<16xf32>,
      %parallel_loop3A_320 = arith.subf %parallel_loop3A_316, %parallel_loop3A_319 : vector<16xf32>
      %parallel_loop3A_321 = arith.mulf %parallel_loop3A_320, %parallel_loop3A_320 : vector<16xf32>
      %parallel_loop3A_322 = arith.addf %parallel_loop3A_313, %parallel_loop3A_321 : vector<16xf32>
      %parallel_loop3A_323 = arith.index_cast %parallel_loop3A_296 : i32 to index
      %parallel_loop3A_324 = arith.constant 48 : index
      %parallel_loop3A_325 = tpu.vector_load %arg7[%parallel_loop3A_323, %parallel_loop3A_324] {strides = array<i32>} : memref<64x128xf32, #tpu.memory_space<vmem>>, vector<16xf32>,
      %parallel_loop3A_326 = arith.index_cast %parallel_loop3A_296 : i32 to index
      %parallel_loop3A_327 = arith.constant 48 : index
      %parallel_loop3A_328 = tpu.vector_load %arg9[%parallel_loop3A_326, %parallel_loop3A_327] {strides = array<i32>} : memref<64x128xf32, #tpu.memory_space<vmem>>, vector<16xf32>,
      %parallel_loop3A_329 = arith.subf %parallel_loop3A_325, %parallel_loop3A_328 : vector<16xf32>
      %parallel_loop3A_330 = arith.mulf %parallel_loop3A_329, %parallel_loop3A_329 : vector<16xf32>
      %parallel_loop3A_331 = arith.addf %parallel_loop3A_322, %parallel_loop3A_330 : vector<16xf32>
      %parallel_loop3A_332 = arith.index_cast %parallel_loop3A_296 : i32 to index
      %parallel_loop3A_333 = arith.constant 64 : index
      %parallel_loop3A_334 = tpu.vector_load %arg7[%parallel_loop3A_332, %parallel_loop3A_333] {strides = array<i32>} : memref<64x128xf32, #tpu.memory_space<vmem>>, vector<16xf32>,
      %parallel_loop3A_335 = arith.index_cast %parallel_loop3A_296 : i32 to index
      %parallel_loop3A_336 = arith.constant 64 : index
      %parallel_loop3A_337 = tpu.vector_load %arg9[%parallel_loop3A_335, %parallel_loop3A_336] {strides = array<i32>} : memref<64x128xf32, #tpu.memory_space<vmem>>, vector<16xf32>,
      %parallel_loop3A_338 = arith.subf %parallel_loop3A_334, %parallel_loop3A_337 : vector<16xf32>
      %parallel_loop3A_339 = arith.mulf %parallel_loop3A_338, %parallel_loop3A_338 : vector<16xf32>
      %parallel_loop3A_340 = arith.addf %parallel_loop3A_331, %parallel_loop3A_339 : vector<16xf32>
      %parallel_loop3A_341 = arith.index_cast %parallel_loop3A_296 : i32 to index
      %parallel_loop3A_342 = arith.constant 80 : index
      %parallel_loop3A_343 = tpu.vector_load %arg7[%parallel_loop3A_341, %parallel_loop3A_342] {strides = array<i32>} : memref<64x128xf32, #tpu.memory_space<vmem>>, vector<16xf32>,
      %parallel_loop3A_344 = arith.index_cast %parallel_loop3A_296 : i32 to index
      %parallel_loop3A_345 = arith.constant 80 : index
      %parallel_loop3A_346 = tpu.vector_load %arg9[%parallel_loop3A_344, %parallel_loop3A_345] {strides = array<i32>} : memref<64x128xf32, #tpu.memory_space<vmem>>, vector<16xf32>,
      %parallel_loop3A_347 = arith.subf %parallel_loop3A_343, %parallel_loop3A_346 : vector<16xf32>
      %parallel_loop3A_348 = arith.mulf %parallel_loop3A_347, %parallel_loop3A_347 : vector<16xf32>
      %parallel_loop3A_349 = arith.addf %parallel_loop3A_340, %parallel_loop3A_348 : vector<16xf32>
      %parallel_loop3A_350 = arith.index_cast %parallel_loop3A_296 : i32 to index
      %parallel_loop3A_351 = arith.constant 96 : index
      %parallel_loop3A_352 = tpu.vector_load %arg7[%parallel_loop3A_350, %parallel_loop3A_351] {strides = array<i32>} : memref<64x128xf32, #tpu.memory_space<vmem>>, vector<16xf32>,
      %parallel_loop3A_353 = arith.index_cast %parallel_loop3A_296 : i32 to index
      %parallel_loop3A_354 = arith.constant 96 : index
      %parallel_loop3A_355 = tpu.vector_load %arg9[%parallel_loop3A_353, %parallel_loop3A_354] {strides = array<i32>} : memref<64x128xf32, #tpu.memory_space<vmem>>, vector<16xf32>,
      %parallel_loop3A_356 = arith.subf %parallel_loop3A_352, %parallel_loop3A_355 : vector<16xf32>
      %parallel_loop3A_357 = arith.mulf %parallel_loop3A_356, %parallel_loop3A_356 : vector<16xf32>
      %parallel_loop3A_358 = arith.addf %parallel_loop3A_349, %parallel_loop3A_357 : vector<16xf32>
      %parallel_loop3A_359 = arith.index_cast %parallel_loop3A_296 : i32 to index
      %parallel_loop3A_360 = arith.constant 112 : index
      %parallel_loop3A_361 = tpu.vector_load %arg7[%parallel_loop3A_359, %parallel_loop3A_360] {strides = array<i32>} : memref<64x128xf32, #tpu.memory_space<vmem>>, vector<16xf32>,
      %parallel_loop3A_362 = arith.index_cast %parallel_loop3A_296 : i32 to index
      %parallel_loop3A_363 = arith.constant 112 : index
      %parallel_loop3A_364 = tpu.vector_load %arg9[%parallel_loop3A_362, %parallel_loop3A_363] {strides = array<i32>} : memref<64x128xf32, #tpu.memory_space<vmem>>, vector<16xf32>,
      %parallel_loop3A_365 = arith.subf %parallel_loop3A_361, %parallel_loop3A_364 : vector<16xf32>
      %parallel_loop3A_366 = arith.mulf %parallel_loop3A_365, %parallel_loop3A_365 : vector<16xf32>
      %parallel_loop3A_367 = arith.addf %parallel_loop3A_358, %parallel_loop3A_366 : vector<16xf32>
      %parallel_loop3A_368 = arith.constant true
      %parallel_loop3A_369 = vector.broadcast %parallel_loop3A_368 : i1 to vector<16xi1>
      %parallel_loop3A_370 = tpu.scan <sum>, %parallel_loop3A_367 masked %parallel_loop3A_369 : vector<16xf32>, vector<16xi1> -> vector<16xf32>
      %parallel_loop3A_371 = arith.constant 9.99999996E-13 : f32
      %parallel_loop3A_372 = arith.constant 9.99999995E+11 : f32
      %parallel_loop3A_373 = vector.broadcast %parallel_loop3A_371 : f32 to vector<16xf32>
      %parallel_loop3A_374 = arith.maximumf %parallel_loop3A_373, %parallel_loop3A_370 : vector<16xf32>
      %parallel_loop3A_375 = vector.broadcast %parallel_loop3A_372 : f32 to vector<16xf32>
      %parallel_loop3A_376 = arith.minimumf %parallel_loop3A_375, %parallel_loop3A_374 : vector<16xf32>
      %parallel_loop3A_377 = arith.addf %parallel_loop3A_294, %parallel_loop3A_376 : vector<16xf32>
      %parallel_loop3A_378 = arith.constant 1 : i32
      %parallel_loop3A_379 = arith.addi %parallel_loop3A_293, %parallel_loop3A_378 : i32
      %parallel_loop3A_380 = arith.index_cast %parallel_loop3A_379 : i32 to index
      %parallel_loop3A_381 = arith.constant 0 : index
      %parallel_loop3A_382 = tpu.vector_load %arg7[%parallel_loop3A_380, %parallel_loop3A_381] {strides = array<i32>} : memref<64x128xf32, #tpu.memory_space<vmem>>, vector<16xf32>,
      %parallel_loop3A_383 = arith.index_cast %parallel_loop3A_379 : i32 to index
      %parallel_loop3A_384 = arith.constant 0 : index
      %parallel_loop3A_385 = tpu.vector_load %arg9[%parallel_loop3A_383, %parallel_loop3A_384] {strides = array<i32>} : memref<64x128xf32, #tpu.memory_space<vmem>>, vector<16xf32>,
      %parallel_loop3A_386 = arith.subf %parallel_loop3A_382, %parallel_loop3A_385 : vector<16xf32>
      %parallel_loop3A_387 = arith.mulf %parallel_loop3A_386, %parallel_loop3A_386 : vector<16xf32>
      %parallel_loop3A_388 = arith.index_cast %parallel_loop3A_379 : i32 to index
      %parallel_loop3A_389 = arith.constant 16 : index
      %parallel_loop3A_390 = tpu.vector_load %arg7[%parallel_loop3A_388, %parallel_loop3A_389] {strides = array<i32>} : memref<64x128xf32, #tpu.memory_space<vmem>>, vector<16xf32>,
      %parallel_loop3A_391 = arith.index_cast %parallel_loop3A_379 : i32 to index
      %parallel_loop3A_392 = arith.constant 16 : index
      %parallel_loop3A_393 = tpu.vector_load %arg9[%parallel_loop3A_391, %parallel_loop3A_392] {strides = array<i32>} : memref<64x128xf32, #tpu.memory_space<vmem>>, vector<16xf32>,
      %parallel_loop3A_394 = arith.subf %parallel_loop3A_390, %parallel_loop3A_393 : vector<16xf32>
      %parallel_loop3A_395 = arith.mulf %parallel_loop3A_394, %parallel_loop3A_394 : vector<16xf32>
      %parallel_loop3A_396 = arith.addf %parallel_loop3A_387, %parallel_loop3A_395 : vector<16xf32>
      %parallel_loop3A_397 = arith.index_cast %parallel_loop3A_379 : i32 to index
      %parallel_loop3A_398 = arith.constant 32 : index
      %parallel_loop3A_399 = tpu.vector_load %arg7[%parallel_loop3A_397, %parallel_loop3A_398] {strides = array<i32>} : memref<64x128xf32, #tpu.memory_space<vmem>>, vector<16xf32>,
      %parallel_loop3A_400 = arith.index_cast %parallel_loop3A_379 : i32 to index
      %parallel_loop3A_401 = arith.constant 32 : index
      %parallel_loop3A_402 = tpu.vector_load %arg9[%parallel_loop3A_400, %parallel_loop3A_401] {strides = array<i32>} : memref<64x128xf32, #tpu.memory_space<vmem>>, vector<16xf32>,
      %parallel_loop3A_403 = arith.subf %parallel_loop3A_399, %parallel_loop3A_402 : vector<16xf32>
      %parallel_loop3A_404 = arith.mulf %parallel_loop3A_403, %parallel_loop3A_403 : vector<16xf32>
      %parallel_loop3A_405 = arith.addf %parallel_loop3A_396, %parallel_loop3A_404 : vector<16xf32>
      %parallel_loop3A_406 = arith.index_cast %parallel_loop3A_379 : i32 to index
      %parallel_loop3A_407 = arith.constant 48 : index
      %parallel_loop3A_408 = tpu.vector_load %arg7[%parallel_loop3A_406, %parallel_loop3A_407] {strides = array<i32>} : memref<64x128xf32, #tpu.memory_space<vmem>>, vector<16xf32>,
      %parallel_loop3A_409 = arith.index_cast %parallel_loop3A_379 : i32 to index
      %parallel_loop3A_410 = arith.constant 48 : index
      %parallel_loop3A_411 = tpu.vector_load %arg9[%parallel_loop3A_409, %parallel_loop3A_410] {strides = array<i32>} : memref<64x128xf32, #tpu.memory_space<vmem>>, vector<16xf32>,
      %parallel_loop3A_412 = arith.subf %parallel_loop3A_408, %parallel_loop3A_411 : vector<16xf32>
      %parallel_loop3A_413 = arith.mulf %parallel_loop3A_412, %parallel_loop3A_412 : vector<16xf32>
      %parallel_loop3A_414 = arith.addf %parallel_loop3A_405, %parallel_loop3A_413 : vector<16xf32>
      %parallel_loop3A_415 = arith.index_cast %parallel_loop3A_379 : i32 to index
      %parallel_loop3A_416 = arith.constant 64 : index
      %parallel_loop3A_417 = tpu.vector_load %arg7[%parallel_loop3A_415, %parallel_loop3A_416] {strides = array<i32>} : memref<64x128xf32, #tpu.memory_space<vmem>>, vector<16xf32>,
      %parallel_loop3A_418 = arith.index_cast %parallel_loop3A_379 : i32 to index
      %parallel_loop3A_419 = arith.constant 64 : index
      %parallel_loop3A_420 = tpu.vector_load %arg9[%parallel_loop3A_418, %parallel_loop3A_419] {strides = array<i32>} : memref<64x128xf32, #tpu.memory_space<vmem>>, vector<16xf32>,
      %parallel_loop3A_421 = arith.subf %parallel_loop3A_417, %parallel_loop3A_420 : vector<16xf32>
      %parallel_loop3A_422 = arith.mulf %parallel_loop3A_421, %parallel_loop3A_421 : vector<16xf32>
      %parallel_loop3A_423 = arith.addf %parallel_loop3A_414, %parallel_loop3A_422 : vector<16xf32>
      %parallel_loop3A_424 = arith.index_cast %parallel_loop3A_379 : i32 to index
      %parallel_loop3A_425 = arith.constant 80 : index
      %parallel_loop3A_426 = tpu.vector_load %arg7[%parallel_loop3A_424, %parallel_loop3A_425] {strides = array<i32>} : memref<64x128xf32, #tpu.memory_space<vmem>>, vector<16xf32>,
      %parallel_loop3A_427 = arith.index_cast %parallel_loop3A_379 : i32 to index
      %parallel_loop3A_428 = arith.constant 80 : index
      %parallel_loop3A_429 = tpu.vector_load %arg9[%parallel_loop3A_427, %parallel_loop3A_428] {strides = array<i32>} : memref<64x128xf32, #tpu.memory_space<vmem>>, vector<16xf32>,
      %parallel_loop3A_430 = arith.subf %parallel_loop3A_426, %parallel_loop3A_429 : vector<16xf32>
      %parallel_loop3A_431 = arith.mulf %parallel_loop3A_430, %parallel_loop3A_430 : vector<16xf32>
      %parallel_loop3A_432 = arith.addf %parallel_loop3A_423, %parallel_loop3A_431 : vector<16xf32>
      %parallel_loop3A_433 = arith.index_cast %parallel_loop3A_379 : i32 to index
      %parallel_loop3A_434 = arith.constant 96 : index
      %parallel_loop3A_435 = tpu.vector_load %arg7[%parallel_loop3A_433, %parallel_loop3A_434] {strides = array<i32>} : memref<64x128xf32, #tpu.memory_space<vmem>>, vector<16xf32>,
      %parallel_loop3A_436 = arith.index_cast %parallel_loop3A_379 : i32 to index
      %parallel_loop3A_437 = arith.constant 96 : index
      %parallel_loop3A_438 = tpu.vector_load %arg9[%parallel_loop3A_436, %parallel_loop3A_437] {strides = array<i32>} : memref<64x128xf32, #tpu.memory_space<vmem>>, vector<16xf32>,
      %parallel_loop3A_439 = arith.subf %parallel_loop3A_435, %parallel_loop3A_438 : vector<16xf32>
      %parallel_loop3A_440 = arith.mulf %parallel_loop3A_439, %parallel_loop3A_439 : vector<16xf32>
      %parallel_loop3A_441 = arith.addf %parallel_loop3A_432, %parallel_loop3A_440 : vector<16xf32>
      %parallel_loop3A_442 = arith.index_cast %parallel_loop3A_379 : i32 to index
      %parallel_loop3A_443 = arith.constant 112 : index
      %parallel_loop3A_444 = tpu.vector_load %arg7[%parallel_loop3A_442, %parallel_loop3A_443] {strides = array<i32>} : memref<64x128xf32, #tpu.memory_space<vmem>>, vector<16xf32>,
      %parallel_loop3A_445 = arith.index_cast %parallel_loop3A_379 : i32 to index
      %parallel_loop3A_446 = arith.constant 112 : index
      %parallel_loop3A_447 = tpu.vector_load %arg9[%parallel_loop3A_445, %parallel_loop3A_446] {strides = array<i32>} : memref<64x128xf32, #tpu.memory_space<vmem>>, vector<16xf32>,
      %parallel_loop3A_448 = arith.subf %parallel_loop3A_444, %parallel_loop3A_447 : vector<16xf32>
      %parallel_loop3A_449 = arith.mulf %parallel_loop3A_448, %parallel_loop3A_448 : vector<16xf32>
      %parallel_loop3A_450 = arith.addf %parallel_loop3A_441, %parallel_loop3A_449 : vector<16xf32>
      %parallel_loop3A_451 = arith.constant true
      %parallel_loop3A_452 = vector.broadcast %parallel_loop3A_451 : i1 to vector<16xi1>
      %parallel_loop3A_453 = tpu.scan <sum>, %parallel_loop3A_450 masked %parallel_loop3A_452 : vector<16xf32>, vector<16xi1> -> vector<16xf32>
      %parallel_loop3A_454 = arith.constant 9.99999996E-13 : f32
      %parallel_loop3A_455 = arith.constant 9.99999995E+11 : f32
      %parallel_loop3A_456 = vector.broadcast %parallel_loop3A_454 : f32 to vector<16xf32>
      %parallel_loop3A_457 = arith.maximumf %parallel_loop3A_456, %parallel_loop3A_453 : vector<16xf32>
      %parallel_loop3A_458 = vector.broadcast %parallel_loop3A_455 : f32 to vector<16xf32>
      %parallel_loop3A_459 = arith.minimumf %parallel_loop3A_458, %parallel_loop3A_457 : vector<16xf32>
      %parallel_loop3A_460 = arith.addf %parallel_loop3A_377, %parallel_loop3A_459 : vector<16xf32>
      scf.yield %parallel_loop3A_460 : vector<16xf32>
    } {sc.loop_unroll_factor = 2 : i64, sc.parallel_access}
    %dma_start3A_198 = arith.constant 0 : i32
    %dma_start3A_199 = arith.constant 384 : i32
    %dma_start3A_200 = tpu.memref_slice %arg6[%dma_start3A_199] : memref<512xi32, #tpu.memory_space<vmem>> -> memref<64xi32, #tpu.memory_space<vmem>>
    %dma_start3A_201 = arith.constant 0 : i32
    %dma_start3A_202 = arith.constant 0 : i32
    %dma_start3A_203 = tpu.memref_slice %arg4[%dma_start3A_201, %dma_start3A_202] : memref<1000000x128xf32, #tpu.memory_space<hbm>> -> memref<1000000x128xf32, #tpu.memory_space<hbm>>
    %dma_start3A_204 = tpu.memref_slice %arg13[%dma_start3A_198] : memref<2x!tpu.dma_semaphore, #tpu.memory_space<semaphore_mem>> -> memref<1x!tpu.dma_semaphore, #tpu.memory_space<semaphore_mem>>
    %dma_start3A_205 = tpu.memref_squeeze %dma_start3A_204 : memref<1x!tpu.dma_semaphore, #tpu.memory_space<semaphore_mem>> -> memref<!tpu.dma_semaphore, #tpu.memory_space<semaphore_mem>>
    tpu.enqueue_indirect_dma source(%dma_start3A_203 : memref<1000000x128xf32, #tpu.memory_space<hbm>>) target(%arg9 : memref<64x128xf32, #tpu.memory_space<vmem>>) offsets(%dma_start3A_200 : memref<64xi32, #tpu.memory_space<vmem>>) semaphore(%dma_start3A_205 : memref<!tpu.dma_semaphore, #tpu.memory_space<semaphore_mem>>)
    %add3A_206 = arith.constant 384 : i32
    %add3A_207 = arith.addi %mul3A_2, %add3A_206 : i32
    %dma_start3A_208 = arith.constant 0 : i32
    %dma_start3A_209 = arith.constant 0 : i32
    %dma_start3A_210 = tpu.memref_slice %arg2[%add3A_207, %dma_start3A_209] : memref<16384x128xf32, #tpu.memory_space<hbm>> -> memref<64x128xf32, #tpu.memory_space<hbm>>
    %dma_start3A_211 = tpu.memref_slice %arg12[%dma_start3A_208] : memref<2x!tpu.dma_semaphore, #tpu.memory_space<semaphore_mem>> -> memref<1x!tpu.dma_semaphore, #tpu.memory_space<semaphore_mem>>
    %dma_start3A_212 = tpu.memref_squeeze %dma_start3A_211 : memref<1x!tpu.dma_semaphore, #tpu.memory_space<semaphore_mem>> -> memref<!tpu.dma_semaphore, #tpu.memory_space<semaphore_mem>>
    %dma_start3A_213 = arith.constant 0 : i32
    %dma_start3A_214 = tpu.memref_slice %arg2[%add3A_207, %dma_start3A_213] : memref<16384x128xf32, #tpu.memory_space<hbm>> -> memref<64x128xf32, #tpu.memory_space<hbm>>
    tpu.enqueue_dma source(%dma_start3A_214 : memref<64x128xf32, #tpu.memory_space<hbm>>) target(%arg7 : memref<64x128xf32, #tpu.memory_space<vmem>>) target_semaphore(%dma_start3A_212 : memref<!tpu.dma_semaphore, #tpu.memory_space<semaphore_mem>>)
    %dma_wait3A_215 = arith.constant 1 : i32
    %dma_wait3A_216 = arith.constant 320 : i32
    %dma_wait3A_217 = tpu.memref_slice %arg6[%dma_wait3A_216] : memref<512xi32, #tpu.memory_space<vmem>> -> memref<64xi32, #tpu.memory_space<vmem>>
    %dma_wait3A_218 = arith.constant 0 : i32
    %dma_wait3A_219 = arith.constant 0 : i32
    %dma_wait3A_220 = tpu.memref_slice %arg4[%dma_wait3A_218, %dma_wait3A_219] : memref<1000000x128xf32, #tpu.memory_space<hbm>> -> memref<1000000x128xf32, #tpu.memory_space<hbm>>
    %dma_wait3A_221 = tpu.memref_slice %arg13[%dma_wait3A_215] : memref<2x!tpu.dma_semaphore, #tpu.memory_space<semaphore_mem>> -> memref<1x!tpu.dma_semaphore, #tpu.memory_space<semaphore_mem>>
    %dma_wait3A_222 = tpu.memref_squeeze %dma_wait3A_221 : memref<1x!tpu.dma_semaphore, #tpu.memory_space<semaphore_mem>> -> memref<!tpu.dma_semaphore, #tpu.memory_space<semaphore_mem>>
    tpu.wait_indirect_dma semaphore(%dma_wait3A_222 : memref<!tpu.dma_semaphore, #tpu.memory_space<semaphore_mem>>) src(%dma_wait3A_220 : memref<1000000x128xf32, #tpu.memory_space<hbm>>) dst(%arg10 : memref<64x128xf32, #tpu.memory_space<vmem>>)
    %dma_wait3A_223 = arith.constant 1 : i32
    %dma_wait3A_224 = arith.constant 0 : i32
    %dma_wait3A_225 = tpu.memref_slice %arg2[%add3A_171, %dma_wait3A_224] : memref<16384x128xf32, #tpu.memory_space<hbm>> -> memref<64x128xf32, #tpu.memory_space<hbm>>
    %dma_wait3A_226 = tpu.memref_slice %arg12[%dma_wait3A_223] : memref<2x!tpu.dma_semaphore, #tpu.memory_space<semaphore_mem>> -> memref<1x!tpu.dma_semaphore, #tpu.memory_space<semaphore_mem>>
    %dma_wait3A_227 = tpu.memref_squeeze %dma_wait3A_226 : memref<1x!tpu.dma_semaphore, #tpu.memory_space<semaphore_mem>> -> memref<!tpu.dma_semaphore, #tpu.memory_space<semaphore_mem>>
    %dma_wait3A_228 = arith.constant 0 : i32
    %dma_wait3A_229 = tpu.memref_slice %arg2[%add3A_171, %dma_wait3A_228] : memref<16384x128xf32, #tpu.memory_space<hbm>> -> memref<64x128xf32, #tpu.memory_space<hbm>>
    tpu.wait_dma2 semaphore(%dma_wait3A_227 : memref<!tpu.dma_semaphore, #tpu.memory_space<semaphore_mem>>) src(%dma_wait3A_229 : memref<64x128xf32, #tpu.memory_space<hbm>>) dst(%arg8 : memref<64x128xf32, #tpu.memory_space<vmem>>)
    %parallel_loop3A_230 = arith.constant 0 : i32
    %parallel_loop3A_231 = arith.constant 64 : i32
    %parallel_loop3A_232 = arith.constant 2 : i32
    %parallel_loop3A_233 = scf.for %parallel_loop3A_293 = %parallel_loop3A_230 to %parallel_loop3A_231 step %parallel_loop3A_232 iter_args(%parallel_loop3A_294 = %parallel_loop3A_197) -> (vector<16xf32>)  : i32 {
      %parallel_loop3A_295 = arith.constant 0 : i32
      %parallel_loop3A_296 = arith.addi %parallel_loop3A_293, %parallel_loop3A_295 : i32
      %parallel_loop3A_297 = arith.index_cast %parallel_loop3A_296 : i32 to index
      %parallel_loop3A_298 = arith.constant 0 : index
      %parallel_loop3A_299 = tpu.vector_load %arg8[%parallel_loop3A_297, %parallel_loop3A_298] {strides = array<i32>} : memref<64x128xf32, #tpu.memory_space<vmem>>, vector<16xf32>,
      %parallel_loop3A_300 = arith.index_cast %parallel_loop3A_296 : i32 to index
      %parallel_loop3A_301 = arith.constant 0 : index
      %parallel_loop3A_302 = tpu.vector_load %arg10[%parallel_loop3A_300, %parallel_loop3A_301] {strides = array<i32>} : memref<64x128xf32, #tpu.memory_space<vmem>>, vector<16xf32>,
      %parallel_loop3A_303 = arith.subf %parallel_loop3A_299, %parallel_loop3A_302 : vector<16xf32>
      %parallel_loop3A_304 = arith.mulf %parallel_loop3A_303, %parallel_loop3A_303 : vector<16xf32>
      %parallel_loop3A_305 = arith.index_cast %parallel_loop3A_296 : i32 to index
      %parallel_loop3A_306 = arith.constant 16 : index
      %parallel_loop3A_307 = tpu.vector_load %arg8[%parallel_loop3A_305, %parallel_loop3A_306] {strides = array<i32>} : memref<64x128xf32, #tpu.memory_space<vmem>>, vector<16xf32>,
      %parallel_loop3A_308 = arith.index_cast %parallel_loop3A_296 : i32 to index
      %parallel_loop3A_309 = arith.constant 16 : index
      %parallel_loop3A_310 = tpu.vector_load %arg10[%parallel_loop3A_308, %parallel_loop3A_309] {strides = array<i32>} : memref<64x128xf32, #tpu.memory_space<vmem>>, vector<16xf32>,
      %parallel_loop3A_311 = arith.subf %parallel_loop3A_307, %parallel_loop3A_310 : vector<16xf32>
      %parallel_loop3A_312 = arith.mulf %parallel_loop3A_311, %parallel_loop3A_311 : vector<16xf32>
      %parallel_loop3A_313 = arith.addf %parallel_loop3A_304, %parallel_loop3A_312 : vector<16xf32>
      %parallel_loop3A_314 = arith.index_cast %parallel_loop3A_296 : i32 to index
      %parallel_loop3A_315 = arith.constant 32 : index
      %parallel_loop3A_316 = tpu.vector_load %arg8[%parallel_loop3A_314, %parallel_loop3A_315] {strides = array<i32>} : memref<64x128xf32, #tpu.memory_space<vmem>>, vector<16xf32>,
      %parallel_loop3A_317 = arith.index_cast %parallel_loop3A_296 : i32 to index
      %parallel_loop3A_318 = arith.constant 32 : index
      %parallel_loop3A_319 = tpu.vector_load %arg10[%parallel_loop3A_317, %parallel_loop3A_318] {strides = array<i32>} : memref<64x128xf32, #tpu.memory_space<vmem>>, vector<16xf32>,
      %parallel_loop3A_320 = arith.subf %parallel_loop3A_316, %parallel_loop3A_319 : vector<16xf32>
      %parallel_loop3A_321 = arith.mulf %parallel_loop3A_320, %parallel_loop3A_320 : vector<16xf32>
      %parallel_loop3A_322 = arith.addf %parallel_loop3A_313, %parallel_loop3A_321 : vector<16xf32>
      %parallel_loop3A_323 = arith.index_cast %parallel_loop3A_296 : i32 to index
      %parallel_loop3A_324 = arith.constant 48 : index
      %parallel_loop3A_325 = tpu.vector_load %arg8[%parallel_loop3A_323, %parallel_loop3A_324] {strides = array<i32>} : memref<64x128xf32, #tpu.memory_space<vmem>>, vector<16xf32>,
      %parallel_loop3A_326 = arith.index_cast %parallel_loop3A_296 : i32 to index
      %parallel_loop3A_327 = arith.constant 48 : index
      %parallel_loop3A_328 = tpu.vector_load %arg10[%parallel_loop3A_326, %parallel_loop3A_327] {strides = array<i32>} : memref<64x128xf32, #tpu.memory_space<vmem>>, vector<16xf32>,
      %parallel_loop3A_329 = arith.subf %parallel_loop3A_325, %parallel_loop3A_328 : vector<16xf32>
      %parallel_loop3A_330 = arith.mulf %parallel_loop3A_329, %parallel_loop3A_329 : vector<16xf32>
      %parallel_loop3A_331 = arith.addf %parallel_loop3A_322, %parallel_loop3A_330 : vector<16xf32>
      %parallel_loop3A_332 = arith.index_cast %parallel_loop3A_296 : i32 to index
      %parallel_loop3A_333 = arith.constant 64 : index
      %parallel_loop3A_334 = tpu.vector_load %arg8[%parallel_loop3A_332, %parallel_loop3A_333] {strides = array<i32>} : memref<64x128xf32, #tpu.memory_space<vmem>>, vector<16xf32>,
      %parallel_loop3A_335 = arith.index_cast %parallel_loop3A_296 : i32 to index
      %parallel_loop3A_336 = arith.constant 64 : index
      %parallel_loop3A_337 = tpu.vector_load %arg10[%parallel_loop3A_335, %parallel_loop3A_336] {strides = array<i32>} : memref<64x128xf32, #tpu.memory_space<vmem>>, vector<16xf32>,
      %parallel_loop3A_338 = arith.subf %parallel_loop3A_334, %parallel_loop3A_337 : vector<16xf32>
      %parallel_loop3A_339 = arith.mulf %parallel_loop3A_338, %parallel_loop3A_338 : vector<16xf32>
      %parallel_loop3A_340 = arith.addf %parallel_loop3A_331, %parallel_loop3A_339 : vector<16xf32>
      %parallel_loop3A_341 = arith.index_cast %parallel_loop3A_296 : i32 to index
      %parallel_loop3A_342 = arith.constant 80 : index
      %parallel_loop3A_343 = tpu.vector_load %arg8[%parallel_loop3A_341, %parallel_loop3A_342] {strides = array<i32>} : memref<64x128xf32, #tpu.memory_space<vmem>>, vector<16xf32>,
      %parallel_loop3A_344 = arith.index_cast %parallel_loop3A_296 : i32 to index
      %parallel_loop3A_345 = arith.constant 80 : index
      %parallel_loop3A_346 = tpu.vector_load %arg10[%parallel_loop3A_344, %parallel_loop3A_345] {strides = array<i32>} : memref<64x128xf32, #tpu.memory_space<vmem>>, vector<16xf32>,
      %parallel_loop3A_347 = arith.subf %parallel_loop3A_343, %parallel_loop3A_346 : vector<16xf32>
      %parallel_loop3A_348 = arith.mulf %parallel_loop3A_347, %parallel_loop3A_347 : vector<16xf32>
      %parallel_loop3A_349 = arith.addf %parallel_loop3A_340, %parallel_loop3A_348 : vector<16xf32>
      %parallel_loop3A_350 = arith.index_cast %parallel_loop3A_296 : i32 to index
      %parallel_loop3A_351 = arith.constant 96 : index
      %parallel_loop3A_352 = tpu.vector_load %arg8[%parallel_loop3A_350, %parallel_loop3A_351] {strides = array<i32>} : memref<64x128xf32, #tpu.memory_space<vmem>>, vector<16xf32>,
      %parallel_loop3A_353 = arith.index_cast %parallel_loop3A_296 : i32 to index
      %parallel_loop3A_354 = arith.constant 96 : index
      %parallel_loop3A_355 = tpu.vector_load %arg10[%parallel_loop3A_353, %parallel_loop3A_354] {strides = array<i32>} : memref<64x128xf32, #tpu.memory_space<vmem>>, vector<16xf32>,
      %parallel_loop3A_356 = arith.subf %parallel_loop3A_352, %parallel_loop3A_355 : vector<16xf32>
      %parallel_loop3A_357 = arith.mulf %parallel_loop3A_356, %parallel_loop3A_356 : vector<16xf32>
      %parallel_loop3A_358 = arith.addf %parallel_loop3A_349, %parallel_loop3A_357 : vector<16xf32>
      %parallel_loop3A_359 = arith.index_cast %parallel_loop3A_296 : i32 to index
      %parallel_loop3A_360 = arith.constant 112 : index
      %parallel_loop3A_361 = tpu.vector_load %arg8[%parallel_loop3A_359, %parallel_loop3A_360] {strides = array<i32>} : memref<64x128xf32, #tpu.memory_space<vmem>>, vector<16xf32>,
      %parallel_loop3A_362 = arith.index_cast %parallel_loop3A_296 : i32 to index
      %parallel_loop3A_363 = arith.constant 112 : index
      %parallel_loop3A_364 = tpu.vector_load %arg10[%parallel_loop3A_362, %parallel_loop3A_363] {strides = array<i32>} : memref<64x128xf32, #tpu.memory_space<vmem>>, vector<16xf32>,
      %parallel_loop3A_365 = arith.subf %parallel_loop3A_361, %parallel_loop3A_364 : vector<16xf32>
      %parallel_loop3A_366 = arith.mulf %parallel_loop3A_365, %parallel_loop3A_365 : vector<16xf32>
      %parallel_loop3A_367 = arith.addf %parallel_loop3A_358, %parallel_loop3A_366 : vector<16xf32>
      %parallel_loop3A_368 = arith.constant true
      %parallel_loop3A_369 = vector.broadcast %parallel_loop3A_368 : i1 to vector<16xi1>
      %parallel_loop3A_370 = tpu.scan <sum>, %parallel_loop3A_367 masked %parallel_loop3A_369 : vector<16xf32>, vector<16xi1> -> vector<16xf32>
      %parallel_loop3A_371 = arith.constant 9.99999996E-13 : f32
      %parallel_loop3A_372 = arith.constant 9.99999995E+11 : f32
      %parallel_loop3A_373 = vector.broadcast %parallel_loop3A_371 : f32 to vector<16xf32>
      %parallel_loop3A_374 = arith.maximumf %parallel_loop3A_373, %parallel_loop3A_370 : vector<16xf32>
      %parallel_loop3A_375 = vector.broadcast %parallel_loop3A_372 : f32 to vector<16xf32>
      %parallel_loop3A_376 = arith.minimumf %parallel_loop3A_375, %parallel_loop3A_374 : vector<16xf32>
      %parallel_loop3A_377 = arith.addf %parallel_loop3A_294, %parallel_loop3A_376 : vector<16xf32>
      %parallel_loop3A_378 = arith.constant 1 : i32
      %parallel_loop3A_379 = arith.addi %parallel_loop3A_293, %parallel_loop3A_378 : i32
      %parallel_loop3A_380 = arith.index_cast %parallel_loop3A_379 : i32 to index
      %parallel_loop3A_381 = arith.constant 0 : index
      %parallel_loop3A_382 = tpu.vector_load %arg8[%parallel_loop3A_380, %parallel_loop3A_381] {strides = array<i32>} : memref<64x128xf32, #tpu.memory_space<vmem>>, vector<16xf32>,
      %parallel_loop3A_383 = arith.index_cast %parallel_loop3A_379 : i32 to index
      %parallel_loop3A_384 = arith.constant 0 : index
      %parallel_loop3A_385 = tpu.vector_load %arg10[%parallel_loop3A_383, %parallel_loop3A_384] {strides = array<i32>} : memref<64x128xf32, #tpu.memory_space<vmem>>, vector<16xf32>,
      %parallel_loop3A_386 = arith.subf %parallel_loop3A_382, %parallel_loop3A_385 : vector<16xf32>
      %parallel_loop3A_387 = arith.mulf %parallel_loop3A_386, %parallel_loop3A_386 : vector<16xf32>
      %parallel_loop3A_388 = arith.index_cast %parallel_loop3A_379 : i32 to index
      %parallel_loop3A_389 = arith.constant 16 : index
      %parallel_loop3A_390 = tpu.vector_load %arg8[%parallel_loop3A_388, %parallel_loop3A_389] {strides = array<i32>} : memref<64x128xf32, #tpu.memory_space<vmem>>, vector<16xf32>,
      %parallel_loop3A_391 = arith.index_cast %parallel_loop3A_379 : i32 to index
      %parallel_loop3A_392 = arith.constant 16 : index
      %parallel_loop3A_393 = tpu.vector_load %arg10[%parallel_loop3A_391, %parallel_loop3A_392] {strides = array<i32>} : memref<64x128xf32, #tpu.memory_space<vmem>>, vector<16xf32>,
      %parallel_loop3A_394 = arith.subf %parallel_loop3A_390, %parallel_loop3A_393 : vector<16xf32>
      %parallel_loop3A_395 = arith.mulf %parallel_loop3A_394, %parallel_loop3A_394 : vector<16xf32>
      %parallel_loop3A_396 = arith.addf %parallel_loop3A_387, %parallel_loop3A_395 : vector<16xf32>
      %parallel_loop3A_397 = arith.index_cast %parallel_loop3A_379 : i32 to index
      %parallel_loop3A_398 = arith.constant 32 : index
      %parallel_loop3A_399 = tpu.vector_load %arg8[%parallel_loop3A_397, %parallel_loop3A_398] {strides = array<i32>} : memref<64x128xf32, #tpu.memory_space<vmem>>, vector<16xf32>,
      %parallel_loop3A_400 = arith.index_cast %parallel_loop3A_379 : i32 to index
      %parallel_loop3A_401 = arith.constant 32 : index
      %parallel_loop3A_402 = tpu.vector_load %arg10[%parallel_loop3A_400, %parallel_loop3A_401] {strides = array<i32>} : memref<64x128xf32, #tpu.memory_space<vmem>>, vector<16xf32>,
      %parallel_loop3A_403 = arith.subf %parallel_loop3A_399, %parallel_loop3A_402 : vector<16xf32>
      %parallel_loop3A_404 = arith.mulf %parallel_loop3A_403, %parallel_loop3A_403 : vector<16xf32>
      %parallel_loop3A_405 = arith.addf %parallel_loop3A_396, %parallel_loop3A_404 : vector<16xf32>
      %parallel_loop3A_406 = arith.index_cast %parallel_loop3A_379 : i32 to index
      %parallel_loop3A_407 = arith.constant 48 : index
      %parallel_loop3A_408 = tpu.vector_load %arg8[%parallel_loop3A_406, %parallel_loop3A_407] {strides = array<i32>} : memref<64x128xf32, #tpu.memory_space<vmem>>, vector<16xf32>,
      %parallel_loop3A_409 = arith.index_cast %parallel_loop3A_379 : i32 to index
      %parallel_loop3A_410 = arith.constant 48 : index
      %parallel_loop3A_411 = tpu.vector_load %arg10[%parallel_loop3A_409, %parallel_loop3A_410] {strides = array<i32>} : memref<64x128xf32, #tpu.memory_space<vmem>>, vector<16xf32>,
      %parallel_loop3A_412 = arith.subf %parallel_loop3A_408, %parallel_loop3A_411 : vector<16xf32>
      %parallel_loop3A_413 = arith.mulf %parallel_loop3A_412, %parallel_loop3A_412 : vector<16xf32>
      %parallel_loop3A_414 = arith.addf %parallel_loop3A_405, %parallel_loop3A_413 : vector<16xf32>
      %parallel_loop3A_415 = arith.index_cast %parallel_loop3A_379 : i32 to index
      %parallel_loop3A_416 = arith.constant 64 : index
      %parallel_loop3A_417 = tpu.vector_load %arg8[%parallel_loop3A_415, %parallel_loop3A_416] {strides = array<i32>} : memref<64x128xf32, #tpu.memory_space<vmem>>, vector<16xf32>,
      %parallel_loop3A_418 = arith.index_cast %parallel_loop3A_379 : i32 to index
      %parallel_loop3A_419 = arith.constant 64 : index
      %parallel_loop3A_420 = tpu.vector_load %arg10[%parallel_loop3A_418, %parallel_loop3A_419] {strides = array<i32>} : memref<64x128xf32, #tpu.memory_space<vmem>>, vector<16xf32>,
      %parallel_loop3A_421 = arith.subf %parallel_loop3A_417, %parallel_loop3A_420 : vector<16xf32>
      %parallel_loop3A_422 = arith.mulf %parallel_loop3A_421, %parallel_loop3A_421 : vector<16xf32>
      %parallel_loop3A_423 = arith.addf %parallel_loop3A_414, %parallel_loop3A_422 : vector<16xf32>
      %parallel_loop3A_424 = arith.index_cast %parallel_loop3A_379 : i32 to index
      %parallel_loop3A_425 = arith.constant 80 : index
      %parallel_loop3A_426 = tpu.vector_load %arg8[%parallel_loop3A_424, %parallel_loop3A_425] {strides = array<i32>} : memref<64x128xf32, #tpu.memory_space<vmem>>, vector<16xf32>,
      %parallel_loop3A_427 = arith.index_cast %parallel_loop3A_379 : i32 to index
      %parallel_loop3A_428 = arith.constant 80 : index
      %parallel_loop3A_429 = tpu.vector_load %arg10[%parallel_loop3A_427, %parallel_loop3A_428] {strides = array<i32>} : memref<64x128xf32, #tpu.memory_space<vmem>>, vector<16xf32>,
      %parallel_loop3A_430 = arith.subf %parallel_loop3A_426, %parallel_loop3A_429 : vector<16xf32>
      %parallel_loop3A_431 = arith.mulf %parallel_loop3A_430, %parallel_loop3A_430 : vector<16xf32>
      %parallel_loop3A_432 = arith.addf %parallel_loop3A_423, %parallel_loop3A_431 : vector<16xf32>
      %parallel_loop3A_433 = arith.index_cast %parallel_loop3A_379 : i32 to index
      %parallel_loop3A_434 = arith.constant 96 : index
      %parallel_loop3A_435 = tpu.vector_load %arg8[%parallel_loop3A_433, %parallel_loop3A_434] {strides = array<i32>} : memref<64x128xf32, #tpu.memory_space<vmem>>, vector<16xf32>,
      %parallel_loop3A_436 = arith.index_cast %parallel_loop3A_379 : i32 to index
      %parallel_loop3A_437 = arith.constant 96 : index
      %parallel_loop3A_438 = tpu.vector_load %arg10[%parallel_loop3A_436, %parallel_loop3A_437] {strides = array<i32>} : memref<64x128xf32, #tpu.memory_space<vmem>>, vector<16xf32>,
      %parallel_loop3A_439 = arith.subf %parallel_loop3A_435, %parallel_loop3A_438 : vector<16xf32>
      %parallel_loop3A_440 = arith.mulf %parallel_loop3A_439, %parallel_loop3A_439 : vector<16xf32>
      %parallel_loop3A_441 = arith.addf %parallel_loop3A_432, %parallel_loop3A_440 : vector<16xf32>
      %parallel_loop3A_442 = arith.index_cast %parallel_loop3A_379 : i32 to index
      %parallel_loop3A_443 = arith.constant 112 : index
      %parallel_loop3A_444 = tpu.vector_load %arg8[%parallel_loop3A_442, %parallel_loop3A_443] {strides = array<i32>} : memref<64x128xf32, #tpu.memory_space<vmem>>, vector<16xf32>,
      %parallel_loop3A_445 = arith.index_cast %parallel_loop3A_379 : i32 to index
      %parallel_loop3A_446 = arith.constant 112 : index
      %parallel_loop3A_447 = tpu.vector_load %arg10[%parallel_loop3A_445, %parallel_loop3A_446] {strides = array<i32>} : memref<64x128xf32, #tpu.memory_space<vmem>>, vector<16xf32>,
      %parallel_loop3A_448 = arith.subf %parallel_loop3A_444, %parallel_loop3A_447 : vector<16xf32>
      %parallel_loop3A_449 = arith.mulf %parallel_loop3A_448, %parallel_loop3A_448 : vector<16xf32>
      %parallel_loop3A_450 = arith.addf %parallel_loop3A_441, %parallel_loop3A_449 : vector<16xf32>
      %parallel_loop3A_451 = arith.constant true
      %parallel_loop3A_452 = vector.broadcast %parallel_loop3A_451 : i1 to vector<16xi1>
      %parallel_loop3A_453 = tpu.scan <sum>, %parallel_loop3A_450 masked %parallel_loop3A_452 : vector<16xf32>, vector<16xi1> -> vector<16xf32>
      %parallel_loop3A_454 = arith.constant 9.99999996E-13 : f32
      %parallel_loop3A_455 = arith.constant 9.99999995E+11 : f32
      %parallel_loop3A_456 = vector.broadcast %parallel_loop3A_454 : f32 to vector<16xf32>
      %parallel_loop3A_457 = arith.maximumf %parallel_loop3A_456, %parallel_loop3A_453 : vector<16xf32>
      %parallel_loop3A_458 = vector.broadcast %parallel_loop3A_455 : f32 to vector<16xf32>
      %parallel_loop3A_459 = arith.minimumf %parallel_loop3A_458, %parallel_loop3A_457 : vector<16xf32>
      %parallel_loop3A_460 = arith.addf %parallel_loop3A_377, %parallel_loop3A_459 : vector<16xf32>
      scf.yield %parallel_loop3A_460 : vector<16xf32>
    } {sc.loop_unroll_factor = 2 : i64, sc.parallel_access}
    %dma_start3A_234 = arith.constant 1 : i32
    %dma_start3A_235 = arith.constant 448 : i32
    %dma_start3A_236 = tpu.memref_slice %arg6[%dma_start3A_235] : memref<512xi32, #tpu.memory_space<vmem>> -> memref<64xi32, #tpu.memory_space<vmem>>
    %dma_start3A_237 = arith.constant 0 : i32
    %dma_start3A_238 = arith.constant 0 : i32
    %dma_start3A_239 = tpu.memref_slice %arg4[%dma_start3A_237, %dma_start3A_238] : memref<1000000x128xf32, #tpu.memory_space<hbm>> -> memref<1000000x128xf32, #tpu.memory_space<hbm>>
    %dma_start3A_240 = tpu.memref_slice %arg13[%dma_start3A_234] : memref<2x!tpu.dma_semaphore, #tpu.memory_space<semaphore_mem>> -> memref<1x!tpu.dma_semaphore, #tpu.memory_space<semaphore_mem>>
    %dma_start3A_241 = tpu.memref_squeeze %dma_start3A_240 : memref<1x!tpu.dma_semaphore, #tpu.memory_space<semaphore_mem>> -> memref<!tpu.dma_semaphore, #tpu.memory_space<semaphore_mem>>
    tpu.enqueue_indirect_dma source(%dma_start3A_239 : memref<1000000x128xf32, #tpu.memory_space<hbm>>) target(%arg10 : memref<64x128xf32, #tpu.memory_space<vmem>>) offsets(%dma_start3A_236 : memref<64xi32, #tpu.memory_space<vmem>>) semaphore(%dma_start3A_241 : memref<!tpu.dma_semaphore, #tpu.memory_space<semaphore_mem>>)
    %add3A_242 = arith.constant 448 : i32
    %add3A_243 = arith.addi %mul3A_2, %add3A_242 : i32
    %dma_start3A_244 = arith.constant 1 : i32
    %dma_start3A_245 = arith.constant 0 : i32
    %dma_start3A_246 = tpu.memref_slice %arg2[%add3A_243, %dma_start3A_245] : memref<16384x128xf32, #tpu.memory_space<hbm>> -> memref<64x128xf32, #tpu.memory_space<hbm>>
    %dma_start3A_247 = tpu.memref_slice %arg12[%dma_start3A_244] : memref<2x!tpu.dma_semaphore, #tpu.memory_space<semaphore_mem>> -> memref<1x!tpu.dma_semaphore, #tpu.memory_space<semaphore_mem>>
    %dma_start3A_248 = tpu.memref_squeeze %dma_start3A_247 : memref<1x!tpu.dma_semaphore, #tpu.memory_space<semaphore_mem>> -> memref<!tpu.dma_semaphore, #tpu.memory_space<semaphore_mem>>
    %dma_start3A_249 = arith.constant 0 : i32
    %dma_start3A_250 = tpu.memref_slice %arg2[%add3A_243, %dma_start3A_249] : memref<16384x128xf32, #tpu.memory_space<hbm>> -> memref<64x128xf32, #tpu.memory_space<hbm>>
    tpu.enqueue_dma source(%dma_start3A_250 : memref<64x128xf32, #tpu.memory_space<hbm>>) target(%arg8 : memref<64x128xf32, #tpu.memory_space<vmem>>) target_semaphore(%dma_start3A_248 : memref<!tpu.dma_semaphore, #tpu.memory_space<semaphore_mem>>)
    %dma_wait3A_251 = arith.constant 0 : i32
    %dma_wait3A_252 = arith.constant 384 : i32
    %dma_wait3A_253 = tpu.memref_slice %arg6[%dma_wait3A_252] : memref<512xi32, #tpu.memory_space<vmem>> -> memref<64xi32, #tpu.memory_space<vmem>>
    %dma_wait3A_254 = arith.constant 0 : i32
    %dma_wait3A_255 = arith.constant 0 : i32
    %dma_wait3A_256 = tpu.memref_slice %arg4[%dma_wait3A_254, %dma_wait3A_255] : memref<1000000x128xf32, #tpu.memory_space<hbm>> -> memref<1000000x128xf32, #tpu.memory_space<hbm>>
    %dma_wait3A_257 = tpu.memref_slice %arg13[%dma_wait3A_251] : memref<2x!tpu.dma_semaphore, #tpu.memory_space<semaphore_mem>> -> memref<1x!tpu.dma_semaphore, #tpu.memory_space<semaphore_mem>>
    %dma_wait3A_258 = tpu.memref_squeeze %dma_wait3A_257 : memref<1x!tpu.dma_semaphore, #tpu.memory_space<semaphore_mem>> -> memref<!tpu.dma_semaphore, #tpu.memory_space<semaphore_mem>>
    tpu.wait_indirect_dma semaphore(%dma_wait3A_258 : memref<!tpu.dma_semaphore, #tpu.memory_space<semaphore_mem>>) src(%dma_wait3A_256 : memref<1000000x128xf32, #tpu.memory_space<hbm>>) dst(%arg9 : memref<64x128xf32, #tpu.memory_space<vmem>>)
    %dma_wait3A_259 = arith.constant 0 : i32
    %dma_wait3A_260 = arith.constant 0 : i32
    %dma_wait3A_261 = tpu.memref_slice %arg2[%add3A_207, %dma_wait3A_260] : memref<16384x128xf32, #tpu.memory_space<hbm>> -> memref<64x128xf32, #tpu.memory_space<hbm>>
    %dma_wait3A_262 = tpu.memref_slice %arg12[%dma_wait3A_259] : memref<2x!tpu.dma_semaphore, #tpu.memory_space<semaphore_mem>> -> memref<1x!tpu.dma_semaphore, #tpu.memory_space<semaphore_mem>>
    %dma_wait3A_263 = tpu.memref_squeeze %dma_wait3A_262 : memref<1x!tpu.dma_semaphore, #tpu.memory_space<semaphore_mem>> -> memref<!tpu.dma_semaphore, #tpu.memory_space<semaphore_mem>>
    %dma_wait3A_264 = arith.constant 0 : i32
    %dma_wait3A_265 = tpu.memref_slice %arg2[%add3A_207, %dma_wait3A_264] : memref<16384x128xf32, #tpu.memory_space<hbm>> -> memref<64x128xf32, #tpu.memory_space<hbm>>
    tpu.wait_dma2 semaphore(%dma_wait3A_263 : memref<!tpu.dma_semaphore, #tpu.memory_space<semaphore_mem>>) src(%dma_wait3A_265 : memref<64x128xf32, #tpu.memory_space<hbm>>) dst(%arg7 : memref<64x128xf32, #tpu.memory_space<vmem>>)
    %parallel_loop3A_266 = arith.constant 0 : i32
    %parallel_loop3A_267 = arith.constant 64 : i32
    %parallel_loop3A_268 = arith.constant 2 : i32
    %parallel_loop3A_269 = scf.for %parallel_loop3A_293 = %parallel_loop3A_266 to %parallel_loop3A_267 step %parallel_loop3A_268 iter_args(%parallel_loop3A_294 = %parallel_loop3A_233) -> (vector<16xf32>)  : i32 {
      %parallel_loop3A_295 = arith.constant 0 : i32
      %parallel_loop3A_296 = arith.addi %parallel_loop3A_293, %parallel_loop3A_295 : i32
      %parallel_loop3A_297 = arith.index_cast %parallel_loop3A_296 : i32 to index
      %parallel_loop3A_298 = arith.constant 0 : index
      %parallel_loop3A_299 = tpu.vector_load %arg7[%parallel_loop3A_297, %parallel_loop3A_298] {strides = array<i32>} : memref<64x128xf32, #tpu.memory_space<vmem>>, vector<16xf32>,
      %parallel_loop3A_300 = arith.index_cast %parallel_loop3A_296 : i32 to index
      %parallel_loop3A_301 = arith.constant 0 : index
      %parallel_loop3A_302 = tpu.vector_load %arg9[%parallel_loop3A_300, %parallel_loop3A_301] {strides = array<i32>} : memref<64x128xf32, #tpu.memory_space<vmem>>, vector<16xf32>,
      %parallel_loop3A_303 = arith.subf %parallel_loop3A_299, %parallel_loop3A_302 : vector<16xf32>
      %parallel_loop3A_304 = arith.mulf %parallel_loop3A_303, %parallel_loop3A_303 : vector<16xf32>
      %parallel_loop3A_305 = arith.index_cast %parallel_loop3A_296 : i32 to index
      %parallel_loop3A_306 = arith.constant 16 : index
      %parallel_loop3A_307 = tpu.vector_load %arg7[%parallel_loop3A_305, %parallel_loop3A_306] {strides = array<i32>} : memref<64x128xf32, #tpu.memory_space<vmem>>, vector<16xf32>,
      %parallel_loop3A_308 = arith.index_cast %parallel_loop3A_296 : i32 to index
      %parallel_loop3A_309 = arith.constant 16 : index
      %parallel_loop3A_310 = tpu.vector_load %arg9[%parallel_loop3A_308, %parallel_loop3A_309] {strides = array<i32>} : memref<64x128xf32, #tpu.memory_space<vmem>>, vector<16xf32>,
      %parallel_loop3A_311 = arith.subf %parallel_loop3A_307, %parallel_loop3A_310 : vector<16xf32>
      %parallel_loop3A_312 = arith.mulf %parallel_loop3A_311, %parallel_loop3A_311 : vector<16xf32>
      %parallel_loop3A_313 = arith.addf %parallel_loop3A_304, %parallel_loop3A_312 : vector<16xf32>
      %parallel_loop3A_314 = arith.index_cast %parallel_loop3A_296 : i32 to index
      %parallel_loop3A_315 = arith.constant 32 : index
      %parallel_loop3A_316 = tpu.vector_load %arg7[%parallel_loop3A_314, %parallel_loop3A_315] {strides = array<i32>} : memref<64x128xf32, #tpu.memory_space<vmem>>, vector<16xf32>,
      %parallel_loop3A_317 = arith.index_cast %parallel_loop3A_296 : i32 to index
      %parallel_loop3A_318 = arith.constant 32 : index
      %parallel_loop3A_319 = tpu.vector_load %arg9[%parallel_loop3A_317, %parallel_loop3A_318] {strides = array<i32>} : memref<64x128xf32, #tpu.memory_space<vmem>>, vector<16xf32>,
      %parallel_loop3A_320 = arith.subf %parallel_loop3A_316, %parallel_loop3A_319 : vector<16xf32>
      %parallel_loop3A_321 = arith.mulf %parallel_loop3A_320, %parallel_loop3A_320 : vector<16xf32>
      %parallel_loop3A_322 = arith.addf %parallel_loop3A_313, %parallel_loop3A_321 : vector<16xf32>
      %parallel_loop3A_323 = arith.index_cast %parallel_loop3A_296 : i32 to index
      %parallel_loop3A_324 = arith.constant 48 : index
      %parallel_loop3A_325 = tpu.vector_load %arg7[%parallel_loop3A_323, %parallel_loop3A_324] {strides = array<i32>} : memref<64x128xf32, #tpu.memory_space<vmem>>, vector<16xf32>,
      %parallel_loop3A_326 = arith.index_cast %parallel_loop3A_296 : i32 to index
      %parallel_loop3A_327 = arith.constant 48 : index
      %parallel_loop3A_328 = tpu.vector_load %arg9[%parallel_loop3A_326, %parallel_loop3A_327] {strides = array<i32>} : memref<64x128xf32, #tpu.memory_space<vmem>>, vector<16xf32>,
      %parallel_loop3A_329 = arith.subf %parallel_loop3A_325, %parallel_loop3A_328 : vector<16xf32>
      %parallel_loop3A_330 = arith.mulf %parallel_loop3A_329, %parallel_loop3A_329 : vector<16xf32>
      %parallel_loop3A_331 = arith.addf %parallel_loop3A_322, %parallel_loop3A_330 : vector<16xf32>
      %parallel_loop3A_332 = arith.index_cast %parallel_loop3A_296 : i32 to index
      %parallel_loop3A_333 = arith.constant 64 : index
      %parallel_loop3A_334 = tpu.vector_load %arg7[%parallel_loop3A_332, %parallel_loop3A_333] {strides = array<i32>} : memref<64x128xf32, #tpu.memory_space<vmem>>, vector<16xf32>,
      %parallel_loop3A_335 = arith.index_cast %parallel_loop3A_296 : i32 to index
      %parallel_loop3A_336 = arith.constant 64 : index
      %parallel_loop3A_337 = tpu.vector_load %arg9[%parallel_loop3A_335, %parallel_loop3A_336] {strides = array<i32>} : memref<64x128xf32, #tpu.memory_space<vmem>>, vector<16xf32>,
      %parallel_loop3A_338 = arith.subf %parallel_loop3A_334, %parallel_loop3A_337 : vector<16xf32>
      %parallel_loop3A_339 = arith.mulf %parallel_loop3A_338, %parallel_loop3A_338 : vector<16xf32>
      %parallel_loop3A_340 = arith.addf %parallel_loop3A_331, %parallel_loop3A_339 : vector<16xf32>
      %parallel_loop3A_341 = arith.index_cast %parallel_loop3A_296 : i32 to index
      %parallel_loop3A_342 = arith.constant 80 : index
      %parallel_loop3A_343 = tpu.vector_load %arg7[%parallel_loop3A_341, %parallel_loop3A_342] {strides = array<i32>} : memref<64x128xf32, #tpu.memory_space<vmem>>, vector<16xf32>,
      %parallel_loop3A_344 = arith.index_cast %parallel_loop3A_296 : i32 to index
      %parallel_loop3A_345 = arith.constant 80 : index
      %parallel_loop3A_346 = tpu.vector_load %arg9[%parallel_loop3A_344, %parallel_loop3A_345] {strides = array<i32>} : memref<64x128xf32, #tpu.memory_space<vmem>>, vector<16xf32>,
      %parallel_loop3A_347 = arith.subf %parallel_loop3A_343, %parallel_loop3A_346 : vector<16xf32>
      %parallel_loop3A_348 = arith.mulf %parallel_loop3A_347, %parallel_loop3A_347 : vector<16xf32>
      %parallel_loop3A_349 = arith.addf %parallel_loop3A_340, %parallel_loop3A_348 : vector<16xf32>
      %parallel_loop3A_350 = arith.index_cast %parallel_loop3A_296 : i32 to index
      %parallel_loop3A_351 = arith.constant 96 : index
      %parallel_loop3A_352 = tpu.vector_load %arg7[%parallel_loop3A_350, %parallel_loop3A_351] {strides = array<i32>} : memref<64x128xf32, #tpu.memory_space<vmem>>, vector<16xf32>,
      %parallel_loop3A_353 = arith.index_cast %parallel_loop3A_296 : i32 to index
      %parallel_loop3A_354 = arith.constant 96 : index
      %parallel_loop3A_355 = tpu.vector_load %arg9[%parallel_loop3A_353, %parallel_loop3A_354] {strides = array<i32>} : memref<64x128xf32, #tpu.memory_space<vmem>>, vector<16xf32>,
      %parallel_loop3A_356 = arith.subf %parallel_loop3A_352, %parallel_loop3A_355 : vector<16xf32>
      %parallel_loop3A_357 = arith.mulf %parallel_loop3A_356, %parallel_loop3A_356 : vector<16xf32>
      %parallel_loop3A_358 = arith.addf %parallel_loop3A_349, %parallel_loop3A_357 : vector<16xf32>
      %parallel_loop3A_359 = arith.index_cast %parallel_loop3A_296 : i32 to index
      %parallel_loop3A_360 = arith.constant 112 : index
      %parallel_loop3A_361 = tpu.vector_load %arg7[%parallel_loop3A_359, %parallel_loop3A_360] {strides = array<i32>} : memref<64x128xf32, #tpu.memory_space<vmem>>, vector<16xf32>,
      %parallel_loop3A_362 = arith.index_cast %parallel_loop3A_296 : i32 to index
      %parallel_loop3A_363 = arith.constant 112 : index
      %parallel_loop3A_364 = tpu.vector_load %arg9[%parallel_loop3A_362, %parallel_loop3A_363] {strides = array<i32>} : memref<64x128xf32, #tpu.memory_space<vmem>>, vector<16xf32>,
      %parallel_loop3A_365 = arith.subf %parallel_loop3A_361, %parallel_loop3A_364 : vector<16xf32>
      %parallel_loop3A_366 = arith.mulf %parallel_loop3A_365, %parallel_loop3A_365 : vector<16xf32>
      %parallel_loop3A_367 = arith.addf %parallel_loop3A_358, %parallel_loop3A_366 : vector<16xf32>
      %parallel_loop3A_368 = arith.constant true
      %parallel_loop3A_369 = vector.broadcast %parallel_loop3A_368 : i1 to vector<16xi1>
      %parallel_loop3A_370 = tpu.scan <sum>, %parallel_loop3A_367 masked %parallel_loop3A_369 : vector<16xf32>, vector<16xi1> -> vector<16xf32>
      %parallel_loop3A_371 = arith.constant 9.99999996E-13 : f32
      %parallel_loop3A_372 = arith.constant 9.99999995E+11 : f32
      %parallel_loop3A_373 = vector.broadcast %parallel_loop3A_371 : f32 to vector<16xf32>
      %parallel_loop3A_374 = arith.maximumf %parallel_loop3A_373, %parallel_loop3A_370 : vector<16xf32>
      %parallel_loop3A_375 = vector.broadcast %parallel_loop3A_372 : f32 to vector<16xf32>
      %parallel_loop3A_376 = arith.minimumf %parallel_loop3A_375, %parallel_loop3A_374 : vector<16xf32>
      %parallel_loop3A_377 = arith.addf %parallel_loop3A_294, %parallel_loop3A_376 : vector<16xf32>
      %parallel_loop3A_378 = arith.constant 1 : i32
      %parallel_loop3A_379 = arith.addi %parallel_loop3A_293, %parallel_loop3A_378 : i32
      %parallel_loop3A_380 = arith.index_cast %parallel_loop3A_379 : i32 to index
      %parallel_loop3A_381 = arith.constant 0 : index
      %parallel_loop3A_382 = tpu.vector_load %arg7[%parallel_loop3A_380, %parallel_loop3A_381] {strides = array<i32>} : memref<64x128xf32, #tpu.memory_space<vmem>>, vector<16xf32>,
      %parallel_loop3A_383 = arith.index_cast %parallel_loop3A_379 : i32 to index
      %parallel_loop3A_384 = arith.constant 0 : index
      %parallel_loop3A_385 = tpu.vector_load %arg9[%parallel_loop3A_383, %parallel_loop3A_384] {strides = array<i32>} : memref<64x128xf32, #tpu.memory_space<vmem>>, vector<16xf32>,
      %parallel_loop3A_386 = arith.subf %parallel_loop3A_382, %parallel_loop3A_385 : vector<16xf32>
      %parallel_loop3A_387 = arith.mulf %parallel_loop3A_386, %parallel_loop3A_386 : vector<16xf32>
      %parallel_loop3A_388 = arith.index_cast %parallel_loop3A_379 : i32 to index
      %parallel_loop3A_389 = arith.constant 16 : index
      %parallel_loop3A_390 = tpu.vector_load %arg7[%parallel_loop3A_388, %parallel_loop3A_389] {strides = array<i32>} : memref<64x128xf32, #tpu.memory_space<vmem>>, vector<16xf32>,
      %parallel_loop3A_391 = arith.index_cast %parallel_loop3A_379 : i32 to index
      %parallel_loop3A_392 = arith.constant 16 : index
      %parallel_loop3A_393 = tpu.vector_load %arg9[%parallel_loop3A_391, %parallel_loop3A_392] {strides = array<i32>} : memref<64x128xf32, #tpu.memory_space<vmem>>, vector<16xf32>,
      %parallel_loop3A_394 = arith.subf %parallel_loop3A_390, %parallel_loop3A_393 : vector<16xf32>
      %parallel_loop3A_395 = arith.mulf %parallel_loop3A_394, %parallel_loop3A_394 : vector<16xf32>
      %parallel_loop3A_396 = arith.addf %parallel_loop3A_387, %parallel_loop3A_395 : vector<16xf32>
      %parallel_loop3A_397 = arith.index_cast %parallel_loop3A_379 : i32 to index
      %parallel_loop3A_398 = arith.constant 32 : index
      %parallel_loop3A_399 = tpu.vector_load %arg7[%parallel_loop3A_397, %parallel_loop3A_398] {strides = array<i32>} : memref<64x128xf32, #tpu.memory_space<vmem>>, vector<16xf32>,
      %parallel_loop3A_400 = arith.index_cast %parallel_loop3A_379 : i32 to index
      %parallel_loop3A_401 = arith.constant 32 : index
      %parallel_loop3A_402 = tpu.vector_load %arg9[%parallel_loop3A_400, %parallel_loop3A_401] {strides = array<i32>} : memref<64x128xf32, #tpu.memory_space<vmem>>, vector<16xf32>,
      %parallel_loop3A_403 = arith.subf %parallel_loop3A_399, %parallel_loop3A_402 : vector<16xf32>
      %parallel_loop3A_404 = arith.mulf %parallel_loop3A_403, %parallel_loop3A_403 : vector<16xf32>
      %parallel_loop3A_405 = arith.addf %parallel_loop3A_396, %parallel_loop3A_404 : vector<16xf32>
      %parallel_loop3A_406 = arith.index_cast %parallel_loop3A_379 : i32 to index
      %parallel_loop3A_407 = arith.constant 48 : index
      %parallel_loop3A_408 = tpu.vector_load %arg7[%parallel_loop3A_406, %parallel_loop3A_407] {strides = array<i32>} : memref<64x128xf32, #tpu.memory_space<vmem>>, vector<16xf32>,
      %parallel_loop3A_409 = arith.index_cast %parallel_loop3A_379 : i32 to index
      %parallel_loop3A_410 = arith.constant 48 : index
      %parallel_loop3A_411 = tpu.vector_load %arg9[%parallel_loop3A_409, %parallel_loop3A_410] {strides = array<i32>} : memref<64x128xf32, #tpu.memory_space<vmem>>, vector<16xf32>,
      %parallel_loop3A_412 = arith.subf %parallel_loop3A_408, %parallel_loop3A_411 : vector<16xf32>
      %parallel_loop3A_413 = arith.mulf %parallel_loop3A_412, %parallel_loop3A_412 : vector<16xf32>
      %parallel_loop3A_414 = arith.addf %parallel_loop3A_405, %parallel_loop3A_413 : vector<16xf32>
      %parallel_loop3A_415 = arith.index_cast %parallel_loop3A_379 : i32 to index
      %parallel_loop3A_416 = arith.constant 64 : index
      %parallel_loop3A_417 = tpu.vector_load %arg7[%parallel_loop3A_415, %parallel_loop3A_416] {strides = array<i32>} : memref<64x128xf32, #tpu.memory_space<vmem>>, vector<16xf32>,
      %parallel_loop3A_418 = arith.index_cast %parallel_loop3A_379 : i32 to index
      %parallel_loop3A_419 = arith.constant 64 : index
      %parallel_loop3A_420 = tpu.vector_load %arg9[%parallel_loop3A_418, %parallel_loop3A_419] {strides = array<i32>} : memref<64x128xf32, #tpu.memory_space<vmem>>, vector<16xf32>,
      %parallel_loop3A_421 = arith.subf %parallel_loop3A_417, %parallel_loop3A_420 : vector<16xf32>
      %parallel_loop3A_422 = arith.mulf %parallel_loop3A_421, %parallel_loop3A_421 : vector<16xf32>
      %parallel_loop3A_423 = arith.addf %parallel_loop3A_414, %parallel_loop3A_422 : vector<16xf32>
      %parallel_loop3A_424 = arith.index_cast %parallel_loop3A_379 : i32 to index
      %parallel_loop3A_425 = arith.constant 80 : index
      %parallel_loop3A_426 = tpu.vector_load %arg7[%parallel_loop3A_424, %parallel_loop3A_425] {strides = array<i32>} : memref<64x128xf32, #tpu.memory_space<vmem>>, vector<16xf32>,
      %parallel_loop3A_427 = arith.index_cast %parallel_loop3A_379 : i32 to index
      %parallel_loop3A_428 = arith.constant 80 : index
      %parallel_loop3A_429 = tpu.vector_load %arg9[%parallel_loop3A_427, %parallel_loop3A_428] {strides = array<i32>} : memref<64x128xf32, #tpu.memory_space<vmem>>, vector<16xf32>,
      %parallel_loop3A_430 = arith.subf %parallel_loop3A_426, %parallel_loop3A_429 : vector<16xf32>
      %parallel_loop3A_431 = arith.mulf %parallel_loop3A_430, %parallel_loop3A_430 : vector<16xf32>
      %parallel_loop3A_432 = arith.addf %parallel_loop3A_423, %parallel_loop3A_431 : vector<16xf32>
      %parallel_loop3A_433 = arith.index_cast %parallel_loop3A_379 : i32 to index
      %parallel_loop3A_434 = arith.constant 96 : index
      %parallel_loop3A_435 = tpu.vector_load %arg7[%parallel_loop3A_433, %parallel_loop3A_434] {strides = array<i32>} : memref<64x128xf32, #tpu.memory_space<vmem>>, vector<16xf32>,
      %parallel_loop3A_436 = arith.index_cast %parallel_loop3A_379 : i32 to index
      %parallel_loop3A_437 = arith.constant 96 : index
      %parallel_loop3A_438 = tpu.vector_load %arg9[%parallel_loop3A_436, %parallel_loop3A_437] {strides = array<i32>} : memref<64x128xf32, #tpu.memory_space<vmem>>, vector<16xf32>,
      %parallel_loop3A_439 = arith.subf %parallel_loop3A_435, %parallel_loop3A_438 : vector<16xf32>
      %parallel_loop3A_440 = arith.mulf %parallel_loop3A_439, %parallel_loop3A_439 : vector<16xf32>
      %parallel_loop3A_441 = arith.addf %parallel_loop3A_432, %parallel_loop3A_440 : vector<16xf32>
      %parallel_loop3A_442 = arith.index_cast %parallel_loop3A_379 : i32 to index
      %parallel_loop3A_443 = arith.constant 112 : index
      %parallel_loop3A_444 = tpu.vector_load %arg7[%parallel_loop3A_442, %parallel_loop3A_443] {strides = array<i32>} : memref<64x128xf32, #tpu.memory_space<vmem>>, vector<16xf32>,
      %parallel_loop3A_445 = arith.index_cast %parallel_loop3A_379 : i32 to index
      %parallel_loop3A_446 = arith.constant 112 : index
      %parallel_loop3A_447 = tpu.vector_load %arg9[%parallel_loop3A_445, %parallel_loop3A_446] {strides = array<i32>} : memref<64x128xf32, #tpu.memory_space<vmem>>, vector<16xf32>,
      %parallel_loop3A_448 = arith.subf %parallel_loop3A_444, %parallel_loop3A_447 : vector<16xf32>
      %parallel_loop3A_449 = arith.mulf %parallel_loop3A_448, %parallel_loop3A_448 : vector<16xf32>
      %parallel_loop3A_450 = arith.addf %parallel_loop3A_441, %parallel_loop3A_449 : vector<16xf32>
      %parallel_loop3A_451 = arith.constant true
      %parallel_loop3A_452 = vector.broadcast %parallel_loop3A_451 : i1 to vector<16xi1>
      %parallel_loop3A_453 = tpu.scan <sum>, %parallel_loop3A_450 masked %parallel_loop3A_452 : vector<16xf32>, vector<16xi1> -> vector<16xf32>
      %parallel_loop3A_454 = arith.constant 9.99999996E-13 : f32
      %parallel_loop3A_455 = arith.constant 9.99999995E+11 : f32
      %parallel_loop3A_456 = vector.broadcast %parallel_loop3A_454 : f32 to vector<16xf32>
      %parallel_loop3A_457 = arith.maximumf %parallel_loop3A_456, %parallel_loop3A_453 : vector<16xf32>
      %parallel_loop3A_458 = vector.broadcast %parallel_loop3A_455 : f32 to vector<16xf32>
      %parallel_loop3A_459 = arith.minimumf %parallel_loop3A_458, %parallel_loop3A_457 : vector<16xf32>
      %parallel_loop3A_460 = arith.addf %parallel_loop3A_377, %parallel_loop3A_459 : vector<16xf32>
      scf.yield %parallel_loop3A_460 : vector<16xf32>
    } {sc.loop_unroll_factor = 2 : i64, sc.parallel_access}
    %dma_wait3A_270 = arith.constant 1 : i32
    %dma_wait3A_271 = arith.constant 448 : i32
    %dma_wait3A_272 = tpu.memref_slice %arg6[%dma_wait3A_271] : memref<512xi32, #tpu.memory_space<vmem>> -> memref<64xi32, #tpu.memory_space<vmem>>
    %dma_wait3A_273 = arith.constant 0 : i32
    %dma_wait3A_274 = arith.constant 0 : i32
    %dma_wait3A_275 = tpu.memref_slice %arg4[%dma_wait3A_273, %dma_wait3A_274] : memref<1000000x128xf32, #tpu.memory_space<hbm>> -> memref<1000000x128xf32, #tpu.memory_space<hbm>>
    %dma_wait3A_276 = tpu.memref_slice %arg13[%dma_wait3A_270] : memref<2x!tpu.dma_semaphore, #tpu.memory_space<semaphore_mem>> -> memref<1x!tpu.dma_semaphore, #tpu.memory_space<semaphore_mem>>
    %dma_wait3A_277 = tpu.memref_squeeze %dma_wait3A_276 : memref<1x!tpu.dma_semaphore, #tpu.memory_space<semaphore_mem>> -> memref<!tpu.dma_semaphore, #tpu.memory_space<semaphore_mem>>
    tpu.wait_indirect_dma semaphore(%dma_wait3A_277 : memref<!tpu.dma_semaphore, #tpu.memory_space<semaphore_mem>>) src(%dma_wait3A_275 : memref<1000000x128xf32, #tpu.memory_space<hbm>>) dst(%arg10 : memref<64x128xf32, #tpu.memory_space<vmem>>)
    %dma_wait3A_278 = arith.constant 1 : i32
    %dma_wait3A_279 = arith.constant 0 : i32
    %dma_wait3A_280 = tpu.memref_slice %arg2[%add3A_243, %dma_wait3A_279] : memref<16384x128xf32, #tpu.memory_space<hbm>> -> memref<64x128xf32, #tpu.memory_space<hbm>>
    %dma_wait3A_281 = tpu.memref_slice %arg12[%dma_wait3A_278] : memref<2x!tpu.dma_semaphore, #tpu.memory_space<semaphore_mem>> -> memref<1x!tpu.dma_semaphore, #tpu.memory_space<semaphore_mem>>
    %dma_wait3A_282 = tpu.memref_squeeze %dma_wait3A_281 : memref<1x!tpu.dma_semaphore, #tpu.memory_space<semaphore_mem>> -> memref<!tpu.dma_semaphore, #tpu.memory_space<semaphore_mem>>
    %dma_wait3A_283 = arith.constant 0 : i32
    %dma_wait3A_284 = tpu.memref_slice %arg2[%add3A_243, %dma_wait3A_283] : memref<16384x128xf32, #tpu.memory_space<hbm>> -> memref<64x128xf32, #tpu.memory_space<hbm>>
    tpu.wait_dma2 semaphore(%dma_wait3A_282 : memref<!tpu.dma_semaphore, #tpu.memory_space<semaphore_mem>>) src(%dma_wait3A_284 : memref<64x128xf32, #tpu.memory_space<hbm>>) dst(%arg8 : memref<64x128xf32, #tpu.memory_space<vmem>>)
    %parallel_loop3A_285 = arith.constant 0 : i32
    %parallel_loop3A_286 = arith.constant 64 : i32
    %parallel_loop3A_287 = arith.constant 2 : i32
    %parallel_loop3A_288 = scf.for %parallel_loop3A_293 = %parallel_loop3A_285 to %parallel_loop3A_286 step %parallel_loop3A_287 iter_args(%parallel_loop3A_294 = %parallel_loop3A_269) -> (vector<16xf32>)  : i32 {
      %parallel_loop3A_295 = arith.constant 0 : i32
      %parallel_loop3A_296 = arith.addi %parallel_loop3A_293, %parallel_loop3A_295 : i32
      %parallel_loop3A_297 = arith.index_cast %parallel_loop3A_296 : i32 to index
      %parallel_loop3A_298 = arith.constant 0 : index
      %parallel_loop3A_299 = tpu.vector_load %arg8[%parallel_loop3A_297, %parallel_loop3A_298] {strides = array<i32>} : memref<64x128xf32, #tpu.memory_space<vmem>>, vector<16xf32>,
      %parallel_loop3A_300 = arith.index_cast %parallel_loop3A_296 : i32 to index
      %parallel_loop3A_301 = arith.constant 0 : index
      %parallel_loop3A_302 = tpu.vector_load %arg10[%parallel_loop3A_300, %parallel_loop3A_301] {strides = array<i32>} : memref<64x128xf32, #tpu.memory_space<vmem>>, vector<16xf32>,
      %parallel_loop3A_303 = arith.subf %parallel_loop3A_299, %parallel_loop3A_302 : vector<16xf32>
      %parallel_loop3A_304 = arith.mulf %parallel_loop3A_303, %parallel_loop3A_303 : vector<16xf32>
      %parallel_loop3A_305 = arith.index_cast %parallel_loop3A_296 : i32 to index
      %parallel_loop3A_306 = arith.constant 16 : index
      %parallel_loop3A_307 = tpu.vector_load %arg8[%parallel_loop3A_305, %parallel_loop3A_306] {strides = array<i32>} : memref<64x128xf32, #tpu.memory_space<vmem>>, vector<16xf32>,
      %parallel_loop3A_308 = arith.index_cast %parallel_loop3A_296 : i32 to index
      %parallel_loop3A_309 = arith.constant 16 : index
      %parallel_loop3A_310 = tpu.vector_load %arg10[%parallel_loop3A_308, %parallel_loop3A_309] {strides = array<i32>} : memref<64x128xf32, #tpu.memory_space<vmem>>, vector<16xf32>,
      %parallel_loop3A_311 = arith.subf %parallel_loop3A_307, %parallel_loop3A_310 : vector<16xf32>
      %parallel_loop3A_312 = arith.mulf %parallel_loop3A_311, %parallel_loop3A_311 : vector<16xf32>
      %parallel_loop3A_313 = arith.addf %parallel_loop3A_304, %parallel_loop3A_312 : vector<16xf32>
      %parallel_loop3A_314 = arith.index_cast %parallel_loop3A_296 : i32 to index
      %parallel_loop3A_315 = arith.constant 32 : index
      %parallel_loop3A_316 = tpu.vector_load %arg8[%parallel_loop3A_314, %parallel_loop3A_315] {strides = array<i32>} : memref<64x128xf32, #tpu.memory_space<vmem>>, vector<16xf32>,
      %parallel_loop3A_317 = arith.index_cast %parallel_loop3A_296 : i32 to index
      %parallel_loop3A_318 = arith.constant 32 : index
      %parallel_loop3A_319 = tpu.vector_load %arg10[%parallel_loop3A_317, %parallel_loop3A_318] {strides = array<i32>} : memref<64x128xf32, #tpu.memory_space<vmem>>, vector<16xf32>,
      %parallel_loop3A_320 = arith.subf %parallel_loop3A_316, %parallel_loop3A_319 : vector<16xf32>
      %parallel_loop3A_321 = arith.mulf %parallel_loop3A_320, %parallel_loop3A_320 : vector<16xf32>
      %parallel_loop3A_322 = arith.addf %parallel_loop3A_313, %parallel_loop3A_321 : vector<16xf32>
      %parallel_loop3A_323 = arith.index_cast %parallel_loop3A_296 : i32 to index
      %parallel_loop3A_324 = arith.constant 48 : index
      %parallel_loop3A_325 = tpu.vector_load %arg8[%parallel_loop3A_323, %parallel_loop3A_324] {strides = array<i32>} : memref<64x128xf32, #tpu.memory_space<vmem>>, vector<16xf32>,
      %parallel_loop3A_326 = arith.index_cast %parallel_loop3A_296 : i32 to index
      %parallel_loop3A_327 = arith.constant 48 : index
      %parallel_loop3A_328 = tpu.vector_load %arg10[%parallel_loop3A_326, %parallel_loop3A_327] {strides = array<i32>} : memref<64x128xf32, #tpu.memory_space<vmem>>, vector<16xf32>,
      %parallel_loop3A_329 = arith.subf %parallel_loop3A_325, %parallel_loop3A_328 : vector<16xf32>
      %parallel_loop3A_330 = arith.mulf %parallel_loop3A_329, %parallel_loop3A_329 : vector<16xf32>
      %parallel_loop3A_331 = arith.addf %parallel_loop3A_322, %parallel_loop3A_330 : vector<16xf32>
      %parallel_loop3A_332 = arith.index_cast %parallel_loop3A_296 : i32 to index
      %parallel_loop3A_333 = arith.constant 64 : index
      %parallel_loop3A_334 = tpu.vector_load %arg8[%parallel_loop3A_332, %parallel_loop3A_333] {strides = array<i32>} : memref<64x128xf32, #tpu.memory_space<vmem>>, vector<16xf32>,
      %parallel_loop3A_335 = arith.index_cast %parallel_loop3A_296 : i32 to index
      %parallel_loop3A_336 = arith.constant 64 : index
      %parallel_loop3A_337 = tpu.vector_load %arg10[%parallel_loop3A_335, %parallel_loop3A_336] {strides = array<i32>} : memref<64x128xf32, #tpu.memory_space<vmem>>, vector<16xf32>,
      %parallel_loop3A_338 = arith.subf %parallel_loop3A_334, %parallel_loop3A_337 : vector<16xf32>
      %parallel_loop3A_339 = arith.mulf %parallel_loop3A_338, %parallel_loop3A_338 : vector<16xf32>
      %parallel_loop3A_340 = arith.addf %parallel_loop3A_331, %parallel_loop3A_339 : vector<16xf32>
      %parallel_loop3A_341 = arith.index_cast %parallel_loop3A_296 : i32 to index
      %parallel_loop3A_342 = arith.constant 80 : index
      %parallel_loop3A_343 = tpu.vector_load %arg8[%parallel_loop3A_341, %parallel_loop3A_342] {strides = array<i32>} : memref<64x128xf32, #tpu.memory_space<vmem>>, vector<16xf32>,
      %parallel_loop3A_344 = arith.index_cast %parallel_loop3A_296 : i32 to index
      %parallel_loop3A_345 = arith.constant 80 : index
      %parallel_loop3A_346 = tpu.vector_load %arg10[%parallel_loop3A_344, %parallel_loop3A_345] {strides = array<i32>} : memref<64x128xf32, #tpu.memory_space<vmem>>, vector<16xf32>,
      %parallel_loop3A_347 = arith.subf %parallel_loop3A_343, %parallel_loop3A_346 : vector<16xf32>
      %parallel_loop3A_348 = arith.mulf %parallel_loop3A_347, %parallel_loop3A_347 : vector<16xf32>
      %parallel_loop3A_349 = arith.addf %parallel_loop3A_340, %parallel_loop3A_348 : vector<16xf32>
      %parallel_loop3A_350 = arith.index_cast %parallel_loop3A_296 : i32 to index
      %parallel_loop3A_351 = arith.constant 96 : index
      %parallel_loop3A_352 = tpu.vector_load %arg8[%parallel_loop3A_350, %parallel_loop3A_351] {strides = array<i32>} : memref<64x128xf32, #tpu.memory_space<vmem>>, vector<16xf32>,
      %parallel_loop3A_353 = arith.index_cast %parallel_loop3A_296 : i32 to index
      %parallel_loop3A_354 = arith.constant 96 : index
      %parallel_loop3A_355 = tpu.vector_load %arg10[%parallel_loop3A_353, %parallel_loop3A_354] {strides = array<i32>} : memref<64x128xf32, #tpu.memory_space<vmem>>, vector<16xf32>,
      %parallel_loop3A_356 = arith.subf %parallel_loop3A_352, %parallel_loop3A_355 : vector<16xf32>
      %parallel_loop3A_357 = arith.mulf %parallel_loop3A_356, %parallel_loop3A_356 : vector<16xf32>
      %parallel_loop3A_358 = arith.addf %parallel_loop3A_349, %parallel_loop3A_357 : vector<16xf32>
      %parallel_loop3A_359 = arith.index_cast %parallel_loop3A_296 : i32 to index
      %parallel_loop3A_360 = arith.constant 112 : index
      %parallel_loop3A_361 = tpu.vector_load %arg8[%parallel_loop3A_359, %parallel_loop3A_360] {strides = array<i32>} : memref<64x128xf32, #tpu.memory_space<vmem>>, vector<16xf32>,
      %parallel_loop3A_362 = arith.index_cast %parallel_loop3A_296 : i32 to index
      %parallel_loop3A_363 = arith.constant 112 : index
      %parallel_loop3A_364 = tpu.vector_load %arg10[%parallel_loop3A_362, %parallel_loop3A_363] {strides = array<i32>} : memref<64x128xf32, #tpu.memory_space<vmem>>, vector<16xf32>,
      %parallel_loop3A_365 = arith.subf %parallel_loop3A_361, %parallel_loop3A_364 : vector<16xf32>
      %parallel_loop3A_366 = arith.mulf %parallel_loop3A_365, %parallel_loop3A_365 : vector<16xf32>
      %parallel_loop3A_367 = arith.addf %parallel_loop3A_358, %parallel_loop3A_366 : vector<16xf32>
      %parallel_loop3A_368 = arith.constant true
      %parallel_loop3A_369 = vector.broadcast %parallel_loop3A_368 : i1 to vector<16xi1>
      %parallel_loop3A_370 = tpu.scan <sum>, %parallel_loop3A_367 masked %parallel_loop3A_369 : vector<16xf32>, vector<16xi1> -> vector<16xf32>
      %parallel_loop3A_371 = arith.constant 9.99999996E-13 : f32
      %parallel_loop3A_372 = arith.constant 9.99999995E+11 : f32
      %parallel_loop3A_373 = vector.broadcast %parallel_loop3A_371 : f32 to vector<16xf32>
      %parallel_loop3A_374 = arith.maximumf %parallel_loop3A_373, %parallel_loop3A_370 : vector<16xf32>
      %parallel_loop3A_375 = vector.broadcast %parallel_loop3A_372 : f32 to vector<16xf32>
      %parallel_loop3A_376 = arith.minimumf %parallel_loop3A_375, %parallel_loop3A_374 : vector<16xf32>
      %parallel_loop3A_377 = arith.addf %parallel_loop3A_294, %parallel_loop3A_376 : vector<16xf32>
      %parallel_loop3A_378 = arith.constant 1 : i32
      %parallel_loop3A_379 = arith.addi %parallel_loop3A_293, %parallel_loop3A_378 : i32
      %parallel_loop3A_380 = arith.index_cast %parallel_loop3A_379 : i32 to index
      %parallel_loop3A_381 = arith.constant 0 : index
      %parallel_loop3A_382 = tpu.vector_load %arg8[%parallel_loop3A_380, %parallel_loop3A_381] {strides = array<i32>} : memref<64x128xf32, #tpu.memory_space<vmem>>, vector<16xf32>,
      %parallel_loop3A_383 = arith.index_cast %parallel_loop3A_379 : i32 to index
      %parallel_loop3A_384 = arith.constant 0 : index
      %parallel_loop3A_385 = tpu.vector_load %arg10[%parallel_loop3A_383, %parallel_loop3A_384] {strides = array<i32>} : memref<64x128xf32, #tpu.memory_space<vmem>>, vector<16xf32>,
      %parallel_loop3A_386 = arith.subf %parallel_loop3A_382, %parallel_loop3A_385 : vector<16xf32>
      %parallel_loop3A_387 = arith.mulf %parallel_loop3A_386, %parallel_loop3A_386 : vector<16xf32>
      %parallel_loop3A_388 = arith.index_cast %parallel_loop3A_379 : i32 to index
      %parallel_loop3A_389 = arith.constant 16 : index
      %parallel_loop3A_390 = tpu.vector_load %arg8[%parallel_loop3A_388, %parallel_loop3A_389] {strides = array<i32>} : memref<64x128xf32, #tpu.memory_space<vmem>>, vector<16xf32>,
      %parallel_loop3A_391 = arith.index_cast %parallel_loop3A_379 : i32 to index
      %parallel_loop3A_392 = arith.constant 16 : index
      %parallel_loop3A_393 = tpu.vector_load %arg10[%parallel_loop3A_391, %parallel_loop3A_392] {strides = array<i32>} : memref<64x128xf32, #tpu.memory_space<vmem>>, vector<16xf32>,
      %parallel_loop3A_394 = arith.subf %parallel_loop3A_390, %parallel_loop3A_393 : vector<16xf32>
      %parallel_loop3A_395 = arith.mulf %parallel_loop3A_394, %parallel_loop3A_394 : vector<16xf32>
      %parallel_loop3A_396 = arith.addf %parallel_loop3A_387, %parallel_loop3A_395 : vector<16xf32>
      %parallel_loop3A_397 = arith.index_cast %parallel_loop3A_379 : i32 to index
      %parallel_loop3A_398 = arith.constant 32 : index
      %parallel_loop3A_399 = tpu.vector_load %arg8[%parallel_loop3A_397, %parallel_loop3A_398] {strides = array<i32>} : memref<64x128xf32, #tpu.memory_space<vmem>>, vector<16xf32>,
      %parallel_loop3A_400 = arith.index_cast %parallel_loop3A_379 : i32 to index
      %parallel_loop3A_401 = arith.constant 32 : index
      %parallel_loop3A_402 = tpu.vector_load %arg10[%parallel_loop3A_400, %parallel_loop3A_401] {strides = array<i32>} : memref<64x128xf32, #tpu.memory_space<vmem>>, vector<16xf32>,
      %parallel_loop3A_403 = arith.subf %parallel_loop3A_399, %parallel_loop3A_402 : vector<16xf32>
      %parallel_loop3A_404 = arith.mulf %parallel_loop3A_403, %parallel_loop3A_403 : vector<16xf32>
      %parallel_loop3A_405 = arith.addf %parallel_loop3A_396, %parallel_loop3A_404 : vector<16xf32>
      %parallel_loop3A_406 = arith.index_cast %parallel_loop3A_379 : i32 to index
      %parallel_loop3A_407 = arith.constant 48 : index
      %parallel_loop3A_408 = tpu.vector_load %arg8[%parallel_loop3A_406, %parallel_loop3A_407] {strides = array<i32>} : memref<64x128xf32, #tpu.memory_space<vmem>>, vector<16xf32>,
      %parallel_loop3A_409 = arith.index_cast %parallel_loop3A_379 : i32 to index
      %parallel_loop3A_410 = arith.constant 48 : index
      %parallel_loop3A_411 = tpu.vector_load %arg10[%parallel_loop3A_409, %parallel_loop3A_410] {strides = array<i32>} : memref<64x128xf32, #tpu.memory_space<vmem>>, vector<16xf32>,
      %parallel_loop3A_412 = arith.subf %parallel_loop3A_408, %parallel_loop3A_411 : vector<16xf32>
      %parallel_loop3A_413 = arith.mulf %parallel_loop3A_412, %parallel_loop3A_412 : vector<16xf32>
      %parallel_loop3A_414 = arith.addf %parallel_loop3A_405, %parallel_loop3A_413 : vector<16xf32>
      %parallel_loop3A_415 = arith.index_cast %parallel_loop3A_379 : i32 to index
      %parallel_loop3A_416 = arith.constant 64 : index
      %parallel_loop3A_417 = tpu.vector_load %arg8[%parallel_loop3A_415, %parallel_loop3A_416] {strides = array<i32>} : memref<64x128xf32, #tpu.memory_space<vmem>>, vector<16xf32>,
      %parallel_loop3A_418 = arith.index_cast %parallel_loop3A_379 : i32 to index
      %parallel_loop3A_419 = arith.constant 64 : index
      %parallel_loop3A_420 = tpu.vector_load %arg10[%parallel_loop3A_418, %parallel_loop3A_419] {strides = array<i32>} : memref<64x128xf32, #tpu.memory_space<vmem>>, vector<16xf32>,
      %parallel_loop3A_421 = arith.subf %parallel_loop3A_417, %parallel_loop3A_420 : vector<16xf32>
      %parallel_loop3A_422 = arith.mulf %parallel_loop3A_421, %parallel_loop3A_421 : vector<16xf32>
      %parallel_loop3A_423 = arith.addf %parallel_loop3A_414, %parallel_loop3A_422 : vector<16xf32>
      %parallel_loop3A_424 = arith.index_cast %parallel_loop3A_379 : i32 to index
      %parallel_loop3A_425 = arith.constant 80 : index
      %parallel_loop3A_426 = tpu.vector_load %arg8[%parallel_loop3A_424, %parallel_loop3A_425] {strides = array<i32>} : memref<64x128xf32, #tpu.memory_space<vmem>>, vector<16xf32>,
      %parallel_loop3A_427 = arith.index_cast %parallel_loop3A_379 : i32 to index
      %parallel_loop3A_428 = arith.constant 80 : index
      %parallel_loop3A_429 = tpu.vector_load %arg10[%parallel_loop3A_427, %parallel_loop3A_428] {strides = array<i32>} : memref<64x128xf32, #tpu.memory_space<vmem>>, vector<16xf32>,
      %parallel_loop3A_430 = arith.subf %parallel_loop3A_426, %parallel_loop3A_429 : vector<16xf32>
      %parallel_loop3A_431 = arith.mulf %parallel_loop3A_430, %parallel_loop3A_430 : vector<16xf32>
      %parallel_loop3A_432 = arith.addf %parallel_loop3A_423, %parallel_loop3A_431 : vector<16xf32>
      %parallel_loop3A_433 = arith.index_cast %parallel_loop3A_379 : i32 to index
      %parallel_loop3A_434 = arith.constant 96 : index
      %parallel_loop3A_435 = tpu.vector_load %arg8[%parallel_loop3A_433, %parallel_loop3A_434] {strides = array<i32>} : memref<64x128xf32, #tpu.memory_space<vmem>>, vector<16xf32>,
      %parallel_loop3A_436 = arith.index_cast %parallel_loop3A_379 : i32 to index
      %parallel_loop3A_437 = arith.constant 96 : index
      %parallel_loop3A_438 = tpu.vector_load %arg10[%parallel_loop3A_436, %parallel_loop3A_437] {strides = array<i32>} : memref<64x128xf32, #tpu.memory_space<vmem>>, vector<16xf32>,
      %parallel_loop3A_439 = arith.subf %parallel_loop3A_435, %parallel_loop3A_438 : vector<16xf32>
      %parallel_loop3A_440 = arith.mulf %parallel_loop3A_439, %parallel_loop3A_439 : vector<16xf32>
      %parallel_loop3A_441 = arith.addf %parallel_loop3A_432, %parallel_loop3A_440 : vector<16xf32>
      %parallel_loop3A_442 = arith.index_cast %parallel_loop3A_379 : i32 to index
      %parallel_loop3A_443 = arith.constant 112 : index
      %parallel_loop3A_444 = tpu.vector_load %arg8[%parallel_loop3A_442, %parallel_loop3A_443] {strides = array<i32>} : memref<64x128xf32, #tpu.memory_space<vmem>>, vector<16xf32>,
      %parallel_loop3A_445 = arith.index_cast %parallel_loop3A_379 : i32 to index
      %parallel_loop3A_446 = arith.constant 112 : index
      %parallel_loop3A_447 = tpu.vector_load %arg10[%parallel_loop3A_445, %parallel_loop3A_446] {strides = array<i32>} : memref<64x128xf32, #tpu.memory_space<vmem>>, vector<16xf32>,
      %parallel_loop3A_448 = arith.subf %parallel_loop3A_444, %parallel_loop3A_447 : vector<16xf32>
      %parallel_loop3A_449 = arith.mulf %parallel_loop3A_448, %parallel_loop3A_448 : vector<16xf32>
      %parallel_loop3A_450 = arith.addf %parallel_loop3A_441, %parallel_loop3A_449 : vector<16xf32>
      %parallel_loop3A_451 = arith.constant true
      %parallel_loop3A_452 = vector.broadcast %parallel_loop3A_451 : i1 to vector<16xi1>
      %parallel_loop3A_453 = tpu.scan <sum>, %parallel_loop3A_450 masked %parallel_loop3A_452 : vector<16xf32>, vector<16xi1> -> vector<16xf32>
      %parallel_loop3A_454 = arith.constant 9.99999996E-13 : f32
      %parallel_loop3A_455 = arith.constant 9.99999995E+11 : f32
      %parallel_loop3A_456 = vector.broadcast %parallel_loop3A_454 : f32 to vector<16xf32>
      %parallel_loop3A_457 = arith.maximumf %parallel_loop3A_456, %parallel_loop3A_453 : vector<16xf32>
      %parallel_loop3A_458 = vector.broadcast %parallel_loop3A_455 : f32 to vector<16xf32>
      %parallel_loop3A_459 = arith.minimumf %parallel_loop3A_458, %parallel_loop3A_457 : vector<16xf32>
      %parallel_loop3A_460 = arith.addf %parallel_loop3A_377, %parallel_loop3A_459 : vector<16xf32>
      scf.yield %parallel_loop3A_460 : vector<16xf32>
    } {sc.loop_unroll_factor = 2 : i64, sc.parallel_access}
    %eq3A = arith.constant 15 : i32
    %eq3A_289 = vector.broadcast %eq3A : i32 to vector<16xi32>
    %eq3A_290 = arith.cmpi eq, %iota3A, %eq3A_289 : vector<16xi32>
    %jit3A = arith.constant 0.000000e+00 : f32
    %broadcast_in_dim3A_291 = vector.broadcast %jit3A : f32 to vector<16xf32>
    %select_n3A = arith.select %eq3A_290, %parallel_loop3A_288, %broadcast_in_dim3A_291 : vector<16xi1>, vector<16xf32>
    %swap3A = arith.constant 0 : index
    %swap3A_292 = tpu.vector_load %arg11[%swap3A] {strides = array<i32>} : memref<16xf32, #tpu.memory_space<vmem>>, vector<16xf32>,
    tpu.vector_store %arg11[%swap3A], %select_n3A {strides = array<i32>} : memref<16xf32, #tpu.memory_space<vmem>>, vector<16xf32>,
    "tpu.region"() ({
      %run_scoped3A = tpu.sem_alloc : memref<!tpu.dma_semaphore, #tpu.memory_space<semaphore_mem>>
      %dma_start3A_293 = arith.constant 0 : i32
      %dma_start3A_294 = tpu.memref_slice %arg5[%add3A, %dma_start3A_293] : memref<32x16xf32, #tpu.memory_space<hbm>> -> memref<1x16xf32, #tpu.memory_space<hbm>>
      %dma_start3A_295 = tpu.memref_squeeze %dma_start3A_294 : memref<1x16xf32, #tpu.memory_space<hbm>> -> memref<16xf32, #tpu.memory_space<hbm>>
      %dma_start3A_296 = arith.constant 0 : i32
      %dma_start3A_297 = tpu.memref_slice %arg5[%add3A, %dma_start3A_296] : memref<32x16xf32, #tpu.memory_space<hbm>> -> memref<1x16xf32, #tpu.memory_space<hbm>>
      %dma_start3A_298 = tpu.memref_squeeze %dma_start3A_297 : memref<1x16xf32, #tpu.memory_space<hbm>> -> memref<16xf32, #tpu.memory_space<hbm>>
      tpu.enqueue_dma source(%arg11 : memref<16xf32, #tpu.memory_space<vmem>>) target(%dma_start3A_298 : memref<16xf32, #tpu.memory_space<hbm>>) target_semaphore(%run_scoped3A : memref<!tpu.dma_semaphore, #tpu.memory_space<semaphore_mem>>)
      %dma_wait3A_299 = arith.constant 0 : i32
      %dma_wait3A_300 = tpu.memref_slice %arg5[%add3A, %dma_wait3A_299] : memref<32x16xf32, #tpu.memory_space<hbm>> -> memref<1x16xf32, #tpu.memory_space<hbm>>
      %dma_wait3A_301 = tpu.memref_squeeze %dma_wait3A_300 : memref<1x16xf32, #tpu.memory_space<hbm>> -> memref<16xf32, #tpu.memory_space<hbm>>
      %dma_wait3A_302 = arith.constant 0 : i32
      %dma_wait3A_303 = tpu.memref_slice %arg5[%add3A, %dma_wait3A_302] : memref<32x16xf32, #tpu.memory_space<hbm>> -> memref<1x16xf32, #tpu.memory_space<hbm>>
      %dma_wait3A_304 = tpu.memref_squeeze %dma_wait3A_303 : memref<1x16xf32, #tpu.memory_space<hbm>> -> memref<16xf32, #tpu.memory_space<hbm>>
      tpu.wait_dma2 semaphore(%run_scoped3A : memref<!tpu.dma_semaphore, #tpu.memory_space<semaphore_mem>>) src(%arg11 : memref<16xf32, #tpu.memory_space<vmem>>) dst(%dma_wait3A_304 : memref<16xf32, #tpu.memory_space<hbm>>)
      tpu.yield
    }) : () -> ()
    return
  }
}

</mosaic_0001>

<sc_bundles>
// kernel: kernel.3.cloned.1.call-start
scs
__scs_entry_jumppad:
0x0: {  	(pc) =	sbr.rel $0x88, $3  }
0x1: {  	(tag) =	ssettag $0x0;
	lr =	simm.s32 $0x1  }
0x2: {  	[smem:$0x3F9E] =	sst lr;
	_ =	strace $0xD0000000  }
0x3: {  	_ = 	snop  }
0x4: {  	_ = 	snop  }
0x5: {  	_ = 	snop  }
0x6: {  	_ = 	snop  }
0x7: {  	_ = 	snop  }
__scs_overlays_trampoline_lowered:
0x8: {  	[smem:$0x3FAD] =	sst s0  }
0x9: {  	[smem:$0x3FAE] =	sst s1  }
0xa: {  	[smem:$0x3FAF] =	sst s2  }
0xb: {  	[smem:$0x3FB0] =	sst s3  }
0xc: {  	[smem:$0x3FB1] =	sst s4  }
0xd: {  	[smem:$0x3FB2] =	sst s5  }
0xe: {  	[smem:$0x3FB3] =	sst s6  }
0xf: {  	[smem:$0x3FB4] =	sst s7  }
0x10: {  	[smem:$0x3FB5] =	sst s8  }
0x11: {  	[smem:$0x3FB6] =	sst s9;
	s0 =	simm.s32 @!p0 $0x0  }
0x12: {  	s1 =	sld [smem:$0x3F9C];
	s0 =	simm.s32 @p0 $0x1  }
0x13: {  	[smem:$0x3FB7] =	sst s0;
	s0 =	simm.s32 @!p1 $0x0  }
0x14: {  	s2 =	sld [smem:$0x3F9B];
	s0 =	simm.s32 @p1 $0x1  }
0x15: {  	[smem:$0x3FB8] =	sst s0;
	s0 =	simm.s32 @!p2 $0x0  }
0x16: {  	s3 =	sld [smem:$0x3FDB];
	s0 =	simm.s32 @p2 $0x1  }
0x17: {  	s4 =	simm.s32 $0x1BF5;
	[smem:$0x3FBA] =	sst s0  }
0x18: {  	s0 =	sld [smem:$0x3F9D];
	_ =	swait.ge [sflag:s4], $0x0  }
0x19: {  	s7 =	sld [smem:$0x3F9E]  }
0x1a: {  	s8 =	sadd.s32 $0xFFFFE003, lr  }
0x1b: {  	s9 =	sadd.s32 $0xFFFFFEF7, lr;
	s5 =	simm.s32 $0xFFFFFFFF;
	p2 =	slt.u32 s8, $0xFFFFF086  }
0x1c: {  	p1 =	slt.u32 s9, $0xF7A;
	s5 =	simm.s32 @!p2 $0x0  }
0x1d: {  	s5 =	simm.s32 @p1 $0x1;
	p0 =	seq.s32 s7, s2  }
0x1e: {  	s7 =	smul.u32 @!p0 $0xF7A, s2;
	p2 =	seq.s32 @!p0 s5, $0x0  }
0x1f: {  	s9 =	smul.u32 $0xF7A, s1;
	s8 =	simm.s32 @!p0 $0x1BF5;
	p2 =	por !p2, p0  }
0x20: {  	[sflag:s8] =	ssyncset.s32 @!p0 $0xFFFFF086;
	s6 =	sadd.s32 @!p0 s3, s7;
	s7 =	simm.s32 @!p0 $0x108  }
0x21: {  	s3 =	sadd.s32 s3, s9;
	s6 =	sadd.s32 @!p0 $0x88, s6;
	s7 =	simm.s32 @p2 $0x1082  }
0x22: {  	[simem:s7], [sflag:s8] =	dma.local @!p0 [hbm:s6], $0xF7A  }
0x23: {  	s9 =	sor.u32 $0xD0000000, s2;
	s6 =	simm.s32 $0x108;
	_ =	swait.ge @!p0 [sflag:s8], $0x0  }
0x24: {  	s3 =	sadd.s32 $0x88, s3;
	s6 =	simm.s32 @!p1 $0x1082;
	[sflag:s4] =	ssyncset.s32 $0xFFFFF086  }
0x25: {  	[simem:s6], [sflag:s4] =	dma.local [hbm:s3], $0xF7A  }
0x26: {  	[smem:$0x3F9E] =	sst s1;
	(tag) =	ssettag s2;
	_ =	strace s9  }
0x27: {  	s1 =	sld [smem:$0x3FAE]  }
0x28: {  	s2 =	sld [smem:$0x3FAF]  }
0x29: {  	s4 =	sld [smem:$0x3FB1]  }
0x2a: {  	p0 =	seq.s32 s5, $0x0;
	s5 =	sld [smem:$0x3FB2]  }
0x2b: {  	s6 =	sld [smem:$0x3FB3]  }
0x2c: {  	s7 =	sld [smem:$0x3FB4]  }
0x2d: {  	s3 =	simm.s32 $0x108;
	s8 =	sld [smem:$0x3FB5]  }
0x2e: {  	s3 =	simm.s32 @!p0 $0x1082;
	s9 =	sld [smem:$0x3FB6]  }
0x2f: {  	lr =	sadd.s32 s0, s3;
	s0 =	sld [smem:$0x3FAD]  }
0x30: {  	s3 =	sld [smem:$0x3FB0]  }
0x31: {  	[smem:$0x3FB9] =	sst s10  }
0x32: {  	s10 =	sld [smem:$0x3FB7];
	_ =	sdelay $0x3  }
0x33: {  	p0 =	seq.s32 s10, $0x1;
	s10 =	sld [smem:$0x3FB9];
	_ =	sdelay $0x3  }
0x34: {  	[smem:$0x3FB9] =	sst s10  }
0x35: {  	s10 =	sld [smem:$0x3FB8];
	_ =	sdelay $0x3  }
0x36: {  	p1 =	seq.s32 s10, $0x1;
	s10 =	sld [smem:$0x3FB9];
	_ =	sdelay $0x3  }
0x37: {  	[smem:$0x3FB9] =	sst s10  }
0x38: {  	s10 =	sld [smem:$0x3FBA]  }
0x39: {  	_ = 	snop;
	(pc) =	sbr.ind lr, $3  }
0x3a: {  	_ = 	snop  }
0x3b: {  	_ = 	snop  }
0x3c: {  	p2 =	seq.s32 s10, $0x1;
	s10 =	sld [smem:$0x3FB9]  }
0x3d: {  	_ =	shalt  }
0x3e: {  	_ =	shalt  }
0x3f: {  	_ =	shalt  }
0x40: {  	_ =	shalt  }
0x41: {  	_ =	shalt  }
0x42: {  	_ =	shalt  }
0x43: {  	_ =	shalt  }
0x44: {  	_ =	shalt  }
0x45: {  	_ =	shalt  }
0x46: {  	_ =	shalt  }
0x47: {  	_ =	shalt  }
0x48: {  	_ =	shalt  }
0x49: {  	_ =	shalt  }
0x4a: {  	_ =	shalt  }
0x4b: {  	_ =	shalt  }
0x4c: {  	_ =	shalt  }
0x4d: {  	_ =	shalt  }
0x4e: {  	_ =	shalt  }
0x4f: {  	_ =	shalt  }
0x50: {  	_ =	shalt  }
0x51: {  	_ =	shalt  }
0x52: {  	_ =	shalt  }
0x53: {  	_ =	shalt  }
0x54: {  	_ =	shalt  }
0x55: {  	_ =	shalt  }
0x56: {  	_ =	shalt  }
0x57: {  	_ =	shalt  }
0x58: {  	_ =	shalt  }
0x59: {  	_ =	shalt  }
0x5a: {  	_ =	shalt  }
0x5b: {  	_ =	shalt  }
0x5c: {  	_ =	shalt  }
0x5d: {  	_ =	shalt  }
0x5e: {  	_ =	shalt  }
0x5f: {  	_ =	shalt  }
0x60: {  	_ =	shalt  }
0x61: {  	_ =	shalt  }
0x62: {  	_ =	shalt  }
0x63: {  	_ =	shalt  }
0x64: {  	_ =	shalt  }
0x65: {  	_ =	shalt  }
0x66: {  	_ =	shalt  }
0x67: {  	_ =	shalt  }
0x68: {  	_ =	shalt  }
0x69: {  	_ =	shalt  }
0x6a: {  	_ =	shalt  }
0x6b: {  	_ =	shalt  }
0x6c: {  	_ =	shalt  }
0x6d: {  	_ =	shalt  }
0x6e: {  	_ =	shalt  }
0x6f: {  	_ =	shalt  }
0x70: {  	_ =	shalt  }
0x71: {  	_ =	shalt  }
0x72: {  	_ =	shalt  }
0x73: {  	_ =	shalt  }
0x74: {  	_ =	shalt  }
0x75: {  	_ =	shalt  }
0x76: {  	_ =	shalt  }
0x77: {  	_ =	shalt  }
0x78: {  	_ =	shalt  }
0x79: {  	_ =	shalt  }
0x7a: {  	_ =	shalt  }
0x7b: {  	_ =	shalt  }
0x7c: {  	_ =	shalt  }
0x7d: {  	_ =	shalt  }
0x7e: {  	_ =	shalt  }
0x7f: {  	_ =	shalt  }
0x80: {  	_ =	shalt  }
0x81: {  	_ =	shalt  }
0x82: {  	_ =	shalt  }
0x83: {  	_ =	shalt  }
0x84: {  	_ =	shalt  }
0x85: {  	_ =	shalt  }
0x86: {  	_ =	shalt  }
0x87: {  	_ =	shalt  }
.Lfunc_end0:
.L_simem_size_0:
called_computation_lowered:
.L_overlay_start_0:
0x88: {  	s2 =	sld [smem:$0x3FD9]  }
0x89: {  	s3 =	sld [smem:$0x3FFE];
	_ =	sdelay $0x1  }
0x8a: {  	s1 =	srdreg.scid  }
0x8b: {  	s0 =	sand.u32 $0x1, s1  }
0x8c: {  	s17 =	sshll.u32 s0, $0xA;
	s2 =	sadd.s32 s3, s2  }
0x8d: {  	s2 =	sadd.s32 s2, s17  }
0x8e: {  	[smem:$0x3FC5] =	sst s2  }
0x8f: {  	_ = 	snop  }
0x90: {  	s2 =	sld [smem:$0x3FC9]  }
0x91: {  	s18 =	sld [smem:$0x3FC8]  }
0x92: {  	s4 =	sld [smem:$0x3FC7];
	(tm) =	ssettm $0x1  }
0x93: {  	s5 =	sld [smem:$0x3FFB];
	_ =	sdelay $0x3  }
0x94: {  	_ =	strace s5  }
0x95: {  	s5 =	sld [smem:$0x3FFC];
	_ =	sdelay $0x3  }
0x96: {  	_ =	strace s5  }
0x97: {  	s5 =	sld [smem:$0x3FFD];
	_ =	sdelay $0x3  }
0x98: {  	_ =	strace s5  }
0x99: {  	_ =	strace $0x8FFFFFFF  }
0x9a: {  	s19 =	sld [smem:$0x3FDB];
	_ =	sdelay $0x1  }
0x9b: {  	s6 =	simm.s32 $_scs_section_size  }
0x9c: {  	s7 =	simm.s32 $_size__tile_overlayer_lowered;
	s8 =	simm.s32 $_tile_overlayer_lowered  }
0x9d: {  	s22 =	simm.s32 $0x1BFF;
	s21 =	sshll.u32 s8, $0x1;
	s5 =	sadd.s32 s6, s19  }
0x9e: {  	s9 =	simm.s32 $0x0;
	s20 =	sshll.u32 s7, $0x1;
	s7 =	sadd.s32 s21, s5  }
0x9f: {  	[timem:s9], [sflag:s22] =	dma.local [hbm:s7], s20  }
0xa0: {  	_ =	swait.ge [sflag:s22], s20  }
0xa1: {  	s6 =	ssub.s32 $0x0, s20;
	[sflag:s22] =	ssyncset.done $0x0  }
0xa2: {  	[sflag:s22] =	ssyncadd.s32 s6;
	_ =	sdelay $0x1  }
0xa3: {  	s23 =	simm.s32 $0x1B8B  }
0xa4: {  	_ =	swait.ge [sflag:s23], $0x1  }
0xa5: {  	[sflag:s23] =	ssyncset.done $0x0  }
0xa6: {  	s25 =	simm.s32 $0x1B8E;
	s24 =	sld [smem:$0x3FFE];
	[sflag:s23] =	ssyncadd.s32 $0xFFFFFFFF  }
0xa7: {  	s26 =	simm.s32 $execute0_lowered;
	[smem:$0x3FD2] =	sst s25  }
0xa8: {  	s7 =	sshll.u32 s26, $0x1;
	_ =	strace $0x80000046;
	[dreg:$0x1] =	wrdreg $0xFFFFFFFF  }
0xa9: {  	s28 =	simm.s32 $_size_execute0_lowered;
	s5 =	sadd.s32 s5, s7;
	[dreg:$0x0] =	wrdreg $0x0  }
0xaa: {  	s7 =	sshll.u32 s28, $0x1;
	[dreg:$0x2] =	wrdreg s5  }
0xab: {  	[dreg:$0x3] =	wrdreg s7  }
0xac: {  	[dreg:$0x4] =	wrdreg $0xC0  }
0xad: {  	_ =	task [dreg:s9], $0x5FFFF  }
0xae: {  	[dreg:$0x1] =	wrdreg $0xFFFFFFFF  }
0xaf: {  	[dreg:$0x0] =	wrdreg $0x60  }
0xb0: {  	[dreg:$0x2] =	wrdreg s2  }
0xb1: {  	[dreg:$0x3] =	wrdreg s18  }
0xb2: {  	[dreg:$0x4] =	wrdreg s4  }
0xb3: {  	[dreg:$0x5] =	wrdreg s24  }
0xb4: {  	[dreg:$0x6] =	wrdreg $0x9  }
0xb5: {  	_ =	task.clear_ibuf [dreg:s9], $0x7FFFF;
	_ =	strace $0x90000046  }
0xb6: {  	s29 =	simm.s32 $0x9;
	_ =	strace $0x80000048  }
0xb7: {  	_ =	swait.ge [sflag:s29], $0x1  }
0xb8: {  	[sflag:s29] =	ssyncadd.s32 $0xFFFFFFFF  }
0xb9: {  	_ =	strace $0x90000048  }
0xba: {  	_ =	sfence  }
0xbb: {  	s30 =	sld [smem:$0x0];
	_ =	sdelay $0x2  }
0xbc: {  	s31 =	sshll.u32 s1, $0xD;
	s1 =	sshrl.u32 s1, $0x2  }
0xbd: {  	s3 =	sand.u32 $0x4000, s31;
	s1 =	sadd.s32 s1, s30  }
0xbe: {  	s0 =	sor.u32 s3, s0;
	s1 =	sshll.u32 s1, $0x11  }
0xbf: {  	s0 =	sor.u32 s1, s0  }
0xc0: {  	s0 =	sadd.s32 $0x8F2B, s0  }
0xc1: {  	[sflag:s0] =	ssyncadd.remote.s32 $0x1  }
0xc2: {  	_ =	sfence.sel $0xFFFF  }
0xc3: {  	[dreg:$0x0] =	wrdreg $0xFFFFFFFF;
	(pc) =	sbr.abs _section_cstart, $3  }
0xc4: {  	[dreg:$0x1] =	wrdreg $0xFFFFFFFF  }
0xc5: {  	_ =	task.clear_ibuf [dreg:s9], $0x2FFFF;
	_ =	strace $0x9FFFFFFF  }
0xc6: {  	(tm) =	ssettm $0x7FFFFFFF  }
0xc7: {  	_ =	shalt  }
tec
execute0_lowered:
.L_overlay_start_1:
0x0: {  	(tag) =	ssettag $0x1  }
0x1: {  	s0 =	rddreg [dreg:$0x0]  }
0x2: {  	s1 =	rddreg [dreg:$0x1]  }
0x3: {  	s2 =	rddreg [dreg:$0x2]  }
0x4: {  	s13 =	rddreg [dreg:$0x3]  }
0x5: {  	s4 =	srdreg.scid;
	s5 =	stileid.u32  }
0x6: {  	s3 =	simm.s32 $0x0;
	s15 =	simm.s32 $0x5;
	s16 =	simm.s32 $0x40  }
0x7: {  	s17 =	simm.s32 $0x4200;
	s18 =	simm.s32 $0x200;
	s19 =	simm.s32 $0x6200  }
0x8: {  	s20 =	simm.s32 $0x2200;
	s21 =	simm.s32 $0x3;
	s22 =	simm.s32 $0x1  }
0x9: {  	s24 =	simm.s32 $0x4;
	s25 =	simm.s32 $0x2;
	s31 =	simm.s32 $0x1C0  }
0xa: {  	s4 =	sand.u32 $0x1, s4;
	s5 =	sshll.u32 s5, $0x1;
	[smem:$0x7FF] =	sst s3  }
0xb: {  	s12 =	sor.u32 s4, s5;
	_ =	strace $0x80000047;
	s26 =	ssub.s32 $0x2, s4  }
0xc: {  	s28 =	sshll.u32 s12, $0xD;
	s6 =	sshrl.u32 s26, $0x1;
	s7 =	sshll.u32 s12, $0x6  }
0xd: {  	s30 =	sshll.u32 s12, $0x4;
	s4 =	sadd.s32 s0, s28;
	s29 =	ssub.s32 s26, s6  }
0xe: {  	s5 =	sadd.s32 s1, s7;
	s13 =	sadd.s32 s13, s30;
	s0 =	simm.s32 $0x8200  }
0xf: {  	s1 =	simm.s32 $0x0;
	s6 =	sadd.s32 $0x400, s4;
	s7 =	sadd.s32 $0x800, s4  }
0x10: {  	s8 =	sadd.s32 $0xC00, s4;
	s9 =	sadd.s32 $0x1000, s4;
	s10 =	sadd.s32 $0x1400, s4  }
0x11: {  	vm0 =	vmmov $0x7fff;
	s11 =	sadd.s32 $0x1800, s4;
	s12 =	sadd.s32 $0x1C00, s4;
	s14 =	smax.u32 s29, $0x1  }
.LBB2_1:
0x12: {  	[tilespmem:s3], [sflag:$0x5] =	stream.linear.gather [hbm4b:s5+s3], $0x200, $0x38;
	[tilespmem:$0x8280] =	vst v63  }
0x13: {  	_ =	swait.ge [sflag:s15], $0x200  }
0x14: {  	[sflag:s15] =	ssyncset.done $0x0  }
0x15: {  	[sflag:s15] =	ssyncadd.s32 $0xFFFFFE00  }
0x16: {  	[tilespmem:s17], [sflag:$0x3] =	stream.indirect.gather [hbm4b:s2+s16], $0x80, s3, s16, $0xb8;
	[tilespmem:$0x8280] =	vst v63  }
0x17: {  	_ = 	snop  }
0x18: {  	[tilespmem:s18], [sflag:$0x1] =	stream.linear.gather [hbm4b:s4+s3], $0x2000, $0x38;
	[tilespmem:$0x8280] =	vst v63  }
0x19: {  	_ = 	snop  }
0x1a: {  	[tilespmem:s19], [sflag:$0x4] =	stream.indirect.gather [hbm4b:s2+s16], $0x80, s16, s16, $0xb8;
	[tilespmem:$0x8280] =	vst v63  }
0x1b: {  	_ = 	snop  }
0x1c: {  	[tilespmem:s20], [sflag:$0x2] =	stream.linear.gather [hbm4b:s6+s3], $0x2000, $0x38;
	[tilespmem:$0x8280] =	vst v63  }
0x1d: {  	_ =	swait.ge [sflag:s21], $0x2000  }
0x1e: {  	[sflag:s21] =	ssyncset.done $0x0  }
0x1f: {  	[sflag:s21] =	ssyncadd.s32 $0xFFFFE000  }
0x20: {  	_ =	swait.ge [sflag:s22], $0x2000  }
0x21: {  	[sflag:s22] =	ssyncset.done $0x0  }
0x22: {  	s23 =	simm.s32 $0x300;
	[sflag:s22] =	ssyncadd.s32 $0xFFFFE000  }
0x23: {  	s26 =	simm.s32 $0x4300;
	v0 =	vld [tilespmem:s23+$0xF0]  }
0x24: {  	v1 =	vld [tilespmem:s26+$0xF0]  }
0x25: {  	v3 =	vld [tilespmem:s23+$0xE0]  }
0x26: {  	v4 =	vld [tilespmem:s26+$0xE0]  }
0x27: {  	v2 =	vld [tilespmem:s23+$0xFFFFFFF0]  }
0x28: {  	v5 =	vld [tilespmem:s26+$0xFFFFFFF0]  }
0x29: {  	v6 =	vld [tilespmem:s23+$0xD0]  }
0x2a: {  	v8 =	vld [tilespmem:s26+$0xD0]  }
0x2b: {  	v9 =	vld [tilespmem:s23+$0xFFFFFF70]  }
0x2c: {  	v10 =	vld [tilespmem:s26+$0xFFFFFF70]  }
0x2d: {  	v11 =	vld [tilespmem:s23+$0xFFFFFFE0]  }
0x2e: {  	v12 =	vld [tilespmem:s26+$0xFFFFFFE0]  }
0x2f: {  	v14 =	vld [tilespmem:s23+$0x50]  }
0x30: {  	v15 =	vld [tilespmem:s26+$0x50]  }
0x31: {  	v16 =	vld [tilespmem:s23+$0xC0]  }
0x32: {  	v17 =	vld [tilespmem:s26+$0xC0]  }
0x33: {  	v18 =	vld [tilespmem:s23+$0xFFFFFF60]  }
0x34: {  	v20 =	vld [tilespmem:s26+$0xFFFFFF60]  }
0x35: {  	v21 =	vld [tilespmem:s23+$0xFFFFFFD0]  }
0x36: {  	v22 =	vld [tilespmem:s26+$0xFFFFFFD0]  }
0x37: {  	v23 =	vld [tilespmem:s23+$0x40]  }
0x38: {  	v24 =	vld [tilespmem:s26+$0x40]  }
0x39: {  	v25 =	vld [tilespmem:s23+$0xB0]  }
0x3a: {  	v26 =	vld [tilespmem:s26+$0xB0]  }
0x3b: {  	v27 =	vld [tilespmem:s23+$0xFFFFFF50]  }
0x3c: {  	v28 =	vld [tilespmem:s26+$0xFFFFFF50]  }
0x3d: {  	v29 =	vld [tilespmem:s23+$0xFFFFFFC0]  }
0x3e: {  	v30 =	vld [tilespmem:s26+$0xFFFFFFC0]  }
0x3f: {  	v31 =	vld [tilespmem:s23+$0x30]  }
0x40: {  	v32 =	vld [tilespmem:s26+$0x30]  }
0x41: {  	v33 =	vld [tilespmem:s23+$0xA0]  }
0x42: {  	v34 =	vld [tilespmem:s26+$0xA0]  }
0x43: {  	v35 =	vld [tilespmem:s23+$0xFFFFFF40]  }
0x44: {  	v36 =	vld [tilespmem:s26+$0xFFFFFF40]  }
0x45: {  	v37 =	vld [tilespmem:s23+$0xFFFFFFB0]  }
0x46: {  	v38 =	vld [tilespmem:s26+$0xFFFFFFB0]  }
0x47: {  	v39 =	vld [tilespmem:s23+$0x20]  }
0x48: {  	v40 =	vld [tilespmem:s26+$0x20]  }
0x49: {  	v41 =	vld [tilespmem:s23+$0x80]  }
0x4a: {  	v42 =	vld [tilespmem:s26+$0x80]  }
0x4b: {  	v43 =	vld [tilespmem:s23+$0x90]  }
0x4c: {  	v44 =	vld [tilespmem:s26+$0x90]  }
0x4d: {  	v45 =	vld [tilespmem:s23+$0xFFFFFF30]  }
0x4e: {  	v46 =	vld [tilespmem:s26+$0xFFFFFF30]  }
0x4f: {  	v47 =	vld [tilespmem:s23+$0xFFFFFFA0]  }
0x50: {  	v48 =	vld [tilespmem:s26+$0xFFFFFFA0]  }
0x51: {  	v49 =	vld [tilespmem:s23+$0x0]  }
0x52: {  	v51 =	vld [tilespmem:s26+$0x0];
	v50 =	vsub.f32 v0, v1  }
0x53: {  	v52 =	vld [tilespmem:s23+$0x10];
	v2 =	vsub.f32 v2, v5;
	v7 =	vsub.f32 v3, v4  }
0x54: {  	v53 =	vld [tilespmem:s26+$0xFFFFFF20];
	v1 =	vsub.f32 v9, v10;
	v19 =	vsub.f32 v6, v8  }
0x55: {  	v54 =	vld [tilespmem:s23+$0xFFFFFF80];
	v13 =	vsub.f32 v11, v12;
	v3 =	vsub.f32 v14, v15  }
0x56: {  	v61 =	vld [tilespmem:s26+$0xFFFFFF90];
	v4 =	vsub.f32 v18, v20;
	v10 =	vsub.f32 v16, v17  }
0x57: {  	v6 =	vld [tilespmem:s26+$0x10];
	v11 =	vsub.f32 v21, v22;
	v5 =	vsub.f32 v23, v24  }
0x58: {  	v15 =	vld [tilespmem:s23+$0xFFFFFF20];
	v8 =	vsub.f32 v27, v28;
	v20 =	vsub.f32 v25, v26  }
0x59: {  	v28 =	vld [tilespmem:s26+$0xFFFFFF80];
	v14 =	vsub.f32 v29, v30;
	v9 =	vsub.f32 v31, v32  }
0x5a: {  	v31 =	vld [tilespmem:s23+$0xFFFFFF90];
	v12 =	vsub.f32 v35, v36;
	v25 =	vsub.f32 v33, v34  }
0x5b: {  	v18 =	vsub.f32 v37, v38;
	v17 =	vsub.f32 v39, v40;
	v27 =	vld [tilespmem:s23+$0xFFFFFF00]  }
0x5c: {  	v62 =	vsub.f32 v41, v42;
	v63 =	vsub.f32 v43, v44;
	v29 =	vld [tilespmem:s26+$0xFFFFFF00]  }
0x5d: {  	v16 =	vsub.f32 v45, v46;
	v24 =	vsub.f32 v47, v48;
	v26 =	vld [tilespmem:s23+$0xFFFFFF10]  }
0x5e: {  	v0 =	vimm.f32 $0.0e+00;
	v21 =	vsub.f32 v49, v51;
	v30 =	vsub.f32 v54, v28;
	v28 =	vld [tilespmem:s26+$0xFFFFFF10]  }
0x5f: {  	v32 =	vmul.f32 v62, v62;
	v33 =	vmul.f32 v63, v63;
	v22 =	vsub.f32 v52, v6  }
0x60: {  	s29 =	simm.s32 $0x0;
	s30 =	simm.s32 $0x500;
	s28 =	simm.s32 $0x4300;
	v23 =	vsub.f32 v15, v53;
	v15 =	vmul.f32 v50, v50;
	v31 =	vsub.f32 v31, v61  }
.LBB2_2:
0x61: {  	v6 =	vld [tilespmem:s30+$0xF0];
	v27 =	vsub.f32 v27, v29;
	v19 =	vmul.f32 v19, v19;
	v29 =	vmul.f32 v7, v7;
	s26 =	sadd.s32 $0x200, s26  }
0x62: {  	v34 =	vmul.f32 v13, v13;
	v25 =	vmul.f32 v25, v25;
	v7 =	vld [tilespmem:s26+$0xF0];
	v13 =	vadd.f32 v33, v32  }
0x63: {  	v26 =	vsub.f32 v26, v28;
	v28 =	vmul.f32 v30, v30;
	v30 =	vmul.f32 v31, v31;
	v31 =	vld [tilespmem:s23+$0x70]  }
0x64: {  	v20 =	vmul.f32 v20, v20;
	v32 =	vld [tilespmem:s28+$0x70];
	v13 =	vadd.f32 v25, v13;
	v25 =	vmul.f32 v10, v10  }
0x65: {  	v24 =	vmul.f32 v24, v24;
	v10 =	vld [tilespmem:s30+$0xE0];
	v28 =	vadd.f32 v30, v28;
	v30 =	vmul.f32 v11, v11  }
0x66: {  	v27 =	vmul.f32 v27, v27;
	v26 =	vmul.f32 v26, v26;
	v11 =	vld [tilespmem:s26+$0xE0];
	v20 =	vadd.f32 v20, v13  }
0x67: {  	v18 =	vmul.f32 v18, v18;
	v13 =	vld [tilespmem:s30+$0xFFFFFFF0];
	v24 =	vadd.f32 v24, v28;
	v28 =	vmul.f32 v14, v14  }
0x68: {  	v23 =	vmul.f32 v23, v23;
	v26 =	vadd.f32 v26, v27;
	v14 =	vld [tilespmem:s26+$0xFFFFFFF0];
	v20 =	vadd.f32 v25, v20  }
0x69: {  	v21 =	vmul.f32 v21, v21;
	v22 =	vmul.f32 v22, v22;
	v18 =	vadd.f32 v18, v24;
	v24 =	vld [tilespmem:s23+$0x60];
	s23 =	smov.u32 s30  }
0x6a: {  	v25 =	vmul.f32 v16, v16;
	v23 =	vadd.f32 v23, v26;
	v26 =	vld [tilespmem:s28+$0x60];
	v19 =	vadd.f32 v19, v20;
	s28 =	smov.u32 s26  }
0x6b: {  	v20 =	vadd.f32 v22, v21;
	v21 =	vmul.f32 v17, v17;
	v16 =	vld [tilespmem:s30+$0xD0];
	v18 =	vadd.f32 v28, v18  }
0x6c: {  	v22 =	vadd.f32 v25, v23;
	v23 =	vmul.f32 v12, v12;
	v17 =	vld [tilespmem:s26+$0xD0];
	v19 =	vadd.f32 v29, v19  }
0x6d: {  	v8 =	vmul.f32 v8, v8;
	v20 =	vadd.f32 v21, v20;
	v12 =	vld [tilespmem:s30+$0xFFFFFF70];
	v18 =	vadd.f32 v30, v18  }
0x6e: {  	v9 =	vmul.f32 v9, v9;
	v22 =	vadd.f32 v23, v22;
	v21 =	vld [tilespmem:s26+$0xFFFFFF70];
	v15 =	vadd.f32 v15, v19  }
0x6f: {  	v4 =	vmul.f32 v4, v4;
	v2 =	vmul.f32 v2, v2;
	v23 =	vld [tilespmem:s30+$0xFFFFFFE0];
	v18 =	vadd.f32 v34, v18  }
0x70: {  	v5 =	vmul.f32 v5, v5;
	v9 =	vadd.f32 v9, v20;
	v8 =	vadd.f32 v8, v22;
	v25 =	vld [tilespmem:s26+$0xFFFFFFE0];
	(xrf2) =	vadd.scan.msk.f32 $0xffff, v15  }
0x71: {  	v1 =	vmul.f32 v1, v1;
	v15 =	vld [tilespmem:s30+$0x50];
	v2 =	vadd.f32 v2, v18;
	v18 =	vsub.f32 v24, v26  }
0x72: {  	v3 =	vmul.f32 v3, v3;
	v5 =	vadd.f32 v5, v9;
	v4 =	vadd.f32 v4, v8;
	v20 =	vld [tilespmem:s26+$0x50]  }
0x73: {  	v9 =	vsub.f32 v31, v32;
	v8 =	vld [tilespmem:s30+$0xC0];
	(xrf2) =	vadd.scan.msk.f32 $0xffff, v2  }
0x74: {  	v1 =	vadd.f32 v1, v4;
	v2 =	vadd.f32 v3, v5;
	v3 =	vmul.f32 v18, v18;
	v22 =	vld [tilespmem:s26+$0xC0]  }
0x75: {  	v4 =	vld [tilespmem:s30+$0xFFFFFF60]  }
0x76: {  	v2 =	vadd.f32 v3, v2;
	v3 =	vmul.f32 v9, v9;
	v5 =	vld [tilespmem:s26+$0xFFFFFF60];
	(xrf2) =	vadd.scan.msk.f32 $0xffff, v1  }
0x77: {  	v9 =	vld [tilespmem:s30+$0xFFFFFFD0]  }
0x78: {  	v2 =	vadd.f32 v3, v2;
	v18 =	vld [tilespmem:s26+$0xFFFFFFD0]  }
0x79: {  	v24 =	vld [tilespmem:s30+$0x40]  }
0x7a: {  	v26 =	vld [tilespmem:s26+$0x40];
	(xrf2) =	vadd.scan.msk.f32 $0xffff, v2;
	v1, _, _ =	vpop (xrf2)  }
0x7b: {  	v27 =	vld [tilespmem:s30+$0xB0]  }
0x7c: {  	v28 =	vld [tilespmem:s26+$0xB0]  }
0x7d: {  	v29 =	vld [tilespmem:s30+$0xFFFFFF50];
	v2, _, _ =	vpop (xrf2)  }
0x7e: {  	v30 =	vld [tilespmem:s26+$0xFFFFFF50]  }
0x7f: {  	v31 =	vld [tilespmem:s30+$0xFFFFFFC0]  }
0x80: {  	v32 =	vld [tilespmem:s26+$0xFFFFFFC0];
	v3, _, _ =	vpop (xrf2)  }
0x81: {  	v33 =	vld [tilespmem:s30+$0x30];
	v3 =	vmax.f32 v3, $9.999999960e-13  }
0x82: {  	v34 =	vld [tilespmem:s26+$0x30];
	v19 =	vmin.f32 v3, $9.999999950e+11  }
0x83: {  	v2 =	vmax.f32 v2, $9.999999960e-13;
	v35 =	vld [tilespmem:s30+$0xA0];
	v0 =	vadd.f32 v19, v0  }
0x84: {  	v2 =	vmin.f32 v2, $9.999999950e+11;
	v36 =	vld [tilespmem:s26+$0xA0];
	v3, _, _ =	vpop (xrf2)  }
0x85: {  	v37 =	vld [tilespmem:s30+$0xFFFFFF40];
	v0 =	vadd.f32 v2, v0;
	v2 =	vmax.f32 v3, $9.999999960e-13  }
0x86: {  	v38 =	vld [tilespmem:s26+$0xFFFFFF40];
	v2 =	vmin.f32 v2, $9.999999950e+11  }
0x87: {  	v1 =	vmax.f32 v1, $9.999999960e-13;
	v39 =	vld [tilespmem:s30+$0xFFFFFFB0];
	v0 =	vadd.f32 v2, v0  }
0x88: {  	v1 =	vmin.f32 v1, $9.999999950e+11;
	v40 =	vld [tilespmem:s26+$0xFFFFFFB0]  }
0x89: {  	v41 =	vld [tilespmem:s30+$0x20];
	v0 =	vadd.f32 v1, v0  }
0x8a: {  	v42 =	vld [tilespmem:s26+$0x20]  }
0x8b: {  	v43 =	vld [tilespmem:s30+$0x80]  }
0x8c: {  	v44 =	vld [tilespmem:s26+$0x80]  }
0x8d: {  	v45 =	vld [tilespmem:s30+$0x90]  }
0x8e: {  	v46 =	vld [tilespmem:s26+$0x90]  }
0x8f: {  	v47 =	vld [tilespmem:s30+$0xFFFFFF30]  }
0x90: {  	v48 =	vld [tilespmem:s26+$0xFFFFFF30]  }
0x91: {  	v49 =	vld [tilespmem:s30+$0xFFFFFFA0]  }
0x92: {  	v50 =	vld [tilespmem:s26+$0xFFFFFFA0]  }
0x93: {  	v51 =	vld [tilespmem:s30+$0x0]  }
0x94: {  	v6 =	vsub.f32 v6, v7;
	v52 =	vld [tilespmem:s26+$0x0]  }
0x95: {  	v7 =	vsub.f32 v10, v11;
	v2 =	vsub.f32 v13, v14;
	v53 =	vld [tilespmem:s30+$0x10]  }
0x96: {  	v19 =	vsub.f32 v16, v17;
	v1 =	vsub.f32 v12, v21;
	v54 =	vld [tilespmem:s26+$0x10]  }
0x97: {  	v3 =	vsub.f32 v15, v20;
	v13 =	vsub.f32 v23, v25;
	v55 =	vld [tilespmem:s30+$0xFFFFFF20]  }
0x98: {  	v10 =	vsub.f32 v8, v22;
	v4 =	vsub.f32 v4, v5;
	v15 =	vld [tilespmem:s26+$0xFFFFFF20]  }
0x99: {  	v11 =	vsub.f32 v9, v18;
	v5 =	vsub.f32 v24, v26;
	v56 =	vld [tilespmem:s30+$0xFFFFFF80]  }
0x9a: {  	v8 =	vsub.f32 v29, v30;
	v20 =	vsub.f32 v27, v28;
	v30 =	vld [tilespmem:s26+$0xFFFFFF80]  }
0x9b: {  	v14 =	vsub.f32 v31, v32;
	v9 =	vsub.f32 v33, v34;
	v57 =	vld [tilespmem:s30+$0xFFFFFF90]  }
0x9c: {  	s29 =	sadd.s32 $0x4, s29;
	v25 =	vsub.f32 v35, v36;
	v12 =	vsub.f32 v37, v38;
	v31 =	vld [tilespmem:s26+$0xFFFFFF90]  }
0x9d: {  	p0 =	slt.u32 s29, $0x3C;
	v18 =	vsub.f32 v39, v40;
	v17 =	vsub.f32 v41, v42;
	v27 =	vld [tilespmem:s30+$0xFFFFFF00]  }
.Ltmp0:
0x9e: {  	v32 =	vsub.f32 v43, v44;
	v33 =	vsub.f32 v45, v46;
	v29 =	vld [tilespmem:s26+$0xFFFFFF00];
	(pc) =	sbr.rel @p0 .LBB2_2-.Ltmp0, $4  }
0x9f: {  	v16 =	vsub.f32 v47, v48;
	v24 =	vsub.f32 v49, v50;
	v26 =	vld [tilespmem:s30+$0xFFFFFF10]  }
0xa0: {  	v21 =	vsub.f32 v51, v52;
	v22 =	vsub.f32 v53, v54;
	v28 =	vld [tilespmem:s26+$0xFFFFFF10]  }
0xa1: {  	v23 =	vsub.f32 v55, v15;
	v15 =	vmul.f32 v6, v6;
	v30 =	vsub.f32 v56, v30  }
0xa2: {  	v32 =	vmul.f32 v32, v32;
	v33 =	vmul.f32 v33, v33;
	s30 =	sadd.s32 $0x200, s30;
	v31 =	vsub.f32 v57, v31  }
0xa3: {  	v6 =	vmul.f32 v19, v19  }
0xa4: {  	v7 =	vmul.f32 v7, v7;
	v13 =	vmul.f32 v13, v13  }
0xa5: {  	v19 =	vsub.f32 v27, v29;
	v25 =	vmul.f32 v25, v25;
	v29 =	vmul.f32 v30, v30  }
0xa6: {  	v20 =	vmul.f32 v20, v20;
	v10 =	vmul.f32 v10, v10  }
0xa7: {  	v24 =	vmul.f32 v24, v24;
	v11 =	vmul.f32 v11, v11;
	v27 =	vadd.f32 v33, v32  }
0xa8: {  	v18 =	vmul.f32 v18, v18;
	v30 =	vmul.f32 v31, v31;
	v26 =	vsub.f32 v26, v28  }
0xa9: {  	v14 =	vmul.f32 v14, v14;
	v21 =	vmul.f32 v21, v21;
	v25 =	vadd.f32 v25, v27  }
0xaa: {  	v19 =	vmul.f32 v19, v19;
	v27 =	vadd.f32 v30, v29;
	v26 =	vmul.f32 v26, v26  }
0xab: {  	v22 =	vmul.f32 v22, v22;
	v23 =	vmul.f32 v23, v23;
	v20 =	vadd.f32 v20, v25  }
0xac: {  	v17 =	vmul.f32 v17, v17;
	v24 =	vadd.f32 v24, v27;
	v19 =	vadd.f32 v26, v19  }
0xad: {  	v16 =	vmul.f32 v16, v16;
	v21 =	vadd.f32 v22, v21;
	v22 =	vld [tilespmem:s28+$0x60];
	v10 =	vadd.f32 v10, v20  }
0xae: {  	v9 =	vmul.f32 v9, v9;
	v18 =	vadd.f32 v18, v24;
	v20 =	vld [tilespmem:s23+$0x60];
	v19 =	vadd.f32 v23, v19  }
0xaf: {  	v12 =	vmul.f32 v12, v12;
	v17 =	vadd.f32 v17, v21;
	v6 =	vadd.f32 v6, v10;
	v10 =	vld [tilespmem:s23+$0x70]  }
0xb0: {  	v5 =	vmul.f32 v5, v5;
	v14 =	vadd.f32 v14, v18;
	v18 =	vld [tilespmem:s28+$0x70];
	v16 =	vadd.f32 v16, v19  }
0xb1: {  	v6 =	vadd.f32 v7, v6;
	v7 =	vmul.f32 v8, v8;
	v8 =	vadd.f32 v9, v17  }
0xb2: {  	v4 =	vmul.f32 v4, v4;
	v9 =	vadd.f32 v11, v14;
	v11 =	vadd.f32 v12, v16  }
0xb3: {  	v3 =	vmul.f32 v3, v3;
	v12 =	vsub.f32 v20, v22;
	v5 =	vadd.f32 v5, v8  }
0xb4: {  	v2 =	vmul.f32 v2, v2;
	v8 =	vadd.f32 v13, v9;
	v7 =	vadd.f32 v7, v11  }
0xb5: {  	v9 =	vsub.f32 v10, v18;
	v3 =	vadd.f32 v3, v5;
	v5 =	vmul.f32 v12, v12  }
0xb6: {  	v1 =	vmul.f32 v1, v1;
	v6 =	vadd.f32 v15, v6;
	v4 =	vadd.f32 v4, v7  }
0xb7: {  	v2 =	vadd.f32 v2, v8;
	v3 =	vadd.f32 v5, v3;
	v5 =	vmul.f32 v9, v9  }
0xb8: {  	(xrf2) =	vadd.scan.msk.f32 $0xffff, v6;
	v1 =	vadd.f32 v1, v4  }
0xb9: {  	(xrf2) =	vadd.scan.msk.f32 $0xffff, v2;
	v2 =	vadd.f32 v5, v3  }
0xba: {  	(xrf2) =	vadd.scan.msk.f32 $0xffff, v1  }
0xbb: {  	(xrf2) =	vadd.scan.msk.f32 $0xffff, v2;
	_ =	sdelay $0x6  }
0xbc: {  	s26 =	simm.s32 $0x80;
	v1, _, _ =	vpop (xrf2)  }
0xbd: {  	[tilespmem:s17], [sflag:$0x3] =	stream.indirect.gather [hbm4b:s2+s16], $0x80, s26, s16, $0xb8;
	v2, _, _ =	vpop (xrf2);
	[tilespmem:$0x8280] =	vst v63  }
0xbe: {  	v3, _, _ =	vpop (xrf2)  }
0xbf: {  	[tilespmem:s18], [sflag:$0x1] =	stream.linear.gather [hbm4b:s7+s3], $0x2000, $0x38;
	v4, _, _ =	vpop (xrf2);
	[tilespmem:$0x8280] =	vst v63  }
0xc0: {  	_ =	swait.ge [sflag:s24], $0x2000  }
0xc1: {  	[sflag:s24] =	ssyncset.done $0x0  }
0xc2: {  	[sflag:s24] =	ssyncadd.s32 $0xFFFFE000  }
0xc3: {  	_ =	swait.ge [sflag:s25], $0x2000  }
0xc4: {  	[sflag:s25] =	ssyncset.done $0x0  }
0xc5: {  	s23 =	simm.s32 $0x2300;
	[sflag:s25] =	ssyncadd.s32 $0xFFFFE000  }
0xc6: {  	s26 =	simm.s32 $0x6300;
	v5 =	vld [tilespmem:s23+$0xF0]  }
0xc7: {  	v6 =	vld [tilespmem:s26+$0xF0]  }
0xc8: {  	v7 =	vld [tilespmem:s23+$0xE0]  }
0xc9: {  	v8 =	vld [tilespmem:s26+$0xE0]  }
0xca: {  	v9 =	vld [tilespmem:s23+$0xFFFFFFF0]  }
0xcb: {  	v10 =	vld [tilespmem:s26+$0xFFFFFFF0]  }
0xcc: {  	v11 =	vld [tilespmem:s23+$0xD0]  }
0xcd: {  	v12 =	vld [tilespmem:s26+$0xD0]  }
0xce: {  	v13 =	vld [tilespmem:s23+$0xFFFFFF70]  }
0xcf: {  	v14 =	vld [tilespmem:s26+$0xFFFFFF70]  }
0xd0: {  	v15 =	vld [tilespmem:s23+$0xFFFFFFE0]  }
0xd1: {  	v16 =	vld [tilespmem:s26+$0xFFFFFFE0]  }
0xd2: {  	v17 =	vld [tilespmem:s23+$0x50]  }
0xd3: {  	v18 =	vld [tilespmem:s26+$0x50]  }
0xd4: {  	v20 =	vld [tilespmem:s23+$0xC0]  }
0xd5: {  	v21 =	vld [tilespmem:s26+$0xC0]  }
0xd6: {  	v22 =	vld [tilespmem:s23+$0xFFFFFF60]  }
0xd7: {  	v23 =	vld [tilespmem:s26+$0xFFFFFF60]  }
0xd8: {  	v24 =	vld [tilespmem:s23+$0xFFFFFFD0]  }
0xd9: {  	v25 =	vld [tilespmem:s26+$0xFFFFFFD0]  }
0xda: {  	v26 =	vld [tilespmem:s23+$0x40]  }
0xdb: {  	v27 =	vld [tilespmem:s26+$0x40]  }
0xdc: {  	v28 =	vld [tilespmem:s23+$0xB0]  }
0xdd: {  	v29 =	vld [tilespmem:s26+$0xB0]  }
0xde: {  	v30 =	vld [tilespmem:s23+$0xFFFFFF50]  }
0xdf: {  	v31 =	vld [tilespmem:s26+$0xFFFFFF50]  }
0xe0: {  	v63 =	vld [tilespmem:s23+$0xFFFFFFC0]  }
0xe1: {  	v60 =	vld [tilespmem:s26+$0xFFFFFFC0]  }
0xe2: {  	v34 =	vld [tilespmem:s23+$0x30]  }
0xe3: {  	v35 =	vld [tilespmem:s26+$0x30]  }
0xe4: {  	v36 =	vld [tilespmem:s23+$0xA0]  }
0xe5: {  	v37 =	vld [tilespmem:s26+$0xA0]  }
0xe6: {  	v38 =	vld [tilespmem:s23+$0xFFFFFF40]  }
0xe7: {  	v39 =	vld [tilespmem:s26+$0xFFFFFF40]  }
0xe8: {  	v40 =	vld [tilespmem:s23+$0xFFFFFFB0]  }
0xe9: {  	v41 =	vld [tilespmem:s26+$0xFFFFFFB0]  }
0xea: {  	v42 =	vld [tilespmem:s23+$0x20]  }
0xeb: {  	v43 =	vld [tilespmem:s26+$0x20]  }
0xec: {  	v44 =	vld [tilespmem:s23+$0x80]  }
0xed: {  	v3 =	vmax.f32 v3, $9.999999960e-13;
	v45 =	vld [tilespmem:s26+$0x80]  }
0xee: {  	v3 =	vmin.f32 v3, $9.999999950e+11;
	v46 =	vld [tilespmem:s23+$0x90]  }
0xef: {  	v2 =	vmax.f32 v2, $9.999999960e-13;
	v0 =	vadd.f32 v3, v0;
	v47 =	vld [tilespmem:s26+$0x90]  }
0xf0: {  	v2 =	vmin.f32 v2, $9.999999950e+11;
	v48 =	vld [tilespmem:s23+$0xFFFFFF30]  }
0xf1: {  	v0 =	vadd.f32 v2, v0;
	v2 =	vmax.f32 v4, $9.999999960e-13;
	v49 =	vld [tilespmem:s26+$0xFFFFFF30]  }
0xf2: {  	v2 =	vmin.f32 v2, $9.999999950e+11;
	v50 =	vld [tilespmem:s23+$0xFFFFFFA0]  }
0xf3: {  	v1 =	vmax.f32 v1, $9.999999960e-13;
	v0 =	vadd.f32 v2, v0;
	v51 =	vld [tilespmem:s26+$0xFFFFFFA0]  }
0xf4: {  	v1 =	vmin.f32 v1, $9.999999950e+11;
	v52 =	vld [tilespmem:s23+$0x0]  }
0xf5: {  	v53 =	vld [tilespmem:s26+$0x0];
	v0 =	vadd.f32 v1, v0;
	v6 =	vsub.f32 v5, v6  }
0xf6: {  	v54 =	vld [tilespmem:s23+$0x10];
	v2 =	vsub.f32 v9, v10;
	v7 =	vsub.f32 v7, v8  }
0xf7: {  	v55 =	vld [tilespmem:s26+$0x10];
	v1 =	vsub.f32 v13, v14;
	v19 =	vsub.f32 v11, v12  }
0xf8: {  	v56 =	vld [tilespmem:s23+$0xFFFFFF80];
	v13 =	vsub.f32 v15, v16;
	v3 =	vsub.f32 v17, v18  }
0xf9: {  	v61 =	vld [tilespmem:s26+$0xFFFFFF90];
	v4 =	vsub.f32 v22, v23;
	v9 =	vsub.f32 v20, v21  }
0xfa: {  	v15 =	vld [tilespmem:s23+$0xFFFFFF20];
	v11 =	vsub.f32 v24, v25;
	v5 =	vsub.f32 v26, v27  }
0xfb: {  	v23 =	vld [tilespmem:s26+$0xFFFFFF20];
	v8 =	vsub.f32 v30, v31;
	v20 =	vsub.f32 v28, v29  }
0xfc: {  	v28 =	vld [tilespmem:s26+$0xFFFFFF80];
	v14 =	vsub.f32 v63, v60;
	v10 =	vsub.f32 v34, v35  }
0xfd: {  	v31 =	vld [tilespmem:s23+$0xFFFFFF90];
	v12 =	vsub.f32 v38, v39;
	v25 =	vsub.f32 v36, v37  }
0xfe: {  	v18 =	vsub.f32 v40, v41;
	v17 =	vsub.f32 v42, v43;
	v27 =	vld [tilespmem:s23+$0xFFFFFF00]  }
0xff: {  	v62 =	vsub.f32 v44, v45;
	v63 =	vsub.f32 v46, v47;
	v29 =	vld [tilespmem:s26+$0xFFFFFF00]  }
0x100: {  	v16 =	vsub.f32 v48, v49;
	v24 =	vsub.f32 v50, v51;
	v26 =	vld [tilespmem:s23+$0xFFFFFF10]  }
0x101: {  	v21 =	vsub.f32 v52, v53;
	v30 =	vsub.f32 v56, v28;
	v28 =	vld [tilespmem:s26+$0xFFFFFF10]  }
0x102: {  	v22 =	vsub.f32 v54, v55;
	v32 =	vmul.f32 v62, v62;
	v33 =	vmul.f32 v63, v63  }
0x103: {  	s29 =	simm.s32 $0x0;
	s30 =	simm.s32 $0x2500;
	s28 =	simm.s32 $0x6300;
	v23 =	vsub.f32 v15, v23;
	v15 =	vmul.f32 v6, v6;
	v31 =	vsub.f32 v31, v61  }
.LBB2_4:
0x104: {  	v6 =	vld [tilespmem:s30+$0xF0];
	v27 =	vsub.f32 v27, v29;
	v19 =	vmul.f32 v19, v19;
	v29 =	vmul.f32 v7, v7;
	s26 =	sadd.s32 $0x200, s26  }
0x105: {  	v34 =	vmul.f32 v13, v13;
	v25 =	vmul.f32 v25, v25;
	v7 =	vld [tilespmem:s26+$0xF0];
	v13 =	vadd.f32 v33, v32  }
0x106: {  	v26 =	vsub.f32 v26, v28;
	v28 =	vmul.f32 v30, v30;
	v30 =	vmul.f32 v31, v31;
	v31 =	vld [tilespmem:s23+$0x70]  }
0x107: {  	v20 =	vmul.f32 v20, v20;
	v32 =	vld [tilespmem:s28+$0x70];
	v13 =	vadd.f32 v25, v13;
	v25 =	vmul.f32 v9, v9  }
0x108: {  	v24 =	vmul.f32 v24, v24;
	v9 =	vld [tilespmem:s30+$0xE0];
	v28 =	vadd.f32 v30, v28;
	v30 =	vmul.f32 v11, v11  }
0x109: {  	v27 =	vmul.f32 v27, v27;
	v26 =	vmul.f32 v26, v26;
	v11 =	vld [tilespmem:s26+$0xE0];
	v20 =	vadd.f32 v20, v13  }
0x10a: {  	v18 =	vmul.f32 v18, v18;
	v13 =	vld [tilespmem:s30+$0xFFFFFFF0];
	v24 =	vadd.f32 v24, v28;
	v28 =	vmul.f32 v14, v14  }
0x10b: {  	v23 =	vmul.f32 v23, v23;
	v26 =	vadd.f32 v26, v27;
	v14 =	vld [tilespmem:s26+$0xFFFFFFF0];
	v20 =	vadd.f32 v25, v20  }
0x10c: {  	v21 =	vmul.f32 v21, v21;
	v22 =	vmul.f32 v22, v22;
	v18 =	vadd.f32 v18, v24;
	v24 =	vld [tilespmem:s23+$0x60];
	s23 =	smov.u32 s30  }
0x10d: {  	v25 =	vmul.f32 v16, v16;
	v23 =	vadd.f32 v23, v26;
	v26 =	vld [tilespmem:s28+$0x60];
	v19 =	vadd.f32 v19, v20;
	s28 =	smov.u32 s26  }
0x10e: {  	v20 =	vadd.f32 v22, v21;
	v21 =	vmul.f32 v17, v17;
	v16 =	vld [tilespmem:s30+$0xD0];
	v18 =	vadd.f32 v28, v18  }
0x10f: {  	v22 =	vadd.f32 v25, v23;
	v23 =	vmul.f32 v12, v12;
	v17 =	vld [tilespmem:s26+$0xD0];
	v19 =	vadd.f32 v29, v19  }
0x110: {  	v8 =	vmul.f32 v8, v8;
	v20 =	vadd.f32 v21, v20;
	v12 =	vld [tilespmem:s30+$0xFFFFFF70];
	v18 =	vadd.f32 v30, v18  }
0x111: {  	v10 =	vmul.f32 v10, v10;
	v22 =	vadd.f32 v23, v22;
	v21 =	vld [tilespmem:s26+$0xFFFFFF70];
	v15 =	vadd.f32 v15, v19  }
0x112: {  	v4 =	vmul.f32 v4, v4;
	v2 =	vmul.f32 v2, v2;
	v23 =	vld [tilespmem:s30+$0xFFFFFFE0];
	v18 =	vadd.f32 v34, v18  }
0x113: {  	v5 =	vmul.f32 v5, v5;
	v10 =	vadd.f32 v10, v20;
	v8 =	vadd.f32 v8, v22;
	v25 =	vld [tilespmem:s26+$0xFFFFFFE0];
	(xrf2) =	vadd.scan.msk.f32 $0xffff, v15  }
0x114: {  	v1 =	vmul.f32 v1, v1;
	v15 =	vld [tilespmem:s30+$0x50];
	v2 =	vadd.f32 v2, v18;
	v18 =	vsub.f32 v24, v26  }
0x115: {  	v3 =	vmul.f32 v3, v3;
	v5 =	vadd.f32 v5, v10;
	v4 =	vadd.f32 v4, v8;
	v20 =	vld [tilespmem:s26+$0x50]  }
0x116: {  	v10 =	vsub.f32 v31, v32;
	v8 =	vld [tilespmem:s30+$0xC0];
	(xrf2) =	vadd.scan.msk.f32 $0xffff, v2  }
0x117: {  	v1 =	vadd.f32 v1, v4;
	v2 =	vadd.f32 v3, v5;
	v3 =	vmul.f32 v18, v18;
	v22 =	vld [tilespmem:s26+$0xC0]  }
0x118: {  	v4 =	vld [tilespmem:s30+$0xFFFFFF60]  }
0x119: {  	v2 =	vadd.f32 v3, v2;
	v3 =	vmul.f32 v10, v10;
	v5 =	vld [tilespmem:s26+$0xFFFFFF60];
	(xrf2) =	vadd.scan.msk.f32 $0xffff, v1  }
0x11a: {  	v10 =	vld [tilespmem:s30+$0xFFFFFFD0]  }
0x11b: {  	v2 =	vadd.f32 v3, v2;
	v18 =	vld [tilespmem:s26+$0xFFFFFFD0]  }
0x11c: {  	v24 =	vld [tilespmem:s30+$0x40]  }
0x11d: {  	v26 =	vld [tilespmem:s26+$0x40];
	(xrf2) =	vadd.scan.msk.f32 $0xffff, v2;
	v1, _, _ =	vpop (xrf2)  }
0x11e: {  	v27 =	vld [tilespmem:s30+$0xB0]  }
0x11f: {  	v28 =	vld [tilespmem:s26+$0xB0]  }
0x120: {  	v29 =	vld [tilespmem:s30+$0xFFFFFF50];
	v2, _, _ =	vpop (xrf2)  }
0x121: {  	v30 =	vld [tilespmem:s26+$0xFFFFFF50]  }
0x122: {  	v31 =	vld [tilespmem:s30+$0xFFFFFFC0]  }
0x123: {  	v32 =	vld [tilespmem:s26+$0xFFFFFFC0];
	v3, _, _ =	vpop (xrf2)  }
0x124: {  	v33 =	vld [tilespmem:s30+$0x30];
	v3 =	vmax.f32 v3, $9.999999960e-13  }
0x125: {  	v34 =	vld [tilespmem:s26+$0x30];
	v19 =	vmin.f32 v3, $9.999999950e+11  }
0x126: {  	v2 =	vmax.f32 v2, $9.999999960e-13;
	v35 =	vld [tilespmem:s30+$0xA0];
	v0 =	vadd.f32 v19, v0  }
0x127: {  	v2 =	vmin.f32 v2, $9.999999950e+11;
	v36 =	vld [tilespmem:s26+$0xA0];
	v3, _, _ =	vpop (xrf2)  }
0x128: {  	v37 =	vld [tilespmem:s30+$0xFFFFFF40];
	v0 =	vadd.f32 v2, v0;
	v2 =	vmax.f32 v3, $9.999999960e-13  }
0x129: {  	v38 =	vld [tilespmem:s26+$0xFFFFFF40];
	v2 =	vmin.f32 v2, $9.999999950e+11  }
0x12a: {  	v1 =	vmax.f32 v1, $9.999999960e-13;
	v39 =	vld [tilespmem:s30+$0xFFFFFFB0];
	v0 =	vadd.f32 v2, v0  }
0x12b: {  	v1 =	vmin.f32 v1, $9.999999950e+11;
	v40 =	vld [tilespmem:s26+$0xFFFFFFB0]  }
0x12c: {  	v41 =	vld [tilespmem:s30+$0x20];
	v0 =	vadd.f32 v1, v0  }
0x12d: {  	v42 =	vld [tilespmem:s26+$0x20]  }
0x12e: {  	v43 =	vld [tilespmem:s30+$0x80]  }
0x12f: {  	v44 =	vld [tilespmem:s26+$0x80]  }
0x130: {  	v45 =	vld [tilespmem:s30+$0x90]  }
0x131: {  	v46 =	vld [tilespmem:s26+$0x90]  }
0x132: {  	v47 =	vld [tilespmem:s30+$0xFFFFFF30]  }
0x133: {  	v48 =	vld [tilespmem:s26+$0xFFFFFF30]  }
0x134: {  	v49 =	vld [tilespmem:s30+$0xFFFFFFA0]  }
0x135: {  	v50 =	vld [tilespmem:s26+$0xFFFFFFA0]  }
0x136: {  	v51 =	vld [tilespmem:s30+$0x0]  }
0x137: {  	v6 =	vsub.f32 v6, v7;
	v52 =	vld [tilespmem:s26+$0x0]  }
0x138: {  	v7 =	vsub.f32 v9, v11;
	v2 =	vsub.f32 v13, v14;
	v53 =	vld [tilespmem:s30+$0x10]  }
0x139: {  	v19 =	vsub.f32 v16, v17;
	v1 =	vsub.f32 v12, v21;
	v54 =	vld [tilespmem:s26+$0x10]  }
0x13a: {  	v3 =	vsub.f32 v15, v20;
	v13 =	vsub.f32 v23, v25;
	v55 =	vld [tilespmem:s30+$0xFFFFFF20]  }
0x13b: {  	v9 =	vsub.f32 v8, v22;
	v4 =	vsub.f32 v4, v5;
	v15 =	vld [tilespmem:s26+$0xFFFFFF20]  }
0x13c: {  	v11 =	vsub.f32 v10, v18;
	v5 =	vsub.f32 v24, v26;
	v56 =	vld [tilespmem:s30+$0xFFFFFF80]  }
0x13d: {  	v8 =	vsub.f32 v29, v30;
	v20 =	vsub.f32 v27, v28;
	v30 =	vld [tilespmem:s26+$0xFFFFFF80]  }
0x13e: {  	v14 =	vsub.f32 v31, v32;
	v10 =	vsub.f32 v33, v34;
	v57 =	vld [tilespmem:s30+$0xFFFFFF90]  }
0x13f: {  	s29 =	sadd.s32 $0x4, s29;
	v25 =	vsub.f32 v35, v36;
	v12 =	vsub.f32 v37, v38;
	v31 =	vld [tilespmem:s26+$0xFFFFFF90]  }
0x140: {  	p0 =	slt.u32 s29, $0x3C;
	v18 =	vsub.f32 v39, v40;
	v17 =	vsub.f32 v41, v42;
	v27 =	vld [tilespmem:s30+$0xFFFFFF00]  }
.Ltmp1:
0x141: {  	v32 =	vsub.f32 v43, v44;
	v33 =	vsub.f32 v45, v46;
	v29 =	vld [tilespmem:s26+$0xFFFFFF00];
	(pc) =	sbr.rel @p0 .LBB2_4-.Ltmp1, $4  }
0x142: {  	v16 =	vsub.f32 v47, v48;
	v24 =	vsub.f32 v49, v50;
	v26 =	vld [tilespmem:s30+$0xFFFFFF10]  }
0x143: {  	v21 =	vsub.f32 v51, v52;
	v22 =	vsub.f32 v53, v54;
	v28 =	vld [tilespmem:s26+$0xFFFFFF10]  }
0x144: {  	v23 =	vsub.f32 v55, v15;
	v15 =	vmul.f32 v6, v6;
	v30 =	vsub.f32 v56, v30  }
0x145: {  	v32 =	vmul.f32 v32, v32;
	v33 =	vmul.f32 v33, v33;
	s30 =	sadd.s32 $0x200, s30;
	v31 =	vsub.f32 v57, v31  }
0x146: {  	v6 =	vmul.f32 v19, v19  }
0x147: {  	v7 =	vmul.f32 v7, v7;
	v13 =	vmul.f32 v13, v13  }
0x148: {  	v19 =	vsub.f32 v27, v29;
	v25 =	vmul.f32 v25, v25;
	v29 =	vmul.f32 v30, v30  }
0x149: {  	v20 =	vmul.f32 v20, v20;
	v9 =	vmul.f32 v9, v9  }
0x14a: {  	v24 =	vmul.f32 v24, v24;
	v11 =	vmul.f32 v11, v11;
	v27 =	vadd.f32 v33, v32  }
0x14b: {  	v18 =	vmul.f32 v18, v18;
	v30 =	vmul.f32 v31, v31;
	v26 =	vsub.f32 v26, v28  }
0x14c: {  	v14 =	vmul.f32 v14, v14;
	v21 =	vmul.f32 v21, v21;
	v25 =	vadd.f32 v25, v27  }
0x14d: {  	v19 =	vmul.f32 v19, v19;
	v27 =	vadd.f32 v30, v29;
	v26 =	vmul.f32 v26, v26  }
0x14e: {  	v22 =	vmul.f32 v22, v22;
	v23 =	vmul.f32 v23, v23;
	v20 =	vadd.f32 v20, v25  }
0x14f: {  	v17 =	vmul.f32 v17, v17;
	v24 =	vadd.f32 v24, v27;
	v19 =	vadd.f32 v26, v19  }
0x150: {  	v16 =	vmul.f32 v16, v16;
	v21 =	vadd.f32 v22, v21;
	v22 =	vld [tilespmem:s28+$0x60];
	v9 =	vadd.f32 v9, v20  }
0x151: {  	v10 =	vmul.f32 v10, v10;
	v18 =	vadd.f32 v18, v24;
	v20 =	vld [tilespmem:s23+$0x60];
	v19 =	vadd.f32 v23, v19  }
0x152: {  	v12 =	vmul.f32 v12, v12;
	v17 =	vadd.f32 v17, v21;
	v6 =	vadd.f32 v6, v9;
	v9 =	vld [tilespmem:s23+$0x70]  }
0x153: {  	v5 =	vmul.f32 v5, v5;
	v14 =	vadd.f32 v14, v18;
	v18 =	vld [tilespmem:s28+$0x70];
	v16 =	vadd.f32 v16, v19  }
0x154: {  	v6 =	vadd.f32 v7, v6;
	v7 =	vmul.f32 v8, v8;
	v8 =	vadd.f32 v10, v17  }
0x155: {  	v4 =	vmul.f32 v4, v4;
	v10 =	vadd.f32 v11, v14;
	v11 =	vadd.f32 v12, v16  }
0x156: {  	v3 =	vmul.f32 v3, v3;
	v12 =	vsub.f32 v20, v22;
	v5 =	vadd.f32 v5, v8  }
0x157: {  	v2 =	vmul.f32 v2, v2;
	v8 =	vadd.f32 v13, v10;
	v7 =	vadd.f32 v7, v11  }
0x158: {  	v9 =	vsub.f32 v9, v18;
	v3 =	vadd.f32 v3, v5;
	v5 =	vmul.f32 v12, v12  }
0x159: {  	v1 =	vmul.f32 v1, v1;
	v6 =	vadd.f32 v15, v6;
	v4 =	vadd.f32 v4, v7  }
0x15a: {  	v2 =	vadd.f32 v2, v8;
	v3 =	vadd.f32 v5, v3;
	v5 =	vmul.f32 v9, v9  }
0x15b: {  	(xrf2) =	vadd.scan.msk.f32 $0xffff, v6;
	v1 =	vadd.f32 v1, v4  }
0x15c: {  	(xrf2) =	vadd.scan.msk.f32 $0xffff, v2;
	v2 =	vadd.f32 v5, v3  }
0x15d: {  	(xrf2) =	vadd.scan.msk.f32 $0xffff, v1  }
0x15e: {  	(xrf2) =	vadd.scan.msk.f32 $0xffff, v2;
	_ =	sdelay $0x6  }
0x15f: {  	s26 =	simm.s32 $0xC0;
	v1, _, _ =	vpop (xrf2)  }
0x160: {  	[tilespmem:s19], [sflag:$0x4] =	stream.indirect.gather [hbm4b:s2+s16], $0x80, s26, s16, $0xb8;
	v2, _, _ =	vpop (xrf2);
	[tilespmem:$0x8280] =	vst v63  }
0x161: {  	v3, _, _ =	vpop (xrf2)  }
0x162: {  	[tilespmem:s20], [sflag:$0x2] =	stream.linear.gather [hbm4b:s8+s3], $0x2000, $0x38;
	v4, _, _ =	vpop (xrf2);
	[tilespmem:$0x8280] =	vst v63  }
0x163: {  	_ =	swait.ge [sflag:s21], $0x2000  }
0x164: {  	[sflag:s21] =	ssyncset.done $0x0  }
0x165: {  	[sflag:s21] =	ssyncadd.s32 $0xFFFFE000  }
0x166: {  	_ =	swait.ge [sflag:s22], $0x2000  }
0x167: {  	[sflag:s22] =	ssyncset.done $0x0  }
0x168: {  	s23 =	simm.s32 $0x300;
	[sflag:s22] =	ssyncadd.s32 $0xFFFFE000  }
0x169: {  	s26 =	simm.s32 $0x4300;
	v5 =	vld [tilespmem:s23+$0xF0]  }
0x16a: {  	v6 =	vld [tilespmem:s26+$0xF0]  }
0x16b: {  	v7 =	vld [tilespmem:s23+$0xE0]  }
0x16c: {  	v8 =	vld [tilespmem:s26+$0xE0]  }
0x16d: {  	v9 =	vld [tilespmem:s23+$0xFFFFFFF0]  }
0x16e: {  	v10 =	vld [tilespmem:s26+$0xFFFFFFF0]  }
0x16f: {  	v11 =	vld [tilespmem:s23+$0xD0]  }
0x170: {  	v12 =	vld [tilespmem:s26+$0xD0]  }
0x171: {  	v13 =	vld [tilespmem:s23+$0xFFFFFF70]  }
0x172: {  	v14 =	vld [tilespmem:s26+$0xFFFFFF70]  }
0x173: {  	v15 =	vld [tilespmem:s23+$0xFFFFFFE0]  }
0x174: {  	v16 =	vld [tilespmem:s26+$0xFFFFFFE0]  }
0x175: {  	v17 =	vld [tilespmem:s23+$0x50]  }
0x176: {  	v18 =	vld [tilespmem:s26+$0x50]  }
0x177: {  	v20 =	vld [tilespmem:s23+$0xC0]  }
0x178: {  	v21 =	vld [tilespmem:s26+$0xC0]  }
0x179: {  	v22 =	vld [tilespmem:s23+$0xFFFFFF60]  }
0x17a: {  	v23 =	vld [tilespmem:s26+$0xFFFFFF60]  }
0x17b: {  	v24 =	vld [tilespmem:s23+$0xFFFFFFD0]  }
0x17c: {  	v25 =	vld [tilespmem:s26+$0xFFFFFFD0]  }
0x17d: {  	v26 =	vld [tilespmem:s23+$0x40]  }
0x17e: {  	v27 =	vld [tilespmem:s26+$0x40]  }
0x17f: {  	v28 =	vld [tilespmem:s23+$0xB0]  }
0x180: {  	v29 =	vld [tilespmem:s26+$0xB0]  }
0x181: {  	v30 =	vld [tilespmem:s23+$0xFFFFFF50]  }
0x182: {  	v31 =	vld [tilespmem:s26+$0xFFFFFF50]  }
0x183: {  	v63 =	vld [tilespmem:s23+$0xFFFFFFC0]  }
0x184: {  	v60 =	vld [tilespmem:s26+$0xFFFFFFC0]  }
0x185: {  	v34 =	vld [tilespmem:s23+$0x30]  }
0x186: {  	v35 =	vld [tilespmem:s26+$0x30]  }
0x187: {  	v36 =	vld [tilespmem:s23+$0xA0]  }
0x188: {  	v37 =	vld [tilespmem:s26+$0xA0]  }
0x189: {  	v38 =	vld [tilespmem:s23+$0xFFFFFF40]  }
0x18a: {  	v39 =	vld [tilespmem:s26+$0xFFFFFF40]  }
0x18b: {  	v40 =	vld [tilespmem:s23+$0xFFFFFFB0]  }
0x18c: {  	v41 =	vld [tilespmem:s26+$0xFFFFFFB0]  }
0x18d: {  	v42 =	vld [tilespmem:s23+$0x20]  }
0x18e: {  	v43 =	vld [tilespmem:s26+$0x20]  }
0x18f: {  	v44 =	vld [tilespmem:s23+$0x80]  }
0x190: {  	v3 =	vmax.f32 v3, $9.999999960e-13;
	v45 =	vld [tilespmem:s26+$0x80]  }
0x191: {  	v3 =	vmin.f32 v3, $9.999999950e+11;
	v46 =	vld [tilespmem:s23+$0x90]  }
0x192: {  	v2 =	vmax.f32 v2, $9.999999960e-13;
	v0 =	vadd.f32 v3, v0;
	v47 =	vld [tilespmem:s26+$0x90]  }
0x193: {  	v2 =	vmin.f32 v2, $9.999999950e+11;
	v48 =	vld [tilespmem:s23+$0xFFFFFF30]  }
0x194: {  	v0 =	vadd.f32 v2, v0;
	v2 =	vmax.f32 v4, $9.999999960e-13;
	v49 =	vld [tilespmem:s26+$0xFFFFFF30]  }
0x195: {  	v2 =	vmin.f32 v2, $9.999999950e+11;
	v50 =	vld [tilespmem:s23+$0xFFFFFFA0]  }
0x196: {  	v1 =	vmax.f32 v1, $9.999999960e-13;
	v0 =	vadd.f32 v2, v0;
	v51 =	vld [tilespmem:s26+$0xFFFFFFA0]  }
0x197: {  	v1 =	vmin.f32 v1, $9.999999950e+11;
	v52 =	vld [tilespmem:s23+$0x0]  }
0x198: {  	v53 =	vld [tilespmem:s26+$0x0];
	v0 =	vadd.f32 v1, v0;
	v6 =	vsub.f32 v5, v6  }
0x199: {  	v54 =	vld [tilespmem:s23+$0x10];
	v2 =	vsub.f32 v9, v10;
	v7 =	vsub.f32 v7, v8  }
0x19a: {  	v55 =	vld [tilespmem:s26+$0x10];
	v1 =	vsub.f32 v13, v14;
	v19 =	vsub.f32 v11, v12  }
0x19b: {  	v56 =	vld [tilespmem:s23+$0xFFFFFF80];
	v13 =	vsub.f32 v15, v16;
	v3 =	vsub.f32 v17, v18  }
0x19c: {  	v61 =	vld [tilespmem:s26+$0xFFFFFF90];
	v4 =	vsub.f32 v22, v23;
	v9 =	vsub.f32 v20, v21  }
0x19d: {  	v15 =	vld [tilespmem:s23+$0xFFFFFF20];
	v11 =	vsub.f32 v24, v25;
	v5 =	vsub.f32 v26, v27  }
0x19e: {  	v23 =	vld [tilespmem:s26+$0xFFFFFF20];
	v8 =	vsub.f32 v30, v31;
	v20 =	vsub.f32 v28, v29  }
0x19f: {  	v28 =	vld [tilespmem:s26+$0xFFFFFF80];
	v14 =	vsub.f32 v63, v60;
	v10 =	vsub.f32 v34, v35  }
0x1a0: {  	v31 =	vld [tilespmem:s23+$0xFFFFFF90];
	v12 =	vsub.f32 v38, v39;
	v25 =	vsub.f32 v36, v37  }
0x1a1: {  	v18 =	vsub.f32 v40, v41;
	v17 =	vsub.f32 v42, v43;
	v27 =	vld [tilespmem:s23+$0xFFFFFF00]  }
0x1a2: {  	v62 =	vsub.f32 v44, v45;
	v63 =	vsub.f32 v46, v47;
	v29 =	vld [tilespmem:s26+$0xFFFFFF00]  }
0x1a3: {  	v16 =	vsub.f32 v48, v49;
	v24 =	vsub.f32 v50, v51;
	v26 =	vld [tilespmem:s23+$0xFFFFFF10]  }
0x1a4: {  	v21 =	vsub.f32 v52, v53;
	v30 =	vsub.f32 v56, v28;
	v28 =	vld [tilespmem:s26+$0xFFFFFF10]  }
0x1a5: {  	v22 =	vsub.f32 v54, v55;
	v32 =	vmul.f32 v62, v62;
	v33 =	vmul.f32 v63, v63  }
0x1a6: {  	s29 =	simm.s32 $0x0;
	s30 =	simm.s32 $0x500;
	s28 =	simm.s32 $0x4300;
	v23 =	vsub.f32 v15, v23;
	v15 =	vmul.f32 v6, v6;
	v31 =	vsub.f32 v31, v61  }
.LBB2_6:
0x1a7: {  	v6 =	vld [tilespmem:s30+$0xF0];
	v27 =	vsub.f32 v27, v29;
	v19 =	vmul.f32 v19, v19;
	v29 =	vmul.f32 v7, v7;
	s26 =	sadd.s32 $0x200, s26  }
0x1a8: {  	v34 =	vmul.f32 v13, v13;
	v25 =	vmul.f32 v25, v25;
	v7 =	vld [tilespmem:s26+$0xF0];
	v13 =	vadd.f32 v33, v32  }
0x1a9: {  	v26 =	vsub.f32 v26, v28;
	v28 =	vmul.f32 v30, v30;
	v30 =	vmul.f32 v31, v31;
	v31 =	vld [tilespmem:s23+$0x70]  }
0x1aa: {  	v20 =	vmul.f32 v20, v20;
	v32 =	vld [tilespmem:s28+$0x70];
	v13 =	vadd.f32 v25, v13;
	v25 =	vmul.f32 v9, v9  }
0x1ab: {  	v24 =	vmul.f32 v24, v24;
	v9 =	vld [tilespmem:s30+$0xE0];
	v28 =	vadd.f32 v30, v28;
	v30 =	vmul.f32 v11, v11  }
0x1ac: {  	v27 =	vmul.f32 v27, v27;
	v26 =	vmul.f32 v26, v26;
	v11 =	vld [tilespmem:s26+$0xE0];
	v20 =	vadd.f32 v20, v13  }
0x1ad: {  	v18 =	vmul.f32 v18, v18;
	v13 =	vld [tilespmem:s30+$0xFFFFFFF0];
	v24 =	vadd.f32 v24, v28;
	v28 =	vmul.f32 v14, v14  }
0x1ae: {  	v23 =	vmul.f32 v23, v23;
	v26 =	vadd.f32 v26, v27;
	v14 =	vld [tilespmem:s26+$0xFFFFFFF0];
	v20 =	vadd.f32 v25, v20  }
0x1af: {  	v21 =	vmul.f32 v21, v21;
	v22 =	vmul.f32 v22, v22;
	v18 =	vadd.f32 v18, v24;
	v24 =	vld [tilespmem:s23+$0x60];
	s23 =	smov.u32 s30  }
0x1b0: {  	v25 =	vmul.f32 v16, v16;
	v23 =	vadd.f32 v23, v26;
	v26 =	vld [tilespmem:s28+$0x60];
	v19 =	vadd.f32 v19, v20;
	s28 =	smov.u32 s26  }
0x1b1: {  	v20 =	vadd.f32 v22, v21;
	v21 =	vmul.f32 v17, v17;
	v16 =	vld [tilespmem:s30+$0xD0];
	v18 =	vadd.f32 v28, v18  }
0x1b2: {  	v22 =	vadd.f32 v25, v23;
	v23 =	vmul.f32 v12, v12;
	v17 =	vld [tilespmem:s26+$0xD0];
	v19 =	vadd.f32 v29, v19  }
0x1b3: {  	v8 =	vmul.f32 v8, v8;
	v20 =	vadd.f32 v21, v20;
	v12 =	vld [tilespmem:s30+$0xFFFFFF70];
	v18 =	vadd.f32 v30, v18  }
0x1b4: {  	v10 =	vmul.f32 v10, v10;
	v22 =	vadd.f32 v23, v22;
	v21 =	vld [tilespmem:s26+$0xFFFFFF70];
	v15 =	vadd.f32 v15, v19  }
0x1b5: {  	v4 =	vmul.f32 v4, v4;
	v2 =	vmul.f32 v2, v2;
	v23 =	vld [tilespmem:s30+$0xFFFFFFE0];
	v18 =	vadd.f32 v34, v18  }
0x1b6: {  	v5 =	vmul.f32 v5, v5;
	v10 =	vadd.f32 v10, v20;
	v8 =	vadd.f32 v8, v22;
	v25 =	vld [tilespmem:s26+$0xFFFFFFE0];
	(xrf2) =	vadd.scan.msk.f32 $0xffff, v15  }
0x1b7: {  	v1 =	vmul.f32 v1, v1;
	v15 =	vld [tilespmem:s30+$0x50];
	v2 =	vadd.f32 v2, v18;
	v18 =	vsub.f32 v24, v26  }
0x1b8: {  	v3 =	vmul.f32 v3, v3;
	v5 =	vadd.f32 v5, v10;
	v4 =	vadd.f32 v4, v8;
	v20 =	vld [tilespmem:s26+$0x50]  }
0x1b9: {  	v10 =	vsub.f32 v31, v32;
	v8 =	vld [tilespmem:s30+$0xC0];
	(xrf2) =	vadd.scan.msk.f32 $0xffff, v2  }
0x1ba: {  	v1 =	vadd.f32 v1, v4;
	v2 =	vadd.f32 v3, v5;
	v3 =	vmul.f32 v18, v18;
	v22 =	vld [tilespmem:s26+$0xC0]  }
0x1bb: {  	v4 =	vld [tilespmem:s30+$0xFFFFFF60]  }
0x1bc: {  	v2 =	vadd.f32 v3, v2;
	v3 =	vmul.f32 v10, v10;
	v5 =	vld [tilespmem:s26+$0xFFFFFF60];
	(xrf2) =	vadd.scan.msk.f32 $0xffff, v1  }
0x1bd: {  	v10 =	vld [tilespmem:s30+$0xFFFFFFD0]  }
0x1be: {  	v2 =	vadd.f32 v3, v2;
	v18 =	vld [tilespmem:s26+$0xFFFFFFD0]  }
0x1bf: {  	v24 =	vld [tilespmem:s30+$0x40]  }
0x1c0: {  	v26 =	vld [tilespmem:s26+$0x40];
	(xrf2) =	vadd.scan.msk.f32 $0xffff, v2;
	v1, _, _ =	vpop (xrf2)  }
0x1c1: {  	v27 =	vld [tilespmem:s30+$0xB0]  }
0x1c2: {  	v28 =	vld [tilespmem:s26+$0xB0]  }
0x1c3: {  	v29 =	vld [tilespmem:s30+$0xFFFFFF50];
	v2, _, _ =	vpop (xrf2)  }
0x1c4: {  	v30 =	vld [tilespmem:s26+$0xFFFFFF50]  }
0x1c5: {  	v31 =	vld [tilespmem:s30+$0xFFFFFFC0]  }
0x1c6: {  	v32 =	vld [tilespmem:s26+$0xFFFFFFC0];
	v3, _, _ =	vpop (xrf2)  }
0x1c7: {  	v33 =	vld [tilespmem:s30+$0x30];
	v3 =	vmax.f32 v3, $9.999999960e-13  }
0x1c8: {  	v34 =	vld [tilespmem:s26+$0x30];
	v19 =	vmin.f32 v3, $9.999999950e+11  }
0x1c9: {  	v2 =	vmax.f32 v2, $9.999999960e-13;
	v35 =	vld [tilespmem:s30+$0xA0];
	v0 =	vadd.f32 v19, v0  }
0x1ca: {  	v2 =	vmin.f32 v2, $9.999999950e+11;
	v36 =	vld [tilespmem:s26+$0xA0];
	v3, _, _ =	vpop (xrf2)  }
0x1cb: {  	v37 =	vld [tilespmem:s30+$0xFFFFFF40];
	v0 =	vadd.f32 v2, v0;
	v2 =	vmax.f32 v3, $9.999999960e-13  }
0x1cc: {  	v38 =	vld [tilespmem:s26+$0xFFFFFF40];
	v2 =	vmin.f32 v2, $9.999999950e+11  }
0x1cd: {  	v1 =	vmax.f32 v1, $9.999999960e-13;
	v39 =	vld [tilespmem:s30+$0xFFFFFFB0];
	v0 =	vadd.f32 v2, v0  }
0x1ce: {  	v1 =	vmin.f32 v1, $9.999999950e+11;
	v40 =	vld [tilespmem:s26+$0xFFFFFFB0]  }
0x1cf: {  	v41 =	vld [tilespmem:s30+$0x20];
	v0 =	vadd.f32 v1, v0  }
0x1d0: {  	v42 =	vld [tilespmem:s26+$0x20]  }
0x1d1: {  	v43 =	vld [tilespmem:s30+$0x80]  }
0x1d2: {  	v44 =	vld [tilespmem:s26+$0x80]  }
0x1d3: {  	v45 =	vld [tilespmem:s30+$0x90]  }
0x1d4: {  	v46 =	vld [tilespmem:s26+$0x90]  }
0x1d5: {  	v47 =	vld [tilespmem:s30+$0xFFFFFF30]  }
0x1d6: {  	v48 =	vld [tilespmem:s26+$0xFFFFFF30]  }
0x1d7: {  	v49 =	vld [tilespmem:s30+$0xFFFFFFA0]  }
0x1d8: {  	v50 =	vld [tilespmem:s26+$0xFFFFFFA0]  }
0x1d9: {  	v51 =	vld [tilespmem:s30+$0x0]  }
0x1da: {  	v6 =	vsub.f32 v6, v7;
	v52 =	vld [tilespmem:s26+$0x0]  }
0x1db: {  	v7 =	vsub.f32 v9, v11;
	v2 =	vsub.f32 v13, v14;
	v53 =	vld [tilespmem:s30+$0x10]  }
0x1dc: {  	v19 =	vsub.f32 v16, v17;
	v1 =	vsub.f32 v12, v21;
	v54 =	vld [tilespmem:s26+$0x10]  }
0x1dd: {  	v3 =	vsub.f32 v15, v20;
	v13 =	vsub.f32 v23, v25;
	v55 =	vld [tilespmem:s30+$0xFFFFFF20]  }
0x1de: {  	v9 =	vsub.f32 v8, v22;
	v4 =	vsub.f32 v4, v5;
	v15 =	vld [tilespmem:s26+$0xFFFFFF20]  }
0x1df: {  	v11 =	vsub.f32 v10, v18;
	v5 =	vsub.f32 v24, v26;
	v56 =	vld [tilespmem:s30+$0xFFFFFF80]  }
0x1e0: {  	v8 =	vsub.f32 v29, v30;
	v20 =	vsub.f32 v27, v28;
	v30 =	vld [tilespmem:s26+$0xFFFFFF80]  }
0x1e1: {  	v14 =	vsub.f32 v31, v32;
	v10 =	vsub.f32 v33, v34;
	v57 =	vld [tilespmem:s30+$0xFFFFFF90]  }
0x1e2: {  	s29 =	sadd.s32 $0x4, s29;
	v25 =	vsub.f32 v35, v36;
	v12 =	vsub.f32 v37, v38;
	v31 =	vld [tilespmem:s26+$0xFFFFFF90]  }
0x1e3: {  	p0 =	slt.u32 s29, $0x3C;
	v18 =	vsub.f32 v39, v40;
	v17 =	vsub.f32 v41, v42;
	v27 =	vld [tilespmem:s30+$0xFFFFFF00]  }
.Ltmp2:
0x1e4: {  	v32 =	vsub.f32 v43, v44;
	v33 =	vsub.f32 v45, v46;
	v29 =	vld [tilespmem:s26+$0xFFFFFF00];
	(pc) =	sbr.rel @p0 .LBB2_6-.Ltmp2, $4  }
0x1e5: {  	v16 =	vsub.f32 v47, v48;
	v24 =	vsub.f32 v49, v50;
	v26 =	vld [tilespmem:s30+$0xFFFFFF10]  }
0x1e6: {  	v21 =	vsub.f32 v51, v52;
	v22 =	vsub.f32 v53, v54;
	v28 =	vld [tilespmem:s26+$0xFFFFFF10]  }
0x1e7: {  	v23 =	vsub.f32 v55, v15;
	v15 =	vmul.f32 v6, v6;
	v30 =	vsub.f32 v56, v30  }
0x1e8: {  	v32 =	vmul.f32 v32, v32;
	v33 =	vmul.f32 v33, v33;
	s30 =	sadd.s32 $0x200, s30;
	v31 =	vsub.f32 v57, v31  }
0x1e9: {  	v6 =	vmul.f32 v19, v19  }
0x1ea: {  	v7 =	vmul.f32 v7, v7;
	v13 =	vmul.f32 v13, v13  }
0x1eb: {  	v19 =	vsub.f32 v27, v29;
	v25 =	vmul.f32 v25, v25;
	v29 =	vmul.f32 v30, v30  }
0x1ec: {  	v20 =	vmul.f32 v20, v20;
	v9 =	vmul.f32 v9, v9  }
0x1ed: {  	v24 =	vmul.f32 v24, v24;
	v11 =	vmul.f32 v11, v11;
	v27 =	vadd.f32 v33, v32  }
0x1ee: {  	v18 =	vmul.f32 v18, v18;
	v30 =	vmul.f32 v31, v31;
	v26 =	vsub.f32 v26, v28  }
0x1ef: {  	v14 =	vmul.f32 v14, v14;
	v21 =	vmul.f32 v21, v21;
	v25 =	vadd.f32 v25, v27  }
0x1f0: {  	v19 =	vmul.f32 v19, v19;
	v27 =	vadd.f32 v30, v29;
	v26 =	vmul.f32 v26, v26  }
0x1f1: {  	v22 =	vmul.f32 v22, v22;
	v23 =	vmul.f32 v23, v23;
	v20 =	vadd.f32 v20, v25  }
0x1f2: {  	v17 =	vmul.f32 v17, v17;
	v24 =	vadd.f32 v24, v27;
	v19 =	vadd.f32 v26, v19  }
0x1f3: {  	v16 =	vmul.f32 v16, v16;
	v21 =	vadd.f32 v22, v21;
	v22 =	vld [tilespmem:s28+$0x60];
	v9 =	vadd.f32 v9, v20  }
0x1f4: {  	v10 =	vmul.f32 v10, v10;
	v18 =	vadd.f32 v18, v24;
	v20 =	vld [tilespmem:s23+$0x60];
	v19 =	vadd.f32 v23, v19  }
0x1f5: {  	v12 =	vmul.f32 v12, v12;
	v17 =	vadd.f32 v17, v21;
	v6 =	vadd.f32 v6, v9;
	v9 =	vld [tilespmem:s23+$0x70]  }
0x1f6: {  	v5 =	vmul.f32 v5, v5;
	v14 =	vadd.f32 v14, v18;
	v18 =	vld [tilespmem:s28+$0x70];
	v16 =	vadd.f32 v16, v19  }
0x1f7: {  	v6 =	vadd.f32 v7, v6;
	v7 =	vmul.f32 v8, v8;
	v8 =	vadd.f32 v10, v17  }
0x1f8: {  	v4 =	vmul.f32 v4, v4;
	v10 =	vadd.f32 v11, v14;
	v11 =	vadd.f32 v12, v16  }
0x1f9: {  	v3 =	vmul.f32 v3, v3;
	v12 =	vsub.f32 v20, v22;
	v5 =	vadd.f32 v5, v8  }
0x1fa: {  	v2 =	vmul.f32 v2, v2;
	v8 =	vadd.f32 v13, v10;
	v7 =	vadd.f32 v7, v11  }
0x1fb: {  	v9 =	vsub.f32 v9, v18;
	v3 =	vadd.f32 v3, v5;
	v5 =	vmul.f32 v12, v12  }
0x1fc: {  	v1 =	vmul.f32 v1, v1;
	v6 =	vadd.f32 v15, v6;
	v4 =	vadd.f32 v4, v7  }
0x1fd: {  	v2 =	vadd.f32 v2, v8;
	v3 =	vadd.f32 v5, v3;
	v5 =	vmul.f32 v9, v9  }
0x1fe: {  	(xrf2) =	vadd.scan.msk.f32 $0xffff, v6;
	v1 =	vadd.f32 v1, v4  }
0x1ff: {  	(xrf2) =	vadd.scan.msk.f32 $0xffff, v2;
	v2 =	vadd.f32 v5, v3  }
0x200: {  	(xrf2) =	vadd.scan.msk.f32 $0xffff, v1  }
0x201: {  	(xrf2) =	vadd.scan.msk.f32 $0xffff, v2;
	_ =	sdelay $0x6  }
0x202: {  	s26 =	simm.s32 $0x100;
	v1, _, _ =	vpop (xrf2)  }
0x203: {  	[tilespmem:s17], [sflag:$0x3] =	stream.indirect.gather [hbm4b:s2+s16], $0x80, s26, s16, $0xb8;
	v2, _, _ =	vpop (xrf2);
	[tilespmem:$0x8280] =	vst v63  }
0x204: {  	v3, _, _ =	vpop (xrf2)  }
0x205: {  	[tilespmem:s18], [sflag:$0x1] =	stream.linear.gather [hbm4b:s9+s3], $0x2000, $0x38;
	v4, _, _ =	vpop (xrf2);
	[tilespmem:$0x8280] =	vst v63  }
0x206: {  	_ =	swait.ge [sflag:s24], $0x2000  }
0x207: {  	[sflag:s24] =	ssyncset.done $0x0  }
0x208: {  	[sflag:s24] =	ssyncadd.s32 $0xFFFFE000  }
0x209: {  	_ =	swait.ge [sflag:s25], $0x2000  }
0x20a: {  	[sflag:s25] =	ssyncset.done $0x0  }
0x20b: {  	s23 =	simm.s32 $0x2300;
	[sflag:s25] =	ssyncadd.s32 $0xFFFFE000  }
0x20c: {  	s26 =	simm.s32 $0x6300;
	v5 =	vld [tilespmem:s23+$0xF0]  }
0x20d: {  	v6 =	vld [tilespmem:s26+$0xF0]  }
0x20e: {  	v7 =	vld [tilespmem:s23+$0xE0]  }
0x20f: {  	v8 =	vld [tilespmem:s26+$0xE0]  }
0x210: {  	v9 =	vld [tilespmem:s23+$0xFFFFFFF0]  }
0x211: {  	v10 =	vld [tilespmem:s26+$0xFFFFFFF0]  }
0x212: {  	v11 =	vld [tilespmem:s23+$0xD0]  }
0x213: {  	v12 =	vld [tilespmem:s26+$0xD0]  }
0x214: {  	v13 =	vld [tilespmem:s23+$0xFFFFFF70]  }
0x215: {  	v14 =	vld [tilespmem:s26+$0xFFFFFF70]  }
0x216: {  	v15 =	vld [tilespmem:s23+$0xFFFFFFE0]  }
0x217: {  	v16 =	vld [tilespmem:s26+$0xFFFFFFE0]  }
0x218: {  	v17 =	vld [tilespmem:s23+$0x50]  }
0x219: {  	v18 =	vld [tilespmem:s26+$0x50]  }
0x21a: {  	v20 =	vld [tilespmem:s23+$0xC0]  }
0x21b: {  	v21 =	vld [tilespmem:s26+$0xC0]  }
0x21c: {  	v22 =	vld [tilespmem:s23+$0xFFFFFF60]  }
0x21d: {  	v23 =	vld [tilespmem:s26+$0xFFFFFF60]  }
0x21e: {  	v24 =	vld [tilespmem:s23+$0xFFFFFFD0]  }
0x21f: {  	v25 =	vld [tilespmem:s26+$0xFFFFFFD0]  }
0x220: {  	v26 =	vld [tilespmem:s23+$0x40]  }
0x221: {  	v27 =	vld [tilespmem:s26+$0x40]  }
0x222: {  	v28 =	vld [tilespmem:s23+$0xB0]  }
0x223: {  	v29 =	vld [tilespmem:s26+$0xB0]  }
0x224: {  	v30 =	vld [tilespmem:s23+$0xFFFFFF50]  }
0x225: {  	v31 =	vld [tilespmem:s26+$0xFFFFFF50]  }
0x226: {  	v63 =	vld [tilespmem:s23+$0xFFFFFFC0]  }
0x227: {  	v60 =	vld [tilespmem:s26+$0xFFFFFFC0]  }
0x228: {  	v34 =	vld [tilespmem:s23+$0x30]  }
0x229: {  	v35 =	vld [tilespmem:s26+$0x30]  }
0x22a: {  	v36 =	vld [tilespmem:s23+$0xA0]  }
0x22b: {  	v37 =	vld [tilespmem:s26+$0xA0]  }
0x22c: {  	v38 =	vld [tilespmem:s23+$0xFFFFFF40]  }
0x22d: {  	v39 =	vld [tilespmem:s26+$0xFFFFFF40]  }
0x22e: {  	v40 =	vld [tilespmem:s23+$0xFFFFFFB0]  }
0x22f: {  	v41 =	vld [tilespmem:s26+$0xFFFFFFB0]  }
0x230: {  	v42 =	vld [tilespmem:s23+$0x20]  }
0x231: {  	v43 =	vld [tilespmem:s26+$0x20]  }
0x232: {  	v44 =	vld [tilespmem:s23+$0x80]  }
0x233: {  	v3 =	vmax.f32 v3, $9.999999960e-13;
	v45 =	vld [tilespmem:s26+$0x80]  }
0x234: {  	v3 =	vmin.f32 v3, $9.999999950e+11;
	v46 =	vld [tilespmem:s23+$0x90]  }
0x235: {  	v2 =	vmax.f32 v2, $9.999999960e-13;
	v0 =	vadd.f32 v3, v0;
	v47 =	vld [tilespmem:s26+$0x90]  }
0x236: {  	v2 =	vmin.f32 v2, $9.999999950e+11;
	v48 =	vld [tilespmem:s23+$0xFFFFFF30]  }
0x237: {  	v0 =	vadd.f32 v2, v0;
	v2 =	vmax.f32 v4, $9.999999960e-13;
	v49 =	vld [tilespmem:s26+$0xFFFFFF30]  }
0x238: {  	v2 =	vmin.f32 v2, $9.999999950e+11;
	v50 =	vld [tilespmem:s23+$0xFFFFFFA0]  }
0x239: {  	v1 =	vmax.f32 v1, $9.999999960e-13;
	v0 =	vadd.f32 v2, v0;
	v51 =	vld [tilespmem:s26+$0xFFFFFFA0]  }
0x23a: {  	v1 =	vmin.f32 v1, $9.999999950e+11;
	v52 =	vld [tilespmem:s23+$0x0]  }
0x23b: {  	v53 =	vld [tilespmem:s26+$0x0];
	v0 =	vadd.f32 v1, v0;
	v6 =	vsub.f32 v5, v6  }
0x23c: {  	v54 =	vld [tilespmem:s23+$0x10];
	v2 =	vsub.f32 v9, v10;
	v7 =	vsub.f32 v7, v8  }
0x23d: {  	v55 =	vld [tilespmem:s26+$0x10];
	v1 =	vsub.f32 v13, v14;
	v19 =	vsub.f32 v11, v12  }
0x23e: {  	v56 =	vld [tilespmem:s23+$0xFFFFFF80];
	v13 =	vsub.f32 v15, v16;
	v3 =	vsub.f32 v17, v18  }
0x23f: {  	v61 =	vld [tilespmem:s26+$0xFFFFFF90];
	v4 =	vsub.f32 v22, v23;
	v9 =	vsub.f32 v20, v21  }
0x240: {  	v15 =	vld [tilespmem:s23+$0xFFFFFF20];
	v11 =	vsub.f32 v24, v25;
	v5 =	vsub.f32 v26, v27  }
0x241: {  	v23 =	vld [tilespmem:s26+$0xFFFFFF20];
	v8 =	vsub.f32 v30, v31;
	v20 =	vsub.f32 v28, v29  }
0x242: {  	v28 =	vld [tilespmem:s26+$0xFFFFFF80];
	v14 =	vsub.f32 v63, v60;
	v10 =	vsub.f32 v34, v35  }
0x243: {  	v31 =	vld [tilespmem:s23+$0xFFFFFF90];
	v12 =	vsub.f32 v38, v39;
	v25 =	vsub.f32 v36, v37  }
0x244: {  	v18 =	vsub.f32 v40, v41;
	v17 =	vsub.f32 v42, v43;
	v27 =	vld [tilespmem:s23+$0xFFFFFF00]  }
0x245: {  	v62 =	vsub.f32 v44, v45;
	v63 =	vsub.f32 v46, v47;
	v29 =	vld [tilespmem:s26+$0xFFFFFF00]  }
0x246: {  	v16 =	vsub.f32 v48, v49;
	v24 =	vsub.f32 v50, v51;
	v26 =	vld [tilespmem:s23+$0xFFFFFF10]  }
0x247: {  	v21 =	vsub.f32 v52, v53;
	v30 =	vsub.f32 v56, v28;
	v28 =	vld [tilespmem:s26+$0xFFFFFF10]  }
0x248: {  	v22 =	vsub.f32 v54, v55;
	v32 =	vmul.f32 v62, v62;
	v33 =	vmul.f32 v63, v63  }
0x249: {  	s29 =	simm.s32 $0x0;
	s30 =	simm.s32 $0x2500;
	s28 =	simm.s32 $0x6300;
	v23 =	vsub.f32 v15, v23;
	v15 =	vmul.f32 v6, v6;
	v31 =	vsub.f32 v31, v61  }
.LBB2_8:
0x24a: {  	v6 =	vld [tilespmem:s30+$0xF0];
	v27 =	vsub.f32 v27, v29;
	v19 =	vmul.f32 v19, v19;
	v29 =	vmul.f32 v7, v7;
	s26 =	sadd.s32 $0x200, s26  }
0x24b: {  	v34 =	vmul.f32 v13, v13;
	v25 =	vmul.f32 v25, v25;
	v7 =	vld [tilespmem:s26+$0xF0];
	v13 =	vadd.f32 v33, v32  }
0x24c: {  	v26 =	vsub.f32 v26, v28;
	v28 =	vmul.f32 v30, v30;
	v30 =	vmul.f32 v31, v31;
	v31 =	vld [tilespmem:s23+$0x70]  }
0x24d: {  	v20 =	vmul.f32 v20, v20;
	v32 =	vld [tilespmem:s28+$0x70];
	v13 =	vadd.f32 v25, v13;
	v25 =	vmul.f32 v9, v9  }
0x24e: {  	v24 =	vmul.f32 v24, v24;
	v9 =	vld [tilespmem:s30+$0xE0];
	v28 =	vadd.f32 v30, v28;
	v30 =	vmul.f32 v11, v11  }
0x24f: {  	v27 =	vmul.f32 v27, v27;
	v26 =	vmul.f32 v26, v26;
	v11 =	vld [tilespmem:s26+$0xE0];
	v20 =	vadd.f32 v20, v13  }
0x250: {  	v18 =	vmul.f32 v18, v18;
	v13 =	vld [tilespmem:s30+$0xFFFFFFF0];
	v24 =	vadd.f32 v24, v28;
	v28 =	vmul.f32 v14, v14  }
0x251: {  	v23 =	vmul.f32 v23, v23;
	v26 =	vadd.f32 v26, v27;
	v14 =	vld [tilespmem:s26+$0xFFFFFFF0];
	v20 =	vadd.f32 v25, v20  }
0x252: {  	v21 =	vmul.f32 v21, v21;
	v22 =	vmul.f32 v22, v22;
	v18 =	vadd.f32 v18, v24;
	v24 =	vld [tilespmem:s23+$0x60];
	s23 =	smov.u32 s30  }
0x253: {  	v25 =	vmul.f32 v16, v16;
	v23 =	vadd.f32 v23, v26;
	v26 =	vld [tilespmem:s28+$0x60];
	v19 =	vadd.f32 v19, v20;
	s28 =	smov.u32 s26  }
0x254: {  	v20 =	vadd.f32 v22, v21;
	v21 =	vmul.f32 v17, v17;
	v16 =	vld [tilespmem:s30+$0xD0];
	v18 =	vadd.f32 v28, v18  }
0x255: {  	v22 =	vadd.f32 v25, v23;
	v23 =	vmul.f32 v12, v12;
	v17 =	vld [tilespmem:s26+$0xD0];
	v19 =	vadd.f32 v29, v19  }
0x256: {  	v8 =	vmul.f32 v8, v8;
	v20 =	vadd.f32 v21, v20;
	v12 =	vld [tilespmem:s30+$0xFFFFFF70];
	v18 =	vadd.f32 v30, v18  }
0x257: {  	v10 =	vmul.f32 v10, v10;
	v22 =	vadd.f32 v23, v22;
	v21 =	vld [tilespmem:s26+$0xFFFFFF70];
	v15 =	vadd.f32 v15, v19  }
0x258: {  	v4 =	vmul.f32 v4, v4;
	v2 =	vmul.f32 v2, v2;
	v23 =	vld [tilespmem:s30+$0xFFFFFFE0];
	v18 =	vadd.f32 v34, v18  }
0x259: {  	v5 =	vmul.f32 v5, v5;
	v10 =	vadd.f32 v10, v20;
	v8 =	vadd.f32 v8, v22;
	v25 =	vld [tilespmem:s26+$0xFFFFFFE0];
	(xrf2) =	vadd.scan.msk.f32 $0xffff, v15  }
0x25a: {  	v1 =	vmul.f32 v1, v1;
	v15 =	vld [tilespmem:s30+$0x50];
	v2 =	vadd.f32 v2, v18;
	v18 =	vsub.f32 v24, v26  }
0x25b: {  	v3 =	vmul.f32 v3, v3;
	v5 =	vadd.f32 v5, v10;
	v4 =	vadd.f32 v4, v8;
	v20 =	vld [tilespmem:s26+$0x50]  }
0x25c: {  	v10 =	vsub.f32 v31, v32;
	v8 =	vld [tilespmem:s30+$0xC0];
	(xrf2) =	vadd.scan.msk.f32 $0xffff, v2  }
0x25d: {  	v1 =	vadd.f32 v1, v4;
	v2 =	vadd.f32 v3, v5;
	v3 =	vmul.f32 v18, v18;
	v22 =	vld [tilespmem:s26+$0xC0]  }
0x25e: {  	v4 =	vld [tilespmem:s30+$0xFFFFFF60]  }
0x25f: {  	v2 =	vadd.f32 v3, v2;
	v3 =	vmul.f32 v10, v10;
	v5 =	vld [tilespmem:s26+$0xFFFFFF60];
	(xrf2) =	vadd.scan.msk.f32 $0xffff, v1  }
0x260: {  	v10 =	vld [tilespmem:s30+$0xFFFFFFD0]  }
0x261: {  	v2 =	vadd.f32 v3, v2;
	v18 =	vld [tilespmem:s26+$0xFFFFFFD0]  }
0x262: {  	v24 =	vld [tilespmem:s30+$0x40]  }
0x263: {  	v26 =	vld [tilespmem:s26+$0x40];
	(xrf2) =	vadd.scan.msk.f32 $0xffff, v2;
	v1, _, _ =	vpop (xrf2)  }
0x264: {  	v27 =	vld [tilespmem:s30+$0xB0]  }
0x265: {  	v28 =	vld [tilespmem:s26+$0xB0]  }
0x266: {  	v29 =	vld [tilespmem:s30+$0xFFFFFF50];
	v2, _, _ =	vpop (xrf2)  }
0x267: {  	v30 =	vld [tilespmem:s26+$0xFFFFFF50]  }
0x268: {  	v31 =	vld [tilespmem:s30+$0xFFFFFFC0]  }
0x269: {  	v32 =	vld [tilespmem:s26+$0xFFFFFFC0];
	v3, _, _ =	vpop (xrf2)  }
0x26a: {  	v33 =	vld [tilespmem:s30+$0x30];
	v3 =	vmax.f32 v3, $9.999999960e-13  }
0x26b: {  	v34 =	vld [tilespmem:s26+$0x30];
	v19 =	vmin.f32 v3, $9.999999950e+11  }
0x26c: {  	v2 =	vmax.f32 v2, $9.999999960e-13;
	v35 =	vld [tilespmem:s30+$0xA0];
	v0 =	vadd.f32 v19, v0  }
0x26d: {  	v2 =	vmin.f32 v2, $9.999999950e+11;
	v36 =	vld [tilespmem:s26+$0xA0];
	v3, _, _ =	vpop (xrf2)  }
0x26e: {  	v37 =	vld [tilespmem:s30+$0xFFFFFF40];
	v0 =	vadd.f32 v2, v0;
	v2 =	vmax.f32 v3, $9.999999960e-13  }
0x26f: {  	v38 =	vld [tilespmem:s26+$0xFFFFFF40];
	v2 =	vmin.f32 v2, $9.999999950e+11  }
0x270: {  	v1 =	vmax.f32 v1, $9.999999960e-13;
	v39 =	vld [tilespmem:s30+$0xFFFFFFB0];
	v0 =	vadd.f32 v2, v0  }
0x271: {  	v1 =	vmin.f32 v1, $9.999999950e+11;
	v40 =	vld [tilespmem:s26+$0xFFFFFFB0]  }
0x272: {  	v41 =	vld [tilespmem:s30+$0x20];
	v0 =	vadd.f32 v1, v0  }
0x273: {  	v42 =	vld [tilespmem:s26+$0x20]  }
0x274: {  	v43 =	vld [tilespmem:s30+$0x80]  }
0x275: {  	v44 =	vld [tilespmem:s26+$0x80]  }
0x276: {  	v45 =	vld [tilespmem:s30+$0x90]  }
0x277: {  	v46 =	vld [tilespmem:s26+$0x90]  }
0x278: {  	v47 =	vld [tilespmem:s30+$0xFFFFFF30]  }
0x279: {  	v48 =	vld [tilespmem:s26+$0xFFFFFF30]  }
0x27a: {  	v49 =	vld [tilespmem:s30+$0xFFFFFFA0]  }
0x27b: {  	v50 =	vld [tilespmem:s26+$0xFFFFFFA0]  }
0x27c: {  	v51 =	vld [tilespmem:s30+$0x0]  }
0x27d: {  	v6 =	vsub.f32 v6, v7;
	v52 =	vld [tilespmem:s26+$0x0]  }
0x27e: {  	v7 =	vsub.f32 v9, v11;
	v2 =	vsub.f32 v13, v14;
	v53 =	vld [tilespmem:s30+$0x10]  }
0x27f: {  	v19 =	vsub.f32 v16, v17;
	v1 =	vsub.f32 v12, v21;
	v54 =	vld [tilespmem:s26+$0x10]  }
0x280: {  	v3 =	vsub.f32 v15, v20;
	v13 =	vsub.f32 v23, v25;
	v55 =	vld [tilespmem:s30+$0xFFFFFF20]  }
0x281: {  	v9 =	vsub.f32 v8, v22;
	v4 =	vsub.f32 v4, v5;
	v15 =	vld [tilespmem:s26+$0xFFFFFF20]  }
0x282: {  	v11 =	vsub.f32 v10, v18;
	v5 =	vsub.f32 v24, v26;
	v56 =	vld [tilespmem:s30+$0xFFFFFF80]  }
0x283: {  	v8 =	vsub.f32 v29, v30;
	v20 =	vsub.f32 v27, v28;
	v30 =	vld [tilespmem:s26+$0xFFFFFF80]  }
0x284: {  	v14 =	vsub.f32 v31, v32;
	v10 =	vsub.f32 v33, v34;
	v57 =	vld [tilespmem:s30+$0xFFFFFF90]  }
0x285: {  	s29 =	sadd.s32 $0x4, s29;
	v25 =	vsub.f32 v35, v36;
	v12 =	vsub.f32 v37, v38;
	v31 =	vld [tilespmem:s26+$0xFFFFFF90]  }
0x286: {  	p0 =	slt.u32 s29, $0x3C;
	v18 =	vsub.f32 v39, v40;
	v17 =	vsub.f32 v41, v42;
	v27 =	vld [tilespmem:s30+$0xFFFFFF00]  }
.Ltmp3:
0x287: {  	v32 =	vsub.f32 v43, v44;
	v33 =	vsub.f32 v45, v46;
	v29 =	vld [tilespmem:s26+$0xFFFFFF00];
	(pc) =	sbr.rel @p0 .LBB2_8-.Ltmp3, $4  }
0x288: {  	v16 =	vsub.f32 v47, v48;
	v24 =	vsub.f32 v49, v50;
	v26 =	vld [tilespmem:s30+$0xFFFFFF10]  }
0x289: {  	v21 =	vsub.f32 v51, v52;
	v22 =	vsub.f32 v53, v54;
	v28 =	vld [tilespmem:s26+$0xFFFFFF10]  }
0x28a: {  	v23 =	vsub.f32 v55, v15;
	v15 =	vmul.f32 v6, v6;
	v30 =	vsub.f32 v56, v30  }
0x28b: {  	v32 =	vmul.f32 v32, v32;
	v33 =	vmul.f32 v33, v33;
	s30 =	sadd.s32 $0x200, s30;
	v31 =	vsub.f32 v57, v31  }
0x28c: {  	v6 =	vmul.f32 v19, v19  }
0x28d: {  	v7 =	vmul.f32 v7, v7;
	v13 =	vmul.f32 v13, v13  }
0x28e: {  	v19 =	vsub.f32 v27, v29;
	v25 =	vmul.f32 v25, v25;
	v29 =	vmul.f32 v30, v30  }
0x28f: {  	v20 =	vmul.f32 v20, v20;
	v9 =	vmul.f32 v9, v9  }
0x290: {  	v24 =	vmul.f32 v24, v24;
	v11 =	vmul.f32 v11, v11;
	v27 =	vadd.f32 v33, v32  }
0x291: {  	v18 =	vmul.f32 v18, v18;
	v30 =	vmul.f32 v31, v31;
	v26 =	vsub.f32 v26, v28  }
0x292: {  	v14 =	vmul.f32 v14, v14;
	v21 =	vmul.f32 v21, v21;
	v25 =	vadd.f32 v25, v27  }
0x293: {  	v19 =	vmul.f32 v19, v19;
	v27 =	vadd.f32 v30, v29;
	v26 =	vmul.f32 v26, v26  }
0x294: {  	v22 =	vmul.f32 v22, v22;
	v23 =	vmul.f32 v23, v23;
	v20 =	vadd.f32 v20, v25  }
0x295: {  	v17 =	vmul.f32 v17, v17;
	v24 =	vadd.f32 v24, v27;
	v19 =	vadd.f32 v26, v19  }
0x296: {  	v16 =	vmul.f32 v16, v16;
	v21 =	vadd.f32 v22, v21;
	v22 =	vld [tilespmem:s28+$0x60];
	v9 =	vadd.f32 v9, v20  }
0x297: {  	v10 =	vmul.f32 v10, v10;
	v18 =	vadd.f32 v18, v24;
	v20 =	vld [tilespmem:s23+$0x60];
	v19 =	vadd.f32 v23, v19  }
0x298: {  	v12 =	vmul.f32 v12, v12;
	v17 =	vadd.f32 v17, v21;
	v6 =	vadd.f32 v6, v9;
	v9 =	vld [tilespmem:s23+$0x70]  }
0x299: {  	v5 =	vmul.f32 v5, v5;
	v14 =	vadd.f32 v14, v18;
	v18 =	vld [tilespmem:s28+$0x70];
	v16 =	vadd.f32 v16, v19  }
0x29a: {  	v6 =	vadd.f32 v7, v6;
	v7 =	vmul.f32 v8, v8;
	v8 =	vadd.f32 v10, v17  }
0x29b: {  	v4 =	vmul.f32 v4, v4;
	v10 =	vadd.f32 v11, v14;
	v11 =	vadd.f32 v12, v16  }
0x29c: {  	v3 =	vmul.f32 v3, v3;
	v12 =	vsub.f32 v20, v22;
	v5 =	vadd.f32 v5, v8  }
0x29d: {  	v2 =	vmul.f32 v2, v2;
	v8 =	vadd.f32 v13, v10;
	v7 =	vadd.f32 v7, v11  }
0x29e: {  	v9 =	vsub.f32 v9, v18;
	v3 =	vadd.f32 v3, v5;
	v5 =	vmul.f32 v12, v12  }
0x29f: {  	v1 =	vmul.f32 v1, v1;
	v6 =	vadd.f32 v15, v6;
	v4 =	vadd.f32 v4, v7  }
0x2a0: {  	v2 =	vadd.f32 v2, v8;
	v3 =	vadd.f32 v5, v3;
	v5 =	vmul.f32 v9, v9  }
0x2a1: {  	(xrf2) =	vadd.scan.msk.f32 $0xffff, v6;
	v1 =	vadd.f32 v1, v4  }
0x2a2: {  	(xrf2) =	vadd.scan.msk.f32 $0xffff, v2;
	v2 =	vadd.f32 v5, v3  }
0x2a3: {  	(xrf2) =	vadd.scan.msk.f32 $0xffff, v1  }
0x2a4: {  	(xrf2) =	vadd.scan.msk.f32 $0xffff, v2;
	_ =	sdelay $0x6  }
0x2a5: {  	s26 =	simm.s32 $0x140;
	v1, _, _ =	vpop (xrf2)  }
0x2a6: {  	[tilespmem:s19], [sflag:$0x4] =	stream.indirect.gather [hbm4b:s2+s16], $0x80, s26, s16, $0xb8;
	v2, _, _ =	vpop (xrf2);
	[tilespmem:$0x8280] =	vst v63  }
0x2a7: {  	v3, _, _ =	vpop (xrf2)  }
0x2a8: {  	[tilespmem:s20], [sflag:$0x2] =	stream.linear.gather [hbm4b:s10+s3], $0x2000, $0x38;
	v4, _, _ =	vpop (xrf2);
	[tilespmem:$0x8280] =	vst v63  }
0x2a9: {  	_ =	swait.ge [sflag:s21], $0x2000  }
0x2aa: {  	[sflag:s21] =	ssyncset.done $0x0  }
0x2ab: {  	[sflag:s21] =	ssyncadd.s32 $0xFFFFE000  }
0x2ac: {  	_ =	swait.ge [sflag:s22], $0x2000  }
0x2ad: {  	[sflag:s22] =	ssyncset.done $0x0  }
0x2ae: {  	s23 =	simm.s32 $0x300;
	[sflag:s22] =	ssyncadd.s32 $0xFFFFE000  }
0x2af: {  	s26 =	simm.s32 $0x4300;
	v5 =	vld [tilespmem:s23+$0xF0]  }
0x2b0: {  	v6 =	vld [tilespmem:s26+$0xF0]  }
0x2b1: {  	v7 =	vld [tilespmem:s23+$0xE0]  }
0x2b2: {  	v8 =	vld [tilespmem:s26+$0xE0]  }
0x2b3: {  	v9 =	vld [tilespmem:s23+$0xFFFFFFF0]  }
0x2b4: {  	v10 =	vld [tilespmem:s26+$0xFFFFFFF0]  }
0x2b5: {  	v11 =	vld [tilespmem:s23+$0xD0]  }
0x2b6: {  	v12 =	vld [tilespmem:s26+$0xD0]  }
0x2b7: {  	v13 =	vld [tilespmem:s23+$0xFFFFFF70]  }
0x2b8: {  	v14 =	vld [tilespmem:s26+$0xFFFFFF70]  }
0x2b9: {  	v15 =	vld [tilespmem:s23+$0xFFFFFFE0]  }
0x2ba: {  	v16 =	vld [tilespmem:s26+$0xFFFFFFE0]  }
0x2bb: {  	v17 =	vld [tilespmem:s23+$0x50]  }
0x2bc: {  	v18 =	vld [tilespmem:s26+$0x50]  }
0x2bd: {  	v20 =	vld [tilespmem:s23+$0xC0]  }
0x2be: {  	v21 =	vld [tilespmem:s26+$0xC0]  }
0x2bf: {  	v22 =	vld [tilespmem:s23+$0xFFFFFF60]  }
0x2c0: {  	v23 =	vld [tilespmem:s26+$0xFFFFFF60]  }
0x2c1: {  	v24 =	vld [tilespmem:s23+$0xFFFFFFD0]  }
0x2c2: {  	v25 =	vld [tilespmem:s26+$0xFFFFFFD0]  }
0x2c3: {  	v26 =	vld [tilespmem:s23+$0x40]  }
0x2c4: {  	v27 =	vld [tilespmem:s26+$0x40]  }
0x2c5: {  	v28 =	vld [tilespmem:s23+$0xB0]  }
0x2c6: {  	v29 =	vld [tilespmem:s26+$0xB0]  }
0x2c7: {  	v30 =	vld [tilespmem:s23+$0xFFFFFF50]  }
0x2c8: {  	v31 =	vld [tilespmem:s26+$0xFFFFFF50]  }
0x2c9: {  	v63 =	vld [tilespmem:s23+$0xFFFFFFC0]  }
0x2ca: {  	v60 =	vld [tilespmem:s26+$0xFFFFFFC0]  }
0x2cb: {  	v34 =	vld [tilespmem:s23+$0x30]  }
0x2cc: {  	v35 =	vld [tilespmem:s26+$0x30]  }
0x2cd: {  	v36 =	vld [tilespmem:s23+$0xA0]  }
0x2ce: {  	v37 =	vld [tilespmem:s26+$0xA0]  }
0x2cf: {  	v38 =	vld [tilespmem:s23+$0xFFFFFF40]  }
0x2d0: {  	v39 =	vld [tilespmem:s26+$0xFFFFFF40]  }
0x2d1: {  	v40 =	vld [tilespmem:s23+$0xFFFFFFB0]  }
0x2d2: {  	v41 =	vld [tilespmem:s26+$0xFFFFFFB0]  }
0x2d3: {  	v42 =	vld [tilespmem:s23+$0x20]  }
0x2d4: {  	v43 =	vld [tilespmem:s26+$0x20]  }
0x2d5: {  	v44 =	vld [tilespmem:s23+$0x80]  }
0x2d6: {  	v3 =	vmax.f32 v3, $9.999999960e-13;
	v45 =	vld [tilespmem:s26+$0x80]  }
0x2d7: {  	v3 =	vmin.f32 v3, $9.999999950e+11;
	v46 =	vld [tilespmem:s23+$0x90]  }
0x2d8: {  	v2 =	vmax.f32 v2, $9.999999960e-13;
	v0 =	vadd.f32 v3, v0;
	v47 =	vld [tilespmem:s26+$0x90]  }
0x2d9: {  	v2 =	vmin.f32 v2, $9.999999950e+11;
	v48 =	vld [tilespmem:s23+$0xFFFFFF30]  }
0x2da: {  	v0 =	vadd.f32 v2, v0;
	v2 =	vmax.f32 v4, $9.999999960e-13;
	v49 =	vld [tilespmem:s26+$0xFFFFFF30]  }
0x2db: {  	v2 =	vmin.f32 v2, $9.999999950e+11;
	v50 =	vld [tilespmem:s23+$0xFFFFFFA0]  }
0x2dc: {  	v1 =	vmax.f32 v1, $9.999999960e-13;
	v0 =	vadd.f32 v2, v0;
	v51 =	vld [tilespmem:s26+$0xFFFFFFA0]  }
0x2dd: {  	v1 =	vmin.f32 v1, $9.999999950e+11;
	v52 =	vld [tilespmem:s23+$0x0]  }
0x2de: {  	v53 =	vld [tilespmem:s26+$0x0];
	v0 =	vadd.f32 v1, v0;
	v6 =	vsub.f32 v5, v6  }
0x2df: {  	v54 =	vld [tilespmem:s23+$0x10];
	v2 =	vsub.f32 v9, v10;
	v7 =	vsub.f32 v7, v8  }
0x2e0: {  	v55 =	vld [tilespmem:s26+$0x10];
	v1 =	vsub.f32 v13, v14;
	v19 =	vsub.f32 v11, v12  }
0x2e1: {  	v56 =	vld [tilespmem:s23+$0xFFFFFF80];
	v13 =	vsub.f32 v15, v16;
	v3 =	vsub.f32 v17, v18  }
0x2e2: {  	v61 =	vld [tilespmem:s26+$0xFFFFFF90];
	v4 =	vsub.f32 v22, v23;
	v9 =	vsub.f32 v20, v21  }
0x2e3: {  	v15 =	vld [tilespmem:s23+$0xFFFFFF20];
	v11 =	vsub.f32 v24, v25;
	v5 =	vsub.f32 v26, v27  }
0x2e4: {  	v23 =	vld [tilespmem:s26+$0xFFFFFF20];
	v8 =	vsub.f32 v30, v31;
	v20 =	vsub.f32 v28, v29  }
0x2e5: {  	v28 =	vld [tilespmem:s26+$0xFFFFFF80];
	v14 =	vsub.f32 v63, v60;
	v10 =	vsub.f32 v34, v35  }
0x2e6: {  	v31 =	vld [tilespmem:s23+$0xFFFFFF90];
	v12 =	vsub.f32 v38, v39;
	v25 =	vsub.f32 v36, v37  }
0x2e7: {  	v18 =	vsub.f32 v40, v41;
	v17 =	vsub.f32 v42, v43;
	v27 =	vld [tilespmem:s23+$0xFFFFFF00]  }
0x2e8: {  	v62 =	vsub.f32 v44, v45;
	v63 =	vsub.f32 v46, v47;
	v29 =	vld [tilespmem:s26+$0xFFFFFF00]  }
0x2e9: {  	v16 =	vsub.f32 v48, v49;
	v24 =	vsub.f32 v50, v51;
	v26 =	vld [tilespmem:s23+$0xFFFFFF10]  }
0x2ea: {  	v21 =	vsub.f32 v52, v53;
	v30 =	vsub.f32 v56, v28;
	v28 =	vld [tilespmem:s26+$0xFFFFFF10]  }
0x2eb: {  	v22 =	vsub.f32 v54, v55;
	v32 =	vmul.f32 v62, v62;
	v33 =	vmul.f32 v63, v63  }
0x2ec: {  	s29 =	simm.s32 $0x0;
	s30 =	simm.s32 $0x500;
	s28 =	simm.s32 $0x4300;
	v23 =	vsub.f32 v15, v23;
	v15 =	vmul.f32 v6, v6;
	v31 =	vsub.f32 v31, v61  }
.LBB2_10:
0x2ed: {  	v6 =	vld [tilespmem:s30+$0xF0];
	v27 =	vsub.f32 v27, v29;
	v19 =	vmul.f32 v19, v19;
	v29 =	vmul.f32 v7, v7;
	s26 =	sadd.s32 $0x200, s26  }
0x2ee: {  	v34 =	vmul.f32 v13, v13;
	v25 =	vmul.f32 v25, v25;
	v7 =	vld [tilespmem:s26+$0xF0];
	v13 =	vadd.f32 v33, v32  }
0x2ef: {  	v26 =	vsub.f32 v26, v28;
	v28 =	vmul.f32 v30, v30;
	v30 =	vmul.f32 v31, v31;
	v31 =	vld [tilespmem:s23+$0x70]  }
0x2f0: {  	v20 =	vmul.f32 v20, v20;
	v32 =	vld [tilespmem:s28+$0x70];
	v13 =	vadd.f32 v25, v13;
	v25 =	vmul.f32 v9, v9  }
0x2f1: {  	v24 =	vmul.f32 v24, v24;
	v9 =	vld [tilespmem:s30+$0xE0];
	v28 =	vadd.f32 v30, v28;
	v30 =	vmul.f32 v11, v11  }
0x2f2: {  	v27 =	vmul.f32 v27, v27;
	v26 =	vmul.f32 v26, v26;
	v11 =	vld [tilespmem:s26+$0xE0];
	v20 =	vadd.f32 v20, v13  }
0x2f3: {  	v18 =	vmul.f32 v18, v18;
	v13 =	vld [tilespmem:s30+$0xFFFFFFF0];
	v24 =	vadd.f32 v24, v28;
	v28 =	vmul.f32 v14, v14  }
0x2f4: {  	v23 =	vmul.f32 v23, v23;
	v26 =	vadd.f32 v26, v27;
	v14 =	vld [tilespmem:s26+$0xFFFFFFF0];
	v20 =	vadd.f32 v25, v20  }
0x2f5: {  	v21 =	vmul.f32 v21, v21;
	v22 =	vmul.f32 v22, v22;
	v18 =	vadd.f32 v18, v24;
	v24 =	vld [tilespmem:s23+$0x60];
	s23 =	smov.u32 s30  }
0x2f6: {  	v25 =	vmul.f32 v16, v16;
	v23 =	vadd.f32 v23, v26;
	v26 =	vld [tilespmem:s28+$0x60];
	v19 =	vadd.f32 v19, v20;
	s28 =	smov.u32 s26  }
0x2f7: {  	v20 =	vadd.f32 v22, v21;
	v21 =	vmul.f32 v17, v17;
	v16 =	vld [tilespmem:s30+$0xD0];
	v18 =	vadd.f32 v28, v18  }
0x2f8: {  	v22 =	vadd.f32 v25, v23;
	v23 =	vmul.f32 v12, v12;
	v17 =	vld [tilespmem:s26+$0xD0];
	v19 =	vadd.f32 v29, v19  }
0x2f9: {  	v8 =	vmul.f32 v8, v8;
	v20 =	vadd.f32 v21, v20;
	v12 =	vld [tilespmem:s30+$0xFFFFFF70];
	v18 =	vadd.f32 v30, v18  }
0x2fa: {  	v10 =	vmul.f32 v10, v10;
	v22 =	vadd.f32 v23, v22;
	v21 =	vld [tilespmem:s26+$0xFFFFFF70];
	v15 =	vadd.f32 v15, v19  }
0x2fb: {  	v4 =	vmul.f32 v4, v4;
	v2 =	vmul.f32 v2, v2;
	v23 =	vld [tilespmem:s30+$0xFFFFFFE0];
	v18 =	vadd.f32 v34, v18  }
0x2fc: {  	v5 =	vmul.f32 v5, v5;
	v10 =	vadd.f32 v10, v20;
	v8 =	vadd.f32 v8, v22;
	v25 =	vld [tilespmem:s26+$0xFFFFFFE0];
	(xrf2) =	vadd.scan.msk.f32 $0xffff, v15  }
0x2fd: {  	v1 =	vmul.f32 v1, v1;
	v15 =	vld [tilespmem:s30+$0x50];
	v2 =	vadd.f32 v2, v18;
	v18 =	vsub.f32 v24, v26  }
0x2fe: {  	v3 =	vmul.f32 v3, v3;
	v5 =	vadd.f32 v5, v10;
	v4 =	vadd.f32 v4, v8;
	v20 =	vld [tilespmem:s26+$0x50]  }
0x2ff: {  	v10 =	vsub.f32 v31, v32;
	v8 =	vld [tilespmem:s30+$0xC0];
	(xrf2) =	vadd.scan.msk.f32 $0xffff, v2  }
0x300: {  	v1 =	vadd.f32 v1, v4;
	v2 =	vadd.f32 v3, v5;
	v3 =	vmul.f32 v18, v18;
	v22 =	vld [tilespmem:s26+$0xC0]  }
0x301: {  	v4 =	vld [tilespmem:s30+$0xFFFFFF60]  }
0x302: {  	v2 =	vadd.f32 v3, v2;
	v3 =	vmul.f32 v10, v10;
	v5 =	vld [tilespmem:s26+$0xFFFFFF60];
	(xrf2) =	vadd.scan.msk.f32 $0xffff, v1  }
0x303: {  	v10 =	vld [tilespmem:s30+$0xFFFFFFD0]  }
0x304: {  	v2 =	vadd.f32 v3, v2;
	v18 =	vld [tilespmem:s26+$0xFFFFFFD0]  }
0x305: {  	v24 =	vld [tilespmem:s30+$0x40]  }
0x306: {  	v26 =	vld [tilespmem:s26+$0x40];
	(xrf2) =	vadd.scan.msk.f32 $0xffff, v2;
	v1, _, _ =	vpop (xrf2)  }
0x307: {  	v27 =	vld [tilespmem:s30+$0xB0]  }
0x308: {  	v28 =	vld [tilespmem:s26+$0xB0]  }
0x309: {  	v29 =	vld [tilespmem:s30+$0xFFFFFF50];
	v2, _, _ =	vpop (xrf2)  }
0x30a: {  	v30 =	vld [tilespmem:s26+$0xFFFFFF50]  }
0x30b: {  	v31 =	vld [tilespmem:s30+$0xFFFFFFC0]  }
0x30c: {  	v32 =	vld [tilespmem:s26+$0xFFFFFFC0];
	v3, _, _ =	vpop (xrf2)  }
0x30d: {  	v33 =	vld [tilespmem:s30+$0x30];
	v3 =	vmax.f32 v3, $9.999999960e-13  }
0x30e: {  	v34 =	vld [tilespmem:s26+$0x30];
	v19 =	vmin.f32 v3, $9.999999950e+11  }
0x30f: {  	v2 =	vmax.f32 v2, $9.999999960e-13;
	v35 =	vld [tilespmem:s30+$0xA0];
	v0 =	vadd.f32 v19, v0  }
0x310: {  	v2 =	vmin.f32 v2, $9.999999950e+11;
	v36 =	vld [tilespmem:s26+$0xA0];
	v3, _, _ =	vpop (xrf2)  }
0x311: {  	v37 =	vld [tilespmem:s30+$0xFFFFFF40];
	v0 =	vadd.f32 v2, v0;
	v2 =	vmax.f32 v3, $9.999999960e-13  }
0x312: {  	v38 =	vld [tilespmem:s26+$0xFFFFFF40];
	v2 =	vmin.f32 v2, $9.999999950e+11  }
0x313: {  	v1 =	vmax.f32 v1, $9.999999960e-13;
	v39 =	vld [tilespmem:s30+$0xFFFFFFB0];
	v0 =	vadd.f32 v2, v0  }
0x314: {  	v1 =	vmin.f32 v1, $9.999999950e+11;
	v40 =	vld [tilespmem:s26+$0xFFFFFFB0]  }
0x315: {  	v41 =	vld [tilespmem:s30+$0x20];
	v0 =	vadd.f32 v1, v0  }
0x316: {  	v42 =	vld [tilespmem:s26+$0x20]  }
0x317: {  	v43 =	vld [tilespmem:s30+$0x80]  }
0x318: {  	v44 =	vld [tilespmem:s26+$0x80]  }
0x319: {  	v45 =	vld [tilespmem:s30+$0x90]  }
0x31a: {  	v46 =	vld [tilespmem:s26+$0x90]  }
0x31b: {  	v47 =	vld [tilespmem:s30+$0xFFFFFF30]  }
0x31c: {  	v48 =	vld [tilespmem:s26+$0xFFFFFF30]  }
0x31d: {  	v49 =	vld [tilespmem:s30+$0xFFFFFFA0]  }
0x31e: {  	v50 =	vld [tilespmem:s26+$0xFFFFFFA0]  }
0x31f: {  	v51 =	vld [tilespmem:s30+$0x0]  }
0x320: {  	v6 =	vsub.f32 v6, v7;
	v52 =	vld [tilespmem:s26+$0x0]  }
0x321: {  	v7 =	vsub.f32 v9, v11;
	v2 =	vsub.f32 v13, v14;
	v53 =	vld [tilespmem:s30+$0x10]  }
0x322: {  	v19 =	vsub.f32 v16, v17;
	v1 =	vsub.f32 v12, v21;
	v54 =	vld [tilespmem:s26+$0x10]  }
0x323: {  	v3 =	vsub.f32 v15, v20;
	v13 =	vsub.f32 v23, v25;
	v55 =	vld [tilespmem:s30+$0xFFFFFF20]  }
0x324: {  	v9 =	vsub.f32 v8, v22;
	v4 =	vsub.f32 v4, v5;
	v15 =	vld [tilespmem:s26+$0xFFFFFF20]  }
0x325: {  	v11 =	vsub.f32 v10, v18;
	v5 =	vsub.f32 v24, v26;
	v56 =	vld [tilespmem:s30+$0xFFFFFF80]  }
0x326: {  	v8 =	vsub.f32 v29, v30;
	v20 =	vsub.f32 v27, v28;
	v30 =	vld [tilespmem:s26+$0xFFFFFF80]  }
0x327: {  	v14 =	vsub.f32 v31, v32;
	v10 =	vsub.f32 v33, v34;
	v57 =	vld [tilespmem:s30+$0xFFFFFF90]  }
0x328: {  	s29 =	sadd.s32 $0x4, s29;
	v25 =	vsub.f32 v35, v36;
	v12 =	vsub.f32 v37, v38;
	v31 =	vld [tilespmem:s26+$0xFFFFFF90]  }
0x329: {  	p0 =	slt.u32 s29, $0x3C;
	v18 =	vsub.f32 v39, v40;
	v17 =	vsub.f32 v41, v42;
	v27 =	vld [tilespmem:s30+$0xFFFFFF00]  }
.Ltmp4:
0x32a: {  	v32 =	vsub.f32 v43, v44;
	v33 =	vsub.f32 v45, v46;
	v29 =	vld [tilespmem:s26+$0xFFFFFF00];
	(pc) =	sbr.rel @p0 .LBB2_10-.Ltmp4, $4  }
0x32b: {  	v16 =	vsub.f32 v47, v48;
	v24 =	vsub.f32 v49, v50;
	v26 =	vld [tilespmem:s30+$0xFFFFFF10]  }
0x32c: {  	v21 =	vsub.f32 v51, v52;
	v22 =	vsub.f32 v53, v54;
	v28 =	vld [tilespmem:s26+$0xFFFFFF10]  }
0x32d: {  	v23 =	vsub.f32 v55, v15;
	v15 =	vmul.f32 v6, v6;
	v30 =	vsub.f32 v56, v30  }
0x32e: {  	v32 =	vmul.f32 v32, v32;
	v33 =	vmul.f32 v33, v33;
	s30 =	sadd.s32 $0x200, s30;
	v31 =	vsub.f32 v57, v31  }
0x32f: {  	v6 =	vmul.f32 v19, v19  }
0x330: {  	v7 =	vmul.f32 v7, v7;
	v13 =	vmul.f32 v13, v13  }
0x331: {  	v19 =	vsub.f32 v27, v29;
	v25 =	vmul.f32 v25, v25;
	v29 =	vmul.f32 v30, v30  }
0x332: {  	v20 =	vmul.f32 v20, v20;
	v9 =	vmul.f32 v9, v9  }
0x333: {  	v24 =	vmul.f32 v24, v24;
	v11 =	vmul.f32 v11, v11;
	v27 =	vadd.f32 v33, v32  }
0x334: {  	v18 =	vmul.f32 v18, v18;
	v30 =	vmul.f32 v31, v31;
	v26 =	vsub.f32 v26, v28  }
0x335: {  	v14 =	vmul.f32 v14, v14;
	v21 =	vmul.f32 v21, v21;
	v25 =	vadd.f32 v25, v27  }
0x336: {  	v19 =	vmul.f32 v19, v19;
	v27 =	vadd.f32 v30, v29;
	v26 =	vmul.f32 v26, v26  }
0x337: {  	v22 =	vmul.f32 v22, v22;
	v23 =	vmul.f32 v23, v23;
	v20 =	vadd.f32 v20, v25  }
0x338: {  	v17 =	vmul.f32 v17, v17;
	v24 =	vadd.f32 v24, v27;
	v19 =	vadd.f32 v26, v19  }
0x339: {  	v16 =	vmul.f32 v16, v16;
	v21 =	vadd.f32 v22, v21;
	v22 =	vld [tilespmem:s28+$0x60];
	v9 =	vadd.f32 v9, v20  }
0x33a: {  	v10 =	vmul.f32 v10, v10;
	v18 =	vadd.f32 v18, v24;
	v20 =	vld [tilespmem:s23+$0x60];
	v19 =	vadd.f32 v23, v19  }
0x33b: {  	v12 =	vmul.f32 v12, v12;
	v17 =	vadd.f32 v17, v21;
	v6 =	vadd.f32 v6, v9;
	v9 =	vld [tilespmem:s23+$0x70]  }
0x33c: {  	v5 =	vmul.f32 v5, v5;
	v14 =	vadd.f32 v14, v18;
	v18 =	vld [tilespmem:s28+$0x70];
	v16 =	vadd.f32 v16, v19  }
0x33d: {  	v6 =	vadd.f32 v7, v6;
	v7 =	vmul.f32 v8, v8;
	v8 =	vadd.f32 v10, v17  }
0x33e: {  	v4 =	vmul.f32 v4, v4;
	v10 =	vadd.f32 v11, v14;
	v11 =	vadd.f32 v12, v16  }
0x33f: {  	v3 =	vmul.f32 v3, v3;
	v12 =	vsub.f32 v20, v22;
	v5 =	vadd.f32 v5, v8  }
0x340: {  	v2 =	vmul.f32 v2, v2;
	v8 =	vadd.f32 v13, v10;
	v7 =	vadd.f32 v7, v11  }
0x341: {  	v9 =	vsub.f32 v9, v18;
	v3 =	vadd.f32 v3, v5;
	v5 =	vmul.f32 v12, v12  }
0x342: {  	v1 =	vmul.f32 v1, v1;
	v6 =	vadd.f32 v15, v6;
	v4 =	vadd.f32 v4, v7  }
0x343: {  	v2 =	vadd.f32 v2, v8;
	v3 =	vadd.f32 v5, v3;
	v5 =	vmul.f32 v9, v9  }
0x344: {  	(xrf2) =	vadd.scan.msk.f32 $0xffff, v6;
	v1 =	vadd.f32 v1, v4  }
0x345: {  	(xrf2) =	vadd.scan.msk.f32 $0xffff, v2;
	v2 =	vadd.f32 v5, v3  }
0x346: {  	(xrf2) =	vadd.scan.msk.f32 $0xffff, v1  }
0x347: {  	(xrf2) =	vadd.scan.msk.f32 $0xffff, v2;
	_ =	sdelay $0x6  }
0x348: {  	s26 =	simm.s32 $0x180;
	v1, _, _ =	vpop (xrf2)  }
0x349: {  	[tilespmem:s17], [sflag:$0x3] =	stream.indirect.gather [hbm4b:s2+s16], $0x80, s26, s16, $0xb8;
	v2, _, _ =	vpop (xrf2);
	[tilespmem:$0x8280] =	vst v63  }
0x34a: {  	v3, _, _ =	vpop (xrf2)  }
0x34b: {  	[tilespmem:s18], [sflag:$0x1] =	stream.linear.gather [hbm4b:s11+s3], $0x2000, $0x38;
	v4, _, _ =	vpop (xrf2);
	[tilespmem:$0x8280] =	vst v63  }
0x34c: {  	_ =	swait.ge [sflag:s24], $0x2000  }
0x34d: {  	[sflag:s24] =	ssyncset.done $0x0  }
0x34e: {  	[sflag:s24] =	ssyncadd.s32 $0xFFFFE000  }
0x34f: {  	_ =	swait.ge [sflag:s25], $0x2000  }
0x350: {  	[sflag:s25] =	ssyncset.done $0x0  }
0x351: {  	s23 =	simm.s32 $0x2300;
	[sflag:s25] =	ssyncadd.s32 $0xFFFFE000  }
0x352: {  	s26 =	simm.s32 $0x6300;
	v5 =	vld [tilespmem:s23+$0xF0]  }
0x353: {  	v6 =	vld [tilespmem:s26+$0xF0]  }
0x354: {  	v7 =	vld [tilespmem:s23+$0xE0]  }
0x355: {  	v8 =	vld [tilespmem:s26+$0xE0]  }
0x356: {  	v9 =	vld [tilespmem:s23+$0xFFFFFFF0]  }
0x357: {  	v10 =	vld [tilespmem:s26+$0xFFFFFFF0]  }
0x358: {  	v11 =	vld [tilespmem:s23+$0xD0]  }
0x359: {  	v12 =	vld [tilespmem:s26+$0xD0]  }
0x35a: {  	v13 =	vld [tilespmem:s23+$0xFFFFFF70]  }
0x35b: {  	v14 =	vld [tilespmem:s26+$0xFFFFFF70]  }
0x35c: {  	v15 =	vld [tilespmem:s23+$0xFFFFFFE0]  }
0x35d: {  	v16 =	vld [tilespmem:s26+$0xFFFFFFE0]  }
0x35e: {  	v17 =	vld [tilespmem:s23+$0x50]  }
0x35f: {  	v18 =	vld [tilespmem:s26+$0x50]  }
0x360: {  	v20 =	vld [tilespmem:s23+$0xC0]  }
0x361: {  	v21 =	vld [tilespmem:s26+$0xC0]  }
0x362: {  	v22 =	vld [tilespmem:s23+$0xFFFFFF60]  }
0x363: {  	v23 =	vld [tilespmem:s26+$0xFFFFFF60]  }
0x364: {  	v24 =	vld [tilespmem:s23+$0xFFFFFFD0]  }
0x365: {  	v25 =	vld [tilespmem:s26+$0xFFFFFFD0]  }
0x366: {  	v26 =	vld [tilespmem:s23+$0x40]  }
0x367: {  	v27 =	vld [tilespmem:s26+$0x40]  }
0x368: {  	v28 =	vld [tilespmem:s23+$0xB0]  }
0x369: {  	v29 =	vld [tilespmem:s26+$0xB0]  }
0x36a: {  	v30 =	vld [tilespmem:s23+$0xFFFFFF50]  }
0x36b: {  	v31 =	vld [tilespmem:s26+$0xFFFFFF50]  }
0x36c: {  	v63 =	vld [tilespmem:s23+$0xFFFFFFC0]  }
0x36d: {  	v60 =	vld [tilespmem:s26+$0xFFFFFFC0]  }
0x36e: {  	v34 =	vld [tilespmem:s23+$0x30]  }
0x36f: {  	v35 =	vld [tilespmem:s26+$0x30]  }
0x370: {  	v36 =	vld [tilespmem:s23+$0xA0]  }
0x371: {  	v37 =	vld [tilespmem:s26+$0xA0]  }
0x372: {  	v38 =	vld [tilespmem:s23+$0xFFFFFF40]  }
0x373: {  	v39 =	vld [tilespmem:s26+$0xFFFFFF40]  }
0x374: {  	v40 =	vld [tilespmem:s23+$0xFFFFFFB0]  }
0x375: {  	v41 =	vld [tilespmem:s26+$0xFFFFFFB0]  }
0x376: {  	v42 =	vld [tilespmem:s23+$0x20]  }
0x377: {  	v43 =	vld [tilespmem:s26+$0x20]  }
0x378: {  	v44 =	vld [tilespmem:s23+$0x80]  }
0x379: {  	v3 =	vmax.f32 v3, $9.999999960e-13;
	v45 =	vld [tilespmem:s26+$0x80]  }
0x37a: {  	v3 =	vmin.f32 v3, $9.999999950e+11;
	v46 =	vld [tilespmem:s23+$0x90]  }
0x37b: {  	v2 =	vmax.f32 v2, $9.999999960e-13;
	v0 =	vadd.f32 v3, v0;
	v47 =	vld [tilespmem:s26+$0x90]  }
0x37c: {  	v2 =	vmin.f32 v2, $9.999999950e+11;
	v48 =	vld [tilespmem:s23+$0xFFFFFF30]  }
0x37d: {  	v0 =	vadd.f32 v2, v0;
	v2 =	vmax.f32 v4, $9.999999960e-13;
	v49 =	vld [tilespmem:s26+$0xFFFFFF30]  }
0x37e: {  	v2 =	vmin.f32 v2, $9.999999950e+11;
	v50 =	vld [tilespmem:s23+$0xFFFFFFA0]  }
0x37f: {  	v1 =	vmax.f32 v1, $9.999999960e-13;
	v0 =	vadd.f32 v2, v0;
	v51 =	vld [tilespmem:s26+$0xFFFFFFA0]  }
0x380: {  	v1 =	vmin.f32 v1, $9.999999950e+11;
	v52 =	vld [tilespmem:s23+$0x0]  }
0x381: {  	v53 =	vld [tilespmem:s26+$0x0];
	v0 =	vadd.f32 v1, v0;
	v6 =	vsub.f32 v5, v6  }
0x382: {  	v54 =	vld [tilespmem:s23+$0x10];
	v2 =	vsub.f32 v9, v10;
	v7 =	vsub.f32 v7, v8  }
0x383: {  	v55 =	vld [tilespmem:s26+$0x10];
	v1 =	vsub.f32 v13, v14;
	v19 =	vsub.f32 v11, v12  }
0x384: {  	v56 =	vld [tilespmem:s23+$0xFFFFFF80];
	v13 =	vsub.f32 v15, v16;
	v3 =	vsub.f32 v17, v18  }
0x385: {  	v61 =	vld [tilespmem:s26+$0xFFFFFF90];
	v4 =	vsub.f32 v22, v23;
	v9 =	vsub.f32 v20, v21  }
0x386: {  	v15 =	vld [tilespmem:s23+$0xFFFFFF20];
	v11 =	vsub.f32 v24, v25;
	v5 =	vsub.f32 v26, v27  }
0x387: {  	v23 =	vld [tilespmem:s26+$0xFFFFFF20];
	v8 =	vsub.f32 v30, v31;
	v20 =	vsub.f32 v28, v29  }
0x388: {  	v28 =	vld [tilespmem:s26+$0xFFFFFF80];
	v14 =	vsub.f32 v63, v60;
	v10 =	vsub.f32 v34, v35  }
0x389: {  	v31 =	vld [tilespmem:s23+$0xFFFFFF90];
	v12 =	vsub.f32 v38, v39;
	v25 =	vsub.f32 v36, v37  }
0x38a: {  	v18 =	vsub.f32 v40, v41;
	v17 =	vsub.f32 v42, v43;
	v27 =	vld [tilespmem:s23+$0xFFFFFF00]  }
0x38b: {  	v62 =	vsub.f32 v44, v45;
	v63 =	vsub.f32 v46, v47;
	v29 =	vld [tilespmem:s26+$0xFFFFFF00]  }
0x38c: {  	v16 =	vsub.f32 v48, v49;
	v24 =	vsub.f32 v50, v51;
	v26 =	vld [tilespmem:s23+$0xFFFFFF10]  }
0x38d: {  	v21 =	vsub.f32 v52, v53;
	v30 =	vsub.f32 v56, v28;
	v28 =	vld [tilespmem:s26+$0xFFFFFF10]  }
0x38e: {  	v22 =	vsub.f32 v54, v55;
	v32 =	vmul.f32 v62, v62;
	v33 =	vmul.f32 v63, v63  }
0x38f: {  	s29 =	simm.s32 $0x0;
	s30 =	simm.s32 $0x2500;
	s28 =	simm.s32 $0x6300;
	v23 =	vsub.f32 v15, v23;
	v15 =	vmul.f32 v6, v6;
	v31 =	vsub.f32 v31, v61  }
.LBB2_12:
0x390: {  	v6 =	vld [tilespmem:s30+$0xF0];
	v27 =	vsub.f32 v27, v29;
	v19 =	vmul.f32 v19, v19;
	v29 =	vmul.f32 v7, v7;
	s26 =	sadd.s32 $0x200, s26  }
0x391: {  	v34 =	vmul.f32 v13, v13;
	v25 =	vmul.f32 v25, v25;
	v7 =	vld [tilespmem:s26+$0xF0];
	v13 =	vadd.f32 v33, v32  }
0x392: {  	v26 =	vsub.f32 v26, v28;
	v28 =	vmul.f32 v30, v30;
	v30 =	vmul.f32 v31, v31;
	v31 =	vld [tilespmem:s23+$0x70]  }
0x393: {  	v20 =	vmul.f32 v20, v20;
	v32 =	vld [tilespmem:s28+$0x70];
	v13 =	vadd.f32 v25, v13;
	v25 =	vmul.f32 v9, v9  }
0x394: {  	v24 =	vmul.f32 v24, v24;
	v9 =	vld [tilespmem:s30+$0xE0];
	v28 =	vadd.f32 v30, v28;
	v30 =	vmul.f32 v11, v11  }
0x395: {  	v27 =	vmul.f32 v27, v27;
	v26 =	vmul.f32 v26, v26;
	v11 =	vld [tilespmem:s26+$0xE0];
	v20 =	vadd.f32 v20, v13  }
0x396: {  	v18 =	vmul.f32 v18, v18;
	v13 =	vld [tilespmem:s30+$0xFFFFFFF0];
	v24 =	vadd.f32 v24, v28;
	v28 =	vmul.f32 v14, v14  }
0x397: {  	v23 =	vmul.f32 v23, v23;
	v26 =	vadd.f32 v26, v27;
	v14 =	vld [tilespmem:s26+$0xFFFFFFF0];
	v20 =	vadd.f32 v25, v20  }
0x398: {  	v21 =	vmul.f32 v21, v21;
	v22 =	vmul.f32 v22, v22;
	v18 =	vadd.f32 v18, v24;
	v24 =	vld [tilespmem:s23+$0x60];
	s23 =	smov.u32 s30  }
0x399: {  	v25 =	vmul.f32 v16, v16;
	v23 =	vadd.f32 v23, v26;
	v26 =	vld [tilespmem:s28+$0x60];
	v19 =	vadd.f32 v19, v20;
	s28 =	smov.u32 s26  }
0x39a: {  	v20 =	vadd.f32 v22, v21;
	v21 =	vmul.f32 v17, v17;
	v16 =	vld [tilespmem:s30+$0xD0];
	v18 =	vadd.f32 v28, v18  }
0x39b: {  	v22 =	vadd.f32 v25, v23;
	v23 =	vmul.f32 v12, v12;
	v17 =	vld [tilespmem:s26+$0xD0];
	v19 =	vadd.f32 v29, v19  }
0x39c: {  	v8 =	vmul.f32 v8, v8;
	v20 =	vadd.f32 v21, v20;
	v12 =	vld [tilespmem:s30+$0xFFFFFF70];
	v18 =	vadd.f32 v30, v18  }
0x39d: {  	v10 =	vmul.f32 v10, v10;
	v22 =	vadd.f32 v23, v22;
	v21 =	vld [tilespmem:s26+$0xFFFFFF70];
	v15 =	vadd.f32 v15, v19  }
0x39e: {  	v4 =	vmul.f32 v4, v4;
	v2 =	vmul.f32 v2, v2;
	v23 =	vld [tilespmem:s30+$0xFFFFFFE0];
	v18 =	vadd.f32 v34, v18  }
0x39f: {  	v5 =	vmul.f32 v5, v5;
	v10 =	vadd.f32 v10, v20;
	v8 =	vadd.f32 v8, v22;
	v25 =	vld [tilespmem:s26+$0xFFFFFFE0];
	(xrf2) =	vadd.scan.msk.f32 $0xffff, v15  }
0x3a0: {  	v1 =	vmul.f32 v1, v1;
	v15 =	vld [tilespmem:s30+$0x50];
	v2 =	vadd.f32 v2, v18;
	v18 =	vsub.f32 v24, v26  }
0x3a1: {  	v3 =	vmul.f32 v3, v3;
	v5 =	vadd.f32 v5, v10;
	v4 =	vadd.f32 v4, v8;
	v20 =	vld [tilespmem:s26+$0x50]  }
0x3a2: {  	v10 =	vsub.f32 v31, v32;
	v8 =	vld [tilespmem:s30+$0xC0];
	(xrf2) =	vadd.scan.msk.f32 $0xffff, v2  }
0x3a3: {  	v1 =	vadd.f32 v1, v4;
	v2 =	vadd.f32 v3, v5;
	v3 =	vmul.f32 v18, v18;
	v22 =	vld [tilespmem:s26+$0xC0]  }
0x3a4: {  	v4 =	vld [tilespmem:s30+$0xFFFFFF60]  }
0x3a5: {  	v2 =	vadd.f32 v3, v2;
	v3 =	vmul.f32 v10, v10;
	v5 =	vld [tilespmem:s26+$0xFFFFFF60];
	(xrf2) =	vadd.scan.msk.f32 $0xffff, v1  }
0x3a6: {  	v10 =	vld [tilespmem:s30+$0xFFFFFFD0]  }
0x3a7: {  	v2 =	vadd.f32 v3, v2;
	v18 =	vld [tilespmem:s26+$0xFFFFFFD0]  }
0x3a8: {  	v24 =	vld [tilespmem:s30+$0x40]  }
0x3a9: {  	v26 =	vld [tilespmem:s26+$0x40];
	(xrf2) =	vadd.scan.msk.f32 $0xffff, v2;
	v1, _, _ =	vpop (xrf2)  }
0x3aa: {  	v27 =	vld [tilespmem:s30+$0xB0]  }
0x3ab: {  	v28 =	vld [tilespmem:s26+$0xB0]  }
0x3ac: {  	v29 =	vld [tilespmem:s30+$0xFFFFFF50];
	v2, _, _ =	vpop (xrf2)  }
0x3ad: {  	v30 =	vld [tilespmem:s26+$0xFFFFFF50]  }
0x3ae: {  	v31 =	vld [tilespmem:s30+$0xFFFFFFC0]  }
0x3af: {  	v32 =	vld [tilespmem:s26+$0xFFFFFFC0];
	v3, _, _ =	vpop (xrf2)  }
0x3b0: {  	v33 =	vld [tilespmem:s30+$0x30];
	v3 =	vmax.f32 v3, $9.999999960e-13  }
0x3b1: {  	v34 =	vld [tilespmem:s26+$0x30];
	v19 =	vmin.f32 v3, $9.999999950e+11  }
0x3b2: {  	v2 =	vmax.f32 v2, $9.999999960e-13;
	v35 =	vld [tilespmem:s30+$0xA0];
	v0 =	vadd.f32 v19, v0  }
0x3b3: {  	v2 =	vmin.f32 v2, $9.999999950e+11;
	v36 =	vld [tilespmem:s26+$0xA0];
	v3, _, _ =	vpop (xrf2)  }
0x3b4: {  	v37 =	vld [tilespmem:s30+$0xFFFFFF40];
	v0 =	vadd.f32 v2, v0;
	v2 =	vmax.f32 v3, $9.999999960e-13  }
0x3b5: {  	v38 =	vld [tilespmem:s26+$0xFFFFFF40];
	v2 =	vmin.f32 v2, $9.999999950e+11  }
0x3b6: {  	v1 =	vmax.f32 v1, $9.999999960e-13;
	v39 =	vld [tilespmem:s30+$0xFFFFFFB0];
	v0 =	vadd.f32 v2, v0  }
0x3b7: {  	v1 =	vmin.f32 v1, $9.999999950e+11;
	v40 =	vld [tilespmem:s26+$0xFFFFFFB0]  }
0x3b8: {  	v41 =	vld [tilespmem:s30+$0x20];
	v0 =	vadd.f32 v1, v0  }
0x3b9: {  	v42 =	vld [tilespmem:s26+$0x20]  }
0x3ba: {  	v43 =	vld [tilespmem:s30+$0x80]  }
0x3bb: {  	v44 =	vld [tilespmem:s26+$0x80]  }
0x3bc: {  	v45 =	vld [tilespmem:s30+$0x90]  }
0x3bd: {  	v46 =	vld [tilespmem:s26+$0x90]  }
0x3be: {  	v47 =	vld [tilespmem:s30+$0xFFFFFF30]  }
0x3bf: {  	v48 =	vld [tilespmem:s26+$0xFFFFFF30]  }
0x3c0: {  	v49 =	vld [tilespmem:s30+$0xFFFFFFA0]  }
0x3c1: {  	v50 =	vld [tilespmem:s26+$0xFFFFFFA0]  }
0x3c2: {  	v51 =	vld [tilespmem:s30+$0x0]  }
0x3c3: {  	v6 =	vsub.f32 v6, v7;
	v52 =	vld [tilespmem:s26+$0x0]  }
0x3c4: {  	v7 =	vsub.f32 v9, v11;
	v2 =	vsub.f32 v13, v14;
	v53 =	vld [tilespmem:s30+$0x10]  }
0x3c5: {  	v19 =	vsub.f32 v16, v17;
	v1 =	vsub.f32 v12, v21;
	v54 =	vld [tilespmem:s26+$0x10]  }
0x3c6: {  	v3 =	vsub.f32 v15, v20;
	v13 =	vsub.f32 v23, v25;
	v55 =	vld [tilespmem:s30+$0xFFFFFF20]  }
0x3c7: {  	v9 =	vsub.f32 v8, v22;
	v4 =	vsub.f32 v4, v5;
	v15 =	vld [tilespmem:s26+$0xFFFFFF20]  }
0x3c8: {  	v11 =	vsub.f32 v10, v18;
	v5 =	vsub.f32 v24, v26;
	v56 =	vld [tilespmem:s30+$0xFFFFFF80]  }
0x3c9: {  	v8 =	vsub.f32 v29, v30;
	v20 =	vsub.f32 v27, v28;
	v30 =	vld [tilespmem:s26+$0xFFFFFF80]  }
0x3ca: {  	v14 =	vsub.f32 v31, v32;
	v10 =	vsub.f32 v33, v34;
	v57 =	vld [tilespmem:s30+$0xFFFFFF90]  }
0x3cb: {  	s29 =	sadd.s32 $0x4, s29;
	v25 =	vsub.f32 v35, v36;
	v12 =	vsub.f32 v37, v38;
	v31 =	vld [tilespmem:s26+$0xFFFFFF90]  }
0x3cc: {  	p0 =	slt.u32 s29, $0x3C;
	v18 =	vsub.f32 v39, v40;
	v17 =	vsub.f32 v41, v42;
	v27 =	vld [tilespmem:s30+$0xFFFFFF00]  }
.Ltmp5:
0x3cd: {  	v32 =	vsub.f32 v43, v44;
	v33 =	vsub.f32 v45, v46;
	v29 =	vld [tilespmem:s26+$0xFFFFFF00];
	(pc) =	sbr.rel @p0 .LBB2_12-.Ltmp5, $4  }
0x3ce: {  	v16 =	vsub.f32 v47, v48;
	v24 =	vsub.f32 v49, v50;
	v26 =	vld [tilespmem:s30+$0xFFFFFF10]  }
0x3cf: {  	v21 =	vsub.f32 v51, v52;
	v22 =	vsub.f32 v53, v54;
	v28 =	vld [tilespmem:s26+$0xFFFFFF10]  }
0x3d0: {  	v23 =	vsub.f32 v55, v15;
	v15 =	vmul.f32 v6, v6;
	v30 =	vsub.f32 v56, v30  }
0x3d1: {  	v32 =	vmul.f32 v32, v32;
	v33 =	vmul.f32 v33, v33;
	s30 =	sadd.s32 $0x200, s30;
	v31 =	vsub.f32 v57, v31  }
0x3d2: {  	v6 =	vmul.f32 v19, v19  }
0x3d3: {  	v7 =	vmul.f32 v7, v7;
	v13 =	vmul.f32 v13, v13  }
0x3d4: {  	v19 =	vsub.f32 v27, v29;
	v25 =	vmul.f32 v25, v25;
	v29 =	vmul.f32 v30, v30  }
0x3d5: {  	v20 =	vmul.f32 v20, v20;
	v9 =	vmul.f32 v9, v9  }
0x3d6: {  	v24 =	vmul.f32 v24, v24;
	v11 =	vmul.f32 v11, v11;
	v27 =	vadd.f32 v33, v32  }
0x3d7: {  	v18 =	vmul.f32 v18, v18;
	v30 =	vmul.f32 v31, v31;
	v26 =	vsub.f32 v26, v28  }
0x3d8: {  	v14 =	vmul.f32 v14, v14;
	v21 =	vmul.f32 v21, v21;
	v25 =	vadd.f32 v25, v27  }
0x3d9: {  	v19 =	vmul.f32 v19, v19;
	v27 =	vadd.f32 v30, v29;
	v26 =	vmul.f32 v26, v26  }
0x3da: {  	v22 =	vmul.f32 v22, v22;
	v23 =	vmul.f32 v23, v23;
	v20 =	vadd.f32 v20, v25  }
0x3db: {  	v17 =	vmul.f32 v17, v17;
	v24 =	vadd.f32 v24, v27;
	v19 =	vadd.f32 v26, v19  }
0x3dc: {  	v16 =	vmul.f32 v16, v16;
	v21 =	vadd.f32 v22, v21;
	v22 =	vld [tilespmem:s28+$0x60];
	v9 =	vadd.f32 v9, v20  }
0x3dd: {  	v10 =	vmul.f32 v10, v10;
	v18 =	vadd.f32 v18, v24;
	v20 =	vld [tilespmem:s23+$0x60];
	v19 =	vadd.f32 v23, v19  }
0x3de: {  	v12 =	vmul.f32 v12, v12;
	v17 =	vadd.f32 v17, v21;
	v6 =	vadd.f32 v6, v9;
	v9 =	vld [tilespmem:s23+$0x70]  }
0x3df: {  	v5 =	vmul.f32 v5, v5;
	v14 =	vadd.f32 v14, v18;
	v18 =	vld [tilespmem:s28+$0x70];
	v16 =	vadd.f32 v16, v19  }
0x3e0: {  	v6 =	vadd.f32 v7, v6;
	v7 =	vmul.f32 v8, v8;
	v8 =	vadd.f32 v10, v17  }
0x3e1: {  	v4 =	vmul.f32 v4, v4;
	v10 =	vadd.f32 v11, v14;
	v11 =	vadd.f32 v12, v16  }
0x3e2: {  	v3 =	vmul.f32 v3, v3;
	v12 =	vsub.f32 v20, v22;
	v5 =	vadd.f32 v5, v8  }
0x3e3: {  	v2 =	vmul.f32 v2, v2;
	v8 =	vadd.f32 v13, v10;
	v7 =	vadd.f32 v7, v11  }
0x3e4: {  	v9 =	vsub.f32 v9, v18;
	v3 =	vadd.f32 v3, v5;
	v5 =	vmul.f32 v12, v12  }
0x3e5: {  	v1 =	vmul.f32 v1, v1;
	v6 =	vadd.f32 v15, v6;
	v4 =	vadd.f32 v4, v7  }
0x3e6: {  	v2 =	vadd.f32 v2, v8;
	v3 =	vadd.f32 v5, v3;
	v5 =	vmul.f32 v9, v9  }
0x3e7: {  	(xrf2) =	vadd.scan.msk.f32 $0xffff, v6;
	v1 =	vadd.f32 v1, v4  }
0x3e8: {  	(xrf2) =	vadd.scan.msk.f32 $0xffff, v2;
	v2 =	vadd.f32 v5, v3  }
0x3e9: {  	(xrf2) =	vadd.scan.msk.f32 $0xffff, v1  }
0x3ea: {  	(xrf2) =	vadd.scan.msk.f32 $0xffff, v2;
	_ =	sdelay $0x6  }
0x3eb: {  	v1, _, _ =	vpop (xrf2)  }
0x3ec: {  	[tilespmem:s19], [sflag:$0x4] =	stream.indirect.gather [hbm4b:s2+s16], $0x80, s31, s16, $0xb8;
	v2, _, _ =	vpop (xrf2);
	[tilespmem:$0x8280] =	vst v63  }
0x3ed: {  	v3, _, _ =	vpop (xrf2)  }
0x3ee: {  	[tilespmem:s20], [sflag:$0x2] =	stream.linear.gather [hbm4b:s12+s3], $0x2000, $0x38;
	v4, _, _ =	vpop (xrf2);
	[tilespmem:$0x8280] =	vst v63  }
0x3ef: {  	_ =	swait.ge [sflag:s21], $0x2000  }
0x3f0: {  	[sflag:s21] =	ssyncset.done $0x0  }
0x3f1: {  	[sflag:s21] =	ssyncadd.s32 $0xFFFFE000  }
0x3f2: {  	_ =	swait.ge [sflag:s22], $0x2000  }
0x3f3: {  	[sflag:s22] =	ssyncset.done $0x0  }
0x3f4: {  	s23 =	simm.s32 $0x300;
	[sflag:s22] =	ssyncadd.s32 $0xFFFFE000  }
0x3f5: {  	s26 =	simm.s32 $0x4300;
	v5 =	vld [tilespmem:s23+$0xF0]  }
0x3f6: {  	v6 =	vld [tilespmem:s26+$0xF0]  }
0x3f7: {  	v7 =	vld [tilespmem:s23+$0xE0]  }
0x3f8: {  	v8 =	vld [tilespmem:s26+$0xE0]  }
0x3f9: {  	v9 =	vld [tilespmem:s23+$0xFFFFFFF0]  }
0x3fa: {  	v10 =	vld [tilespmem:s26+$0xFFFFFFF0]  }
0x3fb: {  	v11 =	vld [tilespmem:s23+$0xD0]  }
0x3fc: {  	v12 =	vld [tilespmem:s26+$0xD0]  }
0x3fd: {  	v13 =	vld [tilespmem:s23+$0xFFFFFF70]  }
0x3fe: {  	v14 =	vld [tilespmem:s26+$0xFFFFFF70]  }
0x3ff: {  	v15 =	vld [tilespmem:s23+$0xFFFFFFE0]  }
0x400: {  	v16 =	vld [tilespmem:s26+$0xFFFFFFE0]  }
0x401: {  	v17 =	vld [tilespmem:s23+$0x50]  }
0x402: {  	v18 =	vld [tilespmem:s26+$0x50]  }
0x403: {  	v20 =	vld [tilespmem:s23+$0xC0]  }
0x404: {  	v21 =	vld [tilespmem:s26+$0xC0]  }
0x405: {  	v22 =	vld [tilespmem:s23+$0xFFFFFF60]  }
0x406: {  	v23 =	vld [tilespmem:s26+$0xFFFFFF60]  }
0x407: {  	v24 =	vld [tilespmem:s23+$0xFFFFFFD0]  }
0x408: {  	v25 =	vld [tilespmem:s26+$0xFFFFFFD0]  }
0x409: {  	v26 =	vld [tilespmem:s23+$0x40]  }
0x40a: {  	v27 =	vld [tilespmem:s26+$0x40]  }
0x40b: {  	v28 =	vld [tilespmem:s23+$0xB0]  }
0x40c: {  	v29 =	vld [tilespmem:s26+$0xB0]  }
0x40d: {  	v30 =	vld [tilespmem:s23+$0xFFFFFF50]  }
0x40e: {  	v31 =	vld [tilespmem:s26+$0xFFFFFF50]  }
0x40f: {  	v63 =	vld [tilespmem:s23+$0xFFFFFFC0]  }
0x410: {  	v60 =	vld [tilespmem:s26+$0xFFFFFFC0]  }
0x411: {  	v34 =	vld [tilespmem:s23+$0x30]  }
0x412: {  	v35 =	vld [tilespmem:s26+$0x30]  }
0x413: {  	v36 =	vld [tilespmem:s23+$0xA0]  }
0x414: {  	v37 =	vld [tilespmem:s26+$0xA0]  }
0x415: {  	v38 =	vld [tilespmem:s23+$0xFFFFFF40]  }
0x416: {  	v39 =	vld [tilespmem:s26+$0xFFFFFF40]  }
0x417: {  	v40 =	vld [tilespmem:s23+$0xFFFFFFB0]  }
0x418: {  	v41 =	vld [tilespmem:s26+$0xFFFFFFB0]  }
0x419: {  	v42 =	vld [tilespmem:s23+$0x20]  }
0x41a: {  	v43 =	vld [tilespmem:s26+$0x20]  }
0x41b: {  	v44 =	vld [tilespmem:s23+$0x80]  }
0x41c: {  	v3 =	vmax.f32 v3, $9.999999960e-13;
	v45 =	vld [tilespmem:s26+$0x80]  }
0x41d: {  	v3 =	vmin.f32 v3, $9.999999950e+11;
	v46 =	vld [tilespmem:s23+$0x90]  }
0x41e: {  	v2 =	vmax.f32 v2, $9.999999960e-13;
	v0 =	vadd.f32 v3, v0;
	v47 =	vld [tilespmem:s26+$0x90]  }
0x41f: {  	v2 =	vmin.f32 v2, $9.999999950e+11;
	v48 =	vld [tilespmem:s23+$0xFFFFFF30]  }
0x420: {  	v0 =	vadd.f32 v2, v0;
	v2 =	vmax.f32 v4, $9.999999960e-13;
	v49 =	vld [tilespmem:s26+$0xFFFFFF30]  }
0x421: {  	v2 =	vmin.f32 v2, $9.999999950e+11;
	v50 =	vld [tilespmem:s23+$0xFFFFFFA0]  }
0x422: {  	v1 =	vmax.f32 v1, $9.999999960e-13;
	v0 =	vadd.f32 v2, v0;
	v51 =	vld [tilespmem:s26+$0xFFFFFFA0]  }
0x423: {  	v1 =	vmin.f32 v1, $9.999999950e+11;
	v52 =	vld [tilespmem:s23+$0x0]  }
0x424: {  	v53 =	vld [tilespmem:s26+$0x0];
	v0 =	vadd.f32 v1, v0;
	v6 =	vsub.f32 v5, v6  }
0x425: {  	v54 =	vld [tilespmem:s23+$0x10];
	v2 =	vsub.f32 v9, v10;
	v7 =	vsub.f32 v7, v8  }
0x426: {  	v55 =	vld [tilespmem:s26+$0x10];
	v1 =	vsub.f32 v13, v14;
	v19 =	vsub.f32 v11, v12  }
0x427: {  	v56 =	vld [tilespmem:s23+$0xFFFFFF80];
	v13 =	vsub.f32 v15, v16;
	v3 =	vsub.f32 v17, v18  }
0x428: {  	v61 =	vld [tilespmem:s26+$0xFFFFFF90];
	v4 =	vsub.f32 v22, v23;
	v9 =	vsub.f32 v20, v21  }
0x429: {  	v15 =	vld [tilespmem:s23+$0xFFFFFF20];
	v11 =	vsub.f32 v24, v25;
	v5 =	vsub.f32 v26, v27  }
0x42a: {  	v23 =	vld [tilespmem:s26+$0xFFFFFF20];
	v8 =	vsub.f32 v30, v31;
	v20 =	vsub.f32 v28, v29  }
0x42b: {  	v28 =	vld [tilespmem:s26+$0xFFFFFF80];
	v14 =	vsub.f32 v63, v60;
	v10 =	vsub.f32 v34, v35  }
0x42c: {  	v31 =	vld [tilespmem:s23+$0xFFFFFF90];
	v12 =	vsub.f32 v38, v39;
	v25 =	vsub.f32 v36, v37  }
0x42d: {  	v18 =	vsub.f32 v40, v41;
	v17 =	vsub.f32 v42, v43;
	v27 =	vld [tilespmem:s23+$0xFFFFFF00]  }
0x42e: {  	v62 =	vsub.f32 v44, v45;
	v63 =	vsub.f32 v46, v47;
	v29 =	vld [tilespmem:s26+$0xFFFFFF00]  }
0x42f: {  	v16 =	vsub.f32 v48, v49;
	v24 =	vsub.f32 v50, v51;
	v26 =	vld [tilespmem:s23+$0xFFFFFF10]  }
0x430: {  	v21 =	vsub.f32 v52, v53;
	v30 =	vsub.f32 v56, v28;
	v28 =	vld [tilespmem:s26+$0xFFFFFF10]  }
0x431: {  	v22 =	vsub.f32 v54, v55;
	v32 =	vmul.f32 v62, v62;
	v33 =	vmul.f32 v63, v63  }
0x432: {  	s29 =	simm.s32 $0x0;
	s30 =	simm.s32 $0x500;
	s28 =	simm.s32 $0x4300;
	v23 =	vsub.f32 v15, v23;
	v15 =	vmul.f32 v6, v6;
	v31 =	vsub.f32 v31, v61  }
.LBB2_14:
0x433: {  	v6 =	vld [tilespmem:s30+$0xF0];
	v27 =	vsub.f32 v27, v29;
	v19 =	vmul.f32 v19, v19;
	v29 =	vmul.f32 v7, v7;
	s26 =	sadd.s32 $0x200, s26  }
0x434: {  	v34 =	vmul.f32 v13, v13;
	v25 =	vmul.f32 v25, v25;
	v7 =	vld [tilespmem:s26+$0xF0];
	v13 =	vadd.f32 v33, v32  }
0x435: {  	v26 =	vsub.f32 v26, v28;
	v28 =	vmul.f32 v30, v30;
	v30 =	vmul.f32 v31, v31;
	v31 =	vld [tilespmem:s23+$0x70]  }
0x436: {  	v20 =	vmul.f32 v20, v20;
	v32 =	vld [tilespmem:s28+$0x70];
	v13 =	vadd.f32 v25, v13;
	v25 =	vmul.f32 v9, v9  }
0x437: {  	v24 =	vmul.f32 v24, v24;
	v9 =	vld [tilespmem:s30+$0xE0];
	v28 =	vadd.f32 v30, v28;
	v30 =	vmul.f32 v11, v11  }
0x438: {  	v27 =	vmul.f32 v27, v27;
	v26 =	vmul.f32 v26, v26;
	v11 =	vld [tilespmem:s26+$0xE0];
	v20 =	vadd.f32 v20, v13  }
0x439: {  	v18 =	vmul.f32 v18, v18;
	v13 =	vld [tilespmem:s30+$0xFFFFFFF0];
	v24 =	vadd.f32 v24, v28;
	v28 =	vmul.f32 v14, v14  }
0x43a: {  	v23 =	vmul.f32 v23, v23;
	v26 =	vadd.f32 v26, v27;
	v14 =	vld [tilespmem:s26+$0xFFFFFFF0];
	v20 =	vadd.f32 v25, v20  }
0x43b: {  	v21 =	vmul.f32 v21, v21;
	v22 =	vmul.f32 v22, v22;
	v18 =	vadd.f32 v18, v24;
	v24 =	vld [tilespmem:s23+$0x60];
	s23 =	smov.u32 s30  }
0x43c: {  	v25 =	vmul.f32 v16, v16;
	v23 =	vadd.f32 v23, v26;
	v26 =	vld [tilespmem:s28+$0x60];
	v19 =	vadd.f32 v19, v20;
	s28 =	smov.u32 s26  }
0x43d: {  	v20 =	vadd.f32 v22, v21;
	v21 =	vmul.f32 v17, v17;
	v16 =	vld [tilespmem:s30+$0xD0];
	v18 =	vadd.f32 v28, v18  }
0x43e: {  	v22 =	vadd.f32 v25, v23;
	v23 =	vmul.f32 v12, v12;
	v17 =	vld [tilespmem:s26+$0xD0];
	v19 =	vadd.f32 v29, v19  }
0x43f: {  	v8 =	vmul.f32 v8, v8;
	v20 =	vadd.f32 v21, v20;
	v12 =	vld [tilespmem:s30+$0xFFFFFF70];
	v18 =	vadd.f32 v30, v18  }
0x440: {  	v10 =	vmul.f32 v10, v10;
	v22 =	vadd.f32 v23, v22;
	v21 =	vld [tilespmem:s26+$0xFFFFFF70];
	v15 =	vadd.f32 v15, v19  }
0x441: {  	v4 =	vmul.f32 v4, v4;
	v2 =	vmul.f32 v2, v2;
	v23 =	vld [tilespmem:s30+$0xFFFFFFE0];
	v18 =	vadd.f32 v34, v18  }
0x442: {  	v5 =	vmul.f32 v5, v5;
	v10 =	vadd.f32 v10, v20;
	v8 =	vadd.f32 v8, v22;
	v25 =	vld [tilespmem:s26+$0xFFFFFFE0];
	(xrf2) =	vadd.scan.msk.f32 $0xffff, v15  }
0x443: {  	v1 =	vmul.f32 v1, v1;
	v15 =	vld [tilespmem:s30+$0x50];
	v2 =	vadd.f32 v2, v18;
	v18 =	vsub.f32 v24, v26  }
0x444: {  	v3 =	vmul.f32 v3, v3;
	v5 =	vadd.f32 v5, v10;
	v4 =	vadd.f32 v4, v8;
	v20 =	vld [tilespmem:s26+$0x50]  }
0x445: {  	v10 =	vsub.f32 v31, v32;
	v8 =	vld [tilespmem:s30+$0xC0];
	(xrf2) =	vadd.scan.msk.f32 $0xffff, v2  }
0x446: {  	v1 =	vadd.f32 v1, v4;
	v2 =	vadd.f32 v3, v5;
	v3 =	vmul.f32 v18, v18;
	v22 =	vld [tilespmem:s26+$0xC0]  }
0x447: {  	v4 =	vld [tilespmem:s30+$0xFFFFFF60]  }
0x448: {  	v2 =	vadd.f32 v3, v2;
	v3 =	vmul.f32 v10, v10;
	v5 =	vld [tilespmem:s26+$0xFFFFFF60];
	(xrf2) =	vadd.scan.msk.f32 $0xffff, v1  }
0x449: {  	v10 =	vld [tilespmem:s30+$0xFFFFFFD0]  }
0x44a: {  	v2 =	vadd.f32 v3, v2;
	v18 =	vld [tilespmem:s26+$0xFFFFFFD0]  }
0x44b: {  	v24 =	vld [tilespmem:s30+$0x40]  }
0x44c: {  	v26 =	vld [tilespmem:s26+$0x40];
	(xrf2) =	vadd.scan.msk.f32 $0xffff, v2;
	v1, _, _ =	vpop (xrf2)  }
0x44d: {  	v27 =	vld [tilespmem:s30+$0xB0]  }
0x44e: {  	v28 =	vld [tilespmem:s26+$0xB0]  }
0x44f: {  	v29 =	vld [tilespmem:s30+$0xFFFFFF50];
	v2, _, _ =	vpop (xrf2)  }
0x450: {  	v30 =	vld [tilespmem:s26+$0xFFFFFF50]  }
0x451: {  	v31 =	vld [tilespmem:s30+$0xFFFFFFC0]  }
0x452: {  	v32 =	vld [tilespmem:s26+$0xFFFFFFC0];
	v3, _, _ =	vpop (xrf2)  }
0x453: {  	v33 =	vld [tilespmem:s30+$0x30];
	v3 =	vmax.f32 v3, $9.999999960e-13  }
0x454: {  	v34 =	vld [tilespmem:s26+$0x30];
	v19 =	vmin.f32 v3, $9.999999950e+11  }
0x455: {  	v2 =	vmax.f32 v2, $9.999999960e-13;
	v35 =	vld [tilespmem:s30+$0xA0];
	v0 =	vadd.f32 v19, v0  }
0x456: {  	v2 =	vmin.f32 v2, $9.999999950e+11;
	v36 =	vld [tilespmem:s26+$0xA0];
	v3, _, _ =	vpop (xrf2)  }
0x457: {  	v37 =	vld [tilespmem:s30+$0xFFFFFF40];
	v0 =	vadd.f32 v2, v0;
	v2 =	vmax.f32 v3, $9.999999960e-13  }
0x458: {  	v38 =	vld [tilespmem:s26+$0xFFFFFF40];
	v2 =	vmin.f32 v2, $9.999999950e+11  }
0x459: {  	v1 =	vmax.f32 v1, $9.999999960e-13;
	v39 =	vld [tilespmem:s30+$0xFFFFFFB0];
	v0 =	vadd.f32 v2, v0  }
0x45a: {  	v1 =	vmin.f32 v1, $9.999999950e+11;
	v40 =	vld [tilespmem:s26+$0xFFFFFFB0]  }
0x45b: {  	v41 =	vld [tilespmem:s30+$0x20];
	v0 =	vadd.f32 v1, v0  }
0x45c: {  	v42 =	vld [tilespmem:s26+$0x20]  }
0x45d: {  	v43 =	vld [tilespmem:s30+$0x80]  }
0x45e: {  	v44 =	vld [tilespmem:s26+$0x80]  }
0x45f: {  	v45 =	vld [tilespmem:s30+$0x90]  }
0x460: {  	v46 =	vld [tilespmem:s26+$0x90]  }
0x461: {  	v47 =	vld [tilespmem:s30+$0xFFFFFF30]  }
0x462: {  	v48 =	vld [tilespmem:s26+$0xFFFFFF30]  }
0x463: {  	v49 =	vld [tilespmem:s30+$0xFFFFFFA0]  }
0x464: {  	v50 =	vld [tilespmem:s26+$0xFFFFFFA0]  }
0x465: {  	v51 =	vld [tilespmem:s30+$0x0]  }
0x466: {  	v6 =	vsub.f32 v6, v7;
	v52 =	vld [tilespmem:s26+$0x0]  }
0x467: {  	v7 =	vsub.f32 v9, v11;
	v2 =	vsub.f32 v13, v14;
	v53 =	vld [tilespmem:s30+$0x10]  }
0x468: {  	v19 =	vsub.f32 v16, v17;
	v1 =	vsub.f32 v12, v21;
	v54 =	vld [tilespmem:s26+$0x10]  }
0x469: {  	v3 =	vsub.f32 v15, v20;
	v13 =	vsub.f32 v23, v25;
	v55 =	vld [tilespmem:s30+$0xFFFFFF20]  }
0x46a: {  	v9 =	vsub.f32 v8, v22;
	v4 =	vsub.f32 v4, v5;
	v15 =	vld [tilespmem:s26+$0xFFFFFF20]  }
0x46b: {  	v11 =	vsub.f32 v10, v18;
	v5 =	vsub.f32 v24, v26;
	v56 =	vld [tilespmem:s30+$0xFFFFFF80]  }
0x46c: {  	v8 =	vsub.f32 v29, v30;
	v20 =	vsub.f32 v27, v28;
	v30 =	vld [tilespmem:s26+$0xFFFFFF80]  }
0x46d: {  	v14 =	vsub.f32 v31, v32;
	v10 =	vsub.f32 v33, v34;
	v57 =	vld [tilespmem:s30+$0xFFFFFF90]  }
0x46e: {  	s29 =	sadd.s32 $0x4, s29;
	v25 =	vsub.f32 v35, v36;
	v12 =	vsub.f32 v37, v38;
	v31 =	vld [tilespmem:s26+$0xFFFFFF90]  }
0x46f: {  	p0 =	slt.u32 s29, $0x3C;
	v18 =	vsub.f32 v39, v40;
	v17 =	vsub.f32 v41, v42;
	v27 =	vld [tilespmem:s30+$0xFFFFFF00]  }
.Ltmp6:
0x470: {  	v32 =	vsub.f32 v43, v44;
	v33 =	vsub.f32 v45, v46;
	v29 =	vld [tilespmem:s26+$0xFFFFFF00];
	(pc) =	sbr.rel @p0 .LBB2_14-.Ltmp6, $4  }
0x471: {  	v16 =	vsub.f32 v47, v48;
	v24 =	vsub.f32 v49, v50;
	v26 =	vld [tilespmem:s30+$0xFFFFFF10]  }
0x472: {  	v21 =	vsub.f32 v51, v52;
	v22 =	vsub.f32 v53, v54;
	v28 =	vld [tilespmem:s26+$0xFFFFFF10]  }
0x473: {  	v23 =	vsub.f32 v55, v15;
	v15 =	vmul.f32 v6, v6;
	v30 =	vsub.f32 v56, v30  }
0x474: {  	v32 =	vmul.f32 v32, v32;
	v33 =	vmul.f32 v33, v33;
	s30 =	sadd.s32 $0x200, s30;
	v31 =	vsub.f32 v57, v31  }
0x475: {  	v6 =	vmul.f32 v19, v19  }
0x476: {  	v7 =	vmul.f32 v7, v7;
	v13 =	vmul.f32 v13, v13  }
0x477: {  	v19 =	vsub.f32 v27, v29;
	v25 =	vmul.f32 v25, v25;
	v29 =	vmul.f32 v30, v30  }
0x478: {  	v20 =	vmul.f32 v20, v20;
	v9 =	vmul.f32 v9, v9  }
0x479: {  	v24 =	vmul.f32 v24, v24;
	v11 =	vmul.f32 v11, v11;
	v27 =	vadd.f32 v33, v32  }
0x47a: {  	v18 =	vmul.f32 v18, v18;
	v30 =	vmul.f32 v31, v31;
	v26 =	vsub.f32 v26, v28  }
0x47b: {  	v14 =	vmul.f32 v14, v14;
	v21 =	vmul.f32 v21, v21;
	v25 =	vadd.f32 v25, v27  }
0x47c: {  	v19 =	vmul.f32 v19, v19;
	v27 =	vadd.f32 v30, v29;
	v26 =	vmul.f32 v26, v26  }
0x47d: {  	v22 =	vmul.f32 v22, v22;
	v23 =	vmul.f32 v23, v23;
	v20 =	vadd.f32 v20, v25  }
0x47e: {  	v17 =	vmul.f32 v17, v17;
	v24 =	vadd.f32 v24, v27;
	v19 =	vadd.f32 v26, v19  }
0x47f: {  	v16 =	vmul.f32 v16, v16;
	v21 =	vadd.f32 v22, v21;
	v22 =	vld [tilespmem:s28+$0x60];
	v9 =	vadd.f32 v9, v20  }
0x480: {  	v10 =	vmul.f32 v10, v10;
	v18 =	vadd.f32 v18, v24;
	v20 =	vld [tilespmem:s23+$0x60];
	v19 =	vadd.f32 v23, v19  }
0x481: {  	v12 =	vmul.f32 v12, v12;
	v17 =	vadd.f32 v17, v21;
	v6 =	vadd.f32 v6, v9;
	v9 =	vld [tilespmem:s23+$0x70]  }
0x482: {  	v5 =	vmul.f32 v5, v5;
	v14 =	vadd.f32 v14, v18;
	v18 =	vld [tilespmem:s28+$0x70];
	v16 =	vadd.f32 v16, v19  }
0x483: {  	v6 =	vadd.f32 v7, v6;
	v7 =	vmul.f32 v8, v8;
	v8 =	vadd.f32 v10, v17  }
0x484: {  	v4 =	vmul.f32 v4, v4;
	v10 =	vadd.f32 v11, v14;
	v11 =	vadd.f32 v12, v16  }
0x485: {  	v3 =	vmul.f32 v3, v3;
	v12 =	vsub.f32 v20, v22;
	v5 =	vadd.f32 v5, v8  }
0x486: {  	v2 =	vmul.f32 v2, v2;
	v8 =	vadd.f32 v13, v10;
	v7 =	vadd.f32 v7, v11  }
0x487: {  	v9 =	vsub.f32 v9, v18;
	v3 =	vadd.f32 v3, v5;
	v5 =	vmul.f32 v12, v12  }
0x488: {  	v1 =	vmul.f32 v1, v1;
	v6 =	vadd.f32 v15, v6;
	v4 =	vadd.f32 v4, v7  }
0x489: {  	v2 =	vadd.f32 v2, v8;
	v3 =	vadd.f32 v5, v3;
	v5 =	vmul.f32 v9, v9  }
0x48a: {  	(xrf2) =	vadd.scan.msk.f32 $0xffff, v6;
	v1 =	vadd.f32 v1, v4  }
0x48b: {  	(xrf2) =	vadd.scan.msk.f32 $0xffff, v2;
	v2 =	vadd.f32 v5, v3  }
0x48c: {  	(xrf2) =	vadd.scan.msk.f32 $0xffff, v1  }
0x48d: {  	(xrf2) =	vadd.scan.msk.f32 $0xffff, v2;
	_ =	sdelay $0x6  }
0x48e: {  	v1, _, _ =	vpop (xrf2)  }
0x48f: {  	v2, _, _ =	vpop (xrf2)  }
0x490: {  	v3, _, _ =	vpop (xrf2)  }
0x491: {  	v4, _, _ =	vpop (xrf2)  }
0x492: {  	_ =	swait.ge [sflag:s24], $0x2000  }
0x493: {  	[sflag:s24] =	ssyncset.done $0x0  }
0x494: {  	[sflag:s24] =	ssyncadd.s32 $0xFFFFE000  }
0x495: {  	_ =	swait.ge [sflag:s25], $0x2000  }
0x496: {  	[sflag:s25] =	ssyncset.done $0x0  }
0x497: {  	s23 =	simm.s32 $0x2300;
	[sflag:s25] =	ssyncadd.s32 $0xFFFFE000  }
0x498: {  	s26 =	simm.s32 $0x6300;
	v5 =	vld [tilespmem:s23+$0xF0]  }
0x499: {  	v6 =	vld [tilespmem:s26+$0xF0]  }
0x49a: {  	v7 =	vld [tilespmem:s23+$0xE0]  }
0x49b: {  	v8 =	vld [tilespmem:s26+$0xE0]  }
0x49c: {  	v9 =	vld [tilespmem:s23+$0xFFFFFFF0]  }
0x49d: {  	v10 =	vld [tilespmem:s26+$0xFFFFFFF0]  }
0x49e: {  	v11 =	vld [tilespmem:s23+$0xD0]  }
0x49f: {  	v12 =	vld [tilespmem:s26+$0xD0]  }
0x4a0: {  	v13 =	vld [tilespmem:s23+$0xFFFFFF70]  }
0x4a1: {  	v14 =	vld [tilespmem:s26+$0xFFFFFF70]  }
0x4a2: {  	v15 =	vld [tilespmem:s23+$0xFFFFFFE0]  }
0x4a3: {  	v16 =	vld [tilespmem:s26+$0xFFFFFFE0]  }
0x4a4: {  	v17 =	vld [tilespmem:s23+$0x50]  }
0x4a5: {  	v18 =	vld [tilespmem:s26+$0x50]  }
0x4a6: {  	v20 =	vld [tilespmem:s23+$0xC0]  }
0x4a7: {  	v21 =	vld [tilespmem:s26+$0xC0]  }
0x4a8: {  	v22 =	vld [tilespmem:s23+$0xFFFFFF60]  }
0x4a9: {  	v23 =	vld [tilespmem:s26+$0xFFFFFF60]  }
0x4aa: {  	v24 =	vld [tilespmem:s23+$0xFFFFFFD0]  }
0x4ab: {  	v25 =	vld [tilespmem:s26+$0xFFFFFFD0]  }
0x4ac: {  	v26 =	vld [tilespmem:s23+$0x40]  }
0x4ad: {  	v27 =	vld [tilespmem:s26+$0x40]  }
0x4ae: {  	v28 =	vld [tilespmem:s23+$0xB0]  }
0x4af: {  	v29 =	vld [tilespmem:s26+$0xB0]  }
0x4b0: {  	v30 =	vld [tilespmem:s23+$0xFFFFFF50]  }
0x4b1: {  	v31 =	vld [tilespmem:s26+$0xFFFFFF50]  }
0x4b2: {  	v63 =	vld [tilespmem:s23+$0xFFFFFFC0]  }
0x4b3: {  	v60 =	vld [tilespmem:s26+$0xFFFFFFC0]  }
0x4b4: {  	v34 =	vld [tilespmem:s23+$0x30]  }
0x4b5: {  	v35 =	vld [tilespmem:s26+$0x30]  }
0x4b6: {  	v36 =	vld [tilespmem:s23+$0xA0]  }
0x4b7: {  	v37 =	vld [tilespmem:s26+$0xA0]  }
0x4b8: {  	v38 =	vld [tilespmem:s23+$0xFFFFFF40]  }
0x4b9: {  	v39 =	vld [tilespmem:s26+$0xFFFFFF40]  }
0x4ba: {  	v40 =	vld [tilespmem:s23+$0xFFFFFFB0]  }
0x4bb: {  	v41 =	vld [tilespmem:s26+$0xFFFFFFB0]  }
0x4bc: {  	v42 =	vld [tilespmem:s23+$0x20]  }
0x4bd: {  	v43 =	vld [tilespmem:s26+$0x20]  }
0x4be: {  	v44 =	vld [tilespmem:s23+$0x80]  }
0x4bf: {  	v3 =	vmax.f32 v3, $9.999999960e-13;
	v45 =	vld [tilespmem:s26+$0x80]  }
0x4c0: {  	v3 =	vmin.f32 v3, $9.999999950e+11;
	v46 =	vld [tilespmem:s23+$0x90]  }
0x4c1: {  	v2 =	vmax.f32 v2, $9.999999960e-13;
	v0 =	vadd.f32 v3, v0;
	v47 =	vld [tilespmem:s26+$0x90]  }
0x4c2: {  	v2 =	vmin.f32 v2, $9.999999950e+11;
	v48 =	vld [tilespmem:s23+$0xFFFFFF30]  }
0x4c3: {  	v0 =	vadd.f32 v2, v0;
	v2 =	vmax.f32 v4, $9.999999960e-13;
	v49 =	vld [tilespmem:s26+$0xFFFFFF30]  }
0x4c4: {  	v2 =	vmin.f32 v2, $9.999999950e+11;
	v50 =	vld [tilespmem:s23+$0xFFFFFFA0]  }
0x4c5: {  	v1 =	vmax.f32 v1, $9.999999960e-13;
	v0 =	vadd.f32 v2, v0;
	v51 =	vld [tilespmem:s26+$0xFFFFFFA0]  }
0x4c6: {  	v1 =	vmin.f32 v1, $9.999999950e+11;
	v52 =	vld [tilespmem:s23+$0x0]  }
0x4c7: {  	v53 =	vld [tilespmem:s26+$0x0];
	v0 =	vadd.f32 v1, v0;
	v6 =	vsub.f32 v5, v6  }
0x4c8: {  	v54 =	vld [tilespmem:s23+$0x10];
	v3 =	vsub.f32 v9, v10;
	v7 =	vsub.f32 v7, v8  }
0x4c9: {  	v55 =	vld [tilespmem:s26+$0x10];
	v2 =	vsub.f32 v13, v14;
	v19 =	vsub.f32 v11, v12  }
0x4ca: {  	v56 =	vld [tilespmem:s23+$0xFFFFFF80];
	v12 =	vsub.f32 v15, v16;
	v1 =	vsub.f32 v17, v18  }
0x4cb: {  	v61 =	vld [tilespmem:s26+$0xFFFFFF90];
	v5 =	vsub.f32 v22, v23;
	v10 =	vsub.f32 v20, v21  }
0x4cc: {  	v17 =	vld [tilespmem:s23+$0xFFFFFF20];
	v11 =	vsub.f32 v24, v25;
	v4 =	vsub.f32 v26, v27  }
0x4cd: {  	v23 =	vld [tilespmem:s26+$0xFFFFFF20];
	v9 =	vsub.f32 v30, v31;
	v20 =	vsub.f32 v28, v29  }
0x4ce: {  	v29 =	vld [tilespmem:s26+$0xFFFFFF80];
	v14 =	vsub.f32 v63, v60;
	v8 =	vsub.f32 v34, v35  }
0x4cf: {  	v31 =	vld [tilespmem:s23+$0xFFFFFF90];
	v13 =	vsub.f32 v38, v39;
	v25 =	vsub.f32 v36, v37  }
0x4d0: {  	v18 =	vsub.f32 v40, v41;
	v16 =	vsub.f32 v42, v43;
	v26 =	vld [tilespmem:s23+$0xFFFFFF00]  }
0x4d1: {  	v62 =	vsub.f32 v44, v45;
	v63 =	vsub.f32 v46, v47;
	v28 =	vld [tilespmem:s26+$0xFFFFFF00]  }
0x4d2: {  	v15 =	vsub.f32 v48, v49;
	v24 =	vsub.f32 v50, v51;
	v27 =	vld [tilespmem:s23+$0xFFFFFF10]  }
0x4d3: {  	v21 =	vsub.f32 v52, v53;
	v30 =	vsub.f32 v56, v29;
	v29 =	vld [tilespmem:s26+$0xFFFFFF10]  }
0x4d4: {  	v22 =	vsub.f32 v54, v55;
	v32 =	vmul.f32 v62, v62;
	v33 =	vmul.f32 v63, v63  }
0x4d5: {  	s29 =	simm.s32 $0x0;
	s30 =	simm.s32 $0x2500;
	s28 =	simm.s32 $0x6300;
	v23 =	vsub.f32 v17, v23;
	v17 =	vmul.f32 v6, v6;
	v31 =	vsub.f32 v31, v61  }
.LBB2_16:
0x4d6: {  	v6 =	vld [tilespmem:s30+$0xF0];
	v26 =	vsub.f32 v26, v28;
	v19 =	vmul.f32 v19, v19;
	v28 =	vmul.f32 v7, v7;
	s26 =	sadd.s32 $0x200, s26  }
0x4d7: {  	v34 =	vmul.f32 v12, v12;
	v25 =	vmul.f32 v25, v25;
	v7 =	vld [tilespmem:s26+$0xF0];
	v12 =	vadd.f32 v33, v32  }
0x4d8: {  	v27 =	vsub.f32 v27, v29;
	v29 =	vmul.f32 v30, v30;
	v30 =	vmul.f32 v31, v31;
	v31 =	vld [tilespmem:s23+$0x70]  }
0x4d9: {  	v20 =	vmul.f32 v20, v20;
	v32 =	vld [tilespmem:s28+$0x70];
	v12 =	vadd.f32 v25, v12;
	v25 =	vmul.f32 v10, v10  }
0x4da: {  	v24 =	vmul.f32 v24, v24;
	v10 =	vld [tilespmem:s30+$0xE0];
	v29 =	vadd.f32 v30, v29;
	v30 =	vmul.f32 v11, v11  }
0x4db: {  	v26 =	vmul.f32 v26, v26;
	v27 =	vmul.f32 v27, v27;
	v11 =	vld [tilespmem:s26+$0xE0];
	v20 =	vadd.f32 v20, v12  }
0x4dc: {  	v18 =	vmul.f32 v18, v18;
	v12 =	vld [tilespmem:s30+$0xFFFFFFF0];
	v24 =	vadd.f32 v24, v29;
	v29 =	vmul.f32 v14, v14  }
0x4dd: {  	v23 =	vmul.f32 v23, v23;
	v26 =	vadd.f32 v27, v26;
	v14 =	vld [tilespmem:s26+$0xFFFFFFF0];
	v20 =	vadd.f32 v25, v20  }
0x4de: {  	v21 =	vmul.f32 v21, v21;
	v22 =	vmul.f32 v22, v22;
	v18 =	vadd.f32 v18, v24;
	v24 =	vld [tilespmem:s23+$0x60];
	s23 =	smov.u32 s30  }
0x4df: {  	v25 =	vmul.f32 v15, v15;
	v23 =	vadd.f32 v23, v26;
	v26 =	vld [tilespmem:s28+$0x60];
	v19 =	vadd.f32 v19, v20;
	s28 =	smov.u32 s26  }
0x4e0: {  	v20 =	vadd.f32 v22, v21;
	v21 =	vmul.f32 v16, v16;
	v15 =	vld [tilespmem:s30+$0xD0];
	v18 =	vadd.f32 v29, v18  }
0x4e1: {  	v22 =	vadd.f32 v25, v23;
	v23 =	vmul.f32 v13, v13;
	v16 =	vld [tilespmem:s26+$0xD0];
	v19 =	vadd.f32 v28, v19  }
0x4e2: {  	v9 =	vmul.f32 v9, v9;
	v20 =	vadd.f32 v21, v20;
	v13 =	vld [tilespmem:s30+$0xFFFFFF70];
	v18 =	vadd.f32 v30, v18  }
0x4e3: {  	v8 =	vmul.f32 v8, v8;
	v22 =	vadd.f32 v23, v22;
	v21 =	vld [tilespmem:s26+$0xFFFFFF70];
	v17 =	vadd.f32 v17, v19  }
0x4e4: {  	v5 =	vmul.f32 v5, v5;
	v3 =	vmul.f32 v3, v3;
	v23 =	vld [tilespmem:s30+$0xFFFFFFE0];
	v18 =	vadd.f32 v34, v18  }
0x4e5: {  	v4 =	vmul.f32 v4, v4;
	v8 =	vadd.f32 v8, v20;
	v9 =	vadd.f32 v9, v22;
	v25 =	vld [tilespmem:s26+$0xFFFFFFE0];
	(xrf2) =	vadd.scan.msk.f32 $0xffff, v17  }
0x4e6: {  	v2 =	vmul.f32 v2, v2;
	v17 =	vld [tilespmem:s30+$0x50];
	v3 =	vadd.f32 v3, v18;
	v18 =	vsub.f32 v24, v26  }
0x4e7: {  	v1 =	vmul.f32 v1, v1;
	v4 =	vadd.f32 v4, v8;
	v5 =	vadd.f32 v5, v9;
	v20 =	vld [tilespmem:s26+$0x50]  }
0x4e8: {  	v9 =	vsub.f32 v31, v32;
	v8 =	vld [tilespmem:s30+$0xC0];
	(xrf2) =	vadd.scan.msk.f32 $0xffff, v3  }
0x4e9: {  	v1 =	vadd.f32 v1, v4;
	v2 =	vadd.f32 v2, v5;
	v3 =	vmul.f32 v18, v18;
	v22 =	vld [tilespmem:s26+$0xC0]  }
0x4ea: {  	v4 =	vld [tilespmem:s30+$0xFFFFFF60]  }
0x4eb: {  	v1 =	vadd.f32 v3, v1;
	v3 =	vmul.f32 v9, v9;
	v5 =	vld [tilespmem:s26+$0xFFFFFF60];
	(xrf2) =	vadd.scan.msk.f32 $0xffff, v2  }
0x4ec: {  	v9 =	vld [tilespmem:s30+$0xFFFFFFD0]  }
0x4ed: {  	v2 =	vadd.f32 v3, v1;
	v18 =	vld [tilespmem:s26+$0xFFFFFFD0]  }
0x4ee: {  	v24 =	vld [tilespmem:s30+$0x40]  }
0x4ef: {  	v26 =	vld [tilespmem:s26+$0x40];
	(xrf2) =	vadd.scan.msk.f32 $0xffff, v2;
	v1, _, _ =	vpop (xrf2)  }
0x4f0: {  	v27 =	vld [tilespmem:s30+$0xB0]  }
0x4f1: {  	v28 =	vld [tilespmem:s26+$0xB0]  }
0x4f2: {  	v29 =	vld [tilespmem:s30+$0xFFFFFF50];
	v2, _, _ =	vpop (xrf2)  }
0x4f3: {  	v30 =	vld [tilespmem:s26+$0xFFFFFF50]  }
0x4f4: {  	v31 =	vld [tilespmem:s30+$0xFFFFFFC0]  }
0x4f5: {  	v32 =	vld [tilespmem:s26+$0xFFFFFFC0];
	v3, _, _ =	vpop (xrf2)  }
0x4f6: {  	v33 =	vld [tilespmem:s30+$0x30];
	v3 =	vmax.f32 v3, $9.999999960e-13  }
0x4f7: {  	v34 =	vld [tilespmem:s26+$0x30];
	v19 =	vmin.f32 v3, $9.999999950e+11  }
0x4f8: {  	v2 =	vmax.f32 v2, $9.999999960e-13;
	v35 =	vld [tilespmem:s30+$0xA0];
	v0 =	vadd.f32 v19, v0  }
0x4f9: {  	v2 =	vmin.f32 v2, $9.999999950e+11;
	v36 =	vld [tilespmem:s26+$0xA0];
	v3, _, _ =	vpop (xrf2)  }
0x4fa: {  	v37 =	vld [tilespmem:s30+$0xFFFFFF40];
	v0 =	vadd.f32 v2, v0;
	v2 =	vmax.f32 v3, $9.999999960e-13  }
0x4fb: {  	v38 =	vld [tilespmem:s26+$0xFFFFFF40];
	v2 =	vmin.f32 v2, $9.999999950e+11  }
0x4fc: {  	v1 =	vmax.f32 v1, $9.999999960e-13;
	v39 =	vld [tilespmem:s30+$0xFFFFFFB0];
	v0 =	vadd.f32 v2, v0  }
0x4fd: {  	v1 =	vmin.f32 v1, $9.999999950e+11;
	v40 =	vld [tilespmem:s26+$0xFFFFFFB0]  }
0x4fe: {  	v41 =	vld [tilespmem:s30+$0x20];
	v0 =	vadd.f32 v1, v0  }
0x4ff: {  	v42 =	vld [tilespmem:s26+$0x20]  }
0x500: {  	v43 =	vld [tilespmem:s30+$0x80]  }
0x501: {  	v44 =	vld [tilespmem:s26+$0x80]  }
0x502: {  	v45 =	vld [tilespmem:s30+$0x90]  }
0x503: {  	v46 =	vld [tilespmem:s26+$0x90]  }
0x504: {  	v47 =	vld [tilespmem:s30+$0xFFFFFF30]  }
0x505: {  	v48 =	vld [tilespmem:s26+$0xFFFFFF30]  }
0x506: {  	v49 =	vld [tilespmem:s30+$0xFFFFFFA0]  }
0x507: {  	v50 =	vld [tilespmem:s26+$0xFFFFFFA0]  }
0x508: {  	v51 =	vld [tilespmem:s30+$0x0]  }
0x509: {  	v6 =	vsub.f32 v6, v7;
	v52 =	vld [tilespmem:s26+$0x0]  }
0x50a: {  	v7 =	vsub.f32 v10, v11;
	v3 =	vsub.f32 v12, v14;
	v53 =	vld [tilespmem:s30+$0x10]  }
0x50b: {  	v19 =	vsub.f32 v15, v16;
	v2 =	vsub.f32 v13, v21;
	v54 =	vld [tilespmem:s26+$0x10]  }
0x50c: {  	v12 =	vsub.f32 v23, v25;
	v1 =	vsub.f32 v17, v20;
	v55 =	vld [tilespmem:s30+$0xFFFFFF20]  }
0x50d: {  	v10 =	vsub.f32 v8, v22;
	v5 =	vsub.f32 v4, v5;
	v17 =	vld [tilespmem:s26+$0xFFFFFF20]  }
0x50e: {  	v11 =	vsub.f32 v9, v18;
	v4 =	vsub.f32 v24, v26;
	v56 =	vld [tilespmem:s30+$0xFFFFFF80]  }
0x50f: {  	v9 =	vsub.f32 v29, v30;
	v20 =	vsub.f32 v27, v28;
	v30 =	vld [tilespmem:s26+$0xFFFFFF80]  }
0x510: {  	v14 =	vsub.f32 v31, v32;
	v8 =	vsub.f32 v33, v34;
	v57 =	vld [tilespmem:s30+$0xFFFFFF90]  }
0x511: {  	s29 =	sadd.s32 $0x4, s29;
	v25 =	vsub.f32 v35, v36;
	v13 =	vsub.f32 v37, v38;
	v31 =	vld [tilespmem:s26+$0xFFFFFF90]  }
0x512: {  	p0 =	slt.u32 s29, $0x3C;
	v18 =	vsub.f32 v39, v40;
	v16 =	vsub.f32 v41, v42;
	v26 =	vld [tilespmem:s30+$0xFFFFFF00]  }
.Ltmp7:
0x513: {  	v32 =	vsub.f32 v43, v44;
	v33 =	vsub.f32 v45, v46;
	v28 =	vld [tilespmem:s26+$0xFFFFFF00];
	(pc) =	sbr.rel @p0 .LBB2_16-.Ltmp7, $4  }
0x514: {  	v15 =	vsub.f32 v47, v48;
	v24 =	vsub.f32 v49, v50;
	v27 =	vld [tilespmem:s30+$0xFFFFFF10]  }
0x515: {  	v21 =	vsub.f32 v51, v52;
	v22 =	vsub.f32 v53, v54;
	v29 =	vld [tilespmem:s26+$0xFFFFFF10]  }
0x516: {  	v23 =	vsub.f32 v55, v17;
	v17 =	vmul.f32 v6, v6;
	v30 =	vsub.f32 v56, v30  }
0x517: {  	v32 =	vmul.f32 v32, v32;
	v33 =	vmul.f32 v33, v33;
	s30 =	sadd.s32 $0x200, s30;
	v31 =	vsub.f32 v57, v31  }
0x518: {  	v6 =	vmul.f32 v19, v19;
	v7 =	vmul.f32 v7, v7  }
0x519: {  	v12 =	vmul.f32 v12, v12;
	v25 =	vmul.f32 v25, v25  }
0x51a: {  	v39 =	vmul.f32 v30, v30;
	v20 =	vmul.f32 v20, v20  }
0x51b: {  	v26 =	vsub.f32 v26, v28;
	v10 =	vmul.f32 v10, v10;
	v24 =	vmul.f32 v24, v24  }
0x51c: {  	v18 =	vmul.f32 v18, v18;
	v14 =	vmul.f32 v14, v14;
	v27 =	vsub.f32 v27, v29  }
0x51d: {  	v23 =	vmul.f32 v23, v23;
	v40 =	vmul.f32 v31, v31  }
0x51e: {  	v38 =	vadd.f32 v33, v32;
	v26 =	vmul.f32 v26, v26;
	v27 =	vmul.f32 v27, v27  }
0x51f: {  	v44 =	vmul.f32 v21, v21;
	v45 =	vmul.f32 v22, v22;
	v48 =	vld [tilespmem:s23+$0x60];
	v41 =	vadd.f32 v40, v39  }
0x520: {  	v15 =	vmul.f32 v15, v15;
	v50 =	vld [tilespmem:s28+$0x60];
	v19 =	vadd.f32 v25, v38;
	v43 =	vadd.f32 v27, v26  }
0x521: {  	v16 =	vmul.f32 v16, v16;
	v49 =	vadd.f32 v45, v44;
	v42 =	vadd.f32 v24, v41  }
0x522: {  	v47 =	vmul.f32 v11, v11;
	v19 =	vadd.f32 v20, v19;
	v46 =	vadd.f32 v23, v43  }
0x523: {  	v13 =	vmul.f32 v13, v13;
	v55 =	vadd.f32 v16, v49;
	v18 =	vadd.f32 v18, v42  }
0x524: {  	v52 =	vmul.f32 v9, v9;
	v10 =	vadd.f32 v10, v19;
	v15 =	vadd.f32 v15, v46  }
0x525: {  	v51 =	vld [tilespmem:s23+$0x70];
	v8 =	vmul.f32 v8, v8;
	v11 =	vsub.f32 v48, v50;
	v14 =	vadd.f32 v14, v18  }
0x526: {  	v54 =	vld [tilespmem:s28+$0x70];
	v5 =	vmul.f32 v5, v5;
	v6 =	vadd.f32 v6, v10;
	v13 =	vadd.f32 v13, v15  }
0x527: {  	v4 =	vmul.f32 v4, v4;
	v8 =	vadd.f32 v8, v55;
	v53 =	vadd.f32 v47, v14  }
0x528: {  	v3 =	vmul.f32 v3, v3;
	v6 =	vadd.f32 v7, v6;
	v7 =	vadd.f32 v52, v13  }
0x529: {  	v2 =	vmul.f32 v2, v2;
	v4 =	vadd.f32 v4, v8;
	v9 =	vadd.f32 v12, v53  }
0x52a: {  	v1 =	vmul.f32 v1, v1;
	v6 =	vadd.f32 v17, v6;
	v5 =	vadd.f32 v5, v7  }
0x52b: {  	v56 =	vsub.f32 v51, v54;
	v3 =	vadd.f32 v3, v9  }
0x52c: {  	v57 =	vmul.f32 v11, v11;
	v1 =	vadd.f32 v1, v4;
	(xrf2) =	vadd.scan.msk.f32 $0xffff, v6;
	v2 =	vadd.f32 v2, v5  }
0x52d: {  	(xrf2) =	vadd.scan.msk.f32 $0xffff, v3  }
0x52e: {  	v58 =	vmul.f32 v56, v56;
	v1 =	vadd.f32 v57, v1;
	(xrf2) =	vadd.scan.msk.f32 $0xffff, v2;
	_ =	sdelay $0x1  }
0x52f: {  	v1 =	vadd.f32 v58, v1;
	_ =	sdelay $0x1  }
0x530: {  	(xrf2) =	vadd.scan.msk.f32 $0xffff, v1;
	_ =	sdelay $0x3  }
0x531: {  	v59, _, _ =	vpop (xrf2)  }
0x532: {  	v60, _, _ =	vpop (xrf2)  }
0x533: {  	v61, _, _ =	vpop (xrf2)  }
0x534: {  	v3 =	vmax.f32 v61, $9.999999960e-13  }
0x535: {  	v3 =	vmin.f32 v3, $9.999999950e+11  }
0x536: {  	v2 =	vmax.f32 v60, $9.999999960e-13;
	v0 =	vadd.f32 v3, v0  }
0x537: {  	v2 =	vmin.f32 v2, $9.999999950e+11;
	v62, _, _ =	vpop (xrf2)  }
0x538: {  	v63 =	vmax.f32 v62, $9.999999960e-13;
	v0 =	vadd.f32 v2, v0  }
0x539: {  	v2 =	vmin.f32 v63, $9.999999950e+11  }
0x53a: {  	v1 =	vmax.f32 v59, $9.999999960e-13;
	v0 =	vadd.f32 v2, v0  }
0x53b: {  	v1 =	vmin.f32 v1, $9.999999950e+11  }
0x53c: {  	v0 =	vadd.f32 v1, v0  }
0x53d: {  	s1 =	sadd.s32 $0x1, s1  }
0x53e: {  	p0 =	sne.s32 s1, s14;
	v0 =	vsel vm0, $0x0, v0  }
.Ltmp8:
0x53f: {  	[tilespmem:$0x8200] =	vst v0;
	(pc) =	sbr.rel @p0 .LBB2_1-.Ltmp8, $4  }
0x540: {  	[hbm4b:s13+s3] =	stream.linear.scatter [tilespmem:s0], [sflag:$0x5], $0x80, $0x38;
	[tilespmem:$0x8280] =	vst v63  }
0x541: {  	_ =	swait.ge [sflag:s15], $0x80  }
0x542: {  	[sflag:s15] =	ssyncset.done $0x0  }
0x543: {  	[sflag:s15] =	ssyncadd.s32 $0xFFFFFF80  }
0x544: {  	_ =	sfence.sel $0x180000  }
0x545: {  	[bflag:$0x0] =	sbarrier.arrive $0xFFFF  }
0x546: {  	_ =	strace $0x90000047  }
0x547: {  	s0 =	stileid.u32;
	[bflag:$0x2] =	sbarrier.arrive $0xFFFF  }
0x548: {  	p0 =	sne.s32 s0, $0x0;
	s0 =	rddreg [dreg:$0x4]  }
0x549: {  	s0 =	sadd.s32 @!p0 $0x100000, s0  }
0x54a: {  	[sflag:s0] =	ssyncadd.tile.s32 @!p0 $0x1;
	_ =	shalt  }
.Lfunc_end2:
_tile_overlayer_lowered:
.L_overlay_start_2:
0x54b: {  	(tag) =	ssettag $0x2  }
0x54c: {  	s0 =	rddreg [dreg:$0x0];
	s2 =	stileid.u32  }
0x54d: {  	s1 =	rddreg [dreg:$0x1];
	p0 =	sne.s32 s2, $0x0  }
0x54e: {  	s3 =	rddreg [dreg:$0x2];
	[bflag:$0x3] =	sbarrier.arrive $0xFFFF;
	s2 =	simm.s32 @!p0 $0x1C05  }
0x54f: {  	[timem:s3], [sflag:s2] =	dma.local @!p0 [hbm:s0], s1  }
0x550: {  	s0 =	simm.s32 @!p0 $0x5  }
0x551: {  	_ =	swait.ge @!p0 [sflag:s0], s1  }
0x552: {  	s1 =	ssub.s32 @!p0 $0x0, s1;
	[sflag:s0] =	ssyncset.done @!p0 $0x0  }
0x553: {  	[sflag:s0] =	ssyncadd.s32 @!p0 s1  }
0x554: {  	[bflag:$0x3] =	sbarrier.arrive $0xFFFF  }
0x555: {  	_ =	shalt  }

</sc_bundles>
